<compile_context>
chip_gen: v7x
topology: tpu7x:2x2x1
jax: 0.10.2.dev20260603
libtpu: 0.0.44.dev20260713+nightly
codegen_flags: <defaults>
</compile_context>

<pallas_src>
import functools

import jax
import jax.numpy as jnp
from jax import lax
from jax.experimental import pallas as pl
from jax.experimental.pallas import tpu as pltpu
from jax.experimental.pallas import tpu_sc as plsc


def _pick_chunk(epw: int) -> int:
    for c in range(128, 7, -8):
        if epw % c == 0:
            return c
    raise ValueError(f"no valid edge chunk for {epw} edges/worker")


def _sc_segsum_128(dst, N, *, table=None, src=None, rows_hbm=None):
    E = dst.shape[0]
    D = 128
    gather = table is not None

    info = plsc.get_sparse_core_info()
    NC, NS = info.num_cores, info.num_subcores
    NW = NC * NS
    assert E % NW == 0
    epw = E // NW
    CH = _pick_chunk(epw)
    n_chunks = epw // CH
    n_zchunks = -(-N // (NS * CH))
    rows_per_tile = n_zchunks * CH
    Npad = NS * rows_per_tile

    mesh = plsc.VectorSubcoreMesh(core_axis_name="c", subcore_axis_name="s")

    n_pairs = n_chunks // 2
    tail = n_chunks - 2 * n_pairs

    def prologue(sid, rows, zx_hbm, acc, idx_z):
        iota16 = lax.broadcasted_iota(jnp.int32, (16,), 0)
        tile_base = sid * rows_per_tile
        for kk in range(n_zchunks):
            for t in range(CH // 16):
                idx_z[kk][pl.ds(t * 16, 16)] = (
                    iota16 + (tile_base + kk * CH + t * 16))
        pltpu.sync_copy(zx_hbm, rows)
        for kk in range(n_zchunks):
            pltpu.sync_copy(rows, acc.at[idx_z[kk]])
        return tile_base

    def writeback(cid, tile_base, rows, sem, acc, out, idx_z):
        out_base = cid * Npad + tile_base
        for kk in range(n_zchunks):
            pltpu.async_copy(acc.at[idx_z[kk]], rows, sem).wait()
            pltpu.sync_copy(rows, out.at[pl.ds(out_base + kk * CH, CH)])

    scratch = [
        pltpu.VMEM_SHARED((Npad, D), jnp.float32),
        pltpu.VMEM((CH,), jnp.int32),
        pltpu.VMEM((CH,), jnp.int32),
        pltpu.VMEM((CH,), jnp.int32),
        pltpu.VMEM((CH,), jnp.int32),
        pltpu.VMEM((CH, D), jnp.float32),
        pltpu.VMEM((CH, D), jnp.float32),
        pltpu.SemaphoreType.DMA,
        pltpu.SemaphoreType.DMA,
    ] + [pltpu.VMEM((CH,), jnp.int32) for _ in range(n_zchunks)]
    out_t = jax.ShapeDtypeStruct((NC * Npad, D), jnp.float32)
    zx = jnp.zeros((CH, D), jnp.float32)

    if gather:
        @functools.partial(pl.kernel, out_type=out_t, mesh=mesh,
                           scratch_types=scratch)
        def kg(dst_hbm, src_hbm, tab_hbm, zx_hbm, out, acc,
               idx_sA, idx_dA, idx_sB, idx_dB, rowsA, rowsB,
               semA, semB, *idx_z):
            cid = lax.axis_index("c")
            sid = lax.axis_index("s")
            wid = sid * NC + cid
            tile_base = prologue(sid, rowsA, zx_hbm, acc, idx_z)
            plsc.subcore_barrier()

            def pair_step(p, carry):
                ba = wid * epw + (2 * p) * CH
                bb = ba + CH
                pltpu.sync_copy(dst_hbm.at[pl.ds(ba, CH)], idx_dA)
                pltpu.sync_copy(src_hbm.at[pl.ds(ba, CH)], idx_sA)
                gA = pltpu.async_copy(tab_hbm.at[idx_sA], rowsA, semA)
                pltpu.sync_copy(dst_hbm.at[pl.ds(bb, CH)], idx_dB)
                pltpu.sync_copy(src_hbm.at[pl.ds(bb, CH)], idx_sB)
                gB = pltpu.async_copy(tab_hbm.at[idx_sB], rowsB, semB)
                gA.wait()
                pltpu.sync_copy(rowsA, acc.at[idx_dA], add=True)
                gB.wait()
                pltpu.sync_copy(rowsB, acc.at[idx_dB], add=True)
                return carry

            lax.fori_loop(0, n_pairs, pair_step, 0)
            for t in range(tail):
                bt = wid * epw + (2 * n_pairs + t) * CH
                pltpu.sync_copy(dst_hbm.at[pl.ds(bt, CH)], idx_dA)
                pltpu.sync_copy(src_hbm.at[pl.ds(bt, CH)], idx_sA)
                pltpu.async_copy(tab_hbm.at[idx_sA], rowsA, semA).wait()
                pltpu.sync_copy(rowsA, acc.at[idx_dA], add=True)
            plsc.subcore_barrier()
            writeback(cid, tile_base, rowsA, semA, acc, out, idx_z)

        out2 = kg(dst, src, table, zx)
    else:
        @functools.partial(pl.kernel, out_type=out_t, mesh=mesh,
                           scratch_types=scratch
                           + [pltpu.VMEM((CH * 16,), jnp.float32),
                              pltpu.VMEM((CH * 16,), jnp.float32)])
        def kl(dst_hbm, lin_hbm, zx_hbm, out, acc,
               idx_sA, idx_dA, idx_sB, idx_dB, rowsA, rowsB,
               semA, semB, *rest):
            idx_z = rest[:n_zchunks]
            pkA, pkB = rest[n_zchunks], rest[n_zchunks + 1]
            cid = lax.axis_index("c")
            sid = lax.axis_index("s")
            wid = sid * NC + cid
            tile_base = prologue(sid, rowsA, zx_hbm, acc, idx_z)
            pltpu.sync_copy(zx_hbm, rowsB)
            plsc.subcore_barrier()

            def unpack(pk, rows):
                for r in range(CH):
                    rows[r, pl.ds(0, 16)] = pk[pl.ds(r * 16, 16)]

            def pair_step(p, carry):
                ba = wid * epw + (2 * p) * CH
                bb = ba + CH
                pltpu.sync_copy(dst_hbm.at[pl.ds(ba, CH)], idx_dA)
                fA = pltpu.async_copy(
                    lin_hbm.at[pl.ds(ba * 16, CH * 16)], pkA, semA)
                pltpu.sync_copy(dst_hbm.at[pl.ds(bb, CH)], idx_dB)
                fB = pltpu.async_copy(
                    lin_hbm.at[pl.ds(bb * 16, CH * 16)], pkB, semB)
                fA.wait()
                unpack(pkA, rowsA)
                pltpu.sync_copy(rowsA, acc.at[idx_dA], add=True)
                fB.wait()
                unpack(pkB, rowsB)
                pltpu.sync_copy(rowsB, acc.at[idx_dB], add=True)
                return carry

            lax.fori_loop(0, n_pairs, pair_step, 0)
            for t in range(tail):
                bt = wid * epw + (2 * n_pairs + t) * CH
                pltpu.sync_copy(dst_hbm.at[pl.ds(bt, CH)], idx_dA)
                pltpu.sync_copy(lin_hbm.at[pl.ds(bt * 16, CH * 16)], pkA)
                unpack(pkA, rowsA)
                pltpu.sync_copy(rowsA, acc.at[idx_dA], add=True)
            plsc.subcore_barrier()
            writeback(cid, tile_base, rowsA, semA, acc, out, idx_z)

        out2 = kl(dst, rows_hbm, zx)
    return out2.reshape(NC, Npad, D)


def _tc_dense(part_x, part_e, x0, batch3, W_msg, W_edge, W_root, b2d,
              W1, b1_2d, W2, b2_2d, Bn):
    NC, Npad, D = part_x.shape
    DE = part_e.shape[2]
    N = x0.shape[0]
    H1 = W1.shape[1]
    G = 128
    OUT = W2.shape[1]
    nblk = N // Bn

    def body(px, pe, xb, bb, Wm, We, Wr, bv, W1r, b1r, W2r, b2r,
             out, pooled, cnt):
        i = pl.program_id(0)

        @pl.when(i == 0)
        def _init():
            pooled[...] = jnp.zeros_like(pooled)
            cnt[...] = jnp.zeros_like(cnt)

        agg_x = px[0] + px[1]
        agg_e = pe[0] + pe[1]
        h = agg_x @ Wm[...] + agg_e @ We[...] + xb[...] @ Wr[...] + bv[...]
        h = jnp.maximum(h, 0.0)
        h2 = jnp.maximum(h @ W1r[...] + b1r[...], 0.0)

        seg = bb[0, 0, :]
        oh = (seg[:, None] == lax.broadcasted_iota(jnp.int32, (Bn, G), 1))
        oh = oh.astype(jnp.float32)
        pooled[...] += lax.dot_general(oh, h2, (((0,), (0,)), ((), ())))
        cnt[...] += lax.dot_general(
            oh, jnp.ones((Bn, 8), jnp.float32), (((0,), (0,)), ((), ())))

        @pl.when(i == nblk - 1)
        def _final():
            denom = jnp.maximum(cnt[:, 0:1], 1.0)
            pm = pooled[...] / denom
            out[...] = pm @ W2r[...] + b2r[...]

    return pl.pallas_call(
        body,
        grid=(nblk,),
        in_specs=[
            pl.BlockSpec((NC, Bn, D), lambda i: (0, i, 0)),
            pl.BlockSpec((NC, Bn, DE), lambda i: (0, i, 0)),
            pl.BlockSpec((Bn, D), lambda i: (i, 0)),
            pl.BlockSpec((1, 1, Bn), lambda i: (i, 0, 0)),
            pl.BlockSpec((D, D), lambda i: (0, 0)),
            pl.BlockSpec((DE, D), lambda i: (0, 0)),
            pl.BlockSpec((D, D), lambda i: (0, 0)),
            pl.BlockSpec((1, D), lambda i: (0, 0)),
            pl.BlockSpec((D, H1), lambda i: (0, 0)),
            pl.BlockSpec((1, H1), lambda i: (0, 0)),
            pl.BlockSpec((H1, OUT), lambda i: (0, 0)),
            pl.BlockSpec((1, OUT), lambda i: (0, 0)),
        ],
        out_specs=pl.BlockSpec((G, OUT), lambda i: (0, 0)),
        out_shape=jax.ShapeDtypeStruct((G, OUT), jnp.float32),
        scratch_shapes=[
            pltpu.VMEM((G, H1), jnp.float32),
            pltpu.VMEM((G, 8), jnp.float32),
        ],
    )(part_x, part_e, x0, batch3, W_msg, W_edge, W_root, b2d,
      W1, b1_2d, W2, b2_2d)


def kernel(x0, edge_index0, edge_attr, batch, W_msg, W_edge, W_root, b,
           W1, b1, W2, b2):
    N, D = x0.shape
    DE = edge_attr.shape[1]
    src = edge_index0[0]
    dst = edge_index0[1]

    assert DE == 16
    eap = edge_attr.reshape(-1)
    We128 = jnp.pad(W_edge, ((0, 128 - DE), (0, 0)))
    part_x = _sc_segsum_128(dst, N, table=x0, src=src)
    part_e = _sc_segsum_128(dst, N, rows_hbm=eap)

    Bn = 1000 if N % 1000 == 0 else 8
    batch3 = batch.reshape(N // Bn, 1, Bn)
    out = _tc_dense(
        part_x, part_e, x0, batch3, W_msg, We128, W_root,
        b.reshape(1, -1), W1, b1.reshape(1, -1), W2, b2.reshape(1, -1), Bn)
    return out.reshape(-1)

# --- scband reference (transcript-rebuilt; emitter-appended) ---
"""Pipeline reference for scband-topo-model-8684423872738 (READ-ONLY COPY).

The authoritative reference and input builder live on the scoring server;
editing this copy changes nothing except your own understanding.
"""

import jax, jax.numpy as jnp
import numpy as np

N, E, D, DE, G = 10000, 320000, 128, 16, 128


def setup_inputs(seed: int = 0) -> dict:
    key = jax.random.key(seed)
    ks = jax.random.split(key, 12)
    x0 = jax.random.normal(ks[0], (N, D), dtype=jnp.float32)
    edge_index0 = jax.random.randint(ks[1], (2, E), 0, N, dtype=jnp.int32)
    edge_attr = jax.random.normal(ks[2], (E, DE), dtype=jnp.float32)
    batch = jnp.sort(jax.random.randint(ks[3], (N,), 0, G, dtype=jnp.int32))
    # GNN (message-passing layer with edge features) parameters, hidden_dim=128
    W_msg = jax.random.normal(ks[4], (D, D), dtype=jnp.float32) * 0.05
    W_edge = jax.random.normal(ks[5], (DE, D), dtype=jnp.float32) * 0.05
    W_root = jax.random.normal(ks[6], (D, D), dtype=jnp.float32) * 0.05
    b = jnp.zeros((D,), dtype=jnp.float32)
    # projection head: Linear(128,300) -> ReLU -> Linear(300,100)
    W1 = jax.random.normal(ks[7], (D, 300), dtype=jnp.float32) * 0.05
    b1 = jnp.zeros((300,), dtype=jnp.float32)
    W2 = jax.random.normal(ks[8], (300, 100), dtype=jnp.float32) * 0.05
    b2 = jnp.zeros((100,), dtype=jnp.float32)
    return {"x0": x0, "edge_index0": edge_index0, "edge_attr": edge_attr, "batch": batch,
            "W_msg": W_msg, "W_edge": W_edge, "W_root": W_root, "b": b,
            "W1": W1, "b1": b1, "W2": W2, "b2": b2}


def reference(x0, edge_index0, edge_attr, batch, W_msg, W_edge, W_root, b, W1, b1, W2, b2):
    src = edge_index0[0]
    dst = edge_index0[1]
    # gnn: gather source node feats, add edge embedding, scatter-add to dst
    msg = jnp.take(x0, src, axis=0) @ W_msg + edge_attr @ W_edge
    agg = jax.ops.segment_sum(msg, dst, num_segments=N)
    h = jax.nn.relu(agg + x0 @ W_root + b)
    # projection head
    h = jax.nn.relu(h @ W1 + b1)
    h = h @ W2 + b2
    # global_mean_pool over batch segment ids
    sums = jax.ops.segment_sum(h, batch, num_segments=G)
    counts = jax.ops.segment_sum(jnp.ones((N, 1), dtype=jnp.float32), batch, num_segments=G)
    pooled = sums / jnp.maximum(counts, 1.0)
    return pooled.reshape(-1)

if __name__ == "__main__":
    import jax
    _d = setup_inputs()
    print(jax.jit(kernel)(*tuple(_d.values())))

</pallas_src>

<mosaic_0001>
#map = affine_map<(d0, d1) -> (0)>
#map1 = affine_map<(d0, d1) -> (0, 0)>
module attributes {stable_mosaic.version = 14 : i64} {
  func.func @kg(%arg0: i32, %arg1: i32, %arg2: memref<320000xi32, #tpu.memory_space<hbm>>, %arg3: memref<320000xi32, #tpu.memory_space<hbm>>, %arg4: memref<10000x128xf32, #tpu.memory_space<hbm>>, %arg5: memref<80x128xf32, #tpu.memory_space<hbm>>, %arg6: memref<20480x128xf32, #tpu.memory_space<hbm>>, %arg7: memref<10240x128xf32, #tpu.memory_space<vmem_shared>>, %arg8: memref<80xi32, #tpu.memory_space<vmem>>, %arg9: memref<80xi32, #tpu.memory_space<vmem>>, %arg10: memref<80xi32, #tpu.memory_space<vmem>>, %arg11: memref<80xi32, #tpu.memory_space<vmem>>, %arg12: memref<80x128xf32, #tpu.memory_space<vmem>>, %arg13: memref<80x128xf32, #tpu.memory_space<vmem>>, %arg14: memref<!tpu.dma_semaphore, #tpu.memory_space<semaphore_mem>>, %arg15: memref<!tpu.dma_semaphore, #tpu.memory_space<semaphore_mem>>, %arg16: memref<80xi32, #tpu.memory_space<vmem>>, %arg17: memref<80xi32, #tpu.memory_space<vmem>>, %arg18: memref<80xi32, #tpu.memory_space<vmem>>, %arg19: memref<80xi32, #tpu.memory_space<vmem>>, %arg20: memref<80xi32, #tpu.memory_space<vmem>>, %arg21: memref<80xi32, #tpu.memory_space<vmem>>, %arg22: memref<80xi32, #tpu.memory_space<vmem>>, %arg23: memref<80xi32, #tpu.memory_space<vmem>>) attributes {dimension_semantics = [#tpu.dimension_semantics<core_parallel>, #tpu.dimension_semantics<subcore_parallel>], iteration_bounds = array<i64: 2, 16>, scalar_prefetch = 0 : i64, scratch_operands = 17 : i64, tpu.core_type = #tpu.core_type<sc_vector_subcore>, window_params = [{transform_indices = #map}, {transform_indices = #map}, {transform_indices = #map1}, {transform_indices = #map1}, {transform_indices = #map1}]} {
    %mul3A = arith.constant 2 : i32
    %mul3A_0 = arith.muli %arg1, %mul3A : i32
    %add3A = arith.addi %mul3A_0, %arg0 : i32
    %iota3A = tpu.iota {dimensions = array<i32: 0>} : vector<16xi32>
    %mul3A_1 = arith.constant 640 : i32
    %mul3A_2 = arith.muli %arg1, %mul3A_1 : i32
    %add3A_3 = arith.constant 0 : i32
    %add3A_4 = arith.addi %mul3A_2, %add3A_3 : i32
    %add3A_5 = arith.constant 0 : i32
    %add3A_6 = arith.addi %add3A_4, %add3A_5 : i32
    %add3A_7 = vector.broadcast %add3A_6 : i32 to vector<16xi32>
    %add3A_8 = arith.addi %iota3A, %add3A_7 : vector<16xi32>
    %swap3A = arith.constant 0 : index
    %swap3A_9 = tpu.vector_load %arg16[%swap3A] {strides = array<i32>} : memref<80xi32, #tpu.memory_space<vmem>>, vector<16xi32>,
    %swap3A_10 = vector.shape_cast %swap3A_9 : vector<16xi32> to vector<16xi32>
    %swap3A_11 = vector.shape_cast %add3A_8 : vector<16xi32> to vector<16xi32>
    tpu.vector_store %arg16[%swap3A], %swap3A_11 {strides = array<i32>} : memref<80xi32, #tpu.memory_space<vmem>>, vector<16xi32>,
    %add3A_12 = arith.constant 0 : i32
    %add3A_13 = arith.addi %mul3A_2, %add3A_12 : i32
    %add3A_14 = arith.constant 16 : i32
    %add3A_15 = arith.addi %add3A_13, %add3A_14 : i32
    %add3A_16 = vector.broadcast %add3A_15 : i32 to vector<16xi32>
    %add3A_17 = arith.addi %iota3A, %add3A_16 : vector<16xi32>
    %swap3A_18 = arith.constant 16 : index
    %swap3A_19 = tpu.vector_load %arg16[%swap3A_18] {strides = array<i32>} : memref<80xi32, #tpu.memory_space<vmem>>, vector<16xi32>,
    %swap3A_20 = vector.shape_cast %swap3A_19 : vector<16xi32> to vector<16xi32>
    %swap3A_21 = vector.shape_cast %add3A_17 : vector<16xi32> to vector<16xi32>
    tpu.vector_store %arg16[%swap3A_18], %swap3A_21 {strides = array<i32>} : memref<80xi32, #tpu.memory_space<vmem>>, vector<16xi32>,
    %add3A_22 = arith.constant 0 : i32
    %add3A_23 = arith.addi %mul3A_2, %add3A_22 : i32
    %add3A_24 = arith.constant 32 : i32
    %add3A_25 = arith.addi %add3A_23, %add3A_24 : i32
    %add3A_26 = vector.broadcast %add3A_25 : i32 to vector<16xi32>
    %add3A_27 = arith.addi %iota3A, %add3A_26 : vector<16xi32>
    %swap3A_28 = arith.constant 32 : index
    %swap3A_29 = tpu.vector_load %arg16[%swap3A_28] {strides = array<i32>} : memref<80xi32, #tpu.memory_space<vmem>>, vector<16xi32>,
    %swap3A_30 = vector.shape_cast %swap3A_29 : vector<16xi32> to vector<16xi32>
    %swap3A_31 = vector.shape_cast %add3A_27 : vector<16xi32> to vector<16xi32>
    tpu.vector_store %arg16[%swap3A_28], %swap3A_31 {strides = array<i32>} : memref<80xi32, #tpu.memory_space<vmem>>, vector<16xi32>,
    %add3A_32 = arith.constant 0 : i32
    %add3A_33 = arith.addi %mul3A_2, %add3A_32 : i32
    %add3A_34 = arith.constant 48 : i32
    %add3A_35 = arith.addi %add3A_33, %add3A_34 : i32
    %add3A_36 = vector.broadcast %add3A_35 : i32 to vector<16xi32>
    %add3A_37 = arith.addi %iota3A, %add3A_36 : vector<16xi32>
    %swap3A_38 = arith.constant 48 : index
    %swap3A_39 = tpu.vector_load %arg16[%swap3A_38] {strides = array<i32>} : memref<80xi32, #tpu.memory_space<vmem>>, vector<16xi32>,
    %swap3A_40 = vector.shape_cast %swap3A_39 : vector<16xi32> to vector<16xi32>
    %swap3A_41 = vector.shape_cast %add3A_37 : vector<16xi32> to vector<16xi32>
    tpu.vector_store %arg16[%swap3A_38], %swap3A_41 {strides = array<i32>} : memref<80xi32, #tpu.memory_space<vmem>>, vector<16xi32>,
    %add3A_42 = arith.constant 0 : i32
    %add3A_43 = arith.addi %mul3A_2, %add3A_42 : i32
    %add3A_44 = arith.constant 64 : i32
    %add3A_45 = arith.addi %add3A_43, %add3A_44 : i32
    %add3A_46 = vector.broadcast %add3A_45 : i32 to vector<16xi32>
    %add3A_47 = arith.addi %iota3A, %add3A_46 : vector<16xi32>
    %swap3A_48 = arith.constant 64 : index
    %swap3A_49 = tpu.vector_load %arg16[%swap3A_48] {strides = array<i32>} : memref<80xi32, #tpu.memory_space<vmem>>, vector<16xi32>,
    %swap3A_50 = vector.shape_cast %swap3A_49 : vector<16xi32> to vector<16xi32>
    %swap3A_51 = vector.shape_cast %add3A_47 : vector<16xi32> to vector<16xi32>
    tpu.vector_store %arg16[%swap3A_48], %swap3A_51 {strides = array<i32>} : memref<80xi32, #tpu.memory_space<vmem>>, vector<16xi32>,
    %add3A_52 = arith.constant 80 : i32
    %add3A_53 = arith.addi %mul3A_2, %add3A_52 : i32
    %add3A_54 = arith.constant 0 : i32
    %add3A_55 = arith.addi %add3A_53, %add3A_54 : i32
    %add3A_56 = vector.broadcast %add3A_55 : i32 to vector<16xi32>
    %add3A_57 = arith.addi %iota3A, %add3A_56 : vector<16xi32>
    %swap3A_58 = arith.constant 0 : index
    %swap3A_59 = tpu.vector_load %arg17[%swap3A_58] {strides = array<i32>} : memref<80xi32, #tpu.memory_space<vmem>>, vector<16xi32>,
    %swap3A_60 = vector.shape_cast %swap3A_59 : vector<16xi32> to vector<16xi32>
    %swap3A_61 = vector.shape_cast %add3A_57 : vector<16xi32> to vector<16xi32>
    tpu.vector_store %arg17[%swap3A_58], %swap3A_61 {strides = array<i32>} : memref<80xi32, #tpu.memory_space<vmem>>, vector<16xi32>,
    %add3A_62 = arith.constant 80 : i32
    %add3A_63 = arith.addi %mul3A_2, %add3A_62 : i32
    %add3A_64 = arith.constant 16 : i32
    %add3A_65 = arith.addi %add3A_63, %add3A_64 : i32
    %add3A_66 = vector.broadcast %add3A_65 : i32 to vector<16xi32>
    %add3A_67 = arith.addi %iota3A, %add3A_66 : vector<16xi32>
    %swap3A_68 = arith.constant 16 : index
    %swap3A_69 = tpu.vector_load %arg17[%swap3A_68] {strides = array<i32>} : memref<80xi32, #tpu.memory_space<vmem>>, vector<16xi32>,
    %swap3A_70 = vector.shape_cast %swap3A_69 : vector<16xi32> to vector<16xi32>
    %swap3A_71 = vector.shape_cast %add3A_67 : vector<16xi32> to vector<16xi32>
    tpu.vector_store %arg17[%swap3A_68], %swap3A_71 {strides = array<i32>} : memref<80xi32, #tpu.memory_space<vmem>>, vector<16xi32>,
    %add3A_72 = arith.constant 80 : i32
    %add3A_73 = arith.addi %mul3A_2, %add3A_72 : i32
    %add3A_74 = arith.constant 32 : i32
    %add3A_75 = arith.addi %add3A_73, %add3A_74 : i32
    %add3A_76 = vector.broadcast %add3A_75 : i32 to vector<16xi32>
    %add3A_77 = arith.addi %iota3A, %add3A_76 : vector<16xi32>
    %swap3A_78 = arith.constant 32 : index
    %swap3A_79 = tpu.vector_load %arg17[%swap3A_78] {strides = array<i32>} : memref<80xi32, #tpu.memory_space<vmem>>, vector<16xi32>,
    %swap3A_80 = vector.shape_cast %swap3A_79 : vector<16xi32> to vector<16xi32>
    %swap3A_81 = vector.shape_cast %add3A_77 : vector<16xi32> to vector<16xi32>
    tpu.vector_store %arg17[%swap3A_78], %swap3A_81 {strides = array<i32>} : memref<80xi32, #tpu.memory_space<vmem>>, vector<16xi32>,
    %add3A_82 = arith.constant 80 : i32
    %add3A_83 = arith.addi %mul3A_2, %add3A_82 : i32
    %add3A_84 = arith.constant 48 : i32
    %add3A_85 = arith.addi %add3A_83, %add3A_84 : i32
    %add3A_86 = vector.broadcast %add3A_85 : i32 to vector<16xi32>
    %add3A_87 = arith.addi %iota3A, %add3A_86 : vector<16xi32>
    %swap3A_88 = arith.constant 48 : index
    %swap3A_89 = tpu.vector_load %arg17[%swap3A_88] {strides = array<i32>} : memref<80xi32, #tpu.memory_space<vmem>>, vector<16xi32>,
    %swap3A_90 = vector.shape_cast %swap3A_89 : vector<16xi32> to vector<16xi32>
    %swap3A_91 = vector.shape_cast %add3A_87 : vector<16xi32> to vector<16xi32>
    tpu.vector_store %arg17[%swap3A_88], %swap3A_91 {strides = array<i32>} : memref<80xi32, #tpu.memory_space<vmem>>, vector<16xi32>,
    %add3A_92 = arith.constant 80 : i32
    %add3A_93 = arith.addi %mul3A_2, %add3A_92 : i32
    %add3A_94 = arith.constant 64 : i32
    %add3A_95 = arith.addi %add3A_93, %add3A_94 : i32
    %add3A_96 = vector.broadcast %add3A_95 : i32 to vector<16xi32>
    %add3A_97 = arith.addi %iota3A, %add3A_96 : vector<16xi32>
    %swap3A_98 = arith.constant 64 : index
    %swap3A_99 = tpu.vector_load %arg17[%swap3A_98] {strides = array<i32>} : memref<80xi32, #tpu.memory_space<vmem>>, vector<16xi32>,
    %swap3A_100 = vector.shape_cast %swap3A_99 : vector<16xi32> to vector<16xi32>
    %swap3A_101 = vector.shape_cast %add3A_97 : vector<16xi32> to vector<16xi32>
    tpu.vector_store %arg17[%swap3A_98], %swap3A_101 {strides = array<i32>} : memref<80xi32, #tpu.memory_space<vmem>>, vector<16xi32>,
    %add3A_102 = arith.constant 160 : i32
    %add3A_103 = arith.addi %mul3A_2, %add3A_102 : i32
    %add3A_104 = arith.constant 0 : i32
    %add3A_105 = arith.addi %add3A_103, %add3A_104 : i32
    %add3A_106 = vector.broadcast %add3A_105 : i32 to vector<16xi32>
    %add3A_107 = arith.addi %iota3A, %add3A_106 : vector<16xi32>
    %swap3A_108 = arith.constant 0 : index
    %swap3A_109 = tpu.vector_load %arg18[%swap3A_108] {strides = array<i32>} : memref<80xi32, #tpu.memory_space<vmem>>, vector<16xi32>,
    %swap3A_110 = vector.shape_cast %swap3A_109 : vector<16xi32> to vector<16xi32>
    %swap3A_111 = vector.shape_cast %add3A_107 : vector<16xi32> to vector<16xi32>
    tpu.vector_store %arg18[%swap3A_108], %swap3A_111 {strides = array<i32>} : memref<80xi32, #tpu.memory_space<vmem>>, vector<16xi32>,
    %add3A_112 = arith.constant 160 : i32
    %add3A_113 = arith.addi %mul3A_2, %add3A_112 : i32
    %add3A_114 = arith.constant 16 : i32
    %add3A_115 = arith.addi %add3A_113, %add3A_114 : i32
    %add3A_116 = vector.broadcast %add3A_115 : i32 to vector<16xi32>
    %add3A_117 = arith.addi %iota3A, %add3A_116 : vector<16xi32>
    %swap3A_118 = arith.constant 16 : index
    %swap3A_119 = tpu.vector_load %arg18[%swap3A_118] {strides = array<i32>} : memref<80xi32, #tpu.memory_space<vmem>>, vector<16xi32>,
    %swap3A_120 = vector.shape_cast %swap3A_119 : vector<16xi32> to vector<16xi32>
    %swap3A_121 = vector.shape_cast %add3A_117 : vector<16xi32> to vector<16xi32>
    tpu.vector_store %arg18[%swap3A_118], %swap3A_121 {strides = array<i32>} : memref<80xi32, #tpu.memory_space<vmem>>, vector<16xi32>,
    %add3A_122 = arith.constant 160 : i32
    %add3A_123 = arith.addi %mul3A_2, %add3A_122 : i32
    %add3A_124 = arith.constant 32 : i32
    %add3A_125 = arith.addi %add3A_123, %add3A_124 : i32
    %add3A_126 = vector.broadcast %add3A_125 : i32 to vector<16xi32>
    %add3A_127 = arith.addi %iota3A, %add3A_126 : vector<16xi32>
    %swap3A_128 = arith.constant 32 : index
    %swap3A_129 = tpu.vector_load %arg18[%swap3A_128] {strides = array<i32>} : memref<80xi32, #tpu.memory_space<vmem>>, vector<16xi32>,
    %swap3A_130 = vector.shape_cast %swap3A_129 : vector<16xi32> to vector<16xi32>
    %swap3A_131 = vector.shape_cast %add3A_127 : vector<16xi32> to vector<16xi32>
    tpu.vector_store %arg18[%swap3A_128], %swap3A_131 {strides = array<i32>} : memref<80xi32, #tpu.memory_space<vmem>>, vector<16xi32>,
    %add3A_132 = arith.constant 160 : i32
    %add3A_133 = arith.addi %mul3A_2, %add3A_132 : i32
    %add3A_134 = arith.constant 48 : i32
    %add3A_135 = arith.addi %add3A_133, %add3A_134 : i32
    %add3A_136 = vector.broadcast %add3A_135 : i32 to vector<16xi32>
    %add3A_137 = arith.addi %iota3A, %add3A_136 : vector<16xi32>
    %swap3A_138 = arith.constant 48 : index
    %swap3A_139 = tpu.vector_load %arg18[%swap3A_138] {strides = array<i32>} : memref<80xi32, #tpu.memory_space<vmem>>, vector<16xi32>,
    %swap3A_140 = vector.shape_cast %swap3A_139 : vector<16xi32> to vector<16xi32>
    %swap3A_141 = vector.shape_cast %add3A_137 : vector<16xi32> to vector<16xi32>
    tpu.vector_store %arg18[%swap3A_138], %swap3A_141 {strides = array<i32>} : memref<80xi32, #tpu.memory_space<vmem>>, vector<16xi32>,
    %add3A_142 = arith.constant 160 : i32
    %add3A_143 = arith.addi %mul3A_2, %add3A_142 : i32
    %add3A_144 = arith.constant 64 : i32
    %add3A_145 = arith.addi %add3A_143, %add3A_144 : i32
    %add3A_146 = vector.broadcast %add3A_145 : i32 to vector<16xi32>
    %add3A_147 = arith.addi %iota3A, %add3A_146 : vector<16xi32>
    %swap3A_148 = arith.constant 64 : index
    %swap3A_149 = tpu.vector_load %arg18[%swap3A_148] {strides = array<i32>} : memref<80xi32, #tpu.memory_space<vmem>>, vector<16xi32>,
    %swap3A_150 = vector.shape_cast %swap3A_149 : vector<16xi32> to vector<16xi32>
    %swap3A_151 = vector.shape_cast %add3A_147 : vector<16xi32> to vector<16xi32>
    tpu.vector_store %arg18[%swap3A_148], %swap3A_151 {strides = array<i32>} : memref<80xi32, #tpu.memory_space<vmem>>, vector<16xi32>,
    %add3A_152 = arith.constant 240 : i32
    %add3A_153 = arith.addi %mul3A_2, %add3A_152 : i32
    %add3A_154 = arith.constant 0 : i32
    %add3A_155 = arith.addi %add3A_153, %add3A_154 : i32
    %add3A_156 = vector.broadcast %add3A_155 : i32 to vector<16xi32>
    %add3A_157 = arith.addi %iota3A, %add3A_156 : vector<16xi32>
    %swap3A_158 = arith.constant 0 : index
    %swap3A_159 = tpu.vector_load %arg19[%swap3A_158] {strides = array<i32>} : memref<80xi32, #tpu.memory_space<vmem>>, vector<16xi32>,
    %swap3A_160 = vector.shape_cast %swap3A_159 : vector<16xi32> to vector<16xi32>
    %swap3A_161 = vector.shape_cast %add3A_157 : vector<16xi32> to vector<16xi32>
    tpu.vector_store %arg19[%swap3A_158], %swap3A_161 {strides = array<i32>} : memref<80xi32, #tpu.memory_space<vmem>>, vector<16xi32>,
    %add3A_162 = arith.constant 240 : i32
    %add3A_163 = arith.addi %mul3A_2, %add3A_162 : i32
    %add3A_164 = arith.constant 16 : i32
    %add3A_165 = arith.addi %add3A_163, %add3A_164 : i32
    %add3A_166 = vector.broadcast %add3A_165 : i32 to vector<16xi32>
    %add3A_167 = arith.addi %iota3A, %add3A_166 : vector<16xi32>
    %swap3A_168 = arith.constant 16 : index
    %swap3A_169 = tpu.vector_load %arg19[%swap3A_168] {strides = array<i32>} : memref<80xi32, #tpu.memory_space<vmem>>, vector<16xi32>,
    %swap3A_170 = vector.shape_cast %swap3A_169 : vector<16xi32> to vector<16xi32>
    %swap3A_171 = vector.shape_cast %add3A_167 : vector<16xi32> to vector<16xi32>
    tpu.vector_store %arg19[%swap3A_168], %swap3A_171 {strides = array<i32>} : memref<80xi32, #tpu.memory_space<vmem>>, vector<16xi32>,
    %add3A_172 = arith.constant 240 : i32
    %add3A_173 = arith.addi %mul3A_2, %add3A_172 : i32
    %add3A_174 = arith.constant 32 : i32
    %add3A_175 = arith.addi %add3A_173, %add3A_174 : i32
    %add3A_176 = vector.broadcast %add3A_175 : i32 to vector<16xi32>
    %add3A_177 = arith.addi %iota3A, %add3A_176 : vector<16xi32>
    %swap3A_178 = arith.constant 32 : index
    %swap3A_179 = tpu.vector_load %arg19[%swap3A_178] {strides = array<i32>} : memref<80xi32, #tpu.memory_space<vmem>>, vector<16xi32>,
    %swap3A_180 = vector.shape_cast %swap3A_179 : vector<16xi32> to vector<16xi32>
    %swap3A_181 = vector.shape_cast %add3A_177 : vector<16xi32> to vector<16xi32>
    tpu.vector_store %arg19[%swap3A_178], %swap3A_181 {strides = array<i32>} : memref<80xi32, #tpu.memory_space<vmem>>, vector<16xi32>,
    %add3A_182 = arith.constant 240 : i32
    %add3A_183 = arith.addi %mul3A_2, %add3A_182 : i32
    %add3A_184 = arith.constant 48 : i32
    %add3A_185 = arith.addi %add3A_183, %add3A_184 : i32
    %add3A_186 = vector.broadcast %add3A_185 : i32 to vector<16xi32>
    %add3A_187 = arith.addi %iota3A, %add3A_186 : vector<16xi32>
    %swap3A_188 = arith.constant 48 : index
    %swap3A_189 = tpu.vector_load %arg19[%swap3A_188] {strides = array<i32>} : memref<80xi32, #tpu.memory_space<vmem>>, vector<16xi32>,
    %swap3A_190 = vector.shape_cast %swap3A_189 : vector<16xi32> to vector<16xi32>
    %swap3A_191 = vector.shape_cast %add3A_187 : vector<16xi32> to vector<16xi32>
    tpu.vector_store %arg19[%swap3A_188], %swap3A_191 {strides = array<i32>} : memref<80xi32, #tpu.memory_space<vmem>>, vector<16xi32>,
    %add3A_192 = arith.constant 240 : i32
    %add3A_193 = arith.addi %mul3A_2, %add3A_192 : i32
    %add3A_194 = arith.constant 64 : i32
    %add3A_195 = arith.addi %add3A_193, %add3A_194 : i32
    %add3A_196 = vector.broadcast %add3A_195 : i32 to vector<16xi32>
    %add3A_197 = arith.addi %iota3A, %add3A_196 : vector<16xi32>
    %swap3A_198 = arith.constant 64 : index
    %swap3A_199 = tpu.vector_load %arg19[%swap3A_198] {strides = array<i32>} : memref<80xi32, #tpu.memory_space<vmem>>, vector<16xi32>,
    %swap3A_200 = vector.shape_cast %swap3A_199 : vector<16xi32> to vector<16xi32>
    %swap3A_201 = vector.shape_cast %add3A_197 : vector<16xi32> to vector<16xi32>
    tpu.vector_store %arg19[%swap3A_198], %swap3A_201 {strides = array<i32>} : memref<80xi32, #tpu.memory_space<vmem>>, vector<16xi32>,
    %add3A_202 = arith.constant 320 : i32
    %add3A_203 = arith.addi %mul3A_2, %add3A_202 : i32
    %add3A_204 = arith.constant 0 : i32
    %add3A_205 = arith.addi %add3A_203, %add3A_204 : i32
    %add3A_206 = vector.broadcast %add3A_205 : i32 to vector<16xi32>
    %add3A_207 = arith.addi %iota3A, %add3A_206 : vector<16xi32>
    %swap3A_208 = arith.constant 0 : index
    %swap3A_209 = tpu.vector_load %arg20[%swap3A_208] {strides = array<i32>} : memref<80xi32, #tpu.memory_space<vmem>>, vector<16xi32>,
    %swap3A_210 = vector.shape_cast %swap3A_209 : vector<16xi32> to vector<16xi32>
    %swap3A_211 = vector.shape_cast %add3A_207 : vector<16xi32> to vector<16xi32>
    tpu.vector_store %arg20[%swap3A_208], %swap3A_211 {strides = array<i32>} : memref<80xi32, #tpu.memory_space<vmem>>, vector<16xi32>,
    %add3A_212 = arith.constant 320 : i32
    %add3A_213 = arith.addi %mul3A_2, %add3A_212 : i32
    %add3A_214 = arith.constant 16 : i32
    %add3A_215 = arith.addi %add3A_213, %add3A_214 : i32
    %add3A_216 = vector.broadcast %add3A_215 : i32 to vector<16xi32>
    %add3A_217 = arith.addi %iota3A, %add3A_216 : vector<16xi32>
    %swap3A_218 = arith.constant 16 : index
    %swap3A_219 = tpu.vector_load %arg20[%swap3A_218] {strides = array<i32>} : memref<80xi32, #tpu.memory_space<vmem>>, vector<16xi32>,
    %swap3A_220 = vector.shape_cast %swap3A_219 : vector<16xi32> to vector<16xi32>
    %swap3A_221 = vector.shape_cast %add3A_217 : vector<16xi32> to vector<16xi32>
    tpu.vector_store %arg20[%swap3A_218], %swap3A_221 {strides = array<i32>} : memref<80xi32, #tpu.memory_space<vmem>>, vector<16xi32>,
    %add3A_222 = arith.constant 320 : i32
    %add3A_223 = arith.addi %mul3A_2, %add3A_222 : i32
    %add3A_224 = arith.constant 32 : i32
    %add3A_225 = arith.addi %add3A_223, %add3A_224 : i32
    %add3A_226 = vector.broadcast %add3A_225 : i32 to vector<16xi32>
    %add3A_227 = arith.addi %iota3A, %add3A_226 : vector<16xi32>
    %swap3A_228 = arith.constant 32 : index
    %swap3A_229 = tpu.vector_load %arg20[%swap3A_228] {strides = array<i32>} : memref<80xi32, #tpu.memory_space<vmem>>, vector<16xi32>,
    %swap3A_230 = vector.shape_cast %swap3A_229 : vector<16xi32> to vector<16xi32>
    %swap3A_231 = vector.shape_cast %add3A_227 : vector<16xi32> to vector<16xi32>
    tpu.vector_store %arg20[%swap3A_228], %swap3A_231 {strides = array<i32>} : memref<80xi32, #tpu.memory_space<vmem>>, vector<16xi32>,
    %add3A_232 = arith.constant 320 : i32
    %add3A_233 = arith.addi %mul3A_2, %add3A_232 : i32
    %add3A_234 = arith.constant 48 : i32
    %add3A_235 = arith.addi %add3A_233, %add3A_234 : i32
    %add3A_236 = vector.broadcast %add3A_235 : i32 to vector<16xi32>
    %add3A_237 = arith.addi %iota3A, %add3A_236 : vector<16xi32>
    %swap3A_238 = arith.constant 48 : index
    %swap3A_239 = tpu.vector_load %arg20[%swap3A_238] {strides = array<i32>} : memref<80xi32, #tpu.memory_space<vmem>>, vector<16xi32>,
    %swap3A_240 = vector.shape_cast %swap3A_239 : vector<16xi32> to vector<16xi32>
    %swap3A_241 = vector.shape_cast %add3A_237 : vector<16xi32> to vector<16xi32>
    tpu.vector_store %arg20[%swap3A_238], %swap3A_241 {strides = array<i32>} : memref<80xi32, #tpu.memory_space<vmem>>, vector<16xi32>,
    %add3A_242 = arith.constant 320 : i32
    %add3A_243 = arith.addi %mul3A_2, %add3A_242 : i32
    %add3A_244 = arith.constant 64 : i32
    %add3A_245 = arith.addi %add3A_243, %add3A_244 : i32
    %add3A_246 = vector.broadcast %add3A_245 : i32 to vector<16xi32>
    %add3A_247 = arith.addi %iota3A, %add3A_246 : vector<16xi32>
    %swap3A_248 = arith.constant 64 : index
    %swap3A_249 = tpu.vector_load %arg20[%swap3A_248] {strides = array<i32>} : memref<80xi32, #tpu.memory_space<vmem>>, vector<16xi32>,
    %swap3A_250 = vector.shape_cast %swap3A_249 : vector<16xi32> to vector<16xi32>
    %swap3A_251 = vector.shape_cast %add3A_247 : vector<16xi32> to vector<16xi32>
    tpu.vector_store %arg20[%swap3A_248], %swap3A_251 {strides = array<i32>} : memref<80xi32, #tpu.memory_space<vmem>>, vector<16xi32>,
    %add3A_252 = arith.constant 400 : i32
    %add3A_253 = arith.addi %mul3A_2, %add3A_252 : i32
    %add3A_254 = arith.constant 0 : i32
    %add3A_255 = arith.addi %add3A_253, %add3A_254 : i32
    %add3A_256 = vector.broadcast %add3A_255 : i32 to vector<16xi32>
    %add3A_257 = arith.addi %iota3A, %add3A_256 : vector<16xi32>
    %swap3A_258 = arith.constant 0 : index
    %swap3A_259 = tpu.vector_load %arg21[%swap3A_258] {strides = array<i32>} : memref<80xi32, #tpu.memory_space<vmem>>, vector<16xi32>,
    %swap3A_260 = vector.shape_cast %swap3A_259 : vector<16xi32> to vector<16xi32>
    %swap3A_261 = vector.shape_cast %add3A_257 : vector<16xi32> to vector<16xi32>
    tpu.vector_store %arg21[%swap3A_258], %swap3A_261 {strides = array<i32>} : memref<80xi32, #tpu.memory_space<vmem>>, vector<16xi32>,
    %add3A_262 = arith.constant 400 : i32
    %add3A_263 = arith.addi %mul3A_2, %add3A_262 : i32
    %add3A_264 = arith.constant 16 : i32
    %add3A_265 = arith.addi %add3A_263, %add3A_264 : i32
    %add3A_266 = vector.broadcast %add3A_265 : i32 to vector<16xi32>
    %add3A_267 = arith.addi %iota3A, %add3A_266 : vector<16xi32>
    %swap3A_268 = arith.constant 16 : index
    %swap3A_269 = tpu.vector_load %arg21[%swap3A_268] {strides = array<i32>} : memref<80xi32, #tpu.memory_space<vmem>>, vector<16xi32>,
    %swap3A_270 = vector.shape_cast %swap3A_269 : vector<16xi32> to vector<16xi32>
    %swap3A_271 = vector.shape_cast %add3A_267 : vector<16xi32> to vector<16xi32>
    tpu.vector_store %arg21[%swap3A_268], %swap3A_271 {strides = array<i32>} : memref<80xi32, #tpu.memory_space<vmem>>, vector<16xi32>,
    %add3A_272 = arith.constant 400 : i32
    %add3A_273 = arith.addi %mul3A_2, %add3A_272 : i32
    %add3A_274 = arith.constant 32 : i32
    %add3A_275 = arith.addi %add3A_273, %add3A_274 : i32
    %add3A_276 = vector.broadcast %add3A_275 : i32 to vector<16xi32>
    %add3A_277 = arith.addi %iota3A, %add3A_276 : vector<16xi32>
    %swap3A_278 = arith.constant 32 : index
    %swap3A_279 = tpu.vector_load %arg21[%swap3A_278] {strides = array<i32>} : memref<80xi32, #tpu.memory_space<vmem>>, vector<16xi32>,
    %swap3A_280 = vector.shape_cast %swap3A_279 : vector<16xi32> to vector<16xi32>
    %swap3A_281 = vector.shape_cast %add3A_277 : vector<16xi32> to vector<16xi32>
    tpu.vector_store %arg21[%swap3A_278], %swap3A_281 {strides = array<i32>} : memref<80xi32, #tpu.memory_space<vmem>>, vector<16xi32>,
    %add3A_282 = arith.constant 400 : i32
    %add3A_283 = arith.addi %mul3A_2, %add3A_282 : i32
    %add3A_284 = arith.constant 48 : i32
    %add3A_285 = arith.addi %add3A_283, %add3A_284 : i32
    %add3A_286 = vector.broadcast %add3A_285 : i32 to vector<16xi32>
    %add3A_287 = arith.addi %iota3A, %add3A_286 : vector<16xi32>
    %swap3A_288 = arith.constant 48 : index
    %swap3A_289 = tpu.vector_load %arg21[%swap3A_288] {strides = array<i32>} : memref<80xi32, #tpu.memory_space<vmem>>, vector<16xi32>,
    %swap3A_290 = vector.shape_cast %swap3A_289 : vector<16xi32> to vector<16xi32>
    %swap3A_291 = vector.shape_cast %add3A_287 : vector<16xi32> to vector<16xi32>
    tpu.vector_store %arg21[%swap3A_288], %swap3A_291 {strides = array<i32>} : memref<80xi32, #tpu.memory_space<vmem>>, vector<16xi32>,
    %add3A_292 = arith.constant 400 : i32
    %add3A_293 = arith.addi %mul3A_2, %add3A_292 : i32
    %add3A_294 = arith.constant 64 : i32
    %add3A_295 = arith.addi %add3A_293, %add3A_294 : i32
    %add3A_296 = vector.broadcast %add3A_295 : i32 to vector<16xi32>
    %add3A_297 = arith.addi %iota3A, %add3A_296 : vector<16xi32>
    %swap3A_298 = arith.constant 64 : index
    %swap3A_299 = tpu.vector_load %arg21[%swap3A_298] {strides = array<i32>} : memref<80xi32, #tpu.memory_space<vmem>>, vector<16xi32>,
    %swap3A_300 = vector.shape_cast %swap3A_299 : vector<16xi32> to vector<16xi32>
    %swap3A_301 = vector.shape_cast %add3A_297 : vector<16xi32> to vector<16xi32>
    tpu.vector_store %arg21[%swap3A_298], %swap3A_301 {strides = array<i32>} : memref<80xi32, #tpu.memory_space<vmem>>, vector<16xi32>,
    %add3A_302 = arith.constant 480 : i32
    %add3A_303 = arith.addi %mul3A_2, %add3A_302 : i32
    %add3A_304 = arith.constant 0 : i32
    %add3A_305 = arith.addi %add3A_303, %add3A_304 : i32
    %add3A_306 = vector.broadcast %add3A_305 : i32 to vector<16xi32>
    %add3A_307 = arith.addi %iota3A, %add3A_306 : vector<16xi32>
    %swap3A_308 = arith.constant 0 : index
    %swap3A_309 = tpu.vector_load %arg22[%swap3A_308] {strides = array<i32>} : memref<80xi32, #tpu.memory_space<vmem>>, vector<16xi32>,
    %swap3A_310 = vector.shape_cast %swap3A_309 : vector<16xi32> to vector<16xi32>
    %swap3A_311 = vector.shape_cast %add3A_307 : vector<16xi32> to vector<16xi32>
    tpu.vector_store %arg22[%swap3A_308], %swap3A_311 {strides = array<i32>} : memref<80xi32, #tpu.memory_space<vmem>>, vector<16xi32>,
    %add3A_312 = arith.constant 480 : i32
    %add3A_313 = arith.addi %mul3A_2, %add3A_312 : i32
    %add3A_314 = arith.constant 16 : i32
    %add3A_315 = arith.addi %add3A_313, %add3A_314 : i32
    %add3A_316 = vector.broadcast %add3A_315 : i32 to vector<16xi32>
    %add3A_317 = arith.addi %iota3A, %add3A_316 : vector<16xi32>
    %swap3A_318 = arith.constant 16 : index
    %swap3A_319 = tpu.vector_load %arg22[%swap3A_318] {strides = array<i32>} : memref<80xi32, #tpu.memory_space<vmem>>, vector<16xi32>,
    %swap3A_320 = vector.shape_cast %swap3A_319 : vector<16xi32> to vector<16xi32>
    %swap3A_321 = vector.shape_cast %add3A_317 : vector<16xi32> to vector<16xi32>
    tpu.vector_store %arg22[%swap3A_318], %swap3A_321 {strides = array<i32>} : memref<80xi32, #tpu.memory_space<vmem>>, vector<16xi32>,
    %add3A_322 = arith.constant 480 : i32
    %add3A_323 = arith.addi %mul3A_2, %add3A_322 : i32
    %add3A_324 = arith.constant 32 : i32
    %add3A_325 = arith.addi %add3A_323, %add3A_324 : i32
    %add3A_326 = vector.broadcast %add3A_325 : i32 to vector<16xi32>
    %add3A_327 = arith.addi %iota3A, %add3A_326 : vector<16xi32>
    %swap3A_328 = arith.constant 32 : index
    %swap3A_329 = tpu.vector_load %arg22[%swap3A_328] {strides = array<i32>} : memref<80xi32, #tpu.memory_space<vmem>>, vector<16xi32>,
    %swap3A_330 = vector.shape_cast %swap3A_329 : vector<16xi32> to vector<16xi32>
    %swap3A_331 = vector.shape_cast %add3A_327 : vector<16xi32> to vector<16xi32>
    tpu.vector_store %arg22[%swap3A_328], %swap3A_331 {strides = array<i32>} : memref<80xi32, #tpu.memory_space<vmem>>, vector<16xi32>,
    %add3A_332 = arith.constant 480 : i32
    %add3A_333 = arith.addi %mul3A_2, %add3A_332 : i32
    %add3A_334 = arith.constant 48 : i32
    %add3A_335 = arith.addi %add3A_333, %add3A_334 : i32
    %add3A_336 = vector.broadcast %add3A_335 : i32 to vector<16xi32>
    %add3A_337 = arith.addi %iota3A, %add3A_336 : vector<16xi32>
    %swap3A_338 = arith.constant 48 : index
    %swap3A_339 = tpu.vector_load %arg22[%swap3A_338] {strides = array<i32>} : memref<80xi32, #tpu.memory_space<vmem>>, vector<16xi32>,
    %swap3A_340 = vector.shape_cast %swap3A_339 : vector<16xi32> to vector<16xi32>
    %swap3A_341 = vector.shape_cast %add3A_337 : vector<16xi32> to vector<16xi32>
    tpu.vector_store %arg22[%swap3A_338], %swap3A_341 {strides = array<i32>} : memref<80xi32, #tpu.memory_space<vmem>>, vector<16xi32>,
    %add3A_342 = arith.constant 480 : i32
    %add3A_343 = arith.addi %mul3A_2, %add3A_342 : i32
    %add3A_344 = arith.constant 64 : i32
    %add3A_345 = arith.addi %add3A_343, %add3A_344 : i32
    %add3A_346 = vector.broadcast %add3A_345 : i32 to vector<16xi32>
    %add3A_347 = arith.addi %iota3A, %add3A_346 : vector<16xi32>
    %swap3A_348 = arith.constant 64 : index
    %swap3A_349 = tpu.vector_load %arg22[%swap3A_348] {strides = array<i32>} : memref<80xi32, #tpu.memory_space<vmem>>, vector<16xi32>,
    %swap3A_350 = vector.shape_cast %swap3A_349 : vector<16xi32> to vector<16xi32>
    %swap3A_351 = vector.shape_cast %add3A_347 : vector<16xi32> to vector<16xi32>
    tpu.vector_store %arg22[%swap3A_348], %swap3A_351 {strides = array<i32>} : memref<80xi32, #tpu.memory_space<vmem>>, vector<16xi32>,
    %add3A_352 = arith.constant 560 : i32
    %add3A_353 = arith.addi %mul3A_2, %add3A_352 : i32
    %add3A_354 = arith.constant 0 : i32
    %add3A_355 = arith.addi %add3A_353, %add3A_354 : i32
    %add3A_356 = vector.broadcast %add3A_355 : i32 to vector<16xi32>
    %add3A_357 = arith.addi %iota3A, %add3A_356 : vector<16xi32>
    %swap3A_358 = arith.constant 0 : index
    %swap3A_359 = tpu.vector_load %arg23[%swap3A_358] {strides = array<i32>} : memref<80xi32, #tpu.memory_space<vmem>>, vector<16xi32>,
    %swap3A_360 = vector.shape_cast %swap3A_359 : vector<16xi32> to vector<16xi32>
    %swap3A_361 = vector.shape_cast %add3A_357 : vector<16xi32> to vector<16xi32>
    tpu.vector_store %arg23[%swap3A_358], %swap3A_361 {strides = array<i32>} : memref<80xi32, #tpu.memory_space<vmem>>, vector<16xi32>,
    %add3A_362 = arith.constant 560 : i32
    %add3A_363 = arith.addi %mul3A_2, %add3A_362 : i32
    %add3A_364 = arith.constant 16 : i32
    %add3A_365 = arith.addi %add3A_363, %add3A_364 : i32
    %add3A_366 = vector.broadcast %add3A_365 : i32 to vector<16xi32>
    %add3A_367 = arith.addi %iota3A, %add3A_366 : vector<16xi32>
    %swap3A_368 = arith.constant 16 : index
    %swap3A_369 = tpu.vector_load %arg23[%swap3A_368] {strides = array<i32>} : memref<80xi32, #tpu.memory_space<vmem>>, vector<16xi32>,
    %swap3A_370 = vector.shape_cast %swap3A_369 : vector<16xi32> to vector<16xi32>
    %swap3A_371 = vector.shape_cast %add3A_367 : vector<16xi32> to vector<16xi32>
    tpu.vector_store %arg23[%swap3A_368], %swap3A_371 {strides = array<i32>} : memref<80xi32, #tpu.memory_space<vmem>>, vector<16xi32>,
    %add3A_372 = arith.constant 560 : i32
    %add3A_373 = arith.addi %mul3A_2, %add3A_372 : i32
    %add3A_374 = arith.constant 32 : i32
    %add3A_375 = arith.addi %add3A_373, %add3A_374 : i32
    %add3A_376 = vector.broadcast %add3A_375 : i32 to vector<16xi32>
    %add3A_377 = arith.addi %iota3A, %add3A_376 : vector<16xi32>
    %swap3A_378 = arith.constant 32 : index
    %swap3A_379 = tpu.vector_load %arg23[%swap3A_378] {strides = array<i32>} : memref<80xi32, #tpu.memory_space<vmem>>, vector<16xi32>,
    %swap3A_380 = vector.shape_cast %swap3A_379 : vector<16xi32> to vector<16xi32>
    %swap3A_381 = vector.shape_cast %add3A_377 : vector<16xi32> to vector<16xi32>
    tpu.vector_store %arg23[%swap3A_378], %swap3A_381 {strides = array<i32>} : memref<80xi32, #tpu.memory_space<vmem>>, vector<16xi32>,
    %add3A_382 = arith.constant 560 : i32
    %add3A_383 = arith.addi %mul3A_2, %add3A_382 : i32
    %add3A_384 = arith.constant 48 : i32
    %add3A_385 = arith.addi %add3A_383, %add3A_384 : i32
    %add3A_386 = vector.broadcast %add3A_385 : i32 to vector<16xi32>
    %add3A_387 = arith.addi %iota3A, %add3A_386 : vector<16xi32>
    %swap3A_388 = arith.constant 48 : index
    %swap3A_389 = tpu.vector_load %arg23[%swap3A_388] {strides = array<i32>} : memref<80xi32, #tpu.memory_space<vmem>>, vector<16xi32>,
    %swap3A_390 = vector.shape_cast %swap3A_389 : vector<16xi32> to vector<16xi32>
    %swap3A_391 = vector.shape_cast %add3A_387 : vector<16xi32> to vector<16xi32>
    tpu.vector_store %arg23[%swap3A_388], %swap3A_391 {strides = array<i32>} : memref<80xi32, #tpu.memory_space<vmem>>, vector<16xi32>,
    %add3A_392 = arith.constant 560 : i32
    %add3A_393 = arith.addi %mul3A_2, %add3A_392 : i32
    %add3A_394 = arith.constant 64 : i32
    %add3A_395 = arith.addi %add3A_393, %add3A_394 : i32
    %add3A_396 = vector.broadcast %add3A_395 : i32 to vector<16xi32>
    %add3A_397 = arith.addi %iota3A, %add3A_396 : vector<16xi32>
    %swap3A_398 = arith.constant 64 : index
    %swap3A_399 = tpu.vector_load %arg23[%swap3A_398] {strides = array<i32>} : memref<80xi32, #tpu.memory_space<vmem>>, vector<16xi32>,
    %swap3A_400 = vector.shape_cast %swap3A_399 : vector<16xi32> to vector<16xi32>
    %swap3A_401 = vector.shape_cast %add3A_397 : vector<16xi32> to vector<16xi32>
    tpu.vector_store %arg23[%swap3A_398], %swap3A_401 {strides = array<i32>} : memref<80xi32, #tpu.memory_space<vmem>>, vector<16xi32>,
    "tpu.region"() ({
      %run_scoped3A = tpu.sem_alloc : memref<!tpu.dma_semaphore, #tpu.memory_space<semaphore_mem>>
      tpu.enqueue_dma source(%arg5 : memref<80x128xf32, #tpu.memory_space<hbm>>) target(%arg12 : memref<80x128xf32, #tpu.memory_space<vmem>>) target_semaphore(%run_scoped3A : memref<!tpu.dma_semaphore, #tpu.memory_space<semaphore_mem>>)
      tpu.wait_dma2 semaphore(%run_scoped3A : memref<!tpu.dma_semaphore, #tpu.memory_space<semaphore_mem>>) src(%arg5 : memref<80x128xf32, #tpu.memory_space<hbm>>) dst(%arg12 : memref<80x128xf32, #tpu.memory_space<vmem>>)
      tpu.yield
    }) : () -> ()
    "tpu.region"() ({
      %run_scoped3A = tpu.sem_alloc : memref<!tpu.dma_semaphore, #tpu.memory_space<semaphore_mem>>
      %dma_start3A_483 = arith.constant 0 : i32
      %dma_start3A_484 = arith.constant 0 : i32
      %dma_start3A_485 = tpu.memref_slice %arg7[%dma_start3A_483, %dma_start3A_484] : memref<10240x128xf32, #tpu.memory_space<vmem_shared>> -> memref<10240x128xf32, #tpu.memory_space<vmem_shared>>
      tpu.enqueue_indirect_dma source(%arg12 : memref<80x128xf32, #tpu.memory_space<vmem>>) target(%dma_start3A_485 : memref<10240x128xf32, #tpu.memory_space<vmem_shared>>) offsets(%arg16 : memref<80xi32, #tpu.memory_space<vmem>>) semaphore(%run_scoped3A : memref<!tpu.dma_semaphore, #tpu.memory_space<semaphore_mem>>)
      %dma_wait3A_486 = arith.constant 0 : i32
      %dma_wait3A_487 = arith.constant 0 : i32
      %dma_wait3A_488 = tpu.memref_slice %arg7[%dma_wait3A_486, %dma_wait3A_487] : memref<10240x128xf32, #tpu.memory_space<vmem_shared>> -> memref<10240x128xf32, #tpu.memory_space<vmem_shared>>
      tpu.wait_indirect_dma semaphore(%run_scoped3A : memref<!tpu.dma_semaphore, #tpu.memory_space<semaphore_mem>>) src(%arg12 : memref<80x128xf32, #tpu.memory_space<vmem>>) dst(%dma_wait3A_488 : memref<10240x128xf32, #tpu.memory_space<vmem_shared>>)
      tpu.yield
    }) : () -> ()
    "tpu.region"() ({
      %run_scoped3A = tpu.sem_alloc : memref<!tpu.dma_semaphore, #tpu.memory_space<semaphore_mem>>
      %dma_start3A_483 = arith.constant 0 : i32
      %dma_start3A_484 = arith.constant 0 : i32
      %dma_start3A_485 = tpu.memref_slice %arg7[%dma_start3A_483, %dma_start3A_484] : memref<10240x128xf32, #tpu.memory_space<vmem_shared>> -> memref<10240x128xf32, #tpu.memory_space<vmem_shared>>
      tpu.enqueue_indirect_dma source(%arg12 : memref<80x128xf32, #tpu.memory_space<vmem>>) target(%dma_start3A_485 : memref<10240x128xf32, #tpu.memory_space<vmem_shared>>) offsets(%arg17 : memref<80xi32, #tpu.memory_space<vmem>>) semaphore(%run_scoped3A : memref<!tpu.dma_semaphore, #tpu.memory_space<semaphore_mem>>)
      %dma_wait3A_486 = arith.constant 0 : i32
      %dma_wait3A_487 = arith.constant 0 : i32
      %dma_wait3A_488 = tpu.memref_slice %arg7[%dma_wait3A_486, %dma_wait3A_487] : memref<10240x128xf32, #tpu.memory_space<vmem_shared>> -> memref<10240x128xf32, #tpu.memory_space<vmem_shared>>
      tpu.wait_indirect_dma semaphore(%run_scoped3A : memref<!tpu.dma_semaphore, #tpu.memory_space<semaphore_mem>>) src(%arg12 : memref<80x128xf32, #tpu.memory_space<vmem>>) dst(%dma_wait3A_488 : memref<10240x128xf32, #tpu.memory_space<vmem_shared>>)
      tpu.yield
    }) : () -> ()
    "tpu.region"() ({
      %run_scoped3A = tpu.sem_alloc : memref<!tpu.dma_semaphore, #tpu.memory_space<semaphore_mem>>
      %dma_start3A_483 = arith.constant 0 : i32
      %dma_start3A_484 = arith.constant 0 : i32
      %dma_start3A_485 = tpu.memref_slice %arg7[%dma_start3A_483, %dma_start3A_484] : memref<10240x128xf32, #tpu.memory_space<vmem_shared>> -> memref<10240x128xf32, #tpu.memory_space<vmem_shared>>
      tpu.enqueue_indirect_dma source(%arg12 : memref<80x128xf32, #tpu.memory_space<vmem>>) target(%dma_start3A_485 : memref<10240x128xf32, #tpu.memory_space<vmem_shared>>) offsets(%arg18 : memref<80xi32, #tpu.memory_space<vmem>>) semaphore(%run_scoped3A : memref<!tpu.dma_semaphore, #tpu.memory_space<semaphore_mem>>)
      %dma_wait3A_486 = arith.constant 0 : i32
      %dma_wait3A_487 = arith.constant 0 : i32
      %dma_wait3A_488 = tpu.memref_slice %arg7[%dma_wait3A_486, %dma_wait3A_487] : memref<10240x128xf32, #tpu.memory_space<vmem_shared>> -> memref<10240x128xf32, #tpu.memory_space<vmem_shared>>
      tpu.wait_indirect_dma semaphore(%run_scoped3A : memref<!tpu.dma_semaphore, #tpu.memory_space<semaphore_mem>>) src(%arg12 : memref<80x128xf32, #tpu.memory_space<vmem>>) dst(%dma_wait3A_488 : memref<10240x128xf32, #tpu.memory_space<vmem_shared>>)
      tpu.yield
    }) : () -> ()
    "tpu.region"() ({
      %run_scoped3A = tpu.sem_alloc : memref<!tpu.dma_semaphore, #tpu.memory_space<semaphore_mem>>
      %dma_start3A_483 = arith.constant 0 : i32
      %dma_start3A_484 = arith.constant 0 : i32
      %dma_start3A_485 = tpu.memref_slice %arg7[%dma_start3A_483, %dma_start3A_484] : memref<10240x128xf32, #tpu.memory_space<vmem_shared>> -> memref<10240x128xf32, #tpu.memory_space<vmem_shared>>
      tpu.enqueue_indirect_dma source(%arg12 : memref<80x128xf32, #tpu.memory_space<vmem>>) target(%dma_start3A_485 : memref<10240x128xf32, #tpu.memory_space<vmem_shared>>) offsets(%arg19 : memref<80xi32, #tpu.memory_space<vmem>>) semaphore(%run_scoped3A : memref<!tpu.dma_semaphore, #tpu.memory_space<semaphore_mem>>)
      %dma_wait3A_486 = arith.constant 0 : i32
      %dma_wait3A_487 = arith.constant 0 : i32
      %dma_wait3A_488 = tpu.memref_slice %arg7[%dma_wait3A_486, %dma_wait3A_487] : memref<10240x128xf32, #tpu.memory_space<vmem_shared>> -> memref<10240x128xf32, #tpu.memory_space<vmem_shared>>
      tpu.wait_indirect_dma semaphore(%run_scoped3A : memref<!tpu.dma_semaphore, #tpu.memory_space<semaphore_mem>>) src(%arg12 : memref<80x128xf32, #tpu.memory_space<vmem>>) dst(%dma_wait3A_488 : memref<10240x128xf32, #tpu.memory_space<vmem_shared>>)
      tpu.yield
    }) : () -> ()
    "tpu.region"() ({
      %run_scoped3A = tpu.sem_alloc : memref<!tpu.dma_semaphore, #tpu.memory_space<semaphore_mem>>
      %dma_start3A_483 = arith.constant 0 : i32
      %dma_start3A_484 = arith.constant 0 : i32
      %dma_start3A_485 = tpu.memref_slice %arg7[%dma_start3A_483, %dma_start3A_484] : memref<10240x128xf32, #tpu.memory_space<vmem_shared>> -> memref<10240x128xf32, #tpu.memory_space<vmem_shared>>
      tpu.enqueue_indirect_dma source(%arg12 : memref<80x128xf32, #tpu.memory_space<vmem>>) target(%dma_start3A_485 : memref<10240x128xf32, #tpu.memory_space<vmem_shared>>) offsets(%arg20 : memref<80xi32, #tpu.memory_space<vmem>>) semaphore(%run_scoped3A : memref<!tpu.dma_semaphore, #tpu.memory_space<semaphore_mem>>)
      %dma_wait3A_486 = arith.constant 0 : i32
      %dma_wait3A_487 = arith.constant 0 : i32
      %dma_wait3A_488 = tpu.memref_slice %arg7[%dma_wait3A_486, %dma_wait3A_487] : memref<10240x128xf32, #tpu.memory_space<vmem_shared>> -> memref<10240x128xf32, #tpu.memory_space<vmem_shared>>
      tpu.wait_indirect_dma semaphore(%run_scoped3A : memref<!tpu.dma_semaphore, #tpu.memory_space<semaphore_mem>>) src(%arg12 : memref<80x128xf32, #tpu.memory_space<vmem>>) dst(%dma_wait3A_488 : memref<10240x128xf32, #tpu.memory_space<vmem_shared>>)
      tpu.yield
    }) : () -> ()
    "tpu.region"() ({
      %run_scoped3A = tpu.sem_alloc : memref<!tpu.dma_semaphore, #tpu.memory_space<semaphore_mem>>
      %dma_start3A_483 = arith.constant 0 : i32
      %dma_start3A_484 = arith.constant 0 : i32
      %dma_start3A_485 = tpu.memref_slice %arg7[%dma_start3A_483, %dma_start3A_484] : memref<10240x128xf32, #tpu.memory_space<vmem_shared>> -> memref<10240x128xf32, #tpu.memory_space<vmem_shared>>
      tpu.enqueue_indirect_dma source(%arg12 : memref<80x128xf32, #tpu.memory_space<vmem>>) target(%dma_start3A_485 : memref<10240x128xf32, #tpu.memory_space<vmem_shared>>) offsets(%arg21 : memref<80xi32, #tpu.memory_space<vmem>>) semaphore(%run_scoped3A : memref<!tpu.dma_semaphore, #tpu.memory_space<semaphore_mem>>)
      %dma_wait3A_486 = arith.constant 0 : i32
      %dma_wait3A_487 = arith.constant 0 : i32
      %dma_wait3A_488 = tpu.memref_slice %arg7[%dma_wait3A_486, %dma_wait3A_487] : memref<10240x128xf32, #tpu.memory_space<vmem_shared>> -> memref<10240x128xf32, #tpu.memory_space<vmem_shared>>
      tpu.wait_indirect_dma semaphore(%run_scoped3A : memref<!tpu.dma_semaphore, #tpu.memory_space<semaphore_mem>>) src(%arg12 : memref<80x128xf32, #tpu.memory_space<vmem>>) dst(%dma_wait3A_488 : memref<10240x128xf32, #tpu.memory_space<vmem_shared>>)
      tpu.yield
    }) : () -> ()
    "tpu.region"() ({
      %run_scoped3A = tpu.sem_alloc : memref<!tpu.dma_semaphore, #tpu.memory_space<semaphore_mem>>
      %dma_start3A_483 = arith.constant 0 : i32
      %dma_start3A_484 = arith.constant 0 : i32
      %dma_start3A_485 = tpu.memref_slice %arg7[%dma_start3A_483, %dma_start3A_484] : memref<10240x128xf32, #tpu.memory_space<vmem_shared>> -> memref<10240x128xf32, #tpu.memory_space<vmem_shared>>
      tpu.enqueue_indirect_dma source(%arg12 : memref<80x128xf32, #tpu.memory_space<vmem>>) target(%dma_start3A_485 : memref<10240x128xf32, #tpu.memory_space<vmem_shared>>) offsets(%arg22 : memref<80xi32, #tpu.memory_space<vmem>>) semaphore(%run_scoped3A : memref<!tpu.dma_semaphore, #tpu.memory_space<semaphore_mem>>)
      %dma_wait3A_486 = arith.constant 0 : i32
      %dma_wait3A_487 = arith.constant 0 : i32
      %dma_wait3A_488 = tpu.memref_slice %arg7[%dma_wait3A_486, %dma_wait3A_487] : memref<10240x128xf32, #tpu.memory_space<vmem_shared>> -> memref<10240x128xf32, #tpu.memory_space<vmem_shared>>
      tpu.wait_indirect_dma semaphore(%run_scoped3A : memref<!tpu.dma_semaphore, #tpu.memory_space<semaphore_mem>>) src(%arg12 : memref<80x128xf32, #tpu.memory_space<vmem>>) dst(%dma_wait3A_488 : memref<10240x128xf32, #tpu.memory_space<vmem_shared>>)
      tpu.yield
    }) : () -> ()
    "tpu.region"() ({
      %run_scoped3A = tpu.sem_alloc : memref<!tpu.dma_semaphore, #tpu.memory_space<semaphore_mem>>
      %dma_start3A_483 = arith.constant 0 : i32
      %dma_start3A_484 = arith.constant 0 : i32
      %dma_start3A_485 = tpu.memref_slice %arg7[%dma_start3A_483, %dma_start3A_484] : memref<10240x128xf32, #tpu.memory_space<vmem_shared>> -> memref<10240x128xf32, #tpu.memory_space<vmem_shared>>
      tpu.enqueue_indirect_dma source(%arg12 : memref<80x128xf32, #tpu.memory_space<vmem>>) target(%dma_start3A_485 : memref<10240x128xf32, #tpu.memory_space<vmem_shared>>) offsets(%arg23 : memref<80xi32, #tpu.memory_space<vmem>>) semaphore(%run_scoped3A : memref<!tpu.dma_semaphore, #tpu.memory_space<semaphore_mem>>)
      %dma_wait3A_486 = arith.constant 0 : i32
      %dma_wait3A_487 = arith.constant 0 : i32
      %dma_wait3A_488 = tpu.memref_slice %arg7[%dma_wait3A_486, %dma_wait3A_487] : memref<10240x128xf32, #tpu.memory_space<vmem_shared>> -> memref<10240x128xf32, #tpu.memory_space<vmem_shared>>
      tpu.wait_indirect_dma semaphore(%run_scoped3A : memref<!tpu.dma_semaphore, #tpu.memory_space<semaphore_mem>>) src(%arg12 : memref<80x128xf32, #tpu.memory_space<vmem>>) dst(%dma_wait3A_488 : memref<10240x128xf32, #tpu.memory_space<vmem_shared>>)
      tpu.yield
    }) : () -> ()
    %barrier3A = arith.constant 0 : index
    tpu.barrier barrier_id(%barrier3A)
    %scan3A = arith.constant 0 : i32
    %scan3A_402 = arith.constant 0 : i32
    %scan3A_403 = arith.constant 62 : i32
    %scan3A_404 = arith.addi %scan3A_402, %scan3A_403 : i32
    %scan3A_405 = arith.constant 1 : i32
    scf.for %scan3A_483 = %scan3A_402 to %scan3A_404 step %scan3A_405  : i32 {
      %mul3A_484 = arith.constant 10000 : i32
      %mul3A_485 = arith.muli %add3A, %mul3A_484 : i32
      %mul3A_486 = arith.constant 2 : i32
      %mul3A_487 = arith.muli %mul3A_486, %scan3A_483 : i32
      %mul3A_488 = arith.constant 80 : i32
      %mul3A_489 = arith.muli %mul3A_487, %mul3A_488 : i32
      %add3A_490 = arith.addi %mul3A_485, %mul3A_489 : i32
      %add3A_491 = arith.constant 80 : i32
      %add3A_492 = arith.addi %add3A_490, %add3A_491 : i32
      "tpu.region"() ({
        %run_scoped3A = tpu.sem_alloc : memref<!tpu.dma_semaphore, #tpu.memory_space<semaphore_mem>>
        %dma_start3A_505 = tpu.memref_slice %arg2[%add3A_490] : memref<320000xi32, #tpu.memory_space<hbm>> -> memref<80xi32, #tpu.memory_space<hbm>>
        %dma_start3A_506 = tpu.memref_slice %arg2[%add3A_490] : memref<320000xi32, #tpu.memory_space<hbm>> -> memref<80xi32, #tpu.memory_space<hbm>>
        tpu.enqueue_dma source(%dma_start3A_506 : memref<80xi32, #tpu.memory_space<hbm>>) target(%arg9 : memref<80xi32, #tpu.memory_space<vmem>>) target_semaphore(%run_scoped3A : memref<!tpu.dma_semaphore, #tpu.memory_space<semaphore_mem>>)
        %dma_wait3A_507 = tpu.memref_slice %arg2[%add3A_490] : memref<320000xi32, #tpu.memory_space<hbm>> -> memref<80xi32, #tpu.memory_space<hbm>>
        %dma_wait3A_508 = tpu.memref_slice %arg2[%add3A_490] : memref<320000xi32, #tpu.memory_space<hbm>> -> memref<80xi32, #tpu.memory_space<hbm>>
        tpu.wait_dma2 semaphore(%run_scoped3A : memref<!tpu.dma_semaphore, #tpu.memory_space<semaphore_mem>>) src(%dma_wait3A_508 : memref<80xi32, #tpu.memory_space<hbm>>) dst(%arg9 : memref<80xi32, #tpu.memory_space<vmem>>)
        tpu.yield
      }) : () -> ()
      "tpu.region"() ({
        %run_scoped3A = tpu.sem_alloc : memref<!tpu.dma_semaphore, #tpu.memory_space<semaphore_mem>>
        %dma_start3A_505 = tpu.memref_slice %arg3[%add3A_490] : memref<320000xi32, #tpu.memory_space<hbm>> -> memref<80xi32, #tpu.memory_space<hbm>>
        %dma_start3A_506 = tpu.memref_slice %arg3[%add3A_490] : memref<320000xi32, #tpu.memory_space<hbm>> -> memref<80xi32, #tpu.memory_space<hbm>>
        tpu.enqueue_dma source(%dma_start3A_506 : memref<80xi32, #tpu.memory_space<hbm>>) target(%arg8 : memref<80xi32, #tpu.memory_space<vmem>>) target_semaphore(%run_scoped3A : memref<!tpu.dma_semaphore, #tpu.memory_space<semaphore_mem>>)
        %dma_wait3A_507 = tpu.memref_slice %arg3[%add3A_490] : memref<320000xi32, #tpu.memory_space<hbm>> -> memref<80xi32, #tpu.memory_space<hbm>>
        %dma_wait3A_508 = tpu.memref_slice %arg3[%add3A_490] : memref<320000xi32, #tpu.memory_space<hbm>> -> memref<80xi32, #tpu.memory_space<hbm>>
        tpu.wait_dma2 semaphore(%run_scoped3A : memref<!tpu.dma_semaphore, #tpu.memory_space<semaphore_mem>>) src(%dma_wait3A_508 : memref<80xi32, #tpu.memory_space<hbm>>) dst(%arg8 : memref<80xi32, #tpu.memory_space<vmem>>)
        tpu.yield
      }) : () -> ()
      %dma_start3A_493 = arith.constant 0 : i32
      %dma_start3A_494 = arith.constant 0 : i32
      %dma_start3A_495 = tpu.memref_slice %arg4[%dma_start3A_493, %dma_start3A_494] : memref<10000x128xf32, #tpu.memory_space<hbm>> -> memref<10000x128xf32, #tpu.memory_space<hbm>>
      tpu.enqueue_indirect_dma source(%dma_start3A_495 : memref<10000x128xf32, #tpu.memory_space<hbm>>) target(%arg12 : memref<80x128xf32, #tpu.memory_space<vmem>>) offsets(%arg8 : memref<80xi32, #tpu.memory_space<vmem>>) semaphore(%arg14 : memref<!tpu.dma_semaphore, #tpu.memory_space<semaphore_mem>>)
      "tpu.region"() ({
        %run_scoped3A = tpu.sem_alloc : memref<!tpu.dma_semaphore, #tpu.memory_space<semaphore_mem>>
        %dma_start3A_505 = tpu.memref_slice %arg2[%add3A_492] : memref<320000xi32, #tpu.memory_space<hbm>> -> memref<80xi32, #tpu.memory_space<hbm>>
        %dma_start3A_506 = tpu.memref_slice %arg2[%add3A_492] : memref<320000xi32, #tpu.memory_space<hbm>> -> memref<80xi32, #tpu.memory_space<hbm>>
        tpu.enqueue_dma source(%dma_start3A_506 : memref<80xi32, #tpu.memory_space<hbm>>) target(%arg11 : memref<80xi32, #tpu.memory_space<vmem>>) target_semaphore(%run_scoped3A : memref<!tpu.dma_semaphore, #tpu.memory_space<semaphore_mem>>)
        %dma_wait3A_507 = tpu.memref_slice %arg2[%add3A_492] : memref<320000xi32, #tpu.memory_space<hbm>> -> memref<80xi32, #tpu.memory_space<hbm>>
        %dma_wait3A_508 = tpu.memref_slice %arg2[%add3A_492] : memref<320000xi32, #tpu.memory_space<hbm>> -> memref<80xi32, #tpu.memory_space<hbm>>
        tpu.wait_dma2 semaphore(%run_scoped3A : memref<!tpu.dma_semaphore, #tpu.memory_space<semaphore_mem>>) src(%dma_wait3A_508 : memref<80xi32, #tpu.memory_space<hbm>>) dst(%arg11 : memref<80xi32, #tpu.memory_space<vmem>>)
        tpu.yield
      }) : () -> ()
      "tpu.region"() ({
        %run_scoped3A = tpu.sem_alloc : memref<!tpu.dma_semaphore, #tpu.memory_space<semaphore_mem>>
        %dma_start3A_505 = tpu.memref_slice %arg3[%add3A_492] : memref<320000xi32, #tpu.memory_space<hbm>> -> memref<80xi32, #tpu.memory_space<hbm>>
        %dma_start3A_506 = tpu.memref_slice %arg3[%add3A_492] : memref<320000xi32, #tpu.memory_space<hbm>> -> memref<80xi32, #tpu.memory_space<hbm>>
        tpu.enqueue_dma source(%dma_start3A_506 : memref<80xi32, #tpu.memory_space<hbm>>) target(%arg10 : memref<80xi32, #tpu.memory_space<vmem>>) target_semaphore(%run_scoped3A : memref<!tpu.dma_semaphore, #tpu.memory_space<semaphore_mem>>)
        %dma_wait3A_507 = tpu.memref_slice %arg3[%add3A_492] : memref<320000xi32, #tpu.memory_space<hbm>> -> memref<80xi32, #tpu.memory_space<hbm>>
        %dma_wait3A_508 = tpu.memref_slice %arg3[%add3A_492] : memref<320000xi32, #tpu.memory_space<hbm>> -> memref<80xi32, #tpu.memory_space<hbm>>
        tpu.wait_dma2 semaphore(%run_scoped3A : memref<!tpu.dma_semaphore, #tpu.memory_space<semaphore_mem>>) src(%dma_wait3A_508 : memref<80xi32, #tpu.memory_space<hbm>>) dst(%arg10 : memref<80xi32, #tpu.memory_space<vmem>>)
        tpu.yield
      }) : () -> ()
      %dma_start3A_496 = arith.constant 0 : i32
      %dma_start3A_497 = arith.constant 0 : i32
      %dma_start3A_498 = tpu.memref_slice %arg4[%dma_start3A_496, %dma_start3A_497] : memref<10000x128xf32, #tpu.memory_space<hbm>> -> memref<10000x128xf32, #tpu.memory_space<hbm>>
      tpu.enqueue_indirect_dma source(%dma_start3A_498 : memref<10000x128xf32, #tpu.memory_space<hbm>>) target(%arg13 : memref<80x128xf32, #tpu.memory_space<vmem>>) offsets(%arg10 : memref<80xi32, #tpu.memory_space<vmem>>) semaphore(%arg15 : memref<!tpu.dma_semaphore, #tpu.memory_space<semaphore_mem>>)
      %dma_wait3A_499 = arith.constant 0 : i32
      %dma_wait3A_500 = arith.constant 0 : i32
      %dma_wait3A_501 = tpu.memref_slice %arg4[%dma_wait3A_499, %dma_wait3A_500] : memref<10000x128xf32, #tpu.memory_space<hbm>> -> memref<10000x128xf32, #tpu.memory_space<hbm>>
      tpu.wait_indirect_dma semaphore(%arg14 : memref<!tpu.dma_semaphore, #tpu.memory_space<semaphore_mem>>) src(%dma_wait3A_501 : memref<10000x128xf32, #tpu.memory_space<hbm>>) dst(%arg12 : memref<80x128xf32, #tpu.memory_space<vmem>>)
      "tpu.region"() ({
        %run_scoped3A = tpu.sem_alloc : memref<!tpu.dma_semaphore, #tpu.memory_space<semaphore_mem>>
        %dma_start3A_505 = arith.constant 0 : i32
        %dma_start3A_506 = arith.constant 0 : i32
        %dma_start3A_507 = tpu.memref_slice %arg7[%dma_start3A_505, %dma_start3A_506] : memref<10240x128xf32, #tpu.memory_space<vmem_shared>> -> memref<10240x128xf32, #tpu.memory_space<vmem_shared>>
        tpu.enqueue_indirect_dma source(%arg12 : memref<80x128xf32, #tpu.memory_space<vmem>>) target(%dma_start3A_507 : memref<10240x128xf32, #tpu.memory_space<vmem_shared>>) offsets(%arg9 : memref<80xi32, #tpu.memory_space<vmem>>) semaphore(%run_scoped3A : memref<!tpu.dma_semaphore, #tpu.memory_space<semaphore_mem>>) {add = true}
        %dma_wait3A_508 = arith.constant 0 : i32
        %dma_wait3A_509 = arith.constant 0 : i32
        %dma_wait3A_510 = tpu.memref_slice %arg7[%dma_wait3A_508, %dma_wait3A_509] : memref<10240x128xf32, #tpu.memory_space<vmem_shared>> -> memref<10240x128xf32, #tpu.memory_space<vmem_shared>>
        tpu.wait_indirect_dma semaphore(%run_scoped3A : memref<!tpu.dma_semaphore, #tpu.memory_space<semaphore_mem>>) src(%arg12 : memref<80x128xf32, #tpu.memory_space<vmem>>) dst(%dma_wait3A_510 : memref<10240x128xf32, #tpu.memory_space<vmem_shared>>)
        tpu.yield
      }) : () -> ()
      %dma_wait3A_502 = arith.constant 0 : i32
      %dma_wait3A_503 = arith.constant 0 : i32
      %dma_wait3A_504 = tpu.memref_slice %arg4[%dma_wait3A_502, %dma_wait3A_503] : memref<10000x128xf32, #tpu.memory_space<hbm>> -> memref<10000x128xf32, #tpu.memory_space<hbm>>
      tpu.wait_indirect_dma semaphore(%arg15 : memref<!tpu.dma_semaphore, #tpu.memory_space<semaphore_mem>>) src(%dma_wait3A_504 : memref<10000x128xf32, #tpu.memory_space<hbm>>) dst(%arg13 : memref<80x128xf32, #tpu.memory_space<vmem>>)
      "tpu.region"() ({
        %run_scoped3A = tpu.sem_alloc : memref<!tpu.dma_semaphore, #tpu.memory_space<semaphore_mem>>
        %dma_start3A_505 = arith.constant 0 : i32
        %dma_start3A_506 = arith.constant 0 : i32
        %dma_start3A_507 = tpu.memref_slice %arg7[%dma_start3A_505, %dma_start3A_506] : memref<10240x128xf32, #tpu.memory_space<vmem_shared>> -> memref<10240x128xf32, #tpu.memory_space<vmem_shared>>
        tpu.enqueue_indirect_dma source(%arg13 : memref<80x128xf32, #tpu.memory_space<vmem>>) target(%dma_start3A_507 : memref<10240x128xf32, #tpu.memory_space<vmem_shared>>) offsets(%arg11 : memref<80xi32, #tpu.memory_space<vmem>>) semaphore(%run_scoped3A : memref<!tpu.dma_semaphore, #tpu.memory_space<semaphore_mem>>) {add = true}
        %dma_wait3A_508 = arith.constant 0 : i32
        %dma_wait3A_509 = arith.constant 0 : i32
        %dma_wait3A_510 = tpu.memref_slice %arg7[%dma_wait3A_508, %dma_wait3A_509] : memref<10240x128xf32, #tpu.memory_space<vmem_shared>> -> memref<10240x128xf32, #tpu.memory_space<vmem_shared>>
        tpu.wait_indirect_dma semaphore(%run_scoped3A : memref<!tpu.dma_semaphore, #tpu.memory_space<semaphore_mem>>) src(%arg13 : memref<80x128xf32, #tpu.memory_space<vmem>>) dst(%dma_wait3A_510 : memref<10240x128xf32, #tpu.memory_space<vmem_shared>>)
        tpu.yield
      }) : () -> ()
    }
    %scan3A_406 = arith.constant 62 : i32
    %mul3A_407 = arith.constant 10000 : i32
    %mul3A_408 = arith.muli %add3A, %mul3A_407 : i32
    %add3A_409 = arith.constant 9920 : i32
    %add3A_410 = arith.addi %mul3A_408, %add3A_409 : i32
    "tpu.region"() ({
      %run_scoped3A = tpu.sem_alloc : memref<!tpu.dma_semaphore, #tpu.memory_space<semaphore_mem>>
      %dma_start3A_483 = tpu.memref_slice %arg2[%add3A_410] : memref<320000xi32, #tpu.memory_space<hbm>> -> memref<80xi32, #tpu.memory_space<hbm>>
      %dma_start3A_484 = tpu.memref_slice %arg2[%add3A_410] : memref<320000xi32, #tpu.memory_space<hbm>> -> memref<80xi32, #tpu.memory_space<hbm>>
      tpu.enqueue_dma source(%dma_start3A_484 : memref<80xi32, #tpu.memory_space<hbm>>) target(%arg9 : memref<80xi32, #tpu.memory_space<vmem>>) target_semaphore(%run_scoped3A : memref<!tpu.dma_semaphore, #tpu.memory_space<semaphore_mem>>)
      %dma_wait3A_485 = tpu.memref_slice %arg2[%add3A_410] : memref<320000xi32, #tpu.memory_space<hbm>> -> memref<80xi32, #tpu.memory_space<hbm>>
      %dma_wait3A_486 = tpu.memref_slice %arg2[%add3A_410] : memref<320000xi32, #tpu.memory_space<hbm>> -> memref<80xi32, #tpu.memory_space<hbm>>
      tpu.wait_dma2 semaphore(%run_scoped3A : memref<!tpu.dma_semaphore, #tpu.memory_space<semaphore_mem>>) src(%dma_wait3A_486 : memref<80xi32, #tpu.memory_space<hbm>>) dst(%arg9 : memref<80xi32, #tpu.memory_space<vmem>>)
      tpu.yield
    }) : () -> ()
    "tpu.region"() ({
      %run_scoped3A = tpu.sem_alloc : memref<!tpu.dma_semaphore, #tpu.memory_space<semaphore_mem>>
      %dma_start3A_483 = tpu.memref_slice %arg3[%add3A_410] : memref<320000xi32, #tpu.memory_space<hbm>> -> memref<80xi32, #tpu.memory_space<hbm>>
      %dma_start3A_484 = tpu.memref_slice %arg3[%add3A_410] : memref<320000xi32, #tpu.memory_space<hbm>> -> memref<80xi32, #tpu.memory_space<hbm>>
      tpu.enqueue_dma source(%dma_start3A_484 : memref<80xi32, #tpu.memory_space<hbm>>) target(%arg8 : memref<80xi32, #tpu.memory_space<vmem>>) target_semaphore(%run_scoped3A : memref<!tpu.dma_semaphore, #tpu.memory_space<semaphore_mem>>)
      %dma_wait3A_485 = tpu.memref_slice %arg3[%add3A_410] : memref<320000xi32, #tpu.memory_space<hbm>> -> memref<80xi32, #tpu.memory_space<hbm>>
      %dma_wait3A_486 = tpu.memref_slice %arg3[%add3A_410] : memref<320000xi32, #tpu.memory_space<hbm>> -> memref<80xi32, #tpu.memory_space<hbm>>
      tpu.wait_dma2 semaphore(%run_scoped3A : memref<!tpu.dma_semaphore, #tpu.memory_space<semaphore_mem>>) src(%dma_wait3A_486 : memref<80xi32, #tpu.memory_space<hbm>>) dst(%arg8 : memref<80xi32, #tpu.memory_space<vmem>>)
      tpu.yield
    }) : () -> ()
    %dma_start3A = arith.constant 0 : i32
    %dma_start3A_411 = arith.constant 0 : i32
    %dma_start3A_412 = tpu.memref_slice %arg4[%dma_start3A, %dma_start3A_411] : memref<10000x128xf32, #tpu.memory_space<hbm>> -> memref<10000x128xf32, #tpu.memory_space<hbm>>
    tpu.enqueue_indirect_dma source(%dma_start3A_412 : memref<10000x128xf32, #tpu.memory_space<hbm>>) target(%arg12 : memref<80x128xf32, #tpu.memory_space<vmem>>) offsets(%arg8 : memref<80xi32, #tpu.memory_space<vmem>>) semaphore(%arg14 : memref<!tpu.dma_semaphore, #tpu.memory_space<semaphore_mem>>)
    %dma_wait3A = arith.constant 0 : i32
    %dma_wait3A_413 = arith.constant 0 : i32
    %dma_wait3A_414 = tpu.memref_slice %arg4[%dma_wait3A, %dma_wait3A_413] : memref<10000x128xf32, #tpu.memory_space<hbm>> -> memref<10000x128xf32, #tpu.memory_space<hbm>>
    tpu.wait_indirect_dma semaphore(%arg14 : memref<!tpu.dma_semaphore, #tpu.memory_space<semaphore_mem>>) src(%dma_wait3A_414 : memref<10000x128xf32, #tpu.memory_space<hbm>>) dst(%arg12 : memref<80x128xf32, #tpu.memory_space<vmem>>)
    "tpu.region"() ({
      %run_scoped3A = tpu.sem_alloc : memref<!tpu.dma_semaphore, #tpu.memory_space<semaphore_mem>>
      %dma_start3A_483 = arith.constant 0 : i32
      %dma_start3A_484 = arith.constant 0 : i32
      %dma_start3A_485 = tpu.memref_slice %arg7[%dma_start3A_483, %dma_start3A_484] : memref<10240x128xf32, #tpu.memory_space<vmem_shared>> -> memref<10240x128xf32, #tpu.memory_space<vmem_shared>>
      tpu.enqueue_indirect_dma source(%arg12 : memref<80x128xf32, #tpu.memory_space<vmem>>) target(%dma_start3A_485 : memref<10240x128xf32, #tpu.memory_space<vmem_shared>>) offsets(%arg9 : memref<80xi32, #tpu.memory_space<vmem>>) semaphore(%run_scoped3A : memref<!tpu.dma_semaphore, #tpu.memory_space<semaphore_mem>>) {add = true}
      %dma_wait3A_486 = arith.constant 0 : i32
      %dma_wait3A_487 = arith.constant 0 : i32
      %dma_wait3A_488 = tpu.memref_slice %arg7[%dma_wait3A_486, %dma_wait3A_487] : memref<10240x128xf32, #tpu.memory_space<vmem_shared>> -> memref<10240x128xf32, #tpu.memory_space<vmem_shared>>
      tpu.wait_indirect_dma semaphore(%run_scoped3A : memref<!tpu.dma_semaphore, #tpu.memory_space<semaphore_mem>>) src(%arg12 : memref<80x128xf32, #tpu.memory_space<vmem>>) dst(%dma_wait3A_488 : memref<10240x128xf32, #tpu.memory_space<vmem_shared>>)
      tpu.yield
    }) : () -> ()
    %barrier3A_415 = arith.constant 0 : index
    tpu.barrier barrier_id(%barrier3A_415)
    %mul3A_416 = arith.constant 10240 : i32
    %mul3A_417 = arith.muli %arg0, %mul3A_416 : i32
    %add3A_418 = arith.addi %mul3A_417, %mul3A_2 : i32
    %dma_start3A_419 = arith.constant 0 : i32
    %dma_start3A_420 = arith.constant 0 : i32
    %dma_start3A_421 = tpu.memref_slice %arg7[%dma_start3A_419, %dma_start3A_420] : memref<10240x128xf32, #tpu.memory_space<vmem_shared>> -> memref<10240x128xf32, #tpu.memory_space<vmem_shared>>
    tpu.enqueue_indirect_dma source(%dma_start3A_421 : memref<10240x128xf32, #tpu.memory_space<vmem_shared>>) target(%arg12 : memref<80x128xf32, #tpu.memory_space<vmem>>) offsets(%arg16 : memref<80xi32, #tpu.memory_space<vmem>>) semaphore(%arg14 : memref<!tpu.dma_semaphore, #tpu.memory_space<semaphore_mem>>)
    %dma_wait3A_422 = arith.constant 0 : i32
    %dma_wait3A_423 = arith.constant 0 : i32
    %dma_wait3A_424 = tpu.memref_slice %arg7[%dma_wait3A_422, %dma_wait3A_423] : memref<10240x128xf32, #tpu.memory_space<vmem_shared>> -> memref<10240x128xf32, #tpu.memory_space<vmem_shared>>
    tpu.wait_indirect_dma semaphore(%arg14 : memref<!tpu.dma_semaphore, #tpu.memory_space<semaphore_mem>>) src(%dma_wait3A_424 : memref<10240x128xf32, #tpu.memory_space<vmem_shared>>) dst(%arg12 : memref<80x128xf32, #tpu.memory_space<vmem>>)
    %add3A_425 = arith.constant 0 : i32
    %add3A_426 = arith.addi %add3A_418, %add3A_425 : i32
    "tpu.region"() ({
      %run_scoped3A = tpu.sem_alloc : memref<!tpu.dma_semaphore, #tpu.memory_space<semaphore_mem>>
      %dma_start3A_483 = arith.constant 0 : i32
      %dma_start3A_484 = tpu.memref_slice %arg6[%add3A_426, %dma_start3A_483] : memref<20480x128xf32, #tpu.memory_space<hbm>> -> memref<80x128xf32, #tpu.memory_space<hbm>>
      %dma_start3A_485 = arith.constant 0 : i32
      %dma_start3A_486 = tpu.memref_slice %arg6[%add3A_426, %dma_start3A_485] : memref<20480x128xf32, #tpu.memory_space<hbm>> -> memref<80x128xf32, #tpu.memory_space<hbm>>
      tpu.enqueue_dma source(%arg12 : memref<80x128xf32, #tpu.memory_space<vmem>>) target(%dma_start3A_486 : memref<80x128xf32, #tpu.memory_space<hbm>>) target_semaphore(%run_scoped3A : memref<!tpu.dma_semaphore, #tpu.memory_space<semaphore_mem>>)
      %dma_wait3A_487 = arith.constant 0 : i32
      %dma_wait3A_488 = tpu.memref_slice %arg6[%add3A_426, %dma_wait3A_487] : memref<20480x128xf32, #tpu.memory_space<hbm>> -> memref<80x128xf32, #tpu.memory_space<hbm>>
      %dma_wait3A_489 = arith.constant 0 : i32
      %dma_wait3A_490 = tpu.memref_slice %arg6[%add3A_426, %dma_wait3A_489] : memref<20480x128xf32, #tpu.memory_space<hbm>> -> memref<80x128xf32, #tpu.memory_space<hbm>>
      tpu.wait_dma2 semaphore(%run_scoped3A : memref<!tpu.dma_semaphore, #tpu.memory_space<semaphore_mem>>) src(%arg12 : memref<80x128xf32, #tpu.memory_space<vmem>>) dst(%dma_wait3A_490 : memref<80x128xf32, #tpu.memory_space<hbm>>)
      tpu.yield
    }) : () -> ()
    %dma_start3A_427 = arith.constant 0 : i32
    %dma_start3A_428 = arith.constant 0 : i32
    %dma_start3A_429 = tpu.memref_slice %arg7[%dma_start3A_427, %dma_start3A_428] : memref<10240x128xf32, #tpu.memory_space<vmem_shared>> -> memref<10240x128xf32, #tpu.memory_space<vmem_shared>>
    tpu.enqueue_indirect_dma source(%dma_start3A_429 : memref<10240x128xf32, #tpu.memory_space<vmem_shared>>) target(%arg12 : memref<80x128xf32, #tpu.memory_space<vmem>>) offsets(%arg17 : memref<80xi32, #tpu.memory_space<vmem>>) semaphore(%arg14 : memref<!tpu.dma_semaphore, #tpu.memory_space<semaphore_mem>>)
    %dma_wait3A_430 = arith.constant 0 : i32
    %dma_wait3A_431 = arith.constant 0 : i32
    %dma_wait3A_432 = tpu.memref_slice %arg7[%dma_wait3A_430, %dma_wait3A_431] : memref<10240x128xf32, #tpu.memory_space<vmem_shared>> -> memref<10240x128xf32, #tpu.memory_space<vmem_shared>>
    tpu.wait_indirect_dma semaphore(%arg14 : memref<!tpu.dma_semaphore, #tpu.memory_space<semaphore_mem>>) src(%dma_wait3A_432 : memref<10240x128xf32, #tpu.memory_space<vmem_shared>>) dst(%arg12 : memref<80x128xf32, #tpu.memory_space<vmem>>)
    %add3A_433 = arith.constant 80 : i32
    %add3A_434 = arith.addi %add3A_418, %add3A_433 : i32
    "tpu.region"() ({
      %run_scoped3A = tpu.sem_alloc : memref<!tpu.dma_semaphore, #tpu.memory_space<semaphore_mem>>
      %dma_start3A_483 = arith.constant 0 : i32
      %dma_start3A_484 = tpu.memref_slice %arg6[%add3A_434, %dma_start3A_483] : memref<20480x128xf32, #tpu.memory_space<hbm>> -> memref<80x128xf32, #tpu.memory_space<hbm>>
      %dma_start3A_485 = arith.constant 0 : i32
      %dma_start3A_486 = tpu.memref_slice %arg6[%add3A_434, %dma_start3A_485] : memref<20480x128xf32, #tpu.memory_space<hbm>> -> memref<80x128xf32, #tpu.memory_space<hbm>>
      tpu.enqueue_dma source(%arg12 : memref<80x128xf32, #tpu.memory_space<vmem>>) target(%dma_start3A_486 : memref<80x128xf32, #tpu.memory_space<hbm>>) target_semaphore(%run_scoped3A : memref<!tpu.dma_semaphore, #tpu.memory_space<semaphore_mem>>)
      %dma_wait3A_487 = arith.constant 0 : i32
      %dma_wait3A_488 = tpu.memref_slice %arg6[%add3A_434, %dma_wait3A_487] : memref<20480x128xf32, #tpu.memory_space<hbm>> -> memref<80x128xf32, #tpu.memory_space<hbm>>
      %dma_wait3A_489 = arith.constant 0 : i32
      %dma_wait3A_490 = tpu.memref_slice %arg6[%add3A_434, %dma_wait3A_489] : memref<20480x128xf32, #tpu.memory_space<hbm>> -> memref<80x128xf32, #tpu.memory_space<hbm>>
      tpu.wait_dma2 semaphore(%run_scoped3A : memref<!tpu.dma_semaphore, #tpu.memory_space<semaphore_mem>>) src(%arg12 : memref<80x128xf32, #tpu.memory_space<vmem>>) dst(%dma_wait3A_490 : memref<80x128xf32, #tpu.memory_space<hbm>>)
      tpu.yield
    }) : () -> ()
    %dma_start3A_435 = arith.constant 0 : i32
    %dma_start3A_436 = arith.constant 0 : i32
    %dma_start3A_437 = tpu.memref_slice %arg7[%dma_start3A_435, %dma_start3A_436] : memref<10240x128xf32, #tpu.memory_space<vmem_shared>> -> memref<10240x128xf32, #tpu.memory_space<vmem_shared>>
    tpu.enqueue_indirect_dma source(%dma_start3A_437 : memref<10240x128xf32, #tpu.memory_space<vmem_shared>>) target(%arg12 : memref<80x128xf32, #tpu.memory_space<vmem>>) offsets(%arg18 : memref<80xi32, #tpu.memory_space<vmem>>) semaphore(%arg14 : memref<!tpu.dma_semaphore, #tpu.memory_space<semaphore_mem>>)
    %dma_wait3A_438 = arith.constant 0 : i32
    %dma_wait3A_439 = arith.constant 0 : i32
    %dma_wait3A_440 = tpu.memref_slice %arg7[%dma_wait3A_438, %dma_wait3A_439] : memref<10240x128xf32, #tpu.memory_space<vmem_shared>> -> memref<10240x128xf32, #tpu.memory_space<vmem_shared>>
    tpu.wait_indirect_dma semaphore(%arg14 : memref<!tpu.dma_semaphore, #tpu.memory_space<semaphore_mem>>) src(%dma_wait3A_440 : memref<10240x128xf32, #tpu.memory_space<vmem_shared>>) dst(%arg12 : memref<80x128xf32, #tpu.memory_space<vmem>>)
    %add3A_441 = arith.constant 160 : i32
    %add3A_442 = arith.addi %add3A_418, %add3A_441 : i32
    "tpu.region"() ({
      %run_scoped3A = tpu.sem_alloc : memref<!tpu.dma_semaphore, #tpu.memory_space<semaphore_mem>>
      %dma_start3A_483 = arith.constant 0 : i32
      %dma_start3A_484 = tpu.memref_slice %arg6[%add3A_442, %dma_start3A_483] : memref<20480x128xf32, #tpu.memory_space<hbm>> -> memref<80x128xf32, #tpu.memory_space<hbm>>
      %dma_start3A_485 = arith.constant 0 : i32
      %dma_start3A_486 = tpu.memref_slice %arg6[%add3A_442, %dma_start3A_485] : memref<20480x128xf32, #tpu.memory_space<hbm>> -> memref<80x128xf32, #tpu.memory_space<hbm>>
      tpu.enqueue_dma source(%arg12 : memref<80x128xf32, #tpu.memory_space<vmem>>) target(%dma_start3A_486 : memref<80x128xf32, #tpu.memory_space<hbm>>) target_semaphore(%run_scoped3A : memref<!tpu.dma_semaphore, #tpu.memory_space<semaphore_mem>>)
      %dma_wait3A_487 = arith.constant 0 : i32
      %dma_wait3A_488 = tpu.memref_slice %arg6[%add3A_442, %dma_wait3A_487] : memref<20480x128xf32, #tpu.memory_space<hbm>> -> memref<80x128xf32, #tpu.memory_space<hbm>>
      %dma_wait3A_489 = arith.constant 0 : i32
      %dma_wait3A_490 = tpu.memref_slice %arg6[%add3A_442, %dma_wait3A_489] : memref<20480x128xf32, #tpu.memory_space<hbm>> -> memref<80x128xf32, #tpu.memory_space<hbm>>
      tpu.wait_dma2 semaphore(%run_scoped3A : memref<!tpu.dma_semaphore, #tpu.memory_space<semaphore_mem>>) src(%arg12 : memref<80x128xf32, #tpu.memory_space<vmem>>) dst(%dma_wait3A_490 : memref<80x128xf32, #tpu.memory_space<hbm>>)
      tpu.yield
    }) : () -> ()
    %dma_start3A_443 = arith.constant 0 : i32
    %dma_start3A_444 = arith.constant 0 : i32
    %dma_start3A_445 = tpu.memref_slice %arg7[%dma_start3A_443, %dma_start3A_444] : memref<10240x128xf32, #tpu.memory_space<vmem_shared>> -> memref<10240x128xf32, #tpu.memory_space<vmem_shared>>
    tpu.enqueue_indirect_dma source(%dma_start3A_445 : memref<10240x128xf32, #tpu.memory_space<vmem_shared>>) target(%arg12 : memref<80x128xf32, #tpu.memory_space<vmem>>) offsets(%arg19 : memref<80xi32, #tpu.memory_space<vmem>>) semaphore(%arg14 : memref<!tpu.dma_semaphore, #tpu.memory_space<semaphore_mem>>)
    %dma_wait3A_446 = arith.constant 0 : i32
    %dma_wait3A_447 = arith.constant 0 : i32
    %dma_wait3A_448 = tpu.memref_slice %arg7[%dma_wait3A_446, %dma_wait3A_447] : memref<10240x128xf32, #tpu.memory_space<vmem_shared>> -> memref<10240x128xf32, #tpu.memory_space<vmem_shared>>
    tpu.wait_indirect_dma semaphore(%arg14 : memref<!tpu.dma_semaphore, #tpu.memory_space<semaphore_mem>>) src(%dma_wait3A_448 : memref<10240x128xf32, #tpu.memory_space<vmem_shared>>) dst(%arg12 : memref<80x128xf32, #tpu.memory_space<vmem>>)
    %add3A_449 = arith.constant 240 : i32
    %add3A_450 = arith.addi %add3A_418, %add3A_449 : i32
    "tpu.region"() ({
      %run_scoped3A = tpu.sem_alloc : memref<!tpu.dma_semaphore, #tpu.memory_space<semaphore_mem>>
      %dma_start3A_483 = arith.constant 0 : i32
      %dma_start3A_484 = tpu.memref_slice %arg6[%add3A_450, %dma_start3A_483] : memref<20480x128xf32, #tpu.memory_space<hbm>> -> memref<80x128xf32, #tpu.memory_space<hbm>>
      %dma_start3A_485 = arith.constant 0 : i32
      %dma_start3A_486 = tpu.memref_slice %arg6[%add3A_450, %dma_start3A_485] : memref<20480x128xf32, #tpu.memory_space<hbm>> -> memref<80x128xf32, #tpu.memory_space<hbm>>
      tpu.enqueue_dma source(%arg12 : memref<80x128xf32, #tpu.memory_space<vmem>>) target(%dma_start3A_486 : memref<80x128xf32, #tpu.memory_space<hbm>>) target_semaphore(%run_scoped3A : memref<!tpu.dma_semaphore, #tpu.memory_space<semaphore_mem>>)
      %dma_wait3A_487 = arith.constant 0 : i32
      %dma_wait3A_488 = tpu.memref_slice %arg6[%add3A_450, %dma_wait3A_487] : memref<20480x128xf32, #tpu.memory_space<hbm>> -> memref<80x128xf32, #tpu.memory_space<hbm>>
      %dma_wait3A_489 = arith.constant 0 : i32
      %dma_wait3A_490 = tpu.memref_slice %arg6[%add3A_450, %dma_wait3A_489] : memref<20480x128xf32, #tpu.memory_space<hbm>> -> memref<80x128xf32, #tpu.memory_space<hbm>>
      tpu.wait_dma2 semaphore(%run_scoped3A : memref<!tpu.dma_semaphore, #tpu.memory_space<semaphore_mem>>) src(%arg12 : memref<80x128xf32, #tpu.memory_space<vmem>>) dst(%dma_wait3A_490 : memref<80x128xf32, #tpu.memory_space<hbm>>)
      tpu.yield
    }) : () -> ()
    %dma_start3A_451 = arith.constant 0 : i32
    %dma_start3A_452 = arith.constant 0 : i32
    %dma_start3A_453 = tpu.memref_slice %arg7[%dma_start3A_451, %dma_start3A_452] : memref<10240x128xf32, #tpu.memory_space<vmem_shared>> -> memref<10240x128xf32, #tpu.memory_space<vmem_shared>>
    tpu.enqueue_indirect_dma source(%dma_start3A_453 : memref<10240x128xf32, #tpu.memory_space<vmem_shared>>) target(%arg12 : memref<80x128xf32, #tpu.memory_space<vmem>>) offsets(%arg20 : memref<80xi32, #tpu.memory_space<vmem>>) semaphore(%arg14 : memref<!tpu.dma_semaphore, #tpu.memory_space<semaphore_mem>>)
    %dma_wait3A_454 = arith.constant 0 : i32
    %dma_wait3A_455 = arith.constant 0 : i32
    %dma_wait3A_456 = tpu.memref_slice %arg7[%dma_wait3A_454, %dma_wait3A_455] : memref<10240x128xf32, #tpu.memory_space<vmem_shared>> -> memref<10240x128xf32, #tpu.memory_space<vmem_shared>>
    tpu.wait_indirect_dma semaphore(%arg14 : memref<!tpu.dma_semaphore, #tpu.memory_space<semaphore_mem>>) src(%dma_wait3A_456 : memref<10240x128xf32, #tpu.memory_space<vmem_shared>>) dst(%arg12 : memref<80x128xf32, #tpu.memory_space<vmem>>)
    %add3A_457 = arith.constant 320 : i32
    %add3A_458 = arith.addi %add3A_418, %add3A_457 : i32
    "tpu.region"() ({
      %run_scoped3A = tpu.sem_alloc : memref<!tpu.dma_semaphore, #tpu.memory_space<semaphore_mem>>
      %dma_start3A_483 = arith.constant 0 : i32
      %dma_start3A_484 = tpu.memref_slice %arg6[%add3A_458, %dma_start3A_483] : memref<20480x128xf32, #tpu.memory_space<hbm>> -> memref<80x128xf32, #tpu.memory_space<hbm>>
      %dma_start3A_485 = arith.constant 0 : i32
      %dma_start3A_486 = tpu.memref_slice %arg6[%add3A_458, %dma_start3A_485] : memref<20480x128xf32, #tpu.memory_space<hbm>> -> memref<80x128xf32, #tpu.memory_space<hbm>>
      tpu.enqueue_dma source(%arg12 : memref<80x128xf32, #tpu.memory_space<vmem>>) target(%dma_start3A_486 : memref<80x128xf32, #tpu.memory_space<hbm>>) target_semaphore(%run_scoped3A : memref<!tpu.dma_semaphore, #tpu.memory_space<semaphore_mem>>)
      %dma_wait3A_487 = arith.constant 0 : i32
      %dma_wait3A_488 = tpu.memref_slice %arg6[%add3A_458, %dma_wait3A_487] : memref<20480x128xf32, #tpu.memory_space<hbm>> -> memref<80x128xf32, #tpu.memory_space<hbm>>
      %dma_wait3A_489 = arith.constant 0 : i32
      %dma_wait3A_490 = tpu.memref_slice %arg6[%add3A_458, %dma_wait3A_489] : memref<20480x128xf32, #tpu.memory_space<hbm>> -> memref<80x128xf32, #tpu.memory_space<hbm>>
      tpu.wait_dma2 semaphore(%run_scoped3A : memref<!tpu.dma_semaphore, #tpu.memory_space<semaphore_mem>>) src(%arg12 : memref<80x128xf32, #tpu.memory_space<vmem>>) dst(%dma_wait3A_490 : memref<80x128xf32, #tpu.memory_space<hbm>>)
      tpu.yield
    }) : () -> ()
    %dma_start3A_459 = arith.constant 0 : i32
    %dma_start3A_460 = arith.constant 0 : i32
    %dma_start3A_461 = tpu.memref_slice %arg7[%dma_start3A_459, %dma_start3A_460] : memref<10240x128xf32, #tpu.memory_space<vmem_shared>> -> memref<10240x128xf32, #tpu.memory_space<vmem_shared>>
    tpu.enqueue_indirect_dma source(%dma_start3A_461 : memref<10240x128xf32, #tpu.memory_space<vmem_shared>>) target(%arg12 : memref<80x128xf32, #tpu.memory_space<vmem>>) offsets(%arg21 : memref<80xi32, #tpu.memory_space<vmem>>) semaphore(%arg14 : memref<!tpu.dma_semaphore, #tpu.memory_space<semaphore_mem>>)
    %dma_wait3A_462 = arith.constant 0 : i32
    %dma_wait3A_463 = arith.constant 0 : i32
    %dma_wait3A_464 = tpu.memref_slice %arg7[%dma_wait3A_462, %dma_wait3A_463] : memref<10240x128xf32, #tpu.memory_space<vmem_shared>> -> memref<10240x128xf32, #tpu.memory_space<vmem_shared>>
    tpu.wait_indirect_dma semaphore(%arg14 : memref<!tpu.dma_semaphore, #tpu.memory_space<semaphore_mem>>) src(%dma_wait3A_464 : memref<10240x128xf32, #tpu.memory_space<vmem_shared>>) dst(%arg12 : memref<80x128xf32, #tpu.memory_space<vmem>>)
    %add3A_465 = arith.constant 400 : i32
    %add3A_466 = arith.addi %add3A_418, %add3A_465 : i32
    "tpu.region"() ({
      %run_scoped3A = tpu.sem_alloc : memref<!tpu.dma_semaphore, #tpu.memory_space<semaphore_mem>>
      %dma_start3A_483 = arith.constant 0 : i32
      %dma_start3A_484 = tpu.memref_slice %arg6[%add3A_466, %dma_start3A_483] : memref<20480x128xf32, #tpu.memory_space<hbm>> -> memref<80x128xf32, #tpu.memory_space<hbm>>
      %dma_start3A_485 = arith.constant 0 : i32
      %dma_start3A_486 = tpu.memref_slice %arg6[%add3A_466, %dma_start3A_485] : memref<20480x128xf32, #tpu.memory_space<hbm>> -> memref<80x128xf32, #tpu.memory_space<hbm>>
      tpu.enqueue_dma source(%arg12 : memref<80x128xf32, #tpu.memory_space<vmem>>) target(%dma_start3A_486 : memref<80x128xf32, #tpu.memory_space<hbm>>) target_semaphore(%run_scoped3A : memref<!tpu.dma_semaphore, #tpu.memory_space<semaphore_mem>>)
      %dma_wait3A_487 = arith.constant 0 : i32
      %dma_wait3A_488 = tpu.memref_slice %arg6[%add3A_466, %dma_wait3A_487] : memref<20480x128xf32, #tpu.memory_space<hbm>> -> memref<80x128xf32, #tpu.memory_space<hbm>>
      %dma_wait3A_489 = arith.constant 0 : i32
      %dma_wait3A_490 = tpu.memref_slice %arg6[%add3A_466, %dma_wait3A_489] : memref<20480x128xf32, #tpu.memory_space<hbm>> -> memref<80x128xf32, #tpu.memory_space<hbm>>
      tpu.wait_dma2 semaphore(%run_scoped3A : memref<!tpu.dma_semaphore, #tpu.memory_space<semaphore_mem>>) src(%arg12 : memref<80x128xf32, #tpu.memory_space<vmem>>) dst(%dma_wait3A_490 : memref<80x128xf32, #tpu.memory_space<hbm>>)
      tpu.yield
    }) : () -> ()
    %dma_start3A_467 = arith.constant 0 : i32
    %dma_start3A_468 = arith.constant 0 : i32
    %dma_start3A_469 = tpu.memref_slice %arg7[%dma_start3A_467, %dma_start3A_468] : memref<10240x128xf32, #tpu.memory_space<vmem_shared>> -> memref<10240x128xf32, #tpu.memory_space<vmem_shared>>
    tpu.enqueue_indirect_dma source(%dma_start3A_469 : memref<10240x128xf32, #tpu.memory_space<vmem_shared>>) target(%arg12 : memref<80x128xf32, #tpu.memory_space<vmem>>) offsets(%arg22 : memref<80xi32, #tpu.memory_space<vmem>>) semaphore(%arg14 : memref<!tpu.dma_semaphore, #tpu.memory_space<semaphore_mem>>)
    %dma_wait3A_470 = arith.constant 0 : i32
    %dma_wait3A_471 = arith.constant 0 : i32
    %dma_wait3A_472 = tpu.memref_slice %arg7[%dma_wait3A_470, %dma_wait3A_471] : memref<10240x128xf32, #tpu.memory_space<vmem_shared>> -> memref<10240x128xf32, #tpu.memory_space<vmem_shared>>
    tpu.wait_indirect_dma semaphore(%arg14 : memref<!tpu.dma_semaphore, #tpu.memory_space<semaphore_mem>>) src(%dma_wait3A_472 : memref<10240x128xf32, #tpu.memory_space<vmem_shared>>) dst(%arg12 : memref<80x128xf32, #tpu.memory_space<vmem>>)
    %add3A_473 = arith.constant 480 : i32
    %add3A_474 = arith.addi %add3A_418, %add3A_473 : i32
    "tpu.region"() ({
      %run_scoped3A = tpu.sem_alloc : memref<!tpu.dma_semaphore, #tpu.memory_space<semaphore_mem>>
      %dma_start3A_483 = arith.constant 0 : i32
      %dma_start3A_484 = tpu.memref_slice %arg6[%add3A_474, %dma_start3A_483] : memref<20480x128xf32, #tpu.memory_space<hbm>> -> memref<80x128xf32, #tpu.memory_space<hbm>>
      %dma_start3A_485 = arith.constant 0 : i32
      %dma_start3A_486 = tpu.memref_slice %arg6[%add3A_474, %dma_start3A_485] : memref<20480x128xf32, #tpu.memory_space<hbm>> -> memref<80x128xf32, #tpu.memory_space<hbm>>
      tpu.enqueue_dma source(%arg12 : memref<80x128xf32, #tpu.memory_space<vmem>>) target(%dma_start3A_486 : memref<80x128xf32, #tpu.memory_space<hbm>>) target_semaphore(%run_scoped3A : memref<!tpu.dma_semaphore, #tpu.memory_space<semaphore_mem>>)
      %dma_wait3A_487 = arith.constant 0 : i32
      %dma_wait3A_488 = tpu.memref_slice %arg6[%add3A_474, %dma_wait3A_487] : memref<20480x128xf32, #tpu.memory_space<hbm>> -> memref<80x128xf32, #tpu.memory_space<hbm>>
      %dma_wait3A_489 = arith.constant 0 : i32
      %dma_wait3A_490 = tpu.memref_slice %arg6[%add3A_474, %dma_wait3A_489] : memref<20480x128xf32, #tpu.memory_space<hbm>> -> memref<80x128xf32, #tpu.memory_space<hbm>>
      tpu.wait_dma2 semaphore(%run_scoped3A : memref<!tpu.dma_semaphore, #tpu.memory_space<semaphore_mem>>) src(%arg12 : memref<80x128xf32, #tpu.memory_space<vmem>>) dst(%dma_wait3A_490 : memref<80x128xf32, #tpu.memory_space<hbm>>)
      tpu.yield
    }) : () -> ()
    %dma_start3A_475 = arith.constant 0 : i32
    %dma_start3A_476 = arith.constant 0 : i32
    %dma_start3A_477 = tpu.memref_slice %arg7[%dma_start3A_475, %dma_start3A_476] : memref<10240x128xf32, #tpu.memory_space<vmem_shared>> -> memref<10240x128xf32, #tpu.memory_space<vmem_shared>>
    tpu.enqueue_indirect_dma source(%dma_start3A_477 : memref<10240x128xf32, #tpu.memory_space<vmem_shared>>) target(%arg12 : memref<80x128xf32, #tpu.memory_space<vmem>>) offsets(%arg23 : memref<80xi32, #tpu.memory_space<vmem>>) semaphore(%arg14 : memref<!tpu.dma_semaphore, #tpu.memory_space<semaphore_mem>>)
    %dma_wait3A_478 = arith.constant 0 : i32
    %dma_wait3A_479 = arith.constant 0 : i32
    %dma_wait3A_480 = tpu.memref_slice %arg7[%dma_wait3A_478, %dma_wait3A_479] : memref<10240x128xf32, #tpu.memory_space<vmem_shared>> -> memref<10240x128xf32, #tpu.memory_space<vmem_shared>>
    tpu.wait_indirect_dma semaphore(%arg14 : memref<!tpu.dma_semaphore, #tpu.memory_space<semaphore_mem>>) src(%dma_wait3A_480 : memref<10240x128xf32, #tpu.memory_space<vmem_shared>>) dst(%arg12 : memref<80x128xf32, #tpu.memory_space<vmem>>)
    %add3A_481 = arith.constant 560 : i32
    %add3A_482 = arith.addi %add3A_418, %add3A_481 : i32
    "tpu.region"() ({
      %run_scoped3A = tpu.sem_alloc : memref<!tpu.dma_semaphore, #tpu.memory_space<semaphore_mem>>
      %dma_start3A_483 = arith.constant 0 : i32
      %dma_start3A_484 = tpu.memref_slice %arg6[%add3A_482, %dma_start3A_483] : memref<20480x128xf32, #tpu.memory_space<hbm>> -> memref<80x128xf32, #tpu.memory_space<hbm>>
      %dma_start3A_485 = arith.constant 0 : i32
      %dma_start3A_486 = tpu.memref_slice %arg6[%add3A_482, %dma_start3A_485] : memref<20480x128xf32, #tpu.memory_space<hbm>> -> memref<80x128xf32, #tpu.memory_space<hbm>>
      tpu.enqueue_dma source(%arg12 : memref<80x128xf32, #tpu.memory_space<vmem>>) target(%dma_start3A_486 : memref<80x128xf32, #tpu.memory_space<hbm>>) target_semaphore(%run_scoped3A : memref<!tpu.dma_semaphore, #tpu.memory_space<semaphore_mem>>)
      %dma_wait3A_487 = arith.constant 0 : i32
      %dma_wait3A_488 = tpu.memref_slice %arg6[%add3A_482, %dma_wait3A_487] : memref<20480x128xf32, #tpu.memory_space<hbm>> -> memref<80x128xf32, #tpu.memory_space<hbm>>
      %dma_wait3A_489 = arith.constant 0 : i32
      %dma_wait3A_490 = tpu.memref_slice %arg6[%add3A_482, %dma_wait3A_489] : memref<20480x128xf32, #tpu.memory_space<hbm>> -> memref<80x128xf32, #tpu.memory_space<hbm>>
      tpu.wait_dma2 semaphore(%run_scoped3A : memref<!tpu.dma_semaphore, #tpu.memory_space<semaphore_mem>>) src(%arg12 : memref<80x128xf32, #tpu.memory_space<vmem>>) dst(%dma_wait3A_490 : memref<80x128xf32, #tpu.memory_space<hbm>>)
      tpu.yield
    }) : () -> ()
    return
  }
}

#map = affine_map<(d0, d1) -> (0)>
#map1 = affine_map<(d0, d1) -> (0, 0)>
module attributes {stable_mosaic.version = 14 : i64} {
  func.func @kl(%arg0: i32, %arg1: i32, %arg2: memref<320000xi32, #tpu.memory_space<hbm>>, %arg3: memref<5120000xf32, #tpu.memory_space<hbm>>, %arg4: memref<80x128xf32, #tpu.memory_space<hbm>>, %arg5: memref<20480x128xf32, #tpu.memory_space<hbm>>, %arg6: memref<10240x128xf32, #tpu.memory_space<vmem_shared>>, %arg7: memref<80xi32, #tpu.memory_space<vmem>>, %arg8: memref<80xi32, #tpu.memory_space<vmem>>, %arg9: memref<80xi32, #tpu.memory_space<vmem>>, %arg10: memref<80xi32, #tpu.memory_space<vmem>>, %arg11: memref<80x128xf32, #tpu.memory_space<vmem>>, %arg12: memref<80x128xf32, #tpu.memory_space<vmem>>, %arg13: memref<!tpu.dma_semaphore, #tpu.memory_space<semaphore_mem>>, %arg14: memref<!tpu.dma_semaphore, #tpu.memory_space<semaphore_mem>>, %arg15: memref<80xi32, #tpu.memory_space<vmem>>, %arg16: memref<80xi32, #tpu.memory_space<vmem>>, %arg17: memref<80xi32, #tpu.memory_space<vmem>>, %arg18: memref<80xi32, #tpu.memory_space<vmem>>, %arg19: memref<80xi32, #tpu.memory_space<vmem>>, %arg20: memref<80xi32, #tpu.memory_space<vmem>>, %arg21: memref<80xi32, #tpu.memory_space<vmem>>, %arg22: memref<80xi32, #tpu.memory_space<vmem>>, %arg23: memref<1280xf32, #tpu.memory_space<vmem>>, %arg24: memref<1280xf32, #tpu.memory_space<vmem>>) attributes {dimension_semantics = [#tpu.dimension_semantics<core_parallel>, #tpu.dimension_semantics<subcore_parallel>], iteration_bounds = array<i64: 2, 16>, scalar_prefetch = 0 : i64, scratch_operands = 19 : i64, tpu.core_type = #tpu.core_type<sc_vector_subcore>, window_params = [{transform_indices = #map}, {transform_indices = #map}, {transform_indices = #map1}, {transform_indices = #map1}]} {
    %mul3A = arith.constant 2 : i32
    %mul3A_0 = arith.muli %arg1, %mul3A : i32
    %add3A = arith.addi %mul3A_0, %arg0 : i32
    %iota3A = tpu.iota {dimensions = array<i32: 0>} : vector<16xi32>
    %mul3A_1 = arith.constant 640 : i32
    %mul3A_2 = arith.muli %arg1, %mul3A_1 : i32
    %add3A_3 = arith.constant 0 : i32
    %add3A_4 = arith.addi %mul3A_2, %add3A_3 : i32
    %add3A_5 = arith.constant 0 : i32
    %add3A_6 = arith.addi %add3A_4, %add3A_5 : i32
    %add3A_7 = vector.broadcast %add3A_6 : i32 to vector<16xi32>
    %add3A_8 = arith.addi %iota3A, %add3A_7 : vector<16xi32>
    %swap3A = arith.constant 0 : index
    %swap3A_9 = tpu.vector_load %arg15[%swap3A] {strides = array<i32>} : memref<80xi32, #tpu.memory_space<vmem>>, vector<16xi32>,
    %swap3A_10 = vector.shape_cast %swap3A_9 : vector<16xi32> to vector<16xi32>
    %swap3A_11 = vector.shape_cast %add3A_8 : vector<16xi32> to vector<16xi32>
    tpu.vector_store %arg15[%swap3A], %swap3A_11 {strides = array<i32>} : memref<80xi32, #tpu.memory_space<vmem>>, vector<16xi32>,
    %add3A_12 = arith.constant 0 : i32
    %add3A_13 = arith.addi %mul3A_2, %add3A_12 : i32
    %add3A_14 = arith.constant 16 : i32
    %add3A_15 = arith.addi %add3A_13, %add3A_14 : i32
    %add3A_16 = vector.broadcast %add3A_15 : i32 to vector<16xi32>
    %add3A_17 = arith.addi %iota3A, %add3A_16 : vector<16xi32>
    %swap3A_18 = arith.constant 16 : index
    %swap3A_19 = tpu.vector_load %arg15[%swap3A_18] {strides = array<i32>} : memref<80xi32, #tpu.memory_space<vmem>>, vector<16xi32>,
    %swap3A_20 = vector.shape_cast %swap3A_19 : vector<16xi32> to vector<16xi32>
    %swap3A_21 = vector.shape_cast %add3A_17 : vector<16xi32> to vector<16xi32>
    tpu.vector_store %arg15[%swap3A_18], %swap3A_21 {strides = array<i32>} : memref<80xi32, #tpu.memory_space<vmem>>, vector<16xi32>,
    %add3A_22 = arith.constant 0 : i32
    %add3A_23 = arith.addi %mul3A_2, %add3A_22 : i32
    %add3A_24 = arith.constant 32 : i32
    %add3A_25 = arith.addi %add3A_23, %add3A_24 : i32
    %add3A_26 = vector.broadcast %add3A_25 : i32 to vector<16xi32>
    %add3A_27 = arith.addi %iota3A, %add3A_26 : vector<16xi32>
    %swap3A_28 = arith.constant 32 : index
    %swap3A_29 = tpu.vector_load %arg15[%swap3A_28] {strides = array<i32>} : memref<80xi32, #tpu.memory_space<vmem>>, vector<16xi32>,
    %swap3A_30 = vector.shape_cast %swap3A_29 : vector<16xi32> to vector<16xi32>
    %swap3A_31 = vector.shape_cast %add3A_27 : vector<16xi32> to vector<16xi32>
    tpu.vector_store %arg15[%swap3A_28], %swap3A_31 {strides = array<i32>} : memref<80xi32, #tpu.memory_space<vmem>>, vector<16xi32>,
    %add3A_32 = arith.constant 0 : i32
    %add3A_33 = arith.addi %mul3A_2, %add3A_32 : i32
    %add3A_34 = arith.constant 48 : i32
    %add3A_35 = arith.addi %add3A_33, %add3A_34 : i32
    %add3A_36 = vector.broadcast %add3A_35 : i32 to vector<16xi32>
    %add3A_37 = arith.addi %iota3A, %add3A_36 : vector<16xi32>
    %swap3A_38 = arith.constant 48 : index
    %swap3A_39 = tpu.vector_load %arg15[%swap3A_38] {strides = array<i32>} : memref<80xi32, #tpu.memory_space<vmem>>, vector<16xi32>,
    %swap3A_40 = vector.shape_cast %swap3A_39 : vector<16xi32> to vector<16xi32>
    %swap3A_41 = vector.shape_cast %add3A_37 : vector<16xi32> to vector<16xi32>
    tpu.vector_store %arg15[%swap3A_38], %swap3A_41 {strides = array<i32>} : memref<80xi32, #tpu.memory_space<vmem>>, vector<16xi32>,
    %add3A_42 = arith.constant 0 : i32
    %add3A_43 = arith.addi %mul3A_2, %add3A_42 : i32
    %add3A_44 = arith.constant 64 : i32
    %add3A_45 = arith.addi %add3A_43, %add3A_44 : i32
    %add3A_46 = vector.broadcast %add3A_45 : i32 to vector<16xi32>
    %add3A_47 = arith.addi %iota3A, %add3A_46 : vector<16xi32>
    %swap3A_48 = arith.constant 64 : index
    %swap3A_49 = tpu.vector_load %arg15[%swap3A_48] {strides = array<i32>} : memref<80xi32, #tpu.memory_space<vmem>>, vector<16xi32>,
    %swap3A_50 = vector.shape_cast %swap3A_49 : vector<16xi32> to vector<16xi32>
    %swap3A_51 = vector.shape_cast %add3A_47 : vector<16xi32> to vector<16xi32>
    tpu.vector_store %arg15[%swap3A_48], %swap3A_51 {strides = array<i32>} : memref<80xi32, #tpu.memory_space<vmem>>, vector<16xi32>,
    %add3A_52 = arith.constant 80 : i32
    %add3A_53 = arith.addi %mul3A_2, %add3A_52 : i32
    %add3A_54 = arith.constant 0 : i32
    %add3A_55 = arith.addi %add3A_53, %add3A_54 : i32
    %add3A_56 = vector.broadcast %add3A_55 : i32 to vector<16xi32>
    %add3A_57 = arith.addi %iota3A, %add3A_56 : vector<16xi32>
    %swap3A_58 = arith.constant 0 : index
    %swap3A_59 = tpu.vector_load %arg16[%swap3A_58] {strides = array<i32>} : memref<80xi32, #tpu.memory_space<vmem>>, vector<16xi32>,
    %swap3A_60 = vector.shape_cast %swap3A_59 : vector<16xi32> to vector<16xi32>
    %swap3A_61 = vector.shape_cast %add3A_57 : vector<16xi32> to vector<16xi32>
    tpu.vector_store %arg16[%swap3A_58], %swap3A_61 {strides = array<i32>} : memref<80xi32, #tpu.memory_space<vmem>>, vector<16xi32>,
    %add3A_62 = arith.constant 80 : i32
    %add3A_63 = arith.addi %mul3A_2, %add3A_62 : i32
    %add3A_64 = arith.constant 16 : i32
    %add3A_65 = arith.addi %add3A_63, %add3A_64 : i32
    %add3A_66 = vector.broadcast %add3A_65 : i32 to vector<16xi32>
    %add3A_67 = arith.addi %iota3A, %add3A_66 : vector<16xi32>
    %swap3A_68 = arith.constant 16 : index
    %swap3A_69 = tpu.vector_load %arg16[%swap3A_68] {strides = array<i32>} : memref<80xi32, #tpu.memory_space<vmem>>, vector<16xi32>,
    %swap3A_70 = vector.shape_cast %swap3A_69 : vector<16xi32> to vector<16xi32>
    %swap3A_71 = vector.shape_cast %add3A_67 : vector<16xi32> to vector<16xi32>
    tpu.vector_store %arg16[%swap3A_68], %swap3A_71 {strides = array<i32>} : memref<80xi32, #tpu.memory_space<vmem>>, vector<16xi32>,
    %add3A_72 = arith.constant 80 : i32
    %add3A_73 = arith.addi %mul3A_2, %add3A_72 : i32
    %add3A_74 = arith.constant 32 : i32
    %add3A_75 = arith.addi %add3A_73, %add3A_74 : i32
    %add3A_76 = vector.broadcast %add3A_75 : i32 to vector<16xi32>
    %add3A_77 = arith.addi %iota3A, %add3A_76 : vector<16xi32>
    %swap3A_78 = arith.constant 32 : index
    %swap3A_79 = tpu.vector_load %arg16[%swap3A_78] {strides = array<i32>} : memref<80xi32, #tpu.memory_space<vmem>>, vector<16xi32>,
    %swap3A_80 = vector.shape_cast %swap3A_79 : vector<16xi32> to vector<16xi32>
    %swap3A_81 = vector.shape_cast %add3A_77 : vector<16xi32> to vector<16xi32>
    tpu.vector_store %arg16[%swap3A_78], %swap3A_81 {strides = array<i32>} : memref<80xi32, #tpu.memory_space<vmem>>, vector<16xi32>,
    %add3A_82 = arith.constant 80 : i32
    %add3A_83 = arith.addi %mul3A_2, %add3A_82 : i32
    %add3A_84 = arith.constant 48 : i32
    %add3A_85 = arith.addi %add3A_83, %add3A_84 : i32
    %add3A_86 = vector.broadcast %add3A_85 : i32 to vector<16xi32>
    %add3A_87 = arith.addi %iota3A, %add3A_86 : vector<16xi32>
    %swap3A_88 = arith.constant 48 : index
    %swap3A_89 = tpu.vector_load %arg16[%swap3A_88] {strides = array<i32>} : memref<80xi32, #tpu.memory_space<vmem>>, vector<16xi32>,
    %swap3A_90 = vector.shape_cast %swap3A_89 : vector<16xi32> to vector<16xi32>
    %swap3A_91 = vector.shape_cast %add3A_87 : vector<16xi32> to vector<16xi32>
    tpu.vector_store %arg16[%swap3A_88], %swap3A_91 {strides = array<i32>} : memref<80xi32, #tpu.memory_space<vmem>>, vector<16xi32>,
    %add3A_92 = arith.constant 80 : i32
    %add3A_93 = arith.addi %mul3A_2, %add3A_92 : i32
    %add3A_94 = arith.constant 64 : i32
    %add3A_95 = arith.addi %add3A_93, %add3A_94 : i32
    %add3A_96 = vector.broadcast %add3A_95 : i32 to vector<16xi32>
    %add3A_97 = arith.addi %iota3A, %add3A_96 : vector<16xi32>
    %swap3A_98 = arith.constant 64 : index
    %swap3A_99 = tpu.vector_load %arg16[%swap3A_98] {strides = array<i32>} : memref<80xi32, #tpu.memory_space<vmem>>, vector<16xi32>,
    %swap3A_100 = vector.shape_cast %swap3A_99 : vector<16xi32> to vector<16xi32>
    %swap3A_101 = vector.shape_cast %add3A_97 : vector<16xi32> to vector<16xi32>
    tpu.vector_store %arg16[%swap3A_98], %swap3A_101 {strides = array<i32>} : memref<80xi32, #tpu.memory_space<vmem>>, vector<16xi32>,
    %add3A_102 = arith.constant 160 : i32
    %add3A_103 = arith.addi %mul3A_2, %add3A_102 : i32
    %add3A_104 = arith.constant 0 : i32
    %add3A_105 = arith.addi %add3A_103, %add3A_104 : i32
    %add3A_106 = vector.broadcast %add3A_105 : i32 to vector<16xi32>
    %add3A_107 = arith.addi %iota3A, %add3A_106 : vector<16xi32>
    %swap3A_108 = arith.constant 0 : index
    %swap3A_109 = tpu.vector_load %arg17[%swap3A_108] {strides = array<i32>} : memref<80xi32, #tpu.memory_space<vmem>>, vector<16xi32>,
    %swap3A_110 = vector.shape_cast %swap3A_109 : vector<16xi32> to vector<16xi32>
    %swap3A_111 = vector.shape_cast %add3A_107 : vector<16xi32> to vector<16xi32>
    tpu.vector_store %arg17[%swap3A_108], %swap3A_111 {strides = array<i32>} : memref<80xi32, #tpu.memory_space<vmem>>, vector<16xi32>,
    %add3A_112 = arith.constant 160 : i32
    %add3A_113 = arith.addi %mul3A_2, %add3A_112 : i32
    %add3A_114 = arith.constant 16 : i32
    %add3A_115 = arith.addi %add3A_113, %add3A_114 : i32
    %add3A_116 = vector.broadcast %add3A_115 : i32 to vector<16xi32>
    %add3A_117 = arith.addi %iota3A, %add3A_116 : vector<16xi32>
    %swap3A_118 = arith.constant 16 : index
    %swap3A_119 = tpu.vector_load %arg17[%swap3A_118] {strides = array<i32>} : memref<80xi32, #tpu.memory_space<vmem>>, vector<16xi32>,
    %swap3A_120 = vector.shape_cast %swap3A_119 : vector<16xi32> to vector<16xi32>
    %swap3A_121 = vector.shape_cast %add3A_117 : vector<16xi32> to vector<16xi32>
    tpu.vector_store %arg17[%swap3A_118], %swap3A_121 {strides = array<i32>} : memref<80xi32, #tpu.memory_space<vmem>>, vector<16xi32>,
    %add3A_122 = arith.constant 160 : i32
    %add3A_123 = arith.addi %mul3A_2, %add3A_122 : i32
    %add3A_124 = arith.constant 32 : i32
    %add3A_125 = arith.addi %add3A_123, %add3A_124 : i32
    %add3A_126 = vector.broadcast %add3A_125 : i32 to vector<16xi32>
    %add3A_127 = arith.addi %iota3A, %add3A_126 : vector<16xi32>
    %swap3A_128 = arith.constant 32 : index
    %swap3A_129 = tpu.vector_load %arg17[%swap3A_128] {strides = array<i32>} : memref<80xi32, #tpu.memory_space<vmem>>, vector<16xi32>,
    %swap3A_130 = vector.shape_cast %swap3A_129 : vector<16xi32> to vector<16xi32>
    %swap3A_131 = vector.shape_cast %add3A_127 : vector<16xi32> to vector<16xi32>
    tpu.vector_store %arg17[%swap3A_128], %swap3A_131 {strides = array<i32>} : memref<80xi32, #tpu.memory_space<vmem>>, vector<16xi32>,
    %add3A_132 = arith.constant 160 : i32
    %add3A_133 = arith.addi %mul3A_2, %add3A_132 : i32
    %add3A_134 = arith.constant 48 : i32
    %add3A_135 = arith.addi %add3A_133, %add3A_134 : i32
    %add3A_136 = vector.broadcast %add3A_135 : i32 to vector<16xi32>
    %add3A_137 = arith.addi %iota3A, %add3A_136 : vector<16xi32>
    %swap3A_138 = arith.constant 48 : index
    %swap3A_139 = tpu.vector_load %arg17[%swap3A_138] {strides = array<i32>} : memref<80xi32, #tpu.memory_space<vmem>>, vector<16xi32>,
    %swap3A_140 = vector.shape_cast %swap3A_139 : vector<16xi32> to vector<16xi32>
    %swap3A_141 = vector.shape_cast %add3A_137 : vector<16xi32> to vector<16xi32>
    tpu.vector_store %arg17[%swap3A_138], %swap3A_141 {strides = array<i32>} : memref<80xi32, #tpu.memory_space<vmem>>, vector<16xi32>,
    %add3A_142 = arith.constant 160 : i32
    %add3A_143 = arith.addi %mul3A_2, %add3A_142 : i32
    %add3A_144 = arith.constant 64 : i32
    %add3A_145 = arith.addi %add3A_143, %add3A_144 : i32
    %add3A_146 = vector.broadcast %add3A_145 : i32 to vector<16xi32>
    %add3A_147 = arith.addi %iota3A, %add3A_146 : vector<16xi32>
    %swap3A_148 = arith.constant 64 : index
    %swap3A_149 = tpu.vector_load %arg17[%swap3A_148] {strides = array<i32>} : memref<80xi32, #tpu.memory_space<vmem>>, vector<16xi32>,
    %swap3A_150 = vector.shape_cast %swap3A_149 : vector<16xi32> to vector<16xi32>
    %swap3A_151 = vector.shape_cast %add3A_147 : vector<16xi32> to vector<16xi32>
    tpu.vector_store %arg17[%swap3A_148], %swap3A_151 {strides = array<i32>} : memref<80xi32, #tpu.memory_space<vmem>>, vector<16xi32>,
    %add3A_152 = arith.constant 240 : i32
    %add3A_153 = arith.addi %mul3A_2, %add3A_152 : i32
    %add3A_154 = arith.constant 0 : i32
    %add3A_155 = arith.addi %add3A_153, %add3A_154 : i32
    %add3A_156 = vector.broadcast %add3A_155 : i32 to vector<16xi32>
    %add3A_157 = arith.addi %iota3A, %add3A_156 : vector<16xi32>
    %swap3A_158 = arith.constant 0 : index
    %swap3A_159 = tpu.vector_load %arg18[%swap3A_158] {strides = array<i32>} : memref<80xi32, #tpu.memory_space<vmem>>, vector<16xi32>,
    %swap3A_160 = vector.shape_cast %swap3A_159 : vector<16xi32> to vector<16xi32>
    %swap3A_161 = vector.shape_cast %add3A_157 : vector<16xi32> to vector<16xi32>
    tpu.vector_store %arg18[%swap3A_158], %swap3A_161 {strides = array<i32>} : memref<80xi32, #tpu.memory_space<vmem>>, vector<16xi32>,
    %add3A_162 = arith.constant 240 : i32
    %add3A_163 = arith.addi %mul3A_2, %add3A_162 : i32
    %add3A_164 = arith.constant 16 : i32
    %add3A_165 = arith.addi %add3A_163, %add3A_164 : i32
    %add3A_166 = vector.broadcast %add3A_165 : i32 to vector<16xi32>
    %add3A_167 = arith.addi %iota3A, %add3A_166 : vector<16xi32>
    %swap3A_168 = arith.constant 16 : index
    %swap3A_169 = tpu.vector_load %arg18[%swap3A_168] {strides = array<i32>} : memref<80xi32, #tpu.memory_space<vmem>>, vector<16xi32>,
    %swap3A_170 = vector.shape_cast %swap3A_169 : vector<16xi32> to vector<16xi32>
    %swap3A_171 = vector.shape_cast %add3A_167 : vector<16xi32> to vector<16xi32>
    tpu.vector_store %arg18[%swap3A_168], %swap3A_171 {strides = array<i32>} : memref<80xi32, #tpu.memory_space<vmem>>, vector<16xi32>,
    %add3A_172 = arith.constant 240 : i32
    %add3A_173 = arith.addi %mul3A_2, %add3A_172 : i32
    %add3A_174 = arith.constant 32 : i32
    %add3A_175 = arith.addi %add3A_173, %add3A_174 : i32
    %add3A_176 = vector.broadcast %add3A_175 : i32 to vector<16xi32>
    %add3A_177 = arith.addi %iota3A, %add3A_176 : vector<16xi32>
    %swap3A_178 = arith.constant 32 : index
    %swap3A_179 = tpu.vector_load %arg18[%swap3A_178] {strides = array<i32>} : memref<80xi32, #tpu.memory_space<vmem>>, vector<16xi32>,
    %swap3A_180 = vector.shape_cast %swap3A_179 : vector<16xi32> to vector<16xi32>
    %swap3A_181 = vector.shape_cast %add3A_177 : vector<16xi32> to vector<16xi32>
    tpu.vector_store %arg18[%swap3A_178], %swap3A_181 {strides = array<i32>} : memref<80xi32, #tpu.memory_space<vmem>>, vector<16xi32>,
    %add3A_182 = arith.constant 240 : i32
    %add3A_183 = arith.addi %mul3A_2, %add3A_182 : i32
    %add3A_184 = arith.constant 48 : i32
    %add3A_185 = arith.addi %add3A_183, %add3A_184 : i32
    %add3A_186 = vector.broadcast %add3A_185 : i32 to vector<16xi32>
    %add3A_187 = arith.addi %iota3A, %add3A_186 : vector<16xi32>
    %swap3A_188 = arith.constant 48 : index
    %swap3A_189 = tpu.vector_load %arg18[%swap3A_188] {strides = array<i32>} : memref<80xi32, #tpu.memory_space<vmem>>, vector<16xi32>,
    %swap3A_190 = vector.shape_cast %swap3A_189 : vector<16xi32> to vector<16xi32>
    %swap3A_191 = vector.shape_cast %add3A_187 : vector<16xi32> to vector<16xi32>
    tpu.vector_store %arg18[%swap3A_188], %swap3A_191 {strides = array<i32>} : memref<80xi32, #tpu.memory_space<vmem>>, vector<16xi32>,
    %add3A_192 = arith.constant 240 : i32
    %add3A_193 = arith.addi %mul3A_2, %add3A_192 : i32
    %add3A_194 = arith.constant 64 : i32
    %add3A_195 = arith.addi %add3A_193, %add3A_194 : i32
    %add3A_196 = vector.broadcast %add3A_195 : i32 to vector<16xi32>
    %add3A_197 = arith.addi %iota3A, %add3A_196 : vector<16xi32>
    %swap3A_198 = arith.constant 64 : index
    %swap3A_199 = tpu.vector_load %arg18[%swap3A_198] {strides = array<i32>} : memref<80xi32, #tpu.memory_space<vmem>>, vector<16xi32>,
    %swap3A_200 = vector.shape_cast %swap3A_199 : vector<16xi32> to vector<16xi32>
    %swap3A_201 = vector.shape_cast %add3A_197 : vector<16xi32> to vector<16xi32>
    tpu.vector_store %arg18[%swap3A_198], %swap3A_201 {strides = array<i32>} : memref<80xi32, #tpu.memory_space<vmem>>, vector<16xi32>,
    %add3A_202 = arith.constant 320 : i32
    %add3A_203 = arith.addi %mul3A_2, %add3A_202 : i32
    %add3A_204 = arith.constant 0 : i32
    %add3A_205 = arith.addi %add3A_203, %add3A_204 : i32
    %add3A_206 = vector.broadcast %add3A_205 : i32 to vector<16xi32>
    %add3A_207 = arith.addi %iota3A, %add3A_206 : vector<16xi32>
    %swap3A_208 = arith.constant 0 : index
    %swap3A_209 = tpu.vector_load %arg19[%swap3A_208] {strides = array<i32>} : memref<80xi32, #tpu.memory_space<vmem>>, vector<16xi32>,
    %swap3A_210 = vector.shape_cast %swap3A_209 : vector<16xi32> to vector<16xi32>
    %swap3A_211 = vector.shape_cast %add3A_207 : vector<16xi32> to vector<16xi32>
    tpu.vector_store %arg19[%swap3A_208], %swap3A_211 {strides = array<i32>} : memref<80xi32, #tpu.memory_space<vmem>>, vector<16xi32>,
    %add3A_212 = arith.constant 320 : i32
    %add3A_213 = arith.addi %mul3A_2, %add3A_212 : i32
    %add3A_214 = arith.constant 16 : i32
    %add3A_215 = arith.addi %add3A_213, %add3A_214 : i32
    %add3A_216 = vector.broadcast %add3A_215 : i32 to vector<16xi32>
    %add3A_217 = arith.addi %iota3A, %add3A_216 : vector<16xi32>
    %swap3A_218 = arith.constant 16 : index
    %swap3A_219 = tpu.vector_load %arg19[%swap3A_218] {strides = array<i32>} : memref<80xi32, #tpu.memory_space<vmem>>, vector<16xi32>,
    %swap3A_220 = vector.shape_cast %swap3A_219 : vector<16xi32> to vector<16xi32>
    %swap3A_221 = vector.shape_cast %add3A_217 : vector<16xi32> to vector<16xi32>
    tpu.vector_store %arg19[%swap3A_218], %swap3A_221 {strides = array<i32>} : memref<80xi32, #tpu.memory_space<vmem>>, vector<16xi32>,
    %add3A_222 = arith.constant 320 : i32
    %add3A_223 = arith.addi %mul3A_2, %add3A_222 : i32
    %add3A_224 = arith.constant 32 : i32
    %add3A_225 = arith.addi %add3A_223, %add3A_224 : i32
    %add3A_226 = vector.broadcast %add3A_225 : i32 to vector<16xi32>
    %add3A_227 = arith.addi %iota3A, %add3A_226 : vector<16xi32>
    %swap3A_228 = arith.constant 32 : index
    %swap3A_229 = tpu.vector_load %arg19[%swap3A_228] {strides = array<i32>} : memref<80xi32, #tpu.memory_space<vmem>>, vector<16xi32>,
    %swap3A_230 = vector.shape_cast %swap3A_229 : vector<16xi32> to vector<16xi32>
    %swap3A_231 = vector.shape_cast %add3A_227 : vector<16xi32> to vector<16xi32>
    tpu.vector_store %arg19[%swap3A_228], %swap3A_231 {strides = array<i32>} : memref<80xi32, #tpu.memory_space<vmem>>, vector<16xi32>,
    %add3A_232 = arith.constant 320 : i32
    %add3A_233 = arith.addi %mul3A_2, %add3A_232 : i32
    %add3A_234 = arith.constant 48 : i32
    %add3A_235 = arith.addi %add3A_233, %add3A_234 : i32
    %add3A_236 = vector.broadcast %add3A_235 : i32 to vector<16xi32>
    %add3A_237 = arith.addi %iota3A, %add3A_236 : vector<16xi32>
    %swap3A_238 = arith.constant 48 : index
    %swap3A_239 = tpu.vector_load %arg19[%swap3A_238] {strides = array<i32>} : memref<80xi32, #tpu.memory_space<vmem>>, vector<16xi32>,
    %swap3A_240 = vector.shape_cast %swap3A_239 : vector<16xi32> to vector<16xi32>
    %swap3A_241 = vector.shape_cast %add3A_237 : vector<16xi32> to vector<16xi32>
    tpu.vector_store %arg19[%swap3A_238], %swap3A_241 {strides = array<i32>} : memref<80xi32, #tpu.memory_space<vmem>>, vector<16xi32>,
    %add3A_242 = arith.constant 320 : i32
    %add3A_243 = arith.addi %mul3A_2, %add3A_242 : i32
    %add3A_244 = arith.constant 64 : i32
    %add3A_245 = arith.addi %add3A_243, %add3A_244 : i32
    %add3A_246 = vector.broadcast %add3A_245 : i32 to vector<16xi32>
    %add3A_247 = arith.addi %iota3A, %add3A_246 : vector<16xi32>
    %swap3A_248 = arith.constant 64 : index
    %swap3A_249 = tpu.vector_load %arg19[%swap3A_248] {strides = array<i32>} : memref<80xi32, #tpu.memory_space<vmem>>, vector<16xi32>,
    %swap3A_250 = vector.shape_cast %swap3A_249 : vector<16xi32> to vector<16xi32>
    %swap3A_251 = vector.shape_cast %add3A_247 : vector<16xi32> to vector<16xi32>
    tpu.vector_store %arg19[%swap3A_248], %swap3A_251 {strides = array<i32>} : memref<80xi32, #tpu.memory_space<vmem>>, vector<16xi32>,
    %add3A_252 = arith.constant 400 : i32
    %add3A_253 = arith.addi %mul3A_2, %add3A_252 : i32
    %add3A_254 = arith.constant 0 : i32
    %add3A_255 = arith.addi %add3A_253, %add3A_254 : i32
    %add3A_256 = vector.broadcast %add3A_255 : i32 to vector<16xi32>
    %add3A_257 = arith.addi %iota3A, %add3A_256 : vector<16xi32>
    %swap3A_258 = arith.constant 0 : index
    %swap3A_259 = tpu.vector_load %arg20[%swap3A_258] {strides = array<i32>} : memref<80xi32, #tpu.memory_space<vmem>>, vector<16xi32>,
    %swap3A_260 = vector.shape_cast %swap3A_259 : vector<16xi32> to vector<16xi32>
    %swap3A_261 = vector.shape_cast %add3A_257 : vector<16xi32> to vector<16xi32>
    tpu.vector_store %arg20[%swap3A_258], %swap3A_261 {strides = array<i32>} : memref<80xi32, #tpu.memory_space<vmem>>, vector<16xi32>,
    %add3A_262 = arith.constant 400 : i32
    %add3A_263 = arith.addi %mul3A_2, %add3A_262 : i32
    %add3A_264 = arith.constant 16 : i32
    %add3A_265 = arith.addi %add3A_263, %add3A_264 : i32
    %add3A_266 = vector.broadcast %add3A_265 : i32 to vector<16xi32>
    %add3A_267 = arith.addi %iota3A, %add3A_266 : vector<16xi32>
    %swap3A_268 = arith.constant 16 : index
    %swap3A_269 = tpu.vector_load %arg20[%swap3A_268] {strides = array<i32>} : memref<80xi32, #tpu.memory_space<vmem>>, vector<16xi32>,
    %swap3A_270 = vector.shape_cast %swap3A_269 : vector<16xi32> to vector<16xi32>
    %swap3A_271 = vector.shape_cast %add3A_267 : vector<16xi32> to vector<16xi32>
    tpu.vector_store %arg20[%swap3A_268], %swap3A_271 {strides = array<i32>} : memref<80xi32, #tpu.memory_space<vmem>>, vector<16xi32>,
    %add3A_272 = arith.constant 400 : i32
    %add3A_273 = arith.addi %mul3A_2, %add3A_272 : i32
    %add3A_274 = arith.constant 32 : i32
    %add3A_275 = arith.addi %add3A_273, %add3A_274 : i32
    %add3A_276 = vector.broadcast %add3A_275 : i32 to vector<16xi32>
    %add3A_277 = arith.addi %iota3A, %add3A_276 : vector<16xi32>
    %swap3A_278 = arith.constant 32 : index
    %swap3A_279 = tpu.vector_load %arg20[%swap3A_278] {strides = array<i32>} : memref<80xi32, #tpu.memory_space<vmem>>, vector<16xi32>,
    %swap3A_280 = vector.shape_cast %swap3A_279 : vector<16xi32> to vector<16xi32>
    %swap3A_281 = vector.shape_cast %add3A_277 : vector<16xi32> to vector<16xi32>
    tpu.vector_store %arg20[%swap3A_278], %swap3A_281 {strides = array<i32>} : memref<80xi32, #tpu.memory_space<vmem>>, vector<16xi32>,
    %add3A_282 = arith.constant 400 : i32
    %add3A_283 = arith.addi %mul3A_2, %add3A_282 : i32
    %add3A_284 = arith.constant 48 : i32
    %add3A_285 = arith.addi %add3A_283, %add3A_284 : i32
    %add3A_286 = vector.broadcast %add3A_285 : i32 to vector<16xi32>
    %add3A_287 = arith.addi %iota3A, %add3A_286 : vector<16xi32>
    %swap3A_288 = arith.constant 48 : index
    %swap3A_289 = tpu.vector_load %arg20[%swap3A_288] {strides = array<i32>} : memref<80xi32, #tpu.memory_space<vmem>>, vector<16xi32>,
    %swap3A_290 = vector.shape_cast %swap3A_289 : vector<16xi32> to vector<16xi32>
    %swap3A_291 = vector.shape_cast %add3A_287 : vector<16xi32> to vector<16xi32>
    tpu.vector_store %arg20[%swap3A_288], %swap3A_291 {strides = array<i32>} : memref<80xi32, #tpu.memory_space<vmem>>, vector<16xi32>,
    %add3A_292 = arith.constant 400 : i32
    %add3A_293 = arith.addi %mul3A_2, %add3A_292 : i32
    %add3A_294 = arith.constant 64 : i32
    %add3A_295 = arith.addi %add3A_293, %add3A_294 : i32
    %add3A_296 = vector.broadcast %add3A_295 : i32 to vector<16xi32>
    %add3A_297 = arith.addi %iota3A, %add3A_296 : vector<16xi32>
    %swap3A_298 = arith.constant 64 : index
    %swap3A_299 = tpu.vector_load %arg20[%swap3A_298] {strides = array<i32>} : memref<80xi32, #tpu.memory_space<vmem>>, vector<16xi32>,
    %swap3A_300 = vector.shape_cast %swap3A_299 : vector<16xi32> to vector<16xi32>
    %swap3A_301 = vector.shape_cast %add3A_297 : vector<16xi32> to vector<16xi32>
    tpu.vector_store %arg20[%swap3A_298], %swap3A_301 {strides = array<i32>} : memref<80xi32, #tpu.memory_space<vmem>>, vector<16xi32>,
    %add3A_302 = arith.constant 480 : i32
    %add3A_303 = arith.addi %mul3A_2, %add3A_302 : i32
    %add3A_304 = arith.constant 0 : i32
    %add3A_305 = arith.addi %add3A_303, %add3A_304 : i32
    %add3A_306 = vector.broadcast %add3A_305 : i32 to vector<16xi32>
    %add3A_307 = arith.addi %iota3A, %add3A_306 : vector<16xi32>
    %swap3A_308 = arith.constant 0 : index
    %swap3A_309 = tpu.vector_load %arg21[%swap3A_308] {strides = array<i32>} : memref<80xi32, #tpu.memory_space<vmem>>, vector<16xi32>,
    %swap3A_310 = vector.shape_cast %swap3A_309 : vector<16xi32> to vector<16xi32>
    %swap3A_311 = vector.shape_cast %add3A_307 : vector<16xi32> to vector<16xi32>
    tpu.vector_store %arg21[%swap3A_308], %swap3A_311 {strides = array<i32>} : memref<80xi32, #tpu.memory_space<vmem>>, vector<16xi32>,
    %add3A_312 = arith.constant 480 : i32
    %add3A_313 = arith.addi %mul3A_2, %add3A_312 : i32
    %add3A_314 = arith.constant 16 : i32
    %add3A_315 = arith.addi %add3A_313, %add3A_314 : i32
    %add3A_316 = vector.broadcast %add3A_315 : i32 to vector<16xi32>
    %add3A_317 = arith.addi %iota3A, %add3A_316 : vector<16xi32>
    %swap3A_318 = arith.constant 16 : index
    %swap3A_319 = tpu.vector_load %arg21[%swap3A_318] {strides = array<i32>} : memref<80xi32, #tpu.memory_space<vmem>>, vector<16xi32>,
    %swap3A_320 = vector.shape_cast %swap3A_319 : vector<16xi32> to vector<16xi32>
    %swap3A_321 = vector.shape_cast %add3A_317 : vector<16xi32> to vector<16xi32>
    tpu.vector_store %arg21[%swap3A_318], %swap3A_321 {strides = array<i32>} : memref<80xi32, #tpu.memory_space<vmem>>, vector<16xi32>,
    %add3A_322 = arith.constant 480 : i32
    %add3A_323 = arith.addi %mul3A_2, %add3A_322 : i32
    %add3A_324 = arith.constant 32 : i32
    %add3A_325 = arith.addi %add3A_323, %add3A_324 : i32
    %add3A_326 = vector.broadcast %add3A_325 : i32 to vector<16xi32>
    %add3A_327 = arith.addi %iota3A, %add3A_326 : vector<16xi32>
    %swap3A_328 = arith.constant 32 : index
    %swap3A_329 = tpu.vector_load %arg21[%swap3A_328] {strides = array<i32>} : memref<80xi32, #tpu.memory_space<vmem>>, vector<16xi32>,
    %swap3A_330 = vector.shape_cast %swap3A_329 : vector<16xi32> to vector<16xi32>
    %swap3A_331 = vector.shape_cast %add3A_327 : vector<16xi32> to vector<16xi32>
    tpu.vector_store %arg21[%swap3A_328], %swap3A_331 {strides = array<i32>} : memref<80xi32, #tpu.memory_space<vmem>>, vector<16xi32>,
    %add3A_332 = arith.constant 480 : i32
    %add3A_333 = arith.addi %mul3A_2, %add3A_332 : i32
    %add3A_334 = arith.constant 48 : i32
    %add3A_335 = arith.addi %add3A_333, %add3A_334 : i32
    %add3A_336 = vector.broadcast %add3A_335 : i32 to vector<16xi32>
    %add3A_337 = arith.addi %iota3A, %add3A_336 : vector<16xi32>
    %swap3A_338 = arith.constant 48 : index
    %swap3A_339 = tpu.vector_load %arg21[%swap3A_338] {strides = array<i32>} : memref<80xi32, #tpu.memory_space<vmem>>, vector<16xi32>,
    %swap3A_340 = vector.shape_cast %swap3A_339 : vector<16xi32> to vector<16xi32>
    %swap3A_341 = vector.shape_cast %add3A_337 : vector<16xi32> to vector<16xi32>
    tpu.vector_store %arg21[%swap3A_338], %swap3A_341 {strides = array<i32>} : memref<80xi32, #tpu.memory_space<vmem>>, vector<16xi32>,
    %add3A_342 = arith.constant 480 : i32
    %add3A_343 = arith.addi %mul3A_2, %add3A_342 : i32
    %add3A_344 = arith.constant 64 : i32
    %add3A_345 = arith.addi %add3A_343, %add3A_344 : i32
    %add3A_346 = vector.broadcast %add3A_345 : i32 to vector<16xi32>
    %add3A_347 = arith.addi %iota3A, %add3A_346 : vector<16xi32>
    %swap3A_348 = arith.constant 64 : index
    %swap3A_349 = tpu.vector_load %arg21[%swap3A_348] {strides = array<i32>} : memref<80xi32, #tpu.memory_space<vmem>>, vector<16xi32>,
    %swap3A_350 = vector.shape_cast %swap3A_349 : vector<16xi32> to vector<16xi32>
    %swap3A_351 = vector.shape_cast %add3A_347 : vector<16xi32> to vector<16xi32>
    tpu.vector_store %arg21[%swap3A_348], %swap3A_351 {strides = array<i32>} : memref<80xi32, #tpu.memory_space<vmem>>, vector<16xi32>,
    %add3A_352 = arith.constant 560 : i32
    %add3A_353 = arith.addi %mul3A_2, %add3A_352 : i32
    %add3A_354 = arith.constant 0 : i32
    %add3A_355 = arith.addi %add3A_353, %add3A_354 : i32
    %add3A_356 = vector.broadcast %add3A_355 : i32 to vector<16xi32>
    %add3A_357 = arith.addi %iota3A, %add3A_356 : vector<16xi32>
    %swap3A_358 = arith.constant 0 : index
    %swap3A_359 = tpu.vector_load %arg22[%swap3A_358] {strides = array<i32>} : memref<80xi32, #tpu.memory_space<vmem>>, vector<16xi32>,
    %swap3A_360 = vector.shape_cast %swap3A_359 : vector<16xi32> to vector<16xi32>
    %swap3A_361 = vector.shape_cast %add3A_357 : vector<16xi32> to vector<16xi32>
    tpu.vector_store %arg22[%swap3A_358], %swap3A_361 {strides = array<i32>} : memref<80xi32, #tpu.memory_space<vmem>>, vector<16xi32>,
    %add3A_362 = arith.constant 560 : i32
    %add3A_363 = arith.addi %mul3A_2, %add3A_362 : i32
    %add3A_364 = arith.constant 16 : i32
    %add3A_365 = arith.addi %add3A_363, %add3A_364 : i32
    %add3A_366 = vector.broadcast %add3A_365 : i32 to vector<16xi32>
    %add3A_367 = arith.addi %iota3A, %add3A_366 : vector<16xi32>
    %swap3A_368 = arith.constant 16 : index
    %swap3A_369 = tpu.vector_load %arg22[%swap3A_368] {strides = array<i32>} : memref<80xi32, #tpu.memory_space<vmem>>, vector<16xi32>,
    %swap3A_370 = vector.shape_cast %swap3A_369 : vector<16xi32> to vector<16xi32>
    %swap3A_371 = vector.shape_cast %add3A_367 : vector<16xi32> to vector<16xi32>
    tpu.vector_store %arg22[%swap3A_368], %swap3A_371 {strides = array<i32>} : memref<80xi32, #tpu.memory_space<vmem>>, vector<16xi32>,
    %add3A_372 = arith.constant 560 : i32
    %add3A_373 = arith.addi %mul3A_2, %add3A_372 : i32
    %add3A_374 = arith.constant 32 : i32
    %add3A_375 = arith.addi %add3A_373, %add3A_374 : i32
    %add3A_376 = vector.broadcast %add3A_375 : i32 to vector<16xi32>
    %add3A_377 = arith.addi %iota3A, %add3A_376 : vector<16xi32>
    %swap3A_378 = arith.constant 32 : index
    %swap3A_379 = tpu.vector_load %arg22[%swap3A_378] {strides = array<i32>} : memref<80xi32, #tpu.memory_space<vmem>>, vector<16xi32>,
    %swap3A_380 = vector.shape_cast %swap3A_379 : vector<16xi32> to vector<16xi32>
    %swap3A_381 = vector.shape_cast %add3A_377 : vector<16xi32> to vector<16xi32>
    tpu.vector_store %arg22[%swap3A_378], %swap3A_381 {strides = array<i32>} : memref<80xi32, #tpu.memory_space<vmem>>, vector<16xi32>,
    %add3A_382 = arith.constant 560 : i32
    %add3A_383 = arith.addi %mul3A_2, %add3A_382 : i32
    %add3A_384 = arith.constant 48 : i32
    %add3A_385 = arith.addi %add3A_383, %add3A_384 : i32
    %add3A_386 = vector.broadcast %add3A_385 : i32 to vector<16xi32>
    %add3A_387 = arith.addi %iota3A, %add3A_386 : vector<16xi32>
    %swap3A_388 = arith.constant 48 : index
    %swap3A_389 = tpu.vector_load %arg22[%swap3A_388] {strides = array<i32>} : memref<80xi32, #tpu.memory_space<vmem>>, vector<16xi32>,
    %swap3A_390 = vector.shape_cast %swap3A_389 : vector<16xi32> to vector<16xi32>
    %swap3A_391 = vector.shape_cast %add3A_387 : vector<16xi32> to vector<16xi32>
    tpu.vector_store %arg22[%swap3A_388], %swap3A_391 {strides = array<i32>} : memref<80xi32, #tpu.memory_space<vmem>>, vector<16xi32>,
    %add3A_392 = arith.constant 560 : i32
    %add3A_393 = arith.addi %mul3A_2, %add3A_392 : i32
    %add3A_394 = arith.constant 64 : i32
    %add3A_395 = arith.addi %add3A_393, %add3A_394 : i32
    %add3A_396 = vector.broadcast %add3A_395 : i32 to vector<16xi32>
    %add3A_397 = arith.addi %iota3A, %add3A_396 : vector<16xi32>
    %swap3A_398 = arith.constant 64 : index
    %swap3A_399 = tpu.vector_load %arg22[%swap3A_398] {strides = array<i32>} : memref<80xi32, #tpu.memory_space<vmem>>, vector<16xi32>,
    %swap3A_400 = vector.shape_cast %swap3A_399 : vector<16xi32> to vector<16xi32>
    %swap3A_401 = vector.shape_cast %add3A_397 : vector<16xi32> to vector<16xi32>
    tpu.vector_store %arg22[%swap3A_398], %swap3A_401 {strides = array<i32>} : memref<80xi32, #tpu.memory_space<vmem>>, vector<16xi32>,
    "tpu.region"() ({
      %run_scoped3A = tpu.sem_alloc : memref<!tpu.dma_semaphore, #tpu.memory_space<semaphore_mem>>
      tpu.enqueue_dma source(%arg4 : memref<80x128xf32, #tpu.memory_space<hbm>>) target(%arg11 : memref<80x128xf32, #tpu.memory_space<vmem>>) target_semaphore(%run_scoped3A : memref<!tpu.dma_semaphore, #tpu.memory_space<semaphore_mem>>)
      tpu.wait_dma2 semaphore(%run_scoped3A : memref<!tpu.dma_semaphore, #tpu.memory_space<semaphore_mem>>) src(%arg4 : memref<80x128xf32, #tpu.memory_space<hbm>>) dst(%arg11 : memref<80x128xf32, #tpu.memory_space<vmem>>)
      tpu.yield
    }) : () -> ()
    "tpu.region"() ({
      %run_scoped3A = tpu.sem_alloc : memref<!tpu.dma_semaphore, #tpu.memory_space<semaphore_mem>>
      %dma_start3A_1198 = arith.constant 0 : i32
      %dma_start3A_1199 = arith.constant 0 : i32
      %dma_start3A_1200 = tpu.memref_slice %arg6[%dma_start3A_1198, %dma_start3A_1199] : memref<10240x128xf32, #tpu.memory_space<vmem_shared>> -> memref<10240x128xf32, #tpu.memory_space<vmem_shared>>
      tpu.enqueue_indirect_dma source(%arg11 : memref<80x128xf32, #tpu.memory_space<vmem>>) target(%dma_start3A_1200 : memref<10240x128xf32, #tpu.memory_space<vmem_shared>>) offsets(%arg15 : memref<80xi32, #tpu.memory_space<vmem>>) semaphore(%run_scoped3A : memref<!tpu.dma_semaphore, #tpu.memory_space<semaphore_mem>>)
      %dma_wait3A_1201 = arith.constant 0 : i32
      %dma_wait3A_1202 = arith.constant 0 : i32
      %dma_wait3A_1203 = tpu.memref_slice %arg6[%dma_wait3A_1201, %dma_wait3A_1202] : memref<10240x128xf32, #tpu.memory_space<vmem_shared>> -> memref<10240x128xf32, #tpu.memory_space<vmem_shared>>
      tpu.wait_indirect_dma semaphore(%run_scoped3A : memref<!tpu.dma_semaphore, #tpu.memory_space<semaphore_mem>>) src(%arg11 : memref<80x128xf32, #tpu.memory_space<vmem>>) dst(%dma_wait3A_1203 : memref<10240x128xf32, #tpu.memory_space<vmem_shared>>)
      tpu.yield
    }) : () -> ()
    "tpu.region"() ({
      %run_scoped3A = tpu.sem_alloc : memref<!tpu.dma_semaphore, #tpu.memory_space<semaphore_mem>>
      %dma_start3A_1198 = arith.constant 0 : i32
      %dma_start3A_1199 = arith.constant 0 : i32
      %dma_start3A_1200 = tpu.memref_slice %arg6[%dma_start3A_1198, %dma_start3A_1199] : memref<10240x128xf32, #tpu.memory_space<vmem_shared>> -> memref<10240x128xf32, #tpu.memory_space<vmem_shared>>
      tpu.enqueue_indirect_dma source(%arg11 : memref<80x128xf32, #tpu.memory_space<vmem>>) target(%dma_start3A_1200 : memref<10240x128xf32, #tpu.memory_space<vmem_shared>>) offsets(%arg16 : memref<80xi32, #tpu.memory_space<vmem>>) semaphore(%run_scoped3A : memref<!tpu.dma_semaphore, #tpu.memory_space<semaphore_mem>>)
      %dma_wait3A_1201 = arith.constant 0 : i32
      %dma_wait3A_1202 = arith.constant 0 : i32
      %dma_wait3A_1203 = tpu.memref_slice %arg6[%dma_wait3A_1201, %dma_wait3A_1202] : memref<10240x128xf32, #tpu.memory_space<vmem_shared>> -> memref<10240x128xf32, #tpu.memory_space<vmem_shared>>
      tpu.wait_indirect_dma semaphore(%run_scoped3A : memref<!tpu.dma_semaphore, #tpu.memory_space<semaphore_mem>>) src(%arg11 : memref<80x128xf32, #tpu.memory_space<vmem>>) dst(%dma_wait3A_1203 : memref<10240x128xf32, #tpu.memory_space<vmem_shared>>)
      tpu.yield
    }) : () -> ()
    "tpu.region"() ({
      %run_scoped3A = tpu.sem_alloc : memref<!tpu.dma_semaphore, #tpu.memory_space<semaphore_mem>>
      %dma_start3A_1198 = arith.constant 0 : i32
      %dma_start3A_1199 = arith.constant 0 : i32
      %dma_start3A_1200 = tpu.memref_slice %arg6[%dma_start3A_1198, %dma_start3A_1199] : memref<10240x128xf32, #tpu.memory_space<vmem_shared>> -> memref<10240x128xf32, #tpu.memory_space<vmem_shared>>
      tpu.enqueue_indirect_dma source(%arg11 : memref<80x128xf32, #tpu.memory_space<vmem>>) target(%dma_start3A_1200 : memref<10240x128xf32, #tpu.memory_space<vmem_shared>>) offsets(%arg17 : memref<80xi32, #tpu.memory_space<vmem>>) semaphore(%run_scoped3A : memref<!tpu.dma_semaphore, #tpu.memory_space<semaphore_mem>>)
      %dma_wait3A_1201 = arith.constant 0 : i32
      %dma_wait3A_1202 = arith.constant 0 : i32
      %dma_wait3A_1203 = tpu.memref_slice %arg6[%dma_wait3A_1201, %dma_wait3A_1202] : memref<10240x128xf32, #tpu.memory_space<vmem_shared>> -> memref<10240x128xf32, #tpu.memory_space<vmem_shared>>
      tpu.wait_indirect_dma semaphore(%run_scoped3A : memref<!tpu.dma_semaphore, #tpu.memory_space<semaphore_mem>>) src(%arg11 : memref<80x128xf32, #tpu.memory_space<vmem>>) dst(%dma_wait3A_1203 : memref<10240x128xf32, #tpu.memory_space<vmem_shared>>)
      tpu.yield
    }) : () -> ()
    "tpu.region"() ({
      %run_scoped3A = tpu.sem_alloc : memref<!tpu.dma_semaphore, #tpu.memory_space<semaphore_mem>>
      %dma_start3A_1198 = arith.constant 0 : i32
      %dma_start3A_1199 = arith.constant 0 : i32
      %dma_start3A_1200 = tpu.memref_slice %arg6[%dma_start3A_1198, %dma_start3A_1199] : memref<10240x128xf32, #tpu.memory_space<vmem_shared>> -> memref<10240x128xf32, #tpu.memory_space<vmem_shared>>
      tpu.enqueue_indirect_dma source(%arg11 : memref<80x128xf32, #tpu.memory_space<vmem>>) target(%dma_start3A_1200 : memref<10240x128xf32, #tpu.memory_space<vmem_shared>>) offsets(%arg18 : memref<80xi32, #tpu.memory_space<vmem>>) semaphore(%run_scoped3A : memref<!tpu.dma_semaphore, #tpu.memory_space<semaphore_mem>>)
      %dma_wait3A_1201 = arith.constant 0 : i32
      %dma_wait3A_1202 = arith.constant 0 : i32
      %dma_wait3A_1203 = tpu.memref_slice %arg6[%dma_wait3A_1201, %dma_wait3A_1202] : memref<10240x128xf32, #tpu.memory_space<vmem_shared>> -> memref<10240x128xf32, #tpu.memory_space<vmem_shared>>
      tpu.wait_indirect_dma semaphore(%run_scoped3A : memref<!tpu.dma_semaphore, #tpu.memory_space<semaphore_mem>>) src(%arg11 : memref<80x128xf32, #tpu.memory_space<vmem>>) dst(%dma_wait3A_1203 : memref<10240x128xf32, #tpu.memory_space<vmem_shared>>)
      tpu.yield
    }) : () -> ()
    "tpu.region"() ({
      %run_scoped3A = tpu.sem_alloc : memref<!tpu.dma_semaphore, #tpu.memory_space<semaphore_mem>>
      %dma_start3A_1198 = arith.constant 0 : i32
      %dma_start3A_1199 = arith.constant 0 : i32
      %dma_start3A_1200 = tpu.memref_slice %arg6[%dma_start3A_1198, %dma_start3A_1199] : memref<10240x128xf32, #tpu.memory_space<vmem_shared>> -> memref<10240x128xf32, #tpu.memory_space<vmem_shared>>
      tpu.enqueue_indirect_dma source(%arg11 : memref<80x128xf32, #tpu.memory_space<vmem>>) target(%dma_start3A_1200 : memref<10240x128xf32, #tpu.memory_space<vmem_shared>>) offsets(%arg19 : memref<80xi32, #tpu.memory_space<vmem>>) semaphore(%run_scoped3A : memref<!tpu.dma_semaphore, #tpu.memory_space<semaphore_mem>>)
      %dma_wait3A_1201 = arith.constant 0 : i32
      %dma_wait3A_1202 = arith.constant 0 : i32
      %dma_wait3A_1203 = tpu.memref_slice %arg6[%dma_wait3A_1201, %dma_wait3A_1202] : memref<10240x128xf32, #tpu.memory_space<vmem_shared>> -> memref<10240x128xf32, #tpu.memory_space<vmem_shared>>
      tpu.wait_indirect_dma semaphore(%run_scoped3A : memref<!tpu.dma_semaphore, #tpu.memory_space<semaphore_mem>>) src(%arg11 : memref<80x128xf32, #tpu.memory_space<vmem>>) dst(%dma_wait3A_1203 : memref<10240x128xf32, #tpu.memory_space<vmem_shared>>)
      tpu.yield
    }) : () -> ()
    "tpu.region"() ({
      %run_scoped3A = tpu.sem_alloc : memref<!tpu.dma_semaphore, #tpu.memory_space<semaphore_mem>>
      %dma_start3A_1198 = arith.constant 0 : i32
      %dma_start3A_1199 = arith.constant 0 : i32
      %dma_start3A_1200 = tpu.memref_slice %arg6[%dma_start3A_1198, %dma_start3A_1199] : memref<10240x128xf32, #tpu.memory_space<vmem_shared>> -> memref<10240x128xf32, #tpu.memory_space<vmem_shared>>
      tpu.enqueue_indirect_dma source(%arg11 : memref<80x128xf32, #tpu.memory_space<vmem>>) target(%dma_start3A_1200 : memref<10240x128xf32, #tpu.memory_space<vmem_shared>>) offsets(%arg20 : memref<80xi32, #tpu.memory_space<vmem>>) semaphore(%run_scoped3A : memref<!tpu.dma_semaphore, #tpu.memory_space<semaphore_mem>>)
      %dma_wait3A_1201 = arith.constant 0 : i32
      %dma_wait3A_1202 = arith.constant 0 : i32
      %dma_wait3A_1203 = tpu.memref_slice %arg6[%dma_wait3A_1201, %dma_wait3A_1202] : memref<10240x128xf32, #tpu.memory_space<vmem_shared>> -> memref<10240x128xf32, #tpu.memory_space<vmem_shared>>
      tpu.wait_indirect_dma semaphore(%run_scoped3A : memref<!tpu.dma_semaphore, #tpu.memory_space<semaphore_mem>>) src(%arg11 : memref<80x128xf32, #tpu.memory_space<vmem>>) dst(%dma_wait3A_1203 : memref<10240x128xf32, #tpu.memory_space<vmem_shared>>)
      tpu.yield
    }) : () -> ()
    "tpu.region"() ({
      %run_scoped3A = tpu.sem_alloc : memref<!tpu.dma_semaphore, #tpu.memory_space<semaphore_mem>>
      %dma_start3A_1198 = arith.constant 0 : i32
      %dma_start3A_1199 = arith.constant 0 : i32
      %dma_start3A_1200 = tpu.memref_slice %arg6[%dma_start3A_1198, %dma_start3A_1199] : memref<10240x128xf32, #tpu.memory_space<vmem_shared>> -> memref<10240x128xf32, #tpu.memory_space<vmem_shared>>
      tpu.enqueue_indirect_dma source(%arg11 : memref<80x128xf32, #tpu.memory_space<vmem>>) target(%dma_start3A_1200 : memref<10240x128xf32, #tpu.memory_space<vmem_shared>>) offsets(%arg21 : memref<80xi32, #tpu.memory_space<vmem>>) semaphore(%run_scoped3A : memref<!tpu.dma_semaphore, #tpu.memory_space<semaphore_mem>>)
      %dma_wait3A_1201 = arith.constant 0 : i32
      %dma_wait3A_1202 = arith.constant 0 : i32
      %dma_wait3A_1203 = tpu.memref_slice %arg6[%dma_wait3A_1201, %dma_wait3A_1202] : memref<10240x128xf32, #tpu.memory_space<vmem_shared>> -> memref<10240x128xf32, #tpu.memory_space<vmem_shared>>
      tpu.wait_indirect_dma semaphore(%run_scoped3A : memref<!tpu.dma_semaphore, #tpu.memory_space<semaphore_mem>>) src(%arg11 : memref<80x128xf32, #tpu.memory_space<vmem>>) dst(%dma_wait3A_1203 : memref<10240x128xf32, #tpu.memory_space<vmem_shared>>)
      tpu.yield
    }) : () -> ()
    "tpu.region"() ({
      %run_scoped3A = tpu.sem_alloc : memref<!tpu.dma_semaphore, #tpu.memory_space<semaphore_mem>>
      %dma_start3A_1198 = arith.constant 0 : i32
      %dma_start3A_1199 = arith.constant 0 : i32
      %dma_start3A_1200 = tpu.memref_slice %arg6[%dma_start3A_1198, %dma_start3A_1199] : memref<10240x128xf32, #tpu.memory_space<vmem_shared>> -> memref<10240x128xf32, #tpu.memory_space<vmem_shared>>
      tpu.enqueue_indirect_dma source(%arg11 : memref<80x128xf32, #tpu.memory_space<vmem>>) target(%dma_start3A_1200 : memref<10240x128xf32, #tpu.memory_space<vmem_shared>>) offsets(%arg22 : memref<80xi32, #tpu.memory_space<vmem>>) semaphore(%run_scoped3A : memref<!tpu.dma_semaphore, #tpu.memory_space<semaphore_mem>>)
      %dma_wait3A_1201 = arith.constant 0 : i32
      %dma_wait3A_1202 = arith.constant 0 : i32
      %dma_wait3A_1203 = tpu.memref_slice %arg6[%dma_wait3A_1201, %dma_wait3A_1202] : memref<10240x128xf32, #tpu.memory_space<vmem_shared>> -> memref<10240x128xf32, #tpu.memory_space<vmem_shared>>
      tpu.wait_indirect_dma semaphore(%run_scoped3A : memref<!tpu.dma_semaphore, #tpu.memory_space<semaphore_mem>>) src(%arg11 : memref<80x128xf32, #tpu.memory_space<vmem>>) dst(%dma_wait3A_1203 : memref<10240x128xf32, #tpu.memory_space<vmem_shared>>)
      tpu.yield
    }) : () -> ()
    "tpu.region"() ({
      %run_scoped3A = tpu.sem_alloc : memref<!tpu.dma_semaphore, #tpu.memory_space<semaphore_mem>>
      tpu.enqueue_dma source(%arg4 : memref<80x128xf32, #tpu.memory_space<hbm>>) target(%arg12 : memref<80x128xf32, #tpu.memory_space<vmem>>) target_semaphore(%run_scoped3A : memref<!tpu.dma_semaphore, #tpu.memory_space<semaphore_mem>>)
      tpu.wait_dma2 semaphore(%run_scoped3A : memref<!tpu.dma_semaphore, #tpu.memory_space<semaphore_mem>>) src(%arg4 : memref<80x128xf32, #tpu.memory_space<hbm>>) dst(%arg12 : memref<80x128xf32, #tpu.memory_space<vmem>>)
      tpu.yield
    }) : () -> ()
    %barrier3A = arith.constant 0 : index
    tpu.barrier barrier_id(%barrier3A)
    %scan3A = arith.constant 0 : i32
    %scan3A_402 = arith.constant 0 : i32
    %scan3A_403 = arith.constant 62 : i32
    %scan3A_404 = arith.addi %scan3A_402, %scan3A_403 : i32
    %scan3A_405 = arith.constant 1 : i32
    scf.for %scan3A_1198 = %scan3A_402 to %scan3A_404 step %scan3A_405  : i32 {
      %mul3A_1199 = arith.constant 10000 : i32
      %mul3A_1200 = arith.muli %add3A, %mul3A_1199 : i32
      %mul3A_1201 = arith.constant 2 : i32
      %mul3A_1202 = arith.muli %mul3A_1201, %scan3A_1198 : i32
      %mul3A_1203 = arith.constant 80 : i32
      %mul3A_1204 = arith.muli %mul3A_1202, %mul3A_1203 : i32
      %add3A_1205 = arith.addi %mul3A_1200, %mul3A_1204 : i32
      %add3A_1206 = arith.constant 80 : i32
      %add3A_1207 = arith.addi %add3A_1205, %add3A_1206 : i32
      "tpu.region"() ({
        %run_scoped3A = tpu.sem_alloc : memref<!tpu.dma_semaphore, #tpu.memory_space<semaphore_mem>>
        %dma_start3A_2660 = tpu.memref_slice %arg2[%add3A_1205] : memref<320000xi32, #tpu.memory_space<hbm>> -> memref<80xi32, #tpu.memory_space<hbm>>
        %dma_start3A_2661 = tpu.memref_slice %arg2[%add3A_1205] : memref<320000xi32, #tpu.memory_space<hbm>> -> memref<80xi32, #tpu.memory_space<hbm>>
        tpu.enqueue_dma source(%dma_start3A_2661 : memref<80xi32, #tpu.memory_space<hbm>>) target(%arg8 : memref<80xi32, #tpu.memory_space<vmem>>) target_semaphore(%run_scoped3A : memref<!tpu.dma_semaphore, #tpu.memory_space<semaphore_mem>>)
        %dma_wait3A_2662 = tpu.memref_slice %arg2[%add3A_1205] : memref<320000xi32, #tpu.memory_space<hbm>> -> memref<80xi32, #tpu.memory_space<hbm>>
        %dma_wait3A_2663 = tpu.memref_slice %arg2[%add3A_1205] : memref<320000xi32, #tpu.memory_space<hbm>> -> memref<80xi32, #tpu.memory_space<hbm>>
        tpu.wait_dma2 semaphore(%run_scoped3A : memref<!tpu.dma_semaphore, #tpu.memory_space<semaphore_mem>>) src(%dma_wait3A_2663 : memref<80xi32, #tpu.memory_space<hbm>>) dst(%arg8 : memref<80xi32, #tpu.memory_space<vmem>>)
        tpu.yield
      }) : () -> ()
      %mul3A_1208 = arith.constant 16 : i32
      %mul3A_1209 = arith.muli %add3A_1205, %mul3A_1208 : i32
      %dma_start3A_1210 = tpu.memref_slice %arg3[%mul3A_1209] : memref<5120000xf32, #tpu.memory_space<hbm>> -> memref<1280xf32, #tpu.memory_space<hbm>>
      %dma_start3A_1211 = tpu.memref_slice %arg3[%mul3A_1209] : memref<5120000xf32, #tpu.memory_space<hbm>> -> memref<1280xf32, #tpu.memory_space<hbm>>
      tpu.enqueue_dma source(%dma_start3A_1211 : memref<1280xf32, #tpu.memory_space<hbm>>) target(%arg23 : memref<1280xf32, #tpu.memory_space<vmem>>) target_semaphore(%arg13 : memref<!tpu.dma_semaphore, #tpu.memory_space<semaphore_mem>>)
      "tpu.region"() ({
        %run_scoped3A = tpu.sem_alloc : memref<!tpu.dma_semaphore, #tpu.memory_space<semaphore_mem>>
        %dma_start3A_2660 = tpu.memref_slice %arg2[%add3A_1207] : memref<320000xi32, #tpu.memory_space<hbm>> -> memref<80xi32, #tpu.memory_space<hbm>>
        %dma_start3A_2661 = tpu.memref_slice %arg2[%add3A_1207] : memref<320000xi32, #tpu.memory_space<hbm>> -> memref<80xi32, #tpu.memory_space<hbm>>
        tpu.enqueue_dma source(%dma_start3A_2661 : memref<80xi32, #tpu.memory_space<hbm>>) target(%arg10 : memref<80xi32, #tpu.memory_space<vmem>>) target_semaphore(%run_scoped3A : memref<!tpu.dma_semaphore, #tpu.memory_space<semaphore_mem>>)
        %dma_wait3A_2662 = tpu.memref_slice %arg2[%add3A_1207] : memref<320000xi32, #tpu.memory_space<hbm>> -> memref<80xi32, #tpu.memory_space<hbm>>
        %dma_wait3A_2663 = tpu.memref_slice %arg2[%add3A_1207] : memref<320000xi32, #tpu.memory_space<hbm>> -> memref<80xi32, #tpu.memory_space<hbm>>
        tpu.wait_dma2 semaphore(%run_scoped3A : memref<!tpu.dma_semaphore, #tpu.memory_space<semaphore_mem>>) src(%dma_wait3A_2663 : memref<80xi32, #tpu.memory_space<hbm>>) dst(%arg10 : memref<80xi32, #tpu.memory_space<vmem>>)
        tpu.yield
      }) : () -> ()
      %mul3A_1212 = arith.constant 16 : i32
      %mul3A_1213 = arith.muli %add3A_1207, %mul3A_1212 : i32
      %dma_start3A_1214 = tpu.memref_slice %arg3[%mul3A_1213] : memref<5120000xf32, #tpu.memory_space<hbm>> -> memref<1280xf32, #tpu.memory_space<hbm>>
      %dma_start3A_1215 = tpu.memref_slice %arg3[%mul3A_1213] : memref<5120000xf32, #tpu.memory_space<hbm>> -> memref<1280xf32, #tpu.memory_space<hbm>>
      tpu.enqueue_dma source(%dma_start3A_1215 : memref<1280xf32, #tpu.memory_space<hbm>>) target(%arg24 : memref<1280xf32, #tpu.memory_space<vmem>>) target_semaphore(%arg14 : memref<!tpu.dma_semaphore, #tpu.memory_space<semaphore_mem>>)
      %dma_wait3A_1216 = tpu.memref_slice %arg3[%mul3A_1209] : memref<5120000xf32, #tpu.memory_space<hbm>> -> memref<1280xf32, #tpu.memory_space<hbm>>
      %dma_wait3A_1217 = tpu.memref_slice %arg3[%mul3A_1209] : memref<5120000xf32, #tpu.memory_space<hbm>> -> memref<1280xf32, #tpu.memory_space<hbm>>
      tpu.wait_dma2 semaphore(%arg13 : memref<!tpu.dma_semaphore, #tpu.memory_space<semaphore_mem>>) src(%dma_wait3A_1217 : memref<1280xf32, #tpu.memory_space<hbm>>) dst(%arg23 : memref<1280xf32, #tpu.memory_space<vmem>>)
      %get3A_1218 = arith.constant 0 : index
      %get3A_1219 = tpu.vector_load %arg23[%get3A_1218] {strides = array<i32>} : memref<1280xf32, #tpu.memory_space<vmem>>, vector<16xf32>,
      %get3A_1220 = vector.shape_cast %get3A_1219 : vector<16xf32> to vector<16xf32>
      %swap3A_1221 = arith.constant 0 : i32
      %swap3A_1222 = arith.index_cast %swap3A_1221 : i32 to index
      %swap3A_1223 = arith.constant 0 : index
      %swap3A_1224 = tpu.vector_load %arg11[%swap3A_1222, %swap3A_1223] {strides = array<i32>} : memref<80x128xf32, #tpu.memory_space<vmem>>, vector<1x16xf32>,
      %swap3A_1225 = vector.shape_cast %swap3A_1224 : vector<1x16xf32> to vector<16xf32>
      %swap3A_1226 = vector.shape_cast %get3A_1220 : vector<16xf32> to vector<1x16xf32>
      tpu.vector_store %arg11[%swap3A_1222, %swap3A_1223], %swap3A_1226 {strides = array<i32>} : memref<80x128xf32, #tpu.memory_space<vmem>>, vector<1x16xf32>,
      %get3A_1227 = arith.constant 16 : index
      %get3A_1228 = tpu.vector_load %arg23[%get3A_1227] {strides = array<i32>} : memref<1280xf32, #tpu.memory_space<vmem>>, vector<16xf32>,
      %get3A_1229 = vector.shape_cast %get3A_1228 : vector<16xf32> to vector<16xf32>
      %swap3A_1230 = arith.constant 1 : i32
      %swap3A_1231 = arith.index_cast %swap3A_1230 : i32 to index
      %swap3A_1232 = arith.constant 0 : index
      %swap3A_1233 = tpu.vector_load %arg11[%swap3A_1231, %swap3A_1232] {strides = array<i32>} : memref<80x128xf32, #tpu.memory_space<vmem>>, vector<1x16xf32>,
      %swap3A_1234 = vector.shape_cast %swap3A_1233 : vector<1x16xf32> to vector<16xf32>
      %swap3A_1235 = vector.shape_cast %get3A_1229 : vector<16xf32> to vector<1x16xf32>
      tpu.vector_store %arg11[%swap3A_1231, %swap3A_1232], %swap3A_1235 {strides = array<i32>} : memref<80x128xf32, #tpu.memory_space<vmem>>, vector<1x16xf32>,
      %get3A_1236 = arith.constant 32 : index
      %get3A_1237 = tpu.vector_load %arg23[%get3A_1236] {strides = array<i32>} : memref<1280xf32, #tpu.memory_space<vmem>>, vector<16xf32>,
      %get3A_1238 = vector.shape_cast %get3A_1237 : vector<16xf32> to vector<16xf32>
      %swap3A_1239 = arith.constant 2 : i32
      %swap3A_1240 = arith.index_cast %swap3A_1239 : i32 to index
      %swap3A_1241 = arith.constant 0 : index
      %swap3A_1242 = tpu.vector_load %arg11[%swap3A_1240, %swap3A_1241] {strides = array<i32>} : memref<80x128xf32, #tpu.memory_space<vmem>>, vector<1x16xf32>,
      %swap3A_1243 = vector.shape_cast %swap3A_1242 : vector<1x16xf32> to vector<16xf32>
      %swap3A_1244 = vector.shape_cast %get3A_1238 : vector<16xf32> to vector<1x16xf32>
      tpu.vector_store %arg11[%swap3A_1240, %swap3A_1241], %swap3A_1244 {strides = array<i32>} : memref<80x128xf32, #tpu.memory_space<vmem>>, vector<1x16xf32>,
      %get3A_1245 = arith.constant 48 : index
      %get3A_1246 = tpu.vector_load %arg23[%get3A_1245] {strides = array<i32>} : memref<1280xf32, #tpu.memory_space<vmem>>, vector<16xf32>,
      %get3A_1247 = vector.shape_cast %get3A_1246 : vector<16xf32> to vector<16xf32>
      %swap3A_1248 = arith.constant 3 : i32
      %swap3A_1249 = arith.index_cast %swap3A_1248 : i32 to index
      %swap3A_1250 = arith.constant 0 : index
      %swap3A_1251 = tpu.vector_load %arg11[%swap3A_1249, %swap3A_1250] {strides = array<i32>} : memref<80x128xf32, #tpu.memory_space<vmem>>, vector<1x16xf32>,
      %swap3A_1252 = vector.shape_cast %swap3A_1251 : vector<1x16xf32> to vector<16xf32>
      %swap3A_1253 = vector.shape_cast %get3A_1247 : vector<16xf32> to vector<1x16xf32>
      tpu.vector_store %arg11[%swap3A_1249, %swap3A_1250], %swap3A_1253 {strides = array<i32>} : memref<80x128xf32, #tpu.memory_space<vmem>>, vector<1x16xf32>,
      %get3A_1254 = arith.constant 64 : index
      %get3A_1255 = tpu.vector_load %arg23[%get3A_1254] {strides = array<i32>} : memref<1280xf32, #tpu.memory_space<vmem>>, vector<16xf32>,
      %get3A_1256 = vector.shape_cast %get3A_1255 : vector<16xf32> to vector<16xf32>
      %swap3A_1257 = arith.constant 4 : i32
      %swap3A_1258 = arith.index_cast %swap3A_1257 : i32 to index
      %swap3A_1259 = arith.constant 0 : index
      %swap3A_1260 = tpu.vector_load %arg11[%swap3A_1258, %swap3A_1259] {strides = array<i32>} : memref<80x128xf32, #tpu.memory_space<vmem>>, vector<1x16xf32>,
      %swap3A_1261 = vector.shape_cast %swap3A_1260 : vector<1x16xf32> to vector<16xf32>
      %swap3A_1262 = vector.shape_cast %get3A_1256 : vector<16xf32> to vector<1x16xf32>
      tpu.vector_store %arg11[%swap3A_1258, %swap3A_1259], %swap3A_1262 {strides = array<i32>} : memref<80x128xf32, #tpu.memory_space<vmem>>, vector<1x16xf32>,
      %get3A_1263 = arith.constant 80 : index
      %get3A_1264 = tpu.vector_load %arg23[%get3A_1263] {strides = array<i32>} : memref<1280xf32, #tpu.memory_space<vmem>>, vector<16xf32>,
      %get3A_1265 = vector.shape_cast %get3A_1264 : vector<16xf32> to vector<16xf32>
      %swap3A_1266 = arith.constant 5 : i32
      %swap3A_1267 = arith.index_cast %swap3A_1266 : i32 to index
      %swap3A_1268 = arith.constant 0 : index
      %swap3A_1269 = tpu.vector_load %arg11[%swap3A_1267, %swap3A_1268] {strides = array<i32>} : memref<80x128xf32, #tpu.memory_space<vmem>>, vector<1x16xf32>,
      %swap3A_1270 = vector.shape_cast %swap3A_1269 : vector<1x16xf32> to vector<16xf32>
      %swap3A_1271 = vector.shape_cast %get3A_1265 : vector<16xf32> to vector<1x16xf32>
      tpu.vector_store %arg11[%swap3A_1267, %swap3A_1268], %swap3A_1271 {strides = array<i32>} : memref<80x128xf32, #tpu.memory_space<vmem>>, vector<1x16xf32>,
      %get3A_1272 = arith.constant 96 : index
      %get3A_1273 = tpu.vector_load %arg23[%get3A_1272] {strides = array<i32>} : memref<1280xf32, #tpu.memory_space<vmem>>, vector<16xf32>,
      %get3A_1274 = vector.shape_cast %get3A_1273 : vector<16xf32> to vector<16xf32>
      %swap3A_1275 = arith.constant 6 : i32
      %swap3A_1276 = arith.index_cast %swap3A_1275 : i32 to index
      %swap3A_1277 = arith.constant 0 : index
      %swap3A_1278 = tpu.vector_load %arg11[%swap3A_1276, %swap3A_1277] {strides = array<i32>} : memref<80x128xf32, #tpu.memory_space<vmem>>, vector<1x16xf32>,
      %swap3A_1279 = vector.shape_cast %swap3A_1278 : vector<1x16xf32> to vector<16xf32>
      %swap3A_1280 = vector.shape_cast %get3A_1274 : vector<16xf32> to vector<1x16xf32>
      tpu.vector_store %arg11[%swap3A_1276, %swap3A_1277], %swap3A_1280 {strides = array<i32>} : memref<80x128xf32, #tpu.memory_space<vmem>>, vector<1x16xf32>,
      %get3A_1281 = arith.constant 112 : index
      %get3A_1282 = tpu.vector_load %arg23[%get3A_1281] {strides = array<i32>} : memref<1280xf32, #tpu.memory_space<vmem>>, vector<16xf32>,
      %get3A_1283 = vector.shape_cast %get3A_1282 : vector<16xf32> to vector<16xf32>
      %swap3A_1284 = arith.constant 7 : i32
      %swap3A_1285 = arith.index_cast %swap3A_1284 : i32 to index
      %swap3A_1286 = arith.constant 0 : index
      %swap3A_1287 = tpu.vector_load %arg11[%swap3A_1285, %swap3A_1286] {strides = array<i32>} : memref<80x128xf32, #tpu.memory_space<vmem>>, vector<1x16xf32>,
      %swap3A_1288 = vector.shape_cast %swap3A_1287 : vector<1x16xf32> to vector<16xf32>
      %swap3A_1289 = vector.shape_cast %get3A_1283 : vector<16xf32> to vector<1x16xf32>
      tpu.vector_store %arg11[%swap3A_1285, %swap3A_1286], %swap3A_1289 {strides = array<i32>} : memref<80x128xf32, #tpu.memory_space<vmem>>, vector<1x16xf32>,
      %get3A_1290 = arith.constant 128 : index
      %get3A_1291 = tpu.vector_load %arg23[%get3A_1290] {strides = array<i32>} : memref<1280xf32, #tpu.memory_space<vmem>>, vector<16xf32>,
      %get3A_1292 = vector.shape_cast %get3A_1291 : vector<16xf32> to vector<16xf32>
      %swap3A_1293 = arith.constant 8 : i32
      %swap3A_1294 = arith.index_cast %swap3A_1293 : i32 to index
      %swap3A_1295 = arith.constant 0 : index
      %swap3A_1296 = tpu.vector_load %arg11[%swap3A_1294, %swap3A_1295] {strides = array<i32>} : memref<80x128xf32, #tpu.memory_space<vmem>>, vector<1x16xf32>,
      %swap3A_1297 = vector.shape_cast %swap3A_1296 : vector<1x16xf32> to vector<16xf32>
      %swap3A_1298 = vector.shape_cast %get3A_1292 : vector<16xf32> to vector<1x16xf32>
      tpu.vector_store %arg11[%swap3A_1294, %swap3A_1295], %swap3A_1298 {strides = array<i32>} : memref<80x128xf32, #tpu.memory_space<vmem>>, vector<1x16xf32>,
      %get3A_1299 = arith.constant 144 : index
      %get3A_1300 = tpu.vector_load %arg23[%get3A_1299] {strides = array<i32>} : memref<1280xf32, #tpu.memory_space<vmem>>, vector<16xf32>,
      %get3A_1301 = vector.shape_cast %get3A_1300 : vector<16xf32> to vector<16xf32>
      %swap3A_1302 = arith.constant 9 : i32
      %swap3A_1303 = arith.index_cast %swap3A_1302 : i32 to index
      %swap3A_1304 = arith.constant 0 : index
      %swap3A_1305 = tpu.vector_load %arg11[%swap3A_1303, %swap3A_1304] {strides = array<i32>} : memref<80x128xf32, #tpu.memory_space<vmem>>, vector<1x16xf32>,
      %swap3A_1306 = vector.shape_cast %swap3A_1305 : vector<1x16xf32> to vector<16xf32>
      %swap3A_1307 = vector.shape_cast %get3A_1301 : vector<16xf32> to vector<1x16xf32>
      tpu.vector_store %arg11[%swap3A_1303, %swap3A_1304], %swap3A_1307 {strides = array<i32>} : memref<80x128xf32, #tpu.memory_space<vmem>>, vector<1x16xf32>,
      %get3A_1308 = arith.constant 160 : index
      %get3A_1309 = tpu.vector_load %arg23[%get3A_1308] {strides = array<i32>} : memref<1280xf32, #tpu.memory_space<vmem>>, vector<16xf32>,
      %get3A_1310 = vector.shape_cast %get3A_1309 : vector<16xf32> to vector<16xf32>
      %swap3A_1311 = arith.constant 10 : i32
      %swap3A_1312 = arith.index_cast %swap3A_1311 : i32 to index
      %swap3A_1313 = arith.constant 0 : index
      %swap3A_1314 = tpu.vector_load %arg11[%swap3A_1312, %swap3A_1313] {strides = array<i32>} : memref<80x128xf32, #tpu.memory_space<vmem>>, vector<1x16xf32>,
      %swap3A_1315 = vector.shape_cast %swap3A_1314 : vector<1x16xf32> to vector<16xf32>
      %swap3A_1316 = vector.shape_cast %get3A_1310 : vector<16xf32> to vector<1x16xf32>
      tpu.vector_store %arg11[%swap3A_1312, %swap3A_1313], %swap3A_1316 {strides = array<i32>} : memref<80x128xf32, #tpu.memory_space<vmem>>, vector<1x16xf32>,
      %get3A_1317 = arith.constant 176 : index
      %get3A_1318 = tpu.vector_load %arg23[%get3A_1317] {strides = array<i32>} : memref<1280xf32, #tpu.memory_space<vmem>>, vector<16xf32>,
      %get3A_1319 = vector.shape_cast %get3A_1318 : vector<16xf32> to vector<16xf32>
      %swap3A_1320 = arith.constant 11 : i32
      %swap3A_1321 = arith.index_cast %swap3A_1320 : i32 to index
      %swap3A_1322 = arith.constant 0 : index
      %swap3A_1323 = tpu.vector_load %arg11[%swap3A_1321, %swap3A_1322] {strides = array<i32>} : memref<80x128xf32, #tpu.memory_space<vmem>>, vector<1x16xf32>,
      %swap3A_1324 = vector.shape_cast %swap3A_1323 : vector<1x16xf32> to vector<16xf32>
      %swap3A_1325 = vector.shape_cast %get3A_1319 : vector<16xf32> to vector<1x16xf32>
      tpu.vector_store %arg11[%swap3A_1321, %swap3A_1322], %swap3A_1325 {strides = array<i32>} : memref<80x128xf32, #tpu.memory_space<vmem>>, vector<1x16xf32>,
      %get3A_1326 = arith.constant 192 : index
      %get3A_1327 = tpu.vector_load %arg23[%get3A_1326] {strides = array<i32>} : memref<1280xf32, #tpu.memory_space<vmem>>, vector<16xf32>,
      %get3A_1328 = vector.shape_cast %get3A_1327 : vector<16xf32> to vector<16xf32>
      %swap3A_1329 = arith.constant 12 : i32
      %swap3A_1330 = arith.index_cast %swap3A_1329 : i32 to index
      %swap3A_1331 = arith.constant 0 : index
      %swap3A_1332 = tpu.vector_load %arg11[%swap3A_1330, %swap3A_1331] {strides = array<i32>} : memref<80x128xf32, #tpu.memory_space<vmem>>, vector<1x16xf32>,
      %swap3A_1333 = vector.shape_cast %swap3A_1332 : vector<1x16xf32> to vector<16xf32>
      %swap3A_1334 = vector.shape_cast %get3A_1328 : vector<16xf32> to vector<1x16xf32>
      tpu.vector_store %arg11[%swap3A_1330, %swap3A_1331], %swap3A_1334 {strides = array<i32>} : memref<80x128xf32, #tpu.memory_space<vmem>>, vector<1x16xf32>,
      %get3A_1335 = arith.constant 208 : index
      %get3A_1336 = tpu.vector_load %arg23[%get3A_1335] {strides = array<i32>} : memref<1280xf32, #tpu.memory_space<vmem>>, vector<16xf32>,
      %get3A_1337 = vector.shape_cast %get3A_1336 : vector<16xf32> to vector<16xf32>
      %swap3A_1338 = arith.constant 13 : i32
      %swap3A_1339 = arith.index_cast %swap3A_1338 : i32 to index
      %swap3A_1340 = arith.constant 0 : index
      %swap3A_1341 = tpu.vector_load %arg11[%swap3A_1339, %swap3A_1340] {strides = array<i32>} : memref<80x128xf32, #tpu.memory_space<vmem>>, vector<1x16xf32>,
      %swap3A_1342 = vector.shape_cast %swap3A_1341 : vector<1x16xf32> to vector<16xf32>
      %swap3A_1343 = vector.shape_cast %get3A_1337 : vector<16xf32> to vector<1x16xf32>
      tpu.vector_store %arg11[%swap3A_1339, %swap3A_1340], %swap3A_1343 {strides = array<i32>} : memref<80x128xf32, #tpu.memory_space<vmem>>, vector<1x16xf32>,
      %get3A_1344 = arith.constant 224 : index
      %get3A_1345 = tpu.vector_load %arg23[%get3A_1344] {strides = array<i32>} : memref<1280xf32, #tpu.memory_space<vmem>>, vector<16xf32>,
      %get3A_1346 = vector.shape_cast %get3A_1345 : vector<16xf32> to vector<16xf32>
      %swap3A_1347 = arith.constant 14 : i32
      %swap3A_1348 = arith.index_cast %swap3A_1347 : i32 to index
      %swap3A_1349 = arith.constant 0 : index
      %swap3A_1350 = tpu.vector_load %arg11[%swap3A_1348, %swap3A_1349] {strides = array<i32>} : memref<80x128xf32, #tpu.memory_space<vmem>>, vector<1x16xf32>,
      %swap3A_1351 = vector.shape_cast %swap3A_1350 : vector<1x16xf32> to vector<16xf32>
      %swap3A_1352 = vector.shape_cast %get3A_1346 : vector<16xf32> to vector<1x16xf32>
      tpu.vector_store %arg11[%swap3A_1348, %swap3A_1349], %swap3A_1352 {strides = array<i32>} : memref<80x128xf32, #tpu.memory_space<vmem>>, vector<1x16xf32>,
      %get3A_1353 = arith.constant 240 : index
      %get3A_1354 = tpu.vector_load %arg23[%get3A_1353] {strides = array<i32>} : memref<1280xf32, #tpu.memory_space<vmem>>, vector<16xf32>,
      %get3A_1355 = vector.shape_cast %get3A_1354 : vector<16xf32> to vector<16xf32>
      %swap3A_1356 = arith.constant 15 : i32
      %swap3A_1357 = arith.index_cast %swap3A_1356 : i32 to index
      %swap3A_1358 = arith.constant 0 : index
      %swap3A_1359 = tpu.vector_load %arg11[%swap3A_1357, %swap3A_1358] {strides = array<i32>} : memref<80x128xf32, #tpu.memory_space<vmem>>, vector<1x16xf32>,
      %swap3A_1360 = vector.shape_cast %swap3A_1359 : vector<1x16xf32> to vector<16xf32>
      %swap3A_1361 = vector.shape_cast %get3A_1355 : vector<16xf32> to vector<1x16xf32>
      tpu.vector_store %arg11[%swap3A_1357, %swap3A_1358], %swap3A_1361 {strides = array<i32>} : memref<80x128xf32, #tpu.memory_space<vmem>>, vector<1x16xf32>,
      %get3A_1362 = arith.constant 256 : index
      %get3A_1363 = tpu.vector_load %arg23[%get3A_1362] {strides = array<i32>} : memref<1280xf32, #tpu.memory_space<vmem>>, vector<16xf32>,
      %get3A_1364 = vector.shape_cast %get3A_1363 : vector<16xf32> to vector<16xf32>
      %swap3A_1365 = arith.constant 16 : i32
      %swap3A_1366 = arith.index_cast %swap3A_1365 : i32 to index
      %swap3A_1367 = arith.constant 0 : index
      %swap3A_1368 = tpu.vector_load %arg11[%swap3A_1366, %swap3A_1367] {strides = array<i32>} : memref<80x128xf32, #tpu.memory_space<vmem>>, vector<1x16xf32>,
      %swap3A_1369 = vector.shape_cast %swap3A_1368 : vector<1x16xf32> to vector<16xf32>
      %swap3A_1370 = vector.shape_cast %get3A_1364 : vector<16xf32> to vector<1x16xf32>
      tpu.vector_store %arg11[%swap3A_1366, %swap3A_1367], %swap3A_1370 {strides = array<i32>} : memref<80x128xf32, #tpu.memory_space<vmem>>, vector<1x16xf32>,
      %get3A_1371 = arith.constant 272 : index
      %get3A_1372 = tpu.vector_load %arg23[%get3A_1371] {strides = array<i32>} : memref<1280xf32, #tpu.memory_space<vmem>>, vector<16xf32>,
      %get3A_1373 = vector.shape_cast %get3A_1372 : vector<16xf32> to vector<16xf32>
      %swap3A_1374 = arith.constant 17 : i32
      %swap3A_1375 = arith.index_cast %swap3A_1374 : i32 to index
      %swap3A_1376 = arith.constant 0 : index
      %swap3A_1377 = tpu.vector_load %arg11[%swap3A_1375, %swap3A_1376] {strides = array<i32>} : memref<80x128xf32, #tpu.memory_space<vmem>>, vector<1x16xf32>,
      %swap3A_1378 = vector.shape_cast %swap3A_1377 : vector<1x16xf32> to vector<16xf32>
      %swap3A_1379 = vector.shape_cast %get3A_1373 : vector<16xf32> to vector<1x16xf32>
      tpu.vector_store %arg11[%swap3A_1375, %swap3A_1376], %swap3A_1379 {strides = array<i32>} : memref<80x128xf32, #tpu.memory_space<vmem>>, vector<1x16xf32>,
      %get3A_1380 = arith.constant 288 : index
      %get3A_1381 = tpu.vector_load %arg23[%get3A_1380] {strides = array<i32>} : memref<1280xf32, #tpu.memory_space<vmem>>, vector<16xf32>,
      %get3A_1382 = vector.shape_cast %get3A_1381 : vector<16xf32> to vector<16xf32>
      %swap3A_1383 = arith.constant 18 : i32
      %swap3A_1384 = arith.index_cast %swap3A_1383 : i32 to index
      %swap3A_1385 = arith.constant 0 : index
      %swap3A_1386 = tpu.vector_load %arg11[%swap3A_1384, %swap3A_1385] {strides = array<i32>} : memref<80x128xf32, #tpu.memory_space<vmem>>, vector<1x16xf32>,
      %swap3A_1387 = vector.shape_cast %swap3A_1386 : vector<1x16xf32> to vector<16xf32>
      %swap3A_1388 = vector.shape_cast %get3A_1382 : vector<16xf32> to vector<1x16xf32>
      tpu.vector_store %arg11[%swap3A_1384, %swap3A_1385], %swap3A_1388 {strides = array<i32>} : memref<80x128xf32, #tpu.memory_space<vmem>>, vector<1x16xf32>,
      %get3A_1389 = arith.constant 304 : index
      %get3A_1390 = tpu.vector_load %arg23[%get3A_1389] {strides = array<i32>} : memref<1280xf32, #tpu.memory_space<vmem>>, vector<16xf32>,
      %get3A_1391 = vector.shape_cast %get3A_1390 : vector<16xf32> to vector<16xf32>
      %swap3A_1392 = arith.constant 19 : i32
      %swap3A_1393 = arith.index_cast %swap3A_1392 : i32 to index
      %swap3A_1394 = arith.constant 0 : index
      %swap3A_1395 = tpu.vector_load %arg11[%swap3A_1393, %swap3A_1394] {strides = array<i32>} : memref<80x128xf32, #tpu.memory_space<vmem>>, vector<1x16xf32>,
      %swap3A_1396 = vector.shape_cast %swap3A_1395 : vector<1x16xf32> to vector<16xf32>
      %swap3A_1397 = vector.shape_cast %get3A_1391 : vector<16xf32> to vector<1x16xf32>
      tpu.vector_store %arg11[%swap3A_1393, %swap3A_1394], %swap3A_1397 {strides = array<i32>} : memref<80x128xf32, #tpu.memory_space<vmem>>, vector<1x16xf32>,
      %get3A_1398 = arith.constant 320 : index
      %get3A_1399 = tpu.vector_load %arg23[%get3A_1398] {strides = array<i32>} : memref<1280xf32, #tpu.memory_space<vmem>>, vector<16xf32>,
      %get3A_1400 = vector.shape_cast %get3A_1399 : vector<16xf32> to vector<16xf32>
      %swap3A_1401 = arith.constant 20 : i32
      %swap3A_1402 = arith.index_cast %swap3A_1401 : i32 to index
      %swap3A_1403 = arith.constant 0 : index
      %swap3A_1404 = tpu.vector_load %arg11[%swap3A_1402, %swap3A_1403] {strides = array<i32>} : memref<80x128xf32, #tpu.memory_space<vmem>>, vector<1x16xf32>,
      %swap3A_1405 = vector.shape_cast %swap3A_1404 : vector<1x16xf32> to vector<16xf32>
      %swap3A_1406 = vector.shape_cast %get3A_1400 : vector<16xf32> to vector<1x16xf32>
      tpu.vector_store %arg11[%swap3A_1402, %swap3A_1403], %swap3A_1406 {strides = array<i32>} : memref<80x128xf32, #tpu.memory_space<vmem>>, vector<1x16xf32>,
      %get3A_1407 = arith.constant 336 : index
      %get3A_1408 = tpu.vector_load %arg23[%get3A_1407] {strides = array<i32>} : memref<1280xf32, #tpu.memory_space<vmem>>, vector<16xf32>,
      %get3A_1409 = vector.shape_cast %get3A_1408 : vector<16xf32> to vector<16xf32>
      %swap3A_1410 = arith.constant 21 : i32
      %swap3A_1411 = arith.index_cast %swap3A_1410 : i32 to index
      %swap3A_1412 = arith.constant 0 : index
      %swap3A_1413 = tpu.vector_load %arg11[%swap3A_1411, %swap3A_1412] {strides = array<i32>} : memref<80x128xf32, #tpu.memory_space<vmem>>, vector<1x16xf32>,
      %swap3A_1414 = vector.shape_cast %swap3A_1413 : vector<1x16xf32> to vector<16xf32>
      %swap3A_1415 = vector.shape_cast %get3A_1409 : vector<16xf32> to vector<1x16xf32>
      tpu.vector_store %arg11[%swap3A_1411, %swap3A_1412], %swap3A_1415 {strides = array<i32>} : memref<80x128xf32, #tpu.memory_space<vmem>>, vector<1x16xf32>,
      %get3A_1416 = arith.constant 352 : index
      %get3A_1417 = tpu.vector_load %arg23[%get3A_1416] {strides = array<i32>} : memref<1280xf32, #tpu.memory_space<vmem>>, vector<16xf32>,
      %get3A_1418 = vector.shape_cast %get3A_1417 : vector<16xf32> to vector<16xf32>
      %swap3A_1419 = arith.constant 22 : i32
      %swap3A_1420 = arith.index_cast %swap3A_1419 : i32 to index
      %swap3A_1421 = arith.constant 0 : index
      %swap3A_1422 = tpu.vector_load %arg11[%swap3A_1420, %swap3A_1421] {strides = array<i32>} : memref<80x128xf32, #tpu.memory_space<vmem>>, vector<1x16xf32>,
      %swap3A_1423 = vector.shape_cast %swap3A_1422 : vector<1x16xf32> to vector<16xf32>
      %swap3A_1424 = vector.shape_cast %get3A_1418 : vector<16xf32> to vector<1x16xf32>
      tpu.vector_store %arg11[%swap3A_1420, %swap3A_1421], %swap3A_1424 {strides = array<i32>} : memref<80x128xf32, #tpu.memory_space<vmem>>, vector<1x16xf32>,
      %get3A_1425 = arith.constant 368 : index
      %get3A_1426 = tpu.vector_load %arg23[%get3A_1425] {strides = array<i32>} : memref<1280xf32, #tpu.memory_space<vmem>>, vector<16xf32>,
      %get3A_1427 = vector.shape_cast %get3A_1426 : vector<16xf32> to vector<16xf32>
      %swap3A_1428 = arith.constant 23 : i32
      %swap3A_1429 = arith.index_cast %swap3A_1428 : i32 to index
      %swap3A_1430 = arith.constant 0 : index
      %swap3A_1431 = tpu.vector_load %arg11[%swap3A_1429, %swap3A_1430] {strides = array<i32>} : memref<80x128xf32, #tpu.memory_space<vmem>>, vector<1x16xf32>,
      %swap3A_1432 = vector.shape_cast %swap3A_1431 : vector<1x16xf32> to vector<16xf32>
      %swap3A_1433 = vector.shape_cast %get3A_1427 : vector<16xf32> to vector<1x16xf32>
      tpu.vector_store %arg11[%swap3A_1429, %swap3A_1430], %swap3A_1433 {strides = array<i32>} : memref<80x128xf32, #tpu.memory_space<vmem>>, vector<1x16xf32>,
      %get3A_1434 = arith.constant 384 : index
      %get3A_1435 = tpu.vector_load %arg23[%get3A_1434] {strides = array<i32>} : memref<1280xf32, #tpu.memory_space<vmem>>, vector<16xf32>,
      %get3A_1436 = vector.shape_cast %get3A_1435 : vector<16xf32> to vector<16xf32>
      %swap3A_1437 = arith.constant 24 : i32
      %swap3A_1438 = arith.index_cast %swap3A_1437 : i32 to index
      %swap3A_1439 = arith.constant 0 : index
      %swap3A_1440 = tpu.vector_load %arg11[%swap3A_1438, %swap3A_1439] {strides = array<i32>} : memref<80x128xf32, #tpu.memory_space<vmem>>, vector<1x16xf32>,
      %swap3A_1441 = vector.shape_cast %swap3A_1440 : vector<1x16xf32> to vector<16xf32>
      %swap3A_1442 = vector.shape_cast %get3A_1436 : vector<16xf32> to vector<1x16xf32>
      tpu.vector_store %arg11[%swap3A_1438, %swap3A_1439], %swap3A_1442 {strides = array<i32>} : memref<80x128xf32, #tpu.memory_space<vmem>>, vector<1x16xf32>,
      %get3A_1443 = arith.constant 400 : index
      %get3A_1444 = tpu.vector_load %arg23[%get3A_1443] {strides = array<i32>} : memref<1280xf32, #tpu.memory_space<vmem>>, vector<16xf32>,
      %get3A_1445 = vector.shape_cast %get3A_1444 : vector<16xf32> to vector<16xf32>
      %swap3A_1446 = arith.constant 25 : i32
      %swap3A_1447 = arith.index_cast %swap3A_1446 : i32 to index
      %swap3A_1448 = arith.constant 0 : index
      %swap3A_1449 = tpu.vector_load %arg11[%swap3A_1447, %swap3A_1448] {strides = array<i32>} : memref<80x128xf32, #tpu.memory_space<vmem>>, vector<1x16xf32>,
      %swap3A_1450 = vector.shape_cast %swap3A_1449 : vector<1x16xf32> to vector<16xf32>
      %swap3A_1451 = vector.shape_cast %get3A_1445 : vector<16xf32> to vector<1x16xf32>
      tpu.vector_store %arg11[%swap3A_1447, %swap3A_1448], %swap3A_1451 {strides = array<i32>} : memref<80x128xf32, #tpu.memory_space<vmem>>, vector<1x16xf32>,
      %get3A_1452 = arith.constant 416 : index
      %get3A_1453 = tpu.vector_load %arg23[%get3A_1452] {strides = array<i32>} : memref<1280xf32, #tpu.memory_space<vmem>>, vector<16xf32>,
      %get3A_1454 = vector.shape_cast %get3A_1453 : vector<16xf32> to vector<16xf32>
      %swap3A_1455 = arith.constant 26 : i32
      %swap3A_1456 = arith.index_cast %swap3A_1455 : i32 to index
      %swap3A_1457 = arith.constant 0 : index
      %swap3A_1458 = tpu.vector_load %arg11[%swap3A_1456, %swap3A_1457] {strides = array<i32>} : memref<80x128xf32, #tpu.memory_space<vmem>>, vector<1x16xf32>,
      %swap3A_1459 = vector.shape_cast %swap3A_1458 : vector<1x16xf32> to vector<16xf32>
      %swap3A_1460 = vector.shape_cast %get3A_1454 : vector<16xf32> to vector<1x16xf32>
      tpu.vector_store %arg11[%swap3A_1456, %swap3A_1457], %swap3A_1460 {strides = array<i32>} : memref<80x128xf32, #tpu.memory_space<vmem>>, vector<1x16xf32>,
      %get3A_1461 = arith.constant 432 : index
      %get3A_1462 = tpu.vector_load %arg23[%get3A_1461] {strides = array<i32>} : memref<1280xf32, #tpu.memory_space<vmem>>, vector<16xf32>,
      %get3A_1463 = vector.shape_cast %get3A_1462 : vector<16xf32> to vector<16xf32>
      %swap3A_1464 = arith.constant 27 : i32
      %swap3A_1465 = arith.index_cast %swap3A_1464 : i32 to index
      %swap3A_1466 = arith.constant 0 : index
      %swap3A_1467 = tpu.vector_load %arg11[%swap3A_1465, %swap3A_1466] {strides = array<i32>} : memref<80x128xf32, #tpu.memory_space<vmem>>, vector<1x16xf32>,
      %swap3A_1468 = vector.shape_cast %swap3A_1467 : vector<1x16xf32> to vector<16xf32>
      %swap3A_1469 = vector.shape_cast %get3A_1463 : vector<16xf32> to vector<1x16xf32>
      tpu.vector_store %arg11[%swap3A_1465, %swap3A_1466], %swap3A_1469 {strides = array<i32>} : memref<80x128xf32, #tpu.memory_space<vmem>>, vector<1x16xf32>,
      %get3A_1470 = arith.constant 448 : index
      %get3A_1471 = tpu.vector_load %arg23[%get3A_1470] {strides = array<i32>} : memref<1280xf32, #tpu.memory_space<vmem>>, vector<16xf32>,
      %get3A_1472 = vector.shape_cast %get3A_1471 : vector<16xf32> to vector<16xf32>
      %swap3A_1473 = arith.constant 28 : i32
      %swap3A_1474 = arith.index_cast %swap3A_1473 : i32 to index
      %swap3A_1475 = arith.constant 0 : index
      %swap3A_1476 = tpu.vector_load %arg11[%swap3A_1474, %swap3A_1475] {strides = array<i32>} : memref<80x128xf32, #tpu.memory_space<vmem>>, vector<1x16xf32>,
      %swap3A_1477 = vector.shape_cast %swap3A_1476 : vector<1x16xf32> to vector<16xf32>
      %swap3A_1478 = vector.shape_cast %get3A_1472 : vector<16xf32> to vector<1x16xf32>
      tpu.vector_store %arg11[%swap3A_1474, %swap3A_1475], %swap3A_1478 {strides = array<i32>} : memref<80x128xf32, #tpu.memory_space<vmem>>, vector<1x16xf32>,
      %get3A_1479 = arith.constant 464 : index
      %get3A_1480 = tpu.vector_load %arg23[%get3A_1479] {strides = array<i32>} : memref<1280xf32, #tpu.memory_space<vmem>>, vector<16xf32>,
      %get3A_1481 = vector.shape_cast %get3A_1480 : vector<16xf32> to vector<16xf32>
      %swap3A_1482 = arith.constant 29 : i32
      %swap3A_1483 = arith.index_cast %swap3A_1482 : i32 to index
      %swap3A_1484 = arith.constant 0 : index
      %swap3A_1485 = tpu.vector_load %arg11[%swap3A_1483, %swap3A_1484] {strides = array<i32>} : memref<80x128xf32, #tpu.memory_space<vmem>>, vector<1x16xf32>,
      %swap3A_1486 = vector.shape_cast %swap3A_1485 : vector<1x16xf32> to vector<16xf32>
      %swap3A_1487 = vector.shape_cast %get3A_1481 : vector<16xf32> to vector<1x16xf32>
      tpu.vector_store %arg11[%swap3A_1483, %swap3A_1484], %swap3A_1487 {strides = array<i32>} : memref<80x128xf32, #tpu.memory_space<vmem>>, vector<1x16xf32>,
      %get3A_1488 = arith.constant 480 : index
      %get3A_1489 = tpu.vector_load %arg23[%get3A_1488] {strides = array<i32>} : memref<1280xf32, #tpu.memory_space<vmem>>, vector<16xf32>,
      %get3A_1490 = vector.shape_cast %get3A_1489 : vector<16xf32> to vector<16xf32>
      %swap3A_1491 = arith.constant 30 : i32
      %swap3A_1492 = arith.index_cast %swap3A_1491 : i32 to index
      %swap3A_1493 = arith.constant 0 : index
      %swap3A_1494 = tpu.vector_load %arg11[%swap3A_1492, %swap3A_1493] {strides = array<i32>} : memref<80x128xf32, #tpu.memory_space<vmem>>, vector<1x16xf32>,
      %swap3A_1495 = vector.shape_cast %swap3A_1494 : vector<1x16xf32> to vector<16xf32>
      %swap3A_1496 = vector.shape_cast %get3A_1490 : vector<16xf32> to vector<1x16xf32>
      tpu.vector_store %arg11[%swap3A_1492, %swap3A_1493], %swap3A_1496 {strides = array<i32>} : memref<80x128xf32, #tpu.memory_space<vmem>>, vector<1x16xf32>,
      %get3A_1497 = arith.constant 496 : index
      %get3A_1498 = tpu.vector_load %arg23[%get3A_1497] {strides = array<i32>} : memref<1280xf32, #tpu.memory_space<vmem>>, vector<16xf32>,
      %get3A_1499 = vector.shape_cast %get3A_1498 : vector<16xf32> to vector<16xf32>
      %swap3A_1500 = arith.constant 31 : i32
      %swap3A_1501 = arith.index_cast %swap3A_1500 : i32 to index
      %swap3A_1502 = arith.constant 0 : index
      %swap3A_1503 = tpu.vector_load %arg11[%swap3A_1501, %swap3A_1502] {strides = array<i32>} : memref<80x128xf32, #tpu.memory_space<vmem>>, vector<1x16xf32>,
      %swap3A_1504 = vector.shape_cast %swap3A_1503 : vector<1x16xf32> to vector<16xf32>
      %swap3A_1505 = vector.shape_cast %get3A_1499 : vector<16xf32> to vector<1x16xf32>
      tpu.vector_store %arg11[%swap3A_1501, %swap3A_1502], %swap3A_1505 {strides = array<i32>} : memref<80x128xf32, #tpu.memory_space<vmem>>, vector<1x16xf32>,
      %get3A_1506 = arith.constant 512 : index
      %get3A_1507 = tpu.vector_load %arg23[%get3A_1506] {strides = array<i32>} : memref<1280xf32, #tpu.memory_space<vmem>>, vector<16xf32>,
      %get3A_1508 = vector.shape_cast %get3A_1507 : vector<16xf32> to vector<16xf32>
      %swap3A_1509 = arith.constant 32 : i32
      %swap3A_1510 = arith.index_cast %swap3A_1509 : i32 to index
      %swap3A_1511 = arith.constant 0 : index
      %swap3A_1512 = tpu.vector_load %arg11[%swap3A_1510, %swap3A_1511] {strides = array<i32>} : memref<80x128xf32, #tpu.memory_space<vmem>>, vector<1x16xf32>,
      %swap3A_1513 = vector.shape_cast %swap3A_1512 : vector<1x16xf32> to vector<16xf32>
      %swap3A_1514 = vector.shape_cast %get3A_1508 : vector<16xf32> to vector<1x16xf32>
      tpu.vector_store %arg11[%swap3A_1510, %swap3A_1511], %swap3A_1514 {strides = array<i32>} : memref<80x128xf32, #tpu.memory_space<vmem>>, vector<1x16xf32>,
      %get3A_1515 = arith.constant 528 : index
      %get3A_1516 = tpu.vector_load %arg23[%get3A_1515] {strides = array<i32>} : memref<1280xf32, #tpu.memory_space<vmem>>, vector<16xf32>,
      %get3A_1517 = vector.shape_cast %get3A_1516 : vector<16xf32> to vector<16xf32>
      %swap3A_1518 = arith.constant 33 : i32
      %swap3A_1519 = arith.index_cast %swap3A_1518 : i32 to index
      %swap3A_1520 = arith.constant 0 : index
      %swap3A_1521 = tpu.vector_load %arg11[%swap3A_1519, %swap3A_1520] {strides = array<i32>} : memref<80x128xf32, #tpu.memory_space<vmem>>, vector<1x16xf32>,
      %swap3A_1522 = vector.shape_cast %swap3A_1521 : vector<1x16xf32> to vector<16xf32>
      %swap3A_1523 = vector.shape_cast %get3A_1517 : vector<16xf32> to vector<1x16xf32>
      tpu.vector_store %arg11[%swap3A_1519, %swap3A_1520], %swap3A_1523 {strides = array<i32>} : memref<80x128xf32, #tpu.memory_space<vmem>>, vector<1x16xf32>,
      %get3A_1524 = arith.constant 544 : index
      %get3A_1525 = tpu.vector_load %arg23[%get3A_1524] {strides = array<i32>} : memref<1280xf32, #tpu.memory_space<vmem>>, vector<16xf32>,
      %get3A_1526 = vector.shape_cast %get3A_1525 : vector<16xf32> to vector<16xf32>
      %swap3A_1527 = arith.constant 34 : i32
      %swap3A_1528 = arith.index_cast %swap3A_1527 : i32 to index
      %swap3A_1529 = arith.constant 0 : index
      %swap3A_1530 = tpu.vector_load %arg11[%swap3A_1528, %swap3A_1529] {strides = array<i32>} : memref<80x128xf32, #tpu.memory_space<vmem>>, vector<1x16xf32>,
      %swap3A_1531 = vector.shape_cast %swap3A_1530 : vector<1x16xf32> to vector<16xf32>
      %swap3A_1532 = vector.shape_cast %get3A_1526 : vector<16xf32> to vector<1x16xf32>
      tpu.vector_store %arg11[%swap3A_1528, %swap3A_1529], %swap3A_1532 {strides = array<i32>} : memref<80x128xf32, #tpu.memory_space<vmem>>, vector<1x16xf32>,
      %get3A_1533 = arith.constant 560 : index
      %get3A_1534 = tpu.vector_load %arg23[%get3A_1533] {strides = array<i32>} : memref<1280xf32, #tpu.memory_space<vmem>>, vector<16xf32>,
      %get3A_1535 = vector.shape_cast %get3A_1534 : vector<16xf32> to vector<16xf32>
      %swap3A_1536 = arith.constant 35 : i32
      %swap3A_1537 = arith.index_cast %swap3A_1536 : i32 to index
      %swap3A_1538 = arith.constant 0 : index
      %swap3A_1539 = tpu.vector_load %arg11[%swap3A_1537, %swap3A_1538] {strides = array<i32>} : memref<80x128xf32, #tpu.memory_space<vmem>>, vector<1x16xf32>,
      %swap3A_1540 = vector.shape_cast %swap3A_1539 : vector<1x16xf32> to vector<16xf32>
      %swap3A_1541 = vector.shape_cast %get3A_1535 : vector<16xf32> to vector<1x16xf32>
      tpu.vector_store %arg11[%swap3A_1537, %swap3A_1538], %swap3A_1541 {strides = array<i32>} : memref<80x128xf32, #tpu.memory_space<vmem>>, vector<1x16xf32>,
      %get3A_1542 = arith.constant 576 : index
      %get3A_1543 = tpu.vector_load %arg23[%get3A_1542] {strides = array<i32>} : memref<1280xf32, #tpu.memory_space<vmem>>, vector<16xf32>,
      %get3A_1544 = vector.shape_cast %get3A_1543 : vector<16xf32> to vector<16xf32>
      %swap3A_1545 = arith.constant 36 : i32
      %swap3A_1546 = arith.index_cast %swap3A_1545 : i32 to index
      %swap3A_1547 = arith.constant 0 : index
      %swap3A_1548 = tpu.vector_load %arg11[%swap3A_1546, %swap3A_1547] {strides = array<i32>} : memref<80x128xf32, #tpu.memory_space<vmem>>, vector<1x16xf32>,
      %swap3A_1549 = vector.shape_cast %swap3A_1548 : vector<1x16xf32> to vector<16xf32>
      %swap3A_1550 = vector.shape_cast %get3A_1544 : vector<16xf32> to vector<1x16xf32>
      tpu.vector_store %arg11[%swap3A_1546, %swap3A_1547], %swap3A_1550 {strides = array<i32>} : memref<80x128xf32, #tpu.memory_space<vmem>>, vector<1x16xf32>,
      %get3A_1551 = arith.constant 592 : index
      %get3A_1552 = tpu.vector_load %arg23[%get3A_1551] {strides = array<i32>} : memref<1280xf32, #tpu.memory_space<vmem>>, vector<16xf32>,
      %get3A_1553 = vector.shape_cast %get3A_1552 : vector<16xf32> to vector<16xf32>
      %swap3A_1554 = arith.constant 37 : i32
      %swap3A_1555 = arith.index_cast %swap3A_1554 : i32 to index
      %swap3A_1556 = arith.constant 0 : index
      %swap3A_1557 = tpu.vector_load %arg11[%swap3A_1555, %swap3A_1556] {strides = array<i32>} : memref<80x128xf32, #tpu.memory_space<vmem>>, vector<1x16xf32>,
      %swap3A_1558 = vector.shape_cast %swap3A_1557 : vector<1x16xf32> to vector<16xf32>
      %swap3A_1559 = vector.shape_cast %get3A_1553 : vector<16xf32> to vector<1x16xf32>
      tpu.vector_store %arg11[%swap3A_1555, %swap3A_1556], %swap3A_1559 {strides = array<i32>} : memref<80x128xf32, #tpu.memory_space<vmem>>, vector<1x16xf32>,
      %get3A_1560 = arith.constant 608 : index
      %get3A_1561 = tpu.vector_load %arg23[%get3A_1560] {strides = array<i32>} : memref<1280xf32, #tpu.memory_space<vmem>>, vector<16xf32>,
      %get3A_1562 = vector.shape_cast %get3A_1561 : vector<16xf32> to vector<16xf32>
      %swap3A_1563 = arith.constant 38 : i32
      %swap3A_1564 = arith.index_cast %swap3A_1563 : i32 to index
      %swap3A_1565 = arith.constant 0 : index
      %swap3A_1566 = tpu.vector_load %arg11[%swap3A_1564, %swap3A_1565] {strides = array<i32>} : memref<80x128xf32, #tpu.memory_space<vmem>>, vector<1x16xf32>,
      %swap3A_1567 = vector.shape_cast %swap3A_1566 : vector<1x16xf32> to vector<16xf32>
      %swap3A_1568 = vector.shape_cast %get3A_1562 : vector<16xf32> to vector<1x16xf32>
      tpu.vector_store %arg11[%swap3A_1564, %swap3A_1565], %swap3A_1568 {strides = array<i32>} : memref<80x128xf32, #tpu.memory_space<vmem>>, vector<1x16xf32>,
      %get3A_1569 = arith.constant 624 : index
      %get3A_1570 = tpu.vector_load %arg23[%get3A_1569] {strides = array<i32>} : memref<1280xf32, #tpu.memory_space<vmem>>, vector<16xf32>,
      %get3A_1571 = vector.shape_cast %get3A_1570 : vector<16xf32> to vector<16xf32>
      %swap3A_1572 = arith.constant 39 : i32
      %swap3A_1573 = arith.index_cast %swap3A_1572 : i32 to index
      %swap3A_1574 = arith.constant 0 : index
      %swap3A_1575 = tpu.vector_load %arg11[%swap3A_1573, %swap3A_1574] {strides = array<i32>} : memref<80x128xf32, #tpu.memory_space<vmem>>, vector<1x16xf32>,
      %swap3A_1576 = vector.shape_cast %swap3A_1575 : vector<1x16xf32> to vector<16xf32>
      %swap3A_1577 = vector.shape_cast %get3A_1571 : vector<16xf32> to vector<1x16xf32>
      tpu.vector_store %arg11[%swap3A_1573, %swap3A_1574], %swap3A_1577 {strides = array<i32>} : memref<80x128xf32, #tpu.memory_space<vmem>>, vector<1x16xf32>,
      %get3A_1578 = arith.constant 640 : index
      %get3A_1579 = tpu.vector_load %arg23[%get3A_1578] {strides = array<i32>} : memref<1280xf32, #tpu.memory_space<vmem>>, vector<16xf32>,
      %get3A_1580 = vector.shape_cast %get3A_1579 : vector<16xf32> to vector<16xf32>
      %swap3A_1581 = arith.constant 40 : i32
      %swap3A_1582 = arith.index_cast %swap3A_1581 : i32 to index
      %swap3A_1583 = arith.constant 0 : index
      %swap3A_1584 = tpu.vector_load %arg11[%swap3A_1582, %swap3A_1583] {strides = array<i32>} : memref<80x128xf32, #tpu.memory_space<vmem>>, vector<1x16xf32>,
      %swap3A_1585 = vector.shape_cast %swap3A_1584 : vector<1x16xf32> to vector<16xf32>
      %swap3A_1586 = vector.shape_cast %get3A_1580 : vector<16xf32> to vector<1x16xf32>
      tpu.vector_store %arg11[%swap3A_1582, %swap3A_1583], %swap3A_1586 {strides = array<i32>} : memref<80x128xf32, #tpu.memory_space<vmem>>, vector<1x16xf32>,
      %get3A_1587 = arith.constant 656 : index
      %get3A_1588 = tpu.vector_load %arg23[%get3A_1587] {strides = array<i32>} : memref<1280xf32, #tpu.memory_space<vmem>>, vector<16xf32>,
      %get3A_1589 = vector.shape_cast %get3A_1588 : vector<16xf32> to vector<16xf32>
      %swap3A_1590 = arith.constant 41 : i32
      %swap3A_1591 = arith.index_cast %swap3A_1590 : i32 to index
      %swap3A_1592 = arith.constant 0 : index
      %swap3A_1593 = tpu.vector_load %arg11[%swap3A_1591, %swap3A_1592] {strides = array<i32>} : memref<80x128xf32, #tpu.memory_space<vmem>>, vector<1x16xf32>,
      %swap3A_1594 = vector.shape_cast %swap3A_1593 : vector<1x16xf32> to vector<16xf32>
      %swap3A_1595 = vector.shape_cast %get3A_1589 : vector<16xf32> to vector<1x16xf32>
      tpu.vector_store %arg11[%swap3A_1591, %swap3A_1592], %swap3A_1595 {strides = array<i32>} : memref<80x128xf32, #tpu.memory_space<vmem>>, vector<1x16xf32>,
      %get3A_1596 = arith.constant 672 : index
      %get3A_1597 = tpu.vector_load %arg23[%get3A_1596] {strides = array<i32>} : memref<1280xf32, #tpu.memory_space<vmem>>, vector<16xf32>,
      %get3A_1598 = vector.shape_cast %get3A_1597 : vector<16xf32> to vector<16xf32>
      %swap3A_1599 = arith.constant 42 : i32
      %swap3A_1600 = arith.index_cast %swap3A_1599 : i32 to index
      %swap3A_1601 = arith.constant 0 : index
      %swap3A_1602 = tpu.vector_load %arg11[%swap3A_1600, %swap3A_1601] {strides = array<i32>} : memref<80x128xf32, #tpu.memory_space<vmem>>, vector<1x16xf32>,
      %swap3A_1603 = vector.shape_cast %swap3A_1602 : vector<1x16xf32> to vector<16xf32>
      %swap3A_1604 = vector.shape_cast %get3A_1598 : vector<16xf32> to vector<1x16xf32>
      tpu.vector_store %arg11[%swap3A_1600, %swap3A_1601], %swap3A_1604 {strides = array<i32>} : memref<80x128xf32, #tpu.memory_space<vmem>>, vector<1x16xf32>,
      %get3A_1605 = arith.constant 688 : index
      %get3A_1606 = tpu.vector_load %arg23[%get3A_1605] {strides = array<i32>} : memref<1280xf32, #tpu.memory_space<vmem>>, vector<16xf32>,
      %get3A_1607 = vector.shape_cast %get3A_1606 : vector<16xf32> to vector<16xf32>
      %swap3A_1608 = arith.constant 43 : i32
      %swap3A_1609 = arith.index_cast %swap3A_1608 : i32 to index
      %swap3A_1610 = arith.constant 0 : index
      %swap3A_1611 = tpu.vector_load %arg11[%swap3A_1609, %swap3A_1610] {strides = array<i32>} : memref<80x128xf32, #tpu.memory_space<vmem>>, vector<1x16xf32>,
      %swap3A_1612 = vector.shape_cast %swap3A_1611 : vector<1x16xf32> to vector<16xf32>
      %swap3A_1613 = vector.shape_cast %get3A_1607 : vector<16xf32> to vector<1x16xf32>
      tpu.vector_store %arg11[%swap3A_1609, %swap3A_1610], %swap3A_1613 {strides = array<i32>} : memref<80x128xf32, #tpu.memory_space<vmem>>, vector<1x16xf32>,
      %get3A_1614 = arith.constant 704 : index
      %get3A_1615 = tpu.vector_load %arg23[%get3A_1614] {strides = array<i32>} : memref<1280xf32, #tpu.memory_space<vmem>>, vector<16xf32>,
      %get3A_1616 = vector.shape_cast %get3A_1615 : vector<16xf32> to vector<16xf32>
      %swap3A_1617 = arith.constant 44 : i32
      %swap3A_1618 = arith.index_cast %swap3A_1617 : i32 to index
      %swap3A_1619 = arith.constant 0 : index
      %swap3A_1620 = tpu.vector_load %arg11[%swap3A_1618, %swap3A_1619] {strides = array<i32>} : memref<80x128xf32, #tpu.memory_space<vmem>>, vector<1x16xf32>,
      %swap3A_1621 = vector.shape_cast %swap3A_1620 : vector<1x16xf32> to vector<16xf32>
      %swap3A_1622 = vector.shape_cast %get3A_1616 : vector<16xf32> to vector<1x16xf32>
      tpu.vector_store %arg11[%swap3A_1618, %swap3A_1619], %swap3A_1622 {strides = array<i32>} : memref<80x128xf32, #tpu.memory_space<vmem>>, vector<1x16xf32>,
      %get3A_1623 = arith.constant 720 : index
      %get3A_1624 = tpu.vector_load %arg23[%get3A_1623] {strides = array<i32>} : memref<1280xf32, #tpu.memory_space<vmem>>, vector<16xf32>,
      %get3A_1625 = vector.shape_cast %get3A_1624 : vector<16xf32> to vector<16xf32>
      %swap3A_1626 = arith.constant 45 : i32
      %swap3A_1627 = arith.index_cast %swap3A_1626 : i32 to index
      %swap3A_1628 = arith.constant 0 : index
      %swap3A_1629 = tpu.vector_load %arg11[%swap3A_1627, %swap3A_1628] {strides = array<i32>} : memref<80x128xf32, #tpu.memory_space<vmem>>, vector<1x16xf32>,
      %swap3A_1630 = vector.shape_cast %swap3A_1629 : vector<1x16xf32> to vector<16xf32>
      %swap3A_1631 = vector.shape_cast %get3A_1625 : vector<16xf32> to vector<1x16xf32>
      tpu.vector_store %arg11[%swap3A_1627, %swap3A_1628], %swap3A_1631 {strides = array<i32>} : memref<80x128xf32, #tpu.memory_space<vmem>>, vector<1x16xf32>,
      %get3A_1632 = arith.constant 736 : index
      %get3A_1633 = tpu.vector_load %arg23[%get3A_1632] {strides = array<i32>} : memref<1280xf32, #tpu.memory_space<vmem>>, vector<16xf32>,
      %get3A_1634 = vector.shape_cast %get3A_1633 : vector<16xf32> to vector<16xf32>
      %swap3A_1635 = arith.constant 46 : i32
      %swap3A_1636 = arith.index_cast %swap3A_1635 : i32 to index
      %swap3A_1637 = arith.constant 0 : index
      %swap3A_1638 = tpu.vector_load %arg11[%swap3A_1636, %swap3A_1637] {strides = array<i32>} : memref<80x128xf32, #tpu.memory_space<vmem>>, vector<1x16xf32>,
      %swap3A_1639 = vector.shape_cast %swap3A_1638 : vector<1x16xf32> to vector<16xf32>
      %swap3A_1640 = vector.shape_cast %get3A_1634 : vector<16xf32> to vector<1x16xf32>
      tpu.vector_store %arg11[%swap3A_1636, %swap3A_1637], %swap3A_1640 {strides = array<i32>} : memref<80x128xf32, #tpu.memory_space<vmem>>, vector<1x16xf32>,
      %get3A_1641 = arith.constant 752 : index
      %get3A_1642 = tpu.vector_load %arg23[%get3A_1641] {strides = array<i32>} : memref<1280xf32, #tpu.memory_space<vmem>>, vector<16xf32>,
      %get3A_1643 = vector.shape_cast %get3A_1642 : vector<16xf32> to vector<16xf32>
      %swap3A_1644 = arith.constant 47 : i32
      %swap3A_1645 = arith.index_cast %swap3A_1644 : i32 to index
      %swap3A_1646 = arith.constant 0 : index
      %swap3A_1647 = tpu.vector_load %arg11[%swap3A_1645, %swap3A_1646] {strides = array<i32>} : memref<80x128xf32, #tpu.memory_space<vmem>>, vector<1x16xf32>,
      %swap3A_1648 = vector.shape_cast %swap3A_1647 : vector<1x16xf32> to vector<16xf32>
      %swap3A_1649 = vector.shape_cast %get3A_1643 : vector<16xf32> to vector<1x16xf32>
      tpu.vector_store %arg11[%swap3A_1645, %swap3A_1646], %swap3A_1649 {strides = array<i32>} : memref<80x128xf32, #tpu.memory_space<vmem>>, vector<1x16xf32>,
      %get3A_1650 = arith.constant 768 : index
      %get3A_1651 = tpu.vector_load %arg23[%get3A_1650] {strides = array<i32>} : memref<1280xf32, #tpu.memory_space<vmem>>, vector<16xf32>,
      %get3A_1652 = vector.shape_cast %get3A_1651 : vector<16xf32> to vector<16xf32>
      %swap3A_1653 = arith.constant 48 : i32
      %swap3A_1654 = arith.index_cast %swap3A_1653 : i32 to index
      %swap3A_1655 = arith.constant 0 : index
      %swap3A_1656 = tpu.vector_load %arg11[%swap3A_1654, %swap3A_1655] {strides = array<i32>} : memref<80x128xf32, #tpu.memory_space<vmem>>, vector<1x16xf32>,
      %swap3A_1657 = vector.shape_cast %swap3A_1656 : vector<1x16xf32> to vector<16xf32>
      %swap3A_1658 = vector.shape_cast %get3A_1652 : vector<16xf32> to vector<1x16xf32>
      tpu.vector_store %arg11[%swap3A_1654, %swap3A_1655], %swap3A_1658 {strides = array<i32>} : memref<80x128xf32, #tpu.memory_space<vmem>>, vector<1x16xf32>,
      %get3A_1659 = arith.constant 784 : index
      %get3A_1660 = tpu.vector_load %arg23[%get3A_1659] {strides = array<i32>} : memref<1280xf32, #tpu.memory_space<vmem>>, vector<16xf32>,
      %get3A_1661 = vector.shape_cast %get3A_1660 : vector<16xf32> to vector<16xf32>
      %swap3A_1662 = arith.constant 49 : i32
      %swap3A_1663 = arith.index_cast %swap3A_1662 : i32 to index
      %swap3A_1664 = arith.constant 0 : index
      %swap3A_1665 = tpu.vector_load %arg11[%swap3A_1663, %swap3A_1664] {strides = array<i32>} : memref<80x128xf32, #tpu.memory_space<vmem>>, vector<1x16xf32>,
      %swap3A_1666 = vector.shape_cast %swap3A_1665 : vector<1x16xf32> to vector<16xf32>
      %swap3A_1667 = vector.shape_cast %get3A_1661 : vector<16xf32> to vector<1x16xf32>
      tpu.vector_store %arg11[%swap3A_1663, %swap3A_1664], %swap3A_1667 {strides = array<i32>} : memref<80x128xf32, #tpu.memory_space<vmem>>, vector<1x16xf32>,
      %get3A_1668 = arith.constant 800 : index
      %get3A_1669 = tpu.vector_load %arg23[%get3A_1668] {strides = array<i32>} : memref<1280xf32, #tpu.memory_space<vmem>>, vector<16xf32>,
      %get3A_1670 = vector.shape_cast %get3A_1669 : vector<16xf32> to vector<16xf32>
      %swap3A_1671 = arith.constant 50 : i32
      %swap3A_1672 = arith.index_cast %swap3A_1671 : i32 to index
      %swap3A_1673 = arith.constant 0 : index
      %swap3A_1674 = tpu.vector_load %arg11[%swap3A_1672, %swap3A_1673] {strides = array<i32>} : memref<80x128xf32, #tpu.memory_space<vmem>>, vector<1x16xf32>,
      %swap3A_1675 = vector.shape_cast %swap3A_1674 : vector<1x16xf32> to vector<16xf32>
      %swap3A_1676 = vector.shape_cast %get3A_1670 : vector<16xf32> to vector<1x16xf32>
      tpu.vector_store %arg11[%swap3A_1672, %swap3A_1673], %swap3A_1676 {strides = array<i32>} : memref<80x128xf32, #tpu.memory_space<vmem>>, vector<1x16xf32>,
      %get3A_1677 = arith.constant 816 : index
      %get3A_1678 = tpu.vector_load %arg23[%get3A_1677] {strides = array<i32>} : memref<1280xf32, #tpu.memory_space<vmem>>, vector<16xf32>,
      %get3A_1679 = vector.shape_cast %get3A_1678 : vector<16xf32> to vector<16xf32>
      %swap3A_1680 = arith.constant 51 : i32
      %swap3A_1681 = arith.index_cast %swap3A_1680 : i32 to index
      %swap3A_1682 = arith.constant 0 : index
      %swap3A_1683 = tpu.vector_load %arg11[%swap3A_1681, %swap3A_1682] {strides = array<i32>} : memref<80x128xf32, #tpu.memory_space<vmem>>, vector<1x16xf32>,
      %swap3A_1684 = vector.shape_cast %swap3A_1683 : vector<1x16xf32> to vector<16xf32>
      %swap3A_1685 = vector.shape_cast %get3A_1679 : vector<16xf32> to vector<1x16xf32>
      tpu.vector_store %arg11[%swap3A_1681, %swap3A_1682], %swap3A_1685 {strides = array<i32>} : memref<80x128xf32, #tpu.memory_space<vmem>>, vector<1x16xf32>,
      %get3A_1686 = arith.constant 832 : index
      %get3A_1687 = tpu.vector_load %arg23[%get3A_1686] {strides = array<i32>} : memref<1280xf32, #tpu.memory_space<vmem>>, vector<16xf32>,
      %get3A_1688 = vector.shape_cast %get3A_1687 : vector<16xf32> to vector<16xf32>
      %swap3A_1689 = arith.constant 52 : i32
      %swap3A_1690 = arith.index_cast %swap3A_1689 : i32 to index
      %swap3A_1691 = arith.constant 0 : index
      %swap3A_1692 = tpu.vector_load %arg11[%swap3A_1690, %swap3A_1691] {strides = array<i32>} : memref<80x128xf32, #tpu.memory_space<vmem>>, vector<1x16xf32>,
      %swap3A_1693 = vector.shape_cast %swap3A_1692 : vector<1x16xf32> to vector<16xf32>
      %swap3A_1694 = vector.shape_cast %get3A_1688 : vector<16xf32> to vector<1x16xf32>
      tpu.vector_store %arg11[%swap3A_1690, %swap3A_1691], %swap3A_1694 {strides = array<i32>} : memref<80x128xf32, #tpu.memory_space<vmem>>, vector<1x16xf32>,
      %get3A_1695 = arith.constant 848 : index
      %get3A_1696 = tpu.vector_load %arg23[%get3A_1695] {strides = array<i32>} : memref<1280xf32, #tpu.memory_space<vmem>>, vector<16xf32>,
      %get3A_1697 = vector.shape_cast %get3A_1696 : vector<16xf32> to vector<16xf32>
      %swap3A_1698 = arith.constant 53 : i32
      %swap3A_1699 = arith.index_cast %swap3A_1698 : i32 to index
      %swap3A_1700 = arith.constant 0 : index
      %swap3A_1701 = tpu.vector_load %arg11[%swap3A_1699, %swap3A_1700] {strides = array<i32>} : memref<80x128xf32, #tpu.memory_space<vmem>>, vector<1x16xf32>,
      %swap3A_1702 = vector.shape_cast %swap3A_1701 : vector<1x16xf32> to vector<16xf32>
      %swap3A_1703 = vector.shape_cast %get3A_1697 : vector<16xf32> to vector<1x16xf32>
      tpu.vector_store %arg11[%swap3A_1699, %swap3A_1700], %swap3A_1703 {strides = array<i32>} : memref<80x128xf32, #tpu.memory_space<vmem>>, vector<1x16xf32>,
      %get3A_1704 = arith.constant 864 : index
      %get3A_1705 = tpu.vector_load %arg23[%get3A_1704] {strides = array<i32>} : memref<1280xf32, #tpu.memory_space<vmem>>, vector<16xf32>,
      %get3A_1706 = vector.shape_cast %get3A_1705 : vector<16xf32> to vector<16xf32>
      %swap3A_1707 = arith.constant 54 : i32
      %swap3A_1708 = arith.index_cast %swap3A_1707 : i32 to index
      %swap3A_1709 = arith.constant 0 : index
      %swap3A_1710 = tpu.vector_load %arg11[%swap3A_1708, %swap3A_1709] {strides = array<i32>} : memref<80x128xf32, #tpu.memory_space<vmem>>, vector<1x16xf32>,
      %swap3A_1711 = vector.shape_cast %swap3A_1710 : vector<1x16xf32> to vector<16xf32>
      %swap3A_1712 = vector.shape_cast %get3A_1706 : vector<16xf32> to vector<1x16xf32>
      tpu.vector_store %arg11[%swap3A_1708, %swap3A_1709], %swap3A_1712 {strides = array<i32>} : memref<80x128xf32, #tpu.memory_space<vmem>>, vector<1x16xf32>,
      %get3A_1713 = arith.constant 880 : index
      %get3A_1714 = tpu.vector_load %arg23[%get3A_1713] {strides = array<i32>} : memref<1280xf32, #tpu.memory_space<vmem>>, vector<16xf32>,
      %get3A_1715 = vector.shape_cast %get3A_1714 : vector<16xf32> to vector<16xf32>
      %swap3A_1716 = arith.constant 55 : i32
      %swap3A_1717 = arith.index_cast %swap3A_1716 : i32 to index
      %swap3A_1718 = arith.constant 0 : index
      %swap3A_1719 = tpu.vector_load %arg11[%swap3A_1717, %swap3A_1718] {strides = array<i32>} : memref<80x128xf32, #tpu.memory_space<vmem>>, vector<1x16xf32>,
      %swap3A_1720 = vector.shape_cast %swap3A_1719 : vector<1x16xf32> to vector<16xf32>
      %swap3A_1721 = vector.shape_cast %get3A_1715 : vector<16xf32> to vector<1x16xf32>
      tpu.vector_store %arg11[%swap3A_1717, %swap3A_1718], %swap3A_1721 {strides = array<i32>} : memref<80x128xf32, #tpu.memory_space<vmem>>, vector<1x16xf32>,
      %get3A_1722 = arith.constant 896 : index
      %get3A_1723 = tpu.vector_load %arg23[%get3A_1722] {strides = array<i32>} : memref<1280xf32, #tpu.memory_space<vmem>>, vector<16xf32>,
      %get3A_1724 = vector.shape_cast %get3A_1723 : vector<16xf32> to vector<16xf32>
      %swap3A_1725 = arith.constant 56 : i32
      %swap3A_1726 = arith.index_cast %swap3A_1725 : i32 to index
      %swap3A_1727 = arith.constant 0 : index
      %swap3A_1728 = tpu.vector_load %arg11[%swap3A_1726, %swap3A_1727] {strides = array<i32>} : memref<80x128xf32, #tpu.memory_space<vmem>>, vector<1x16xf32>,
      %swap3A_1729 = vector.shape_cast %swap3A_1728 : vector<1x16xf32> to vector<16xf32>
      %swap3A_1730 = vector.shape_cast %get3A_1724 : vector<16xf32> to vector<1x16xf32>
      tpu.vector_store %arg11[%swap3A_1726, %swap3A_1727], %swap3A_1730 {strides = array<i32>} : memref<80x128xf32, #tpu.memory_space<vmem>>, vector<1x16xf32>,
      %get3A_1731 = arith.constant 912 : index
      %get3A_1732 = tpu.vector_load %arg23[%get3A_1731] {strides = array<i32>} : memref<1280xf32, #tpu.memory_space<vmem>>, vector<16xf32>,
      %get3A_1733 = vector.shape_cast %get3A_1732 : vector<16xf32> to vector<16xf32>
      %swap3A_1734 = arith.constant 57 : i32
      %swap3A_1735 = arith.index_cast %swap3A_1734 : i32 to index
      %swap3A_1736 = arith.constant 0 : index
      %swap3A_1737 = tpu.vector_load %arg11[%swap3A_1735, %swap3A_1736] {strides = array<i32>} : memref<80x128xf32, #tpu.memory_space<vmem>>, vector<1x16xf32>,
      %swap3A_1738 = vector.shape_cast %swap3A_1737 : vector<1x16xf32> to vector<16xf32>
      %swap3A_1739 = vector.shape_cast %get3A_1733 : vector<16xf32> to vector<1x16xf32>
      tpu.vector_store %arg11[%swap3A_1735, %swap3A_1736], %swap3A_1739 {strides = array<i32>} : memref<80x128xf32, #tpu.memory_space<vmem>>, vector<1x16xf32>,
      %get3A_1740 = arith.constant 928 : index
      %get3A_1741 = tpu.vector_load %arg23[%get3A_1740] {strides = array<i32>} : memref<1280xf32, #tpu.memory_space<vmem>>, vector<16xf32>,
      %get3A_1742 = vector.shape_cast %get3A_1741 : vector<16xf32> to vector<16xf32>
      %swap3A_1743 = arith.constant 58 : i32
      %swap3A_1744 = arith.index_cast %swap3A_1743 : i32 to index
      %swap3A_1745 = arith.constant 0 : index
      %swap3A_1746 = tpu.vector_load %arg11[%swap3A_1744, %swap3A_1745] {strides = array<i32>} : memref<80x128xf32, #tpu.memory_space<vmem>>, vector<1x16xf32>,
      %swap3A_1747 = vector.shape_cast %swap3A_1746 : vector<1x16xf32> to vector<16xf32>
      %swap3A_1748 = vector.shape_cast %get3A_1742 : vector<16xf32> to vector<1x16xf32>
      tpu.vector_store %arg11[%swap3A_1744, %swap3A_1745], %swap3A_1748 {strides = array<i32>} : memref<80x128xf32, #tpu.memory_space<vmem>>, vector<1x16xf32>,
      %get3A_1749 = arith.constant 944 : index
      %get3A_1750 = tpu.vector_load %arg23[%get3A_1749] {strides = array<i32>} : memref<1280xf32, #tpu.memory_space<vmem>>, vector<16xf32>,
      %get3A_1751 = vector.shape_cast %get3A_1750 : vector<16xf32> to vector<16xf32>
      %swap3A_1752 = arith.constant 59 : i32
      %swap3A_1753 = arith.index_cast %swap3A_1752 : i32 to index
      %swap3A_1754 = arith.constant 0 : index
      %swap3A_1755 = tpu.vector_load %arg11[%swap3A_1753, %swap3A_1754] {strides = array<i32>} : memref<80x128xf32, #tpu.memory_space<vmem>>, vector<1x16xf32>,
      %swap3A_1756 = vector.shape_cast %swap3A_1755 : vector<1x16xf32> to vector<16xf32>
      %swap3A_1757 = vector.shape_cast %get3A_1751 : vector<16xf32> to vector<1x16xf32>
      tpu.vector_store %arg11[%swap3A_1753, %swap3A_1754], %swap3A_1757 {strides = array<i32>} : memref<80x128xf32, #tpu.memory_space<vmem>>, vector<1x16xf32>,
      %get3A_1758 = arith.constant 960 : index
      %get3A_1759 = tpu.vector_load %arg23[%get3A_1758] {strides = array<i32>} : memref<1280xf32, #tpu.memory_space<vmem>>, vector<16xf32>,
      %get3A_1760 = vector.shape_cast %get3A_1759 : vector<16xf32> to vector<16xf32>
      %swap3A_1761 = arith.constant 60 : i32
      %swap3A_1762 = arith.index_cast %swap3A_1761 : i32 to index
      %swap3A_1763 = arith.constant 0 : index
      %swap3A_1764 = tpu.vector_load %arg11[%swap3A_1762, %swap3A_1763] {strides = array<i32>} : memref<80x128xf32, #tpu.memory_space<vmem>>, vector<1x16xf32>,
      %swap3A_1765 = vector.shape_cast %swap3A_1764 : vector<1x16xf32> to vector<16xf32>
      %swap3A_1766 = vector.shape_cast %get3A_1760 : vector<16xf32> to vector<1x16xf32>
      tpu.vector_store %arg11[%swap3A_1762, %swap3A_1763], %swap3A_1766 {strides = array<i32>} : memref<80x128xf32, #tpu.memory_space<vmem>>, vector<1x16xf32>,
      %get3A_1767 = arith.constant 976 : index
      %get3A_1768 = tpu.vector_load %arg23[%get3A_1767] {strides = array<i32>} : memref<1280xf32, #tpu.memory_space<vmem>>, vector<16xf32>,
      %get3A_1769 = vector.shape_cast %get3A_1768 : vector<16xf32> to vector<16xf32>
      %swap3A_1770 = arith.constant 61 : i32
      %swap3A_1771 = arith.index_cast %swap3A_1770 : i32 to index
      %swap3A_1772 = arith.constant 0 : index
      %swap3A_1773 = tpu.vector_load %arg11[%swap3A_1771, %swap3A_1772] {strides = array<i32>} : memref<80x128xf32, #tpu.memory_space<vmem>>, vector<1x16xf32>,
      %swap3A_1774 = vector.shape_cast %swap3A_1773 : vector<1x16xf32> to vector<16xf32>
      %swap3A_1775 = vector.shape_cast %get3A_1769 : vector<16xf32> to vector<1x16xf32>
      tpu.vector_store %arg11[%swap3A_1771, %swap3A_1772], %swap3A_1775 {strides = array<i32>} : memref<80x128xf32, #tpu.memory_space<vmem>>, vector<1x16xf32>,
      %get3A_1776 = arith.constant 992 : index
      %get3A_1777 = tpu.vector_load %arg23[%get3A_1776] {strides = array<i32>} : memref<1280xf32, #tpu.memory_space<vmem>>, vector<16xf32>,
      %get3A_1778 = vector.shape_cast %get3A_1777 : vector<16xf32> to vector<16xf32>
      %swap3A_1779 = arith.constant 62 : i32
      %swap3A_1780 = arith.index_cast %swap3A_1779 : i32 to index
      %swap3A_1781 = arith.constant 0 : index
      %swap3A_1782 = tpu.vector_load %arg11[%swap3A_1780, %swap3A_1781] {strides = array<i32>} : memref<80x128xf32, #tpu.memory_space<vmem>>, vector<1x16xf32>,
      %swap3A_1783 = vector.shape_cast %swap3A_1782 : vector<1x16xf32> to vector<16xf32>
      %swap3A_1784 = vector.shape_cast %get3A_1778 : vector<16xf32> to vector<1x16xf32>
      tpu.vector_store %arg11[%swap3A_1780, %swap3A_1781], %swap3A_1784 {strides = array<i32>} : memref<80x128xf32, #tpu.memory_space<vmem>>, vector<1x16xf32>,
      %get3A_1785 = arith.constant 1008 : index
      %get3A_1786 = tpu.vector_load %arg23[%get3A_1785] {strides = array<i32>} : memref<1280xf32, #tpu.memory_space<vmem>>, vector<16xf32>,
      %get3A_1787 = vector.shape_cast %get3A_1786 : vector<16xf32> to vector<16xf32>
      %swap3A_1788 = arith.constant 63 : i32
      %swap3A_1789 = arith.index_cast %swap3A_1788 : i32 to index
      %swap3A_1790 = arith.constant 0 : index
      %swap3A_1791 = tpu.vector_load %arg11[%swap3A_1789, %swap3A_1790] {strides = array<i32>} : memref<80x128xf32, #tpu.memory_space<vmem>>, vector<1x16xf32>,
      %swap3A_1792 = vector.shape_cast %swap3A_1791 : vector<1x16xf32> to vector<16xf32>
      %swap3A_1793 = vector.shape_cast %get3A_1787 : vector<16xf32> to vector<1x16xf32>
      tpu.vector_store %arg11[%swap3A_1789, %swap3A_1790], %swap3A_1793 {strides = array<i32>} : memref<80x128xf32, #tpu.memory_space<vmem>>, vector<1x16xf32>,
      %get3A_1794 = arith.constant 1024 : index
      %get3A_1795 = tpu.vector_load %arg23[%get3A_1794] {strides = array<i32>} : memref<1280xf32, #tpu.memory_space<vmem>>, vector<16xf32>,
      %get3A_1796 = vector.shape_cast %get3A_1795 : vector<16xf32> to vector<16xf32>
      %swap3A_1797 = arith.constant 64 : i32
      %swap3A_1798 = arith.index_cast %swap3A_1797 : i32 to index
      %swap3A_1799 = arith.constant 0 : index
      %swap3A_1800 = tpu.vector_load %arg11[%swap3A_1798, %swap3A_1799] {strides = array<i32>} : memref<80x128xf32, #tpu.memory_space<vmem>>, vector<1x16xf32>,
      %swap3A_1801 = vector.shape_cast %swap3A_1800 : vector<1x16xf32> to vector<16xf32>
      %swap3A_1802 = vector.shape_cast %get3A_1796 : vector<16xf32> to vector<1x16xf32>
      tpu.vector_store %arg11[%swap3A_1798, %swap3A_1799], %swap3A_1802 {strides = array<i32>} : memref<80x128xf32, #tpu.memory_space<vmem>>, vector<1x16xf32>,
      %get3A_1803 = arith.constant 1040 : index
      %get3A_1804 = tpu.vector_load %arg23[%get3A_1803] {strides = array<i32>} : memref<1280xf32, #tpu.memory_space<vmem>>, vector<16xf32>,
      %get3A_1805 = vector.shape_cast %get3A_1804 : vector<16xf32> to vector<16xf32>
      %swap3A_1806 = arith.constant 65 : i32
      %swap3A_1807 = arith.index_cast %swap3A_1806 : i32 to index
      %swap3A_1808 = arith.constant 0 : index
      %swap3A_1809 = tpu.vector_load %arg11[%swap3A_1807, %swap3A_1808] {strides = array<i32>} : memref<80x128xf32, #tpu.memory_space<vmem>>, vector<1x16xf32>,
      %swap3A_1810 = vector.shape_cast %swap3A_1809 : vector<1x16xf32> to vector<16xf32>
      %swap3A_1811 = vector.shape_cast %get3A_1805 : vector<16xf32> to vector<1x16xf32>
      tpu.vector_store %arg11[%swap3A_1807, %swap3A_1808], %swap3A_1811 {strides = array<i32>} : memref<80x128xf32, #tpu.memory_space<vmem>>, vector<1x16xf32>,
      %get3A_1812 = arith.constant 1056 : index
      %get3A_1813 = tpu.vector_load %arg23[%get3A_1812] {strides = array<i32>} : memref<1280xf32, #tpu.memory_space<vmem>>, vector<16xf32>,
      %get3A_1814 = vector.shape_cast %get3A_1813 : vector<16xf32> to vector<16xf32>
      %swap3A_1815 = arith.constant 66 : i32
      %swap3A_1816 = arith.index_cast %swap3A_1815 : i32 to index
      %swap3A_1817 = arith.constant 0 : index
      %swap3A_1818 = tpu.vector_load %arg11[%swap3A_1816, %swap3A_1817] {strides = array<i32>} : memref<80x128xf32, #tpu.memory_space<vmem>>, vector<1x16xf32>,
      %swap3A_1819 = vector.shape_cast %swap3A_1818 : vector<1x16xf32> to vector<16xf32>
      %swap3A_1820 = vector.shape_cast %get3A_1814 : vector<16xf32> to vector<1x16xf32>
      tpu.vector_store %arg11[%swap3A_1816, %swap3A_1817], %swap3A_1820 {strides = array<i32>} : memref<80x128xf32, #tpu.memory_space<vmem>>, vector<1x16xf32>,
      %get3A_1821 = arith.constant 1072 : index
      %get3A_1822 = tpu.vector_load %arg23[%get3A_1821] {strides = array<i32>} : memref<1280xf32, #tpu.memory_space<vmem>>, vector<16xf32>,
      %get3A_1823 = vector.shape_cast %get3A_1822 : vector<16xf32> to vector<16xf32>
      %swap3A_1824 = arith.constant 67 : i32
      %swap3A_1825 = arith.index_cast %swap3A_1824 : i32 to index
      %swap3A_1826 = arith.constant 0 : index
      %swap3A_1827 = tpu.vector_load %arg11[%swap3A_1825, %swap3A_1826] {strides = array<i32>} : memref<80x128xf32, #tpu.memory_space<vmem>>, vector<1x16xf32>,
      %swap3A_1828 = vector.shape_cast %swap3A_1827 : vector<1x16xf32> to vector<16xf32>
      %swap3A_1829 = vector.shape_cast %get3A_1823 : vector<16xf32> to vector<1x16xf32>
      tpu.vector_store %arg11[%swap3A_1825, %swap3A_1826], %swap3A_1829 {strides = array<i32>} : memref<80x128xf32, #tpu.memory_space<vmem>>, vector<1x16xf32>,
      %get3A_1830 = arith.constant 1088 : index
      %get3A_1831 = tpu.vector_load %arg23[%get3A_1830] {strides = array<i32>} : memref<1280xf32, #tpu.memory_space<vmem>>, vector<16xf32>,
      %get3A_1832 = vector.shape_cast %get3A_1831 : vector<16xf32> to vector<16xf32>
      %swap3A_1833 = arith.constant 68 : i32
      %swap3A_1834 = arith.index_cast %swap3A_1833 : i32 to index
      %swap3A_1835 = arith.constant 0 : index
      %swap3A_1836 = tpu.vector_load %arg11[%swap3A_1834, %swap3A_1835] {strides = array<i32>} : memref<80x128xf32, #tpu.memory_space<vmem>>, vector<1x16xf32>,
      %swap3A_1837 = vector.shape_cast %swap3A_1836 : vector<1x16xf32> to vector<16xf32>
      %swap3A_1838 = vector.shape_cast %get3A_1832 : vector<16xf32> to vector<1x16xf32>
      tpu.vector_store %arg11[%swap3A_1834, %swap3A_1835], %swap3A_1838 {strides = array<i32>} : memref<80x128xf32, #tpu.memory_space<vmem>>, vector<1x16xf32>,
      %get3A_1839 = arith.constant 1104 : index
      %get3A_1840 = tpu.vector_load %arg23[%get3A_1839] {strides = array<i32>} : memref<1280xf32, #tpu.memory_space<vmem>>, vector<16xf32>,
      %get3A_1841 = vector.shape_cast %get3A_1840 : vector<16xf32> to vector<16xf32>
      %swap3A_1842 = arith.constant 69 : i32
      %swap3A_1843 = arith.index_cast %swap3A_1842 : i32 to index
      %swap3A_1844 = arith.constant 0 : index
      %swap3A_1845 = tpu.vector_load %arg11[%swap3A_1843, %swap3A_1844] {strides = array<i32>} : memref<80x128xf32, #tpu.memory_space<vmem>>, vector<1x16xf32>,
      %swap3A_1846 = vector.shape_cast %swap3A_1845 : vector<1x16xf32> to vector<16xf32>
      %swap3A_1847 = vector.shape_cast %get3A_1841 : vector<16xf32> to vector<1x16xf32>
      tpu.vector_store %arg11[%swap3A_1843, %swap3A_1844], %swap3A_1847 {strides = array<i32>} : memref<80x128xf32, #tpu.memory_space<vmem>>, vector<1x16xf32>,
      %get3A_1848 = arith.constant 1120 : index
      %get3A_1849 = tpu.vector_load %arg23[%get3A_1848] {strides = array<i32>} : memref<1280xf32, #tpu.memory_space<vmem>>, vector<16xf32>,
      %get3A_1850 = vector.shape_cast %get3A_1849 : vector<16xf32> to vector<16xf32>
      %swap3A_1851 = arith.constant 70 : i32
      %swap3A_1852 = arith.index_cast %swap3A_1851 : i32 to index
      %swap3A_1853 = arith.constant 0 : index
      %swap3A_1854 = tpu.vector_load %arg11[%swap3A_1852, %swap3A_1853] {strides = array<i32>} : memref<80x128xf32, #tpu.memory_space<vmem>>, vector<1x16xf32>,
      %swap3A_1855 = vector.shape_cast %swap3A_1854 : vector<1x16xf32> to vector<16xf32>
      %swap3A_1856 = vector.shape_cast %get3A_1850 : vector<16xf32> to vector<1x16xf32>
      tpu.vector_store %arg11[%swap3A_1852, %swap3A_1853], %swap3A_1856 {strides = array<i32>} : memref<80x128xf32, #tpu.memory_space<vmem>>, vector<1x16xf32>,
      %get3A_1857 = arith.constant 1136 : index
      %get3A_1858 = tpu.vector_load %arg23[%get3A_1857] {strides = array<i32>} : memref<1280xf32, #tpu.memory_space<vmem>>, vector<16xf32>,
      %get3A_1859 = vector.shape_cast %get3A_1858 : vector<16xf32> to vector<16xf32>
      %swap3A_1860 = arith.constant 71 : i32
      %swap3A_1861 = arith.index_cast %swap3A_1860 : i32 to index
      %swap3A_1862 = arith.constant 0 : index
      %swap3A_1863 = tpu.vector_load %arg11[%swap3A_1861, %swap3A_1862] {strides = array<i32>} : memref<80x128xf32, #tpu.memory_space<vmem>>, vector<1x16xf32>,
      %swap3A_1864 = vector.shape_cast %swap3A_1863 : vector<1x16xf32> to vector<16xf32>
      %swap3A_1865 = vector.shape_cast %get3A_1859 : vector<16xf32> to vector<1x16xf32>
      tpu.vector_store %arg11[%swap3A_1861, %swap3A_1862], %swap3A_1865 {strides = array<i32>} : memref<80x128xf32, #tpu.memory_space<vmem>>, vector<1x16xf32>,
      %get3A_1866 = arith.constant 1152 : index
      %get3A_1867 = tpu.vector_load %arg23[%get3A_1866] {strides = array<i32>} : memref<1280xf32, #tpu.memory_space<vmem>>, vector<16xf32>,
      %get3A_1868 = vector.shape_cast %get3A_1867 : vector<16xf32> to vector<16xf32>
      %swap3A_1869 = arith.constant 72 : i32
      %swap3A_1870 = arith.index_cast %swap3A_1869 : i32 to index
      %swap3A_1871 = arith.constant 0 : index
      %swap3A_1872 = tpu.vector_load %arg11[%swap3A_1870, %swap3A_1871] {strides = array<i32>} : memref<80x128xf32, #tpu.memory_space<vmem>>, vector<1x16xf32>,
      %swap3A_1873 = vector.shape_cast %swap3A_1872 : vector<1x16xf32> to vector<16xf32>
      %swap3A_1874 = vector.shape_cast %get3A_1868 : vector<16xf32> to vector<1x16xf32>
      tpu.vector_store %arg11[%swap3A_1870, %swap3A_1871], %swap3A_1874 {strides = array<i32>} : memref<80x128xf32, #tpu.memory_space<vmem>>, vector<1x16xf32>,
      %get3A_1875 = arith.constant 1168 : index
      %get3A_1876 = tpu.vector_load %arg23[%get3A_1875] {strides = array<i32>} : memref<1280xf32, #tpu.memory_space<vmem>>, vector<16xf32>,
      %get3A_1877 = vector.shape_cast %get3A_1876 : vector<16xf32> to vector<16xf32>
      %swap3A_1878 = arith.constant 73 : i32
      %swap3A_1879 = arith.index_cast %swap3A_1878 : i32 to index
      %swap3A_1880 = arith.constant 0 : index
      %swap3A_1881 = tpu.vector_load %arg11[%swap3A_1879, %swap3A_1880] {strides = array<i32>} : memref<80x128xf32, #tpu.memory_space<vmem>>, vector<1x16xf32>,
      %swap3A_1882 = vector.shape_cast %swap3A_1881 : vector<1x16xf32> to vector<16xf32>
      %swap3A_1883 = vector.shape_cast %get3A_1877 : vector<16xf32> to vector<1x16xf32>
      tpu.vector_store %arg11[%swap3A_1879, %swap3A_1880], %swap3A_1883 {strides = array<i32>} : memref<80x128xf32, #tpu.memory_space<vmem>>, vector<1x16xf32>,
      %get3A_1884 = arith.constant 1184 : index
      %get3A_1885 = tpu.vector_load %arg23[%get3A_1884] {strides = array<i32>} : memref<1280xf32, #tpu.memory_space<vmem>>, vector<16xf32>,
      %get3A_1886 = vector.shape_cast %get3A_1885 : vector<16xf32> to vector<16xf32>
      %swap3A_1887 = arith.constant 74 : i32
      %swap3A_1888 = arith.index_cast %swap3A_1887 : i32 to index
      %swap3A_1889 = arith.constant 0 : index
      %swap3A_1890 = tpu.vector_load %arg11[%swap3A_1888, %swap3A_1889] {strides = array<i32>} : memref<80x128xf32, #tpu.memory_space<vmem>>, vector<1x16xf32>,
      %swap3A_1891 = vector.shape_cast %swap3A_1890 : vector<1x16xf32> to vector<16xf32>
      %swap3A_1892 = vector.shape_cast %get3A_1886 : vector<16xf32> to vector<1x16xf32>
      tpu.vector_store %arg11[%swap3A_1888, %swap3A_1889], %swap3A_1892 {strides = array<i32>} : memref<80x128xf32, #tpu.memory_space<vmem>>, vector<1x16xf32>,
      %get3A_1893 = arith.constant 1200 : index
      %get3A_1894 = tpu.vector_load %arg23[%get3A_1893] {strides = array<i32>} : memref<1280xf32, #tpu.memory_space<vmem>>, vector<16xf32>,
      %get3A_1895 = vector.shape_cast %get3A_1894 : vector<16xf32> to vector<16xf32>
      %swap3A_1896 = arith.constant 75 : i32
      %swap3A_1897 = arith.index_cast %swap3A_1896 : i32 to index
      %swap3A_1898 = arith.constant 0 : index
      %swap3A_1899 = tpu.vector_load %arg11[%swap3A_1897, %swap3A_1898] {strides = array<i32>} : memref<80x128xf32, #tpu.memory_space<vmem>>, vector<1x16xf32>,
      %swap3A_1900 = vector.shape_cast %swap3A_1899 : vector<1x16xf32> to vector<16xf32>
      %swap3A_1901 = vector.shape_cast %get3A_1895 : vector<16xf32> to vector<1x16xf32>
      tpu.vector_store %arg11[%swap3A_1897, %swap3A_1898], %swap3A_1901 {strides = array<i32>} : memref<80x128xf32, #tpu.memory_space<vmem>>, vector<1x16xf32>,
      %get3A_1902 = arith.constant 1216 : index
      %get3A_1903 = tpu.vector_load %arg23[%get3A_1902] {strides = array<i32>} : memref<1280xf32, #tpu.memory_space<vmem>>, vector<16xf32>,
      %get3A_1904 = vector.shape_cast %get3A_1903 : vector<16xf32> to vector<16xf32>
      %swap3A_1905 = arith.constant 76 : i32
      %swap3A_1906 = arith.index_cast %swap3A_1905 : i32 to index
      %swap3A_1907 = arith.constant 0 : index
      %swap3A_1908 = tpu.vector_load %arg11[%swap3A_1906, %swap3A_1907] {strides = array<i32>} : memref<80x128xf32, #tpu.memory_space<vmem>>, vector<1x16xf32>,
      %swap3A_1909 = vector.shape_cast %swap3A_1908 : vector<1x16xf32> to vector<16xf32>
      %swap3A_1910 = vector.shape_cast %get3A_1904 : vector<16xf32> to vector<1x16xf32>
      tpu.vector_store %arg11[%swap3A_1906, %swap3A_1907], %swap3A_1910 {strides = array<i32>} : memref<80x128xf32, #tpu.memory_space<vmem>>, vector<1x16xf32>,
      %get3A_1911 = arith.constant 1232 : index
      %get3A_1912 = tpu.vector_load %arg23[%get3A_1911] {strides = array<i32>} : memref<1280xf32, #tpu.memory_space<vmem>>, vector<16xf32>,
      %get3A_1913 = vector.shape_cast %get3A_1912 : vector<16xf32> to vector<16xf32>
      %swap3A_1914 = arith.constant 77 : i32
      %swap3A_1915 = arith.index_cast %swap3A_1914 : i32 to index
      %swap3A_1916 = arith.constant 0 : index
      %swap3A_1917 = tpu.vector_load %arg11[%swap3A_1915, %swap3A_1916] {strides = array<i32>} : memref<80x128xf32, #tpu.memory_space<vmem>>, vector<1x16xf32>,
      %swap3A_1918 = vector.shape_cast %swap3A_1917 : vector<1x16xf32> to vector<16xf32>
      %swap3A_1919 = vector.shape_cast %get3A_1913 : vector<16xf32> to vector<1x16xf32>
      tpu.vector_store %arg11[%swap3A_1915, %swap3A_1916], %swap3A_1919 {strides = array<i32>} : memref<80x128xf32, #tpu.memory_space<vmem>>, vector<1x16xf32>,
      %get3A_1920 = arith.constant 1248 : index
      %get3A_1921 = tpu.vector_load %arg23[%get3A_1920] {strides = array<i32>} : memref<1280xf32, #tpu.memory_space<vmem>>, vector<16xf32>,
      %get3A_1922 = vector.shape_cast %get3A_1921 : vector<16xf32> to vector<16xf32>
      %swap3A_1923 = arith.constant 78 : i32
      %swap3A_1924 = arith.index_cast %swap3A_1923 : i32 to index
      %swap3A_1925 = arith.constant 0 : index
      %swap3A_1926 = tpu.vector_load %arg11[%swap3A_1924, %swap3A_1925] {strides = array<i32>} : memref<80x128xf32, #tpu.memory_space<vmem>>, vector<1x16xf32>,
      %swap3A_1927 = vector.shape_cast %swap3A_1926 : vector<1x16xf32> to vector<16xf32>
      %swap3A_1928 = vector.shape_cast %get3A_1922 : vector<16xf32> to vector<1x16xf32>
      tpu.vector_store %arg11[%swap3A_1924, %swap3A_1925], %swap3A_1928 {strides = array<i32>} : memref<80x128xf32, #tpu.memory_space<vmem>>, vector<1x16xf32>,
      %get3A_1929 = arith.constant 1264 : index
      %get3A_1930 = tpu.vector_load %arg23[%get3A_1929] {strides = array<i32>} : memref<1280xf32, #tpu.memory_space<vmem>>, vector<16xf32>,
      %get3A_1931 = vector.shape_cast %get3A_1930 : vector<16xf32> to vector<16xf32>
      %swap3A_1932 = arith.constant 79 : i32
      %swap3A_1933 = arith.index_cast %swap3A_1932 : i32 to index
      %swap3A_1934 = arith.constant 0 : index
      %swap3A_1935 = tpu.vector_load %arg11[%swap3A_1933, %swap3A_1934] {strides = array<i32>} : memref<80x128xf32, #tpu.memory_space<vmem>>, vector<1x16xf32>,
      %swap3A_1936 = vector.shape_cast %swap3A_1935 : vector<1x16xf32> to vector<16xf32>
      %swap3A_1937 = vector.shape_cast %get3A_1931 : vector<16xf32> to vector<1x16xf32>
      tpu.vector_store %arg11[%swap3A_1933, %swap3A_1934], %swap3A_1937 {strides = array<i32>} : memref<80x128xf32, #tpu.memory_space<vmem>>, vector<1x16xf32>,
      "tpu.region"() ({
        %run_scoped3A = tpu.sem_alloc : memref<!tpu.dma_semaphore, #tpu.memory_space<semaphore_mem>>
        %dma_start3A_2660 = arith.constant 0 : i32
        %dma_start3A_2661 = arith.constant 0 : i32
        %dma_start3A_2662 = tpu.memref_slice %arg6[%dma_start3A_2660, %dma_start3A_2661] : memref<10240x128xf32, #tpu.memory_space<vmem_shared>> -> memref<10240x128xf32, #tpu.memory_space<vmem_shared>>
        tpu.enqueue_indirect_dma source(%arg11 : memref<80x128xf32, #tpu.memory_space<vmem>>) target(%dma_start3A_2662 : memref<10240x128xf32, #tpu.memory_space<vmem_shared>>) offsets(%arg8 : memref<80xi32, #tpu.memory_space<vmem>>) semaphore(%run_scoped3A : memref<!tpu.dma_semaphore, #tpu.memory_space<semaphore_mem>>) {add = true}
        %dma_wait3A_2663 = arith.constant 0 : i32
        %dma_wait3A_2664 = arith.constant 0 : i32
        %dma_wait3A_2665 = tpu.memref_slice %arg6[%dma_wait3A_2663, %dma_wait3A_2664] : memref<10240x128xf32, #tpu.memory_space<vmem_shared>> -> memref<10240x128xf32, #tpu.memory_space<vmem_shared>>
        tpu.wait_indirect_dma semaphore(%run_scoped3A : memref<!tpu.dma_semaphore, #tpu.memory_space<semaphore_mem>>) src(%arg11 : memref<80x128xf32, #tpu.memory_space<vmem>>) dst(%dma_wait3A_2665 : memref<10240x128xf32, #tpu.memory_space<vmem_shared>>)
        tpu.yield
      }) : () -> ()
      %dma_wait3A_1938 = tpu.memref_slice %arg3[%mul3A_1213] : memref<5120000xf32, #tpu.memory_space<hbm>> -> memref<1280xf32, #tpu.memory_space<hbm>>
      %dma_wait3A_1939 = tpu.memref_slice %arg3[%mul3A_1213] : memref<5120000xf32, #tpu.memory_space<hbm>> -> memref<1280xf32, #tpu.memory_space<hbm>>
      tpu.wait_dma2 semaphore(%arg14 : memref<!tpu.dma_semaphore, #tpu.memory_space<semaphore_mem>>) src(%dma_wait3A_1939 : memref<1280xf32, #tpu.memory_space<hbm>>) dst(%arg24 : memref<1280xf32, #tpu.memory_space<vmem>>)
      %get3A_1940 = arith.constant 0 : index
      %get3A_1941 = tpu.vector_load %arg24[%get3A_1940] {strides = array<i32>} : memref<1280xf32, #tpu.memory_space<vmem>>, vector<16xf32>,
      %get3A_1942 = vector.shape_cast %get3A_1941 : vector<16xf32> to vector<16xf32>
      %swap3A_1943 = arith.constant 0 : i32
      %swap3A_1944 = arith.index_cast %swap3A_1943 : i32 to index
      %swap3A_1945 = arith.constant 0 : index
      %swap3A_1946 = tpu.vector_load %arg12[%swap3A_1944, %swap3A_1945] {strides = array<i32>} : memref<80x128xf32, #tpu.memory_space<vmem>>, vector<1x16xf32>,
      %swap3A_1947 = vector.shape_cast %swap3A_1946 : vector<1x16xf32> to vector<16xf32>
      %swap3A_1948 = vector.shape_cast %get3A_1942 : vector<16xf32> to vector<1x16xf32>
      tpu.vector_store %arg12[%swap3A_1944, %swap3A_1945], %swap3A_1948 {strides = array<i32>} : memref<80x128xf32, #tpu.memory_space<vmem>>, vector<1x16xf32>,
      %get3A_1949 = arith.constant 16 : index
      %get3A_1950 = tpu.vector_load %arg24[%get3A_1949] {strides = array<i32>} : memref<1280xf32, #tpu.memory_space<vmem>>, vector<16xf32>,
      %get3A_1951 = vector.shape_cast %get3A_1950 : vector<16xf32> to vector<16xf32>
      %swap3A_1952 = arith.constant 1 : i32
      %swap3A_1953 = arith.index_cast %swap3A_1952 : i32 to index
      %swap3A_1954 = arith.constant 0 : index
      %swap3A_1955 = tpu.vector_load %arg12[%swap3A_1953, %swap3A_1954] {strides = array<i32>} : memref<80x128xf32, #tpu.memory_space<vmem>>, vector<1x16xf32>,
      %swap3A_1956 = vector.shape_cast %swap3A_1955 : vector<1x16xf32> to vector<16xf32>
      %swap3A_1957 = vector.shape_cast %get3A_1951 : vector<16xf32> to vector<1x16xf32>
      tpu.vector_store %arg12[%swap3A_1953, %swap3A_1954], %swap3A_1957 {strides = array<i32>} : memref<80x128xf32, #tpu.memory_space<vmem>>, vector<1x16xf32>,
      %get3A_1958 = arith.constant 32 : index
      %get3A_1959 = tpu.vector_load %arg24[%get3A_1958] {strides = array<i32>} : memref<1280xf32, #tpu.memory_space<vmem>>, vector<16xf32>,
      %get3A_1960 = vector.shape_cast %get3A_1959 : vector<16xf32> to vector<16xf32>
      %swap3A_1961 = arith.constant 2 : i32
      %swap3A_1962 = arith.index_cast %swap3A_1961 : i32 to index
      %swap3A_1963 = arith.constant 0 : index
      %swap3A_1964 = tpu.vector_load %arg12[%swap3A_1962, %swap3A_1963] {strides = array<i32>} : memref<80x128xf32, #tpu.memory_space<vmem>>, vector<1x16xf32>,
      %swap3A_1965 = vector.shape_cast %swap3A_1964 : vector<1x16xf32> to vector<16xf32>
      %swap3A_1966 = vector.shape_cast %get3A_1960 : vector<16xf32> to vector<1x16xf32>
      tpu.vector_store %arg12[%swap3A_1962, %swap3A_1963], %swap3A_1966 {strides = array<i32>} : memref<80x128xf32, #tpu.memory_space<vmem>>, vector<1x16xf32>,
      %get3A_1967 = arith.constant 48 : index
      %get3A_1968 = tpu.vector_load %arg24[%get3A_1967] {strides = array<i32>} : memref<1280xf32, #tpu.memory_space<vmem>>, vector<16xf32>,
      %get3A_1969 = vector.shape_cast %get3A_1968 : vector<16xf32> to vector<16xf32>
      %swap3A_1970 = arith.constant 3 : i32
      %swap3A_1971 = arith.index_cast %swap3A_1970 : i32 to index
      %swap3A_1972 = arith.constant 0 : index
      %swap3A_1973 = tpu.vector_load %arg12[%swap3A_1971, %swap3A_1972] {strides = array<i32>} : memref<80x128xf32, #tpu.memory_space<vmem>>, vector<1x16xf32>,
      %swap3A_1974 = vector.shape_cast %swap3A_1973 : vector<1x16xf32> to vector<16xf32>
      %swap3A_1975 = vector.shape_cast %get3A_1969 : vector<16xf32> to vector<1x16xf32>
      tpu.vector_store %arg12[%swap3A_1971, %swap3A_1972], %swap3A_1975 {strides = array<i32>} : memref<80x128xf32, #tpu.memory_space<vmem>>, vector<1x16xf32>,
      %get3A_1976 = arith.constant 64 : index
      %get3A_1977 = tpu.vector_load %arg24[%get3A_1976] {strides = array<i32>} : memref<1280xf32, #tpu.memory_space<vmem>>, vector<16xf32>,
      %get3A_1978 = vector.shape_cast %get3A_1977 : vector<16xf32> to vector<16xf32>
      %swap3A_1979 = arith.constant 4 : i32
      %swap3A_1980 = arith.index_cast %swap3A_1979 : i32 to index
      %swap3A_1981 = arith.constant 0 : index
      %swap3A_1982 = tpu.vector_load %arg12[%swap3A_1980, %swap3A_1981] {strides = array<i32>} : memref<80x128xf32, #tpu.memory_space<vmem>>, vector<1x16xf32>,
      %swap3A_1983 = vector.shape_cast %swap3A_1982 : vector<1x16xf32> to vector<16xf32>
      %swap3A_1984 = vector.shape_cast %get3A_1978 : vector<16xf32> to vector<1x16xf32>
      tpu.vector_store %arg12[%swap3A_1980, %swap3A_1981], %swap3A_1984 {strides = array<i32>} : memref<80x128xf32, #tpu.memory_space<vmem>>, vector<1x16xf32>,
      %get3A_1985 = arith.constant 80 : index
      %get3A_1986 = tpu.vector_load %arg24[%get3A_1985] {strides = array<i32>} : memref<1280xf32, #tpu.memory_space<vmem>>, vector<16xf32>,
      %get3A_1987 = vector.shape_cast %get3A_1986 : vector<16xf32> to vector<16xf32>
      %swap3A_1988 = arith.constant 5 : i32
      %swap3A_1989 = arith.index_cast %swap3A_1988 : i32 to index
      %swap3A_1990 = arith.constant 0 : index
      %swap3A_1991 = tpu.vector_load %arg12[%swap3A_1989, %swap3A_1990] {strides = array<i32>} : memref<80x128xf32, #tpu.memory_space<vmem>>, vector<1x16xf32>,
      %swap3A_1992 = vector.shape_cast %swap3A_1991 : vector<1x16xf32> to vector<16xf32>
      %swap3A_1993 = vector.shape_cast %get3A_1987 : vector<16xf32> to vector<1x16xf32>
      tpu.vector_store %arg12[%swap3A_1989, %swap3A_1990], %swap3A_1993 {strides = array<i32>} : memref<80x128xf32, #tpu.memory_space<vmem>>, vector<1x16xf32>,
      %get3A_1994 = arith.constant 96 : index
      %get3A_1995 = tpu.vector_load %arg24[%get3A_1994] {strides = array<i32>} : memref<1280xf32, #tpu.memory_space<vmem>>, vector<16xf32>,
      %get3A_1996 = vector.shape_cast %get3A_1995 : vector<16xf32> to vector<16xf32>
      %swap3A_1997 = arith.constant 6 : i32
      %swap3A_1998 = arith.index_cast %swap3A_1997 : i32 to index
      %swap3A_1999 = arith.constant 0 : index
      %swap3A_2000 = tpu.vector_load %arg12[%swap3A_1998, %swap3A_1999] {strides = array<i32>} : memref<80x128xf32, #tpu.memory_space<vmem>>, vector<1x16xf32>,
      %swap3A_2001 = vector.shape_cast %swap3A_2000 : vector<1x16xf32> to vector<16xf32>
      %swap3A_2002 = vector.shape_cast %get3A_1996 : vector<16xf32> to vector<1x16xf32>
      tpu.vector_store %arg12[%swap3A_1998, %swap3A_1999], %swap3A_2002 {strides = array<i32>} : memref<80x128xf32, #tpu.memory_space<vmem>>, vector<1x16xf32>,
      %get3A_2003 = arith.constant 112 : index
      %get3A_2004 = tpu.vector_load %arg24[%get3A_2003] {strides = array<i32>} : memref<1280xf32, #tpu.memory_space<vmem>>, vector<16xf32>,
      %get3A_2005 = vector.shape_cast %get3A_2004 : vector<16xf32> to vector<16xf32>
      %swap3A_2006 = arith.constant 7 : i32
      %swap3A_2007 = arith.index_cast %swap3A_2006 : i32 to index
      %swap3A_2008 = arith.constant 0 : index
      %swap3A_2009 = tpu.vector_load %arg12[%swap3A_2007, %swap3A_2008] {strides = array<i32>} : memref<80x128xf32, #tpu.memory_space<vmem>>, vector<1x16xf32>,
      %swap3A_2010 = vector.shape_cast %swap3A_2009 : vector<1x16xf32> to vector<16xf32>
      %swap3A_2011 = vector.shape_cast %get3A_2005 : vector<16xf32> to vector<1x16xf32>
      tpu.vector_store %arg12[%swap3A_2007, %swap3A_2008], %swap3A_2011 {strides = array<i32>} : memref<80x128xf32, #tpu.memory_space<vmem>>, vector<1x16xf32>,
      %get3A_2012 = arith.constant 128 : index
      %get3A_2013 = tpu.vector_load %arg24[%get3A_2012] {strides = array<i32>} : memref<1280xf32, #tpu.memory_space<vmem>>, vector<16xf32>,
      %get3A_2014 = vector.shape_cast %get3A_2013 : vector<16xf32> to vector<16xf32>
      %swap3A_2015 = arith.constant 8 : i32
      %swap3A_2016 = arith.index_cast %swap3A_2015 : i32 to index
      %swap3A_2017 = arith.constant 0 : index
      %swap3A_2018 = tpu.vector_load %arg12[%swap3A_2016, %swap3A_2017] {strides = array<i32>} : memref<80x128xf32, #tpu.memory_space<vmem>>, vector<1x16xf32>,
      %swap3A_2019 = vector.shape_cast %swap3A_2018 : vector<1x16xf32> to vector<16xf32>
      %swap3A_2020 = vector.shape_cast %get3A_2014 : vector<16xf32> to vector<1x16xf32>
      tpu.vector_store %arg12[%swap3A_2016, %swap3A_2017], %swap3A_2020 {strides = array<i32>} : memref<80x128xf32, #tpu.memory_space<vmem>>, vector<1x16xf32>,
      %get3A_2021 = arith.constant 144 : index
      %get3A_2022 = tpu.vector_load %arg24[%get3A_2021] {strides = array<i32>} : memref<1280xf32, #tpu.memory_space<vmem>>, vector<16xf32>,
      %get3A_2023 = vector.shape_cast %get3A_2022 : vector<16xf32> to vector<16xf32>
      %swap3A_2024 = arith.constant 9 : i32
      %swap3A_2025 = arith.index_cast %swap3A_2024 : i32 to index
      %swap3A_2026 = arith.constant 0 : index
      %swap3A_2027 = tpu.vector_load %arg12[%swap3A_2025, %swap3A_2026] {strides = array<i32>} : memref<80x128xf32, #tpu.memory_space<vmem>>, vector<1x16xf32>,
      %swap3A_2028 = vector.shape_cast %swap3A_2027 : vector<1x16xf32> to vector<16xf32>
      %swap3A_2029 = vector.shape_cast %get3A_2023 : vector<16xf32> to vector<1x16xf32>
      tpu.vector_store %arg12[%swap3A_2025, %swap3A_2026], %swap3A_2029 {strides = array<i32>} : memref<80x128xf32, #tpu.memory_space<vmem>>, vector<1x16xf32>,
      %get3A_2030 = arith.constant 160 : index
      %get3A_2031 = tpu.vector_load %arg24[%get3A_2030] {strides = array<i32>} : memref<1280xf32, #tpu.memory_space<vmem>>, vector<16xf32>,
      %get3A_2032 = vector.shape_cast %get3A_2031 : vector<16xf32> to vector<16xf32>
      %swap3A_2033 = arith.constant 10 : i32
      %swap3A_2034 = arith.index_cast %swap3A_2033 : i32 to index
      %swap3A_2035 = arith.constant 0 : index
      %swap3A_2036 = tpu.vector_load %arg12[%swap3A_2034, %swap3A_2035] {strides = array<i32>} : memref<80x128xf32, #tpu.memory_space<vmem>>, vector<1x16xf32>,
      %swap3A_2037 = vector.shape_cast %swap3A_2036 : vector<1x16xf32> to vector<16xf32>
      %swap3A_2038 = vector.shape_cast %get3A_2032 : vector<16xf32> to vector<1x16xf32>
      tpu.vector_store %arg12[%swap3A_2034, %swap3A_2035], %swap3A_2038 {strides = array<i32>} : memref<80x128xf32, #tpu.memory_space<vmem>>, vector<1x16xf32>,
      %get3A_2039 = arith.constant 176 : index
      %get3A_2040 = tpu.vector_load %arg24[%get3A_2039] {strides = array<i32>} : memref<1280xf32, #tpu.memory_space<vmem>>, vector<16xf32>,
      %get3A_2041 = vector.shape_cast %get3A_2040 : vector<16xf32> to vector<16xf32>
      %swap3A_2042 = arith.constant 11 : i32
      %swap3A_2043 = arith.index_cast %swap3A_2042 : i32 to index
      %swap3A_2044 = arith.constant 0 : index
      %swap3A_2045 = tpu.vector_load %arg12[%swap3A_2043, %swap3A_2044] {strides = array<i32>} : memref<80x128xf32, #tpu.memory_space<vmem>>, vector<1x16xf32>,
      %swap3A_2046 = vector.shape_cast %swap3A_2045 : vector<1x16xf32> to vector<16xf32>
      %swap3A_2047 = vector.shape_cast %get3A_2041 : vector<16xf32> to vector<1x16xf32>
      tpu.vector_store %arg12[%swap3A_2043, %swap3A_2044], %swap3A_2047 {strides = array<i32>} : memref<80x128xf32, #tpu.memory_space<vmem>>, vector<1x16xf32>,
      %get3A_2048 = arith.constant 192 : index
      %get3A_2049 = tpu.vector_load %arg24[%get3A_2048] {strides = array<i32>} : memref<1280xf32, #tpu.memory_space<vmem>>, vector<16xf32>,
      %get3A_2050 = vector.shape_cast %get3A_2049 : vector<16xf32> to vector<16xf32>
      %swap3A_2051 = arith.constant 12 : i32
      %swap3A_2052 = arith.index_cast %swap3A_2051 : i32 to index
      %swap3A_2053 = arith.constant 0 : index
      %swap3A_2054 = tpu.vector_load %arg12[%swap3A_2052, %swap3A_2053] {strides = array<i32>} : memref<80x128xf32, #tpu.memory_space<vmem>>, vector<1x16xf32>,
      %swap3A_2055 = vector.shape_cast %swap3A_2054 : vector<1x16xf32> to vector<16xf32>
      %swap3A_2056 = vector.shape_cast %get3A_2050 : vector<16xf32> to vector<1x16xf32>
      tpu.vector_store %arg12[%swap3A_2052, %swap3A_2053], %swap3A_2056 {strides = array<i32>} : memref<80x128xf32, #tpu.memory_space<vmem>>, vector<1x16xf32>,
      %get3A_2057 = arith.constant 208 : index
      %get3A_2058 = tpu.vector_load %arg24[%get3A_2057] {strides = array<i32>} : memref<1280xf32, #tpu.memory_space<vmem>>, vector<16xf32>,
      %get3A_2059 = vector.shape_cast %get3A_2058 : vector<16xf32> to vector<16xf32>
      %swap3A_2060 = arith.constant 13 : i32
      %swap3A_2061 = arith.index_cast %swap3A_2060 : i32 to index
      %swap3A_2062 = arith.constant 0 : index
      %swap3A_2063 = tpu.vector_load %arg12[%swap3A_2061, %swap3A_2062] {strides = array<i32>} : memref<80x128xf32, #tpu.memory_space<vmem>>, vector<1x16xf32>,
      %swap3A_2064 = vector.shape_cast %swap3A_2063 : vector<1x16xf32> to vector<16xf32>
      %swap3A_2065 = vector.shape_cast %get3A_2059 : vector<16xf32> to vector<1x16xf32>
      tpu.vector_store %arg12[%swap3A_2061, %swap3A_2062], %swap3A_2065 {strides = array<i32>} : memref<80x128xf32, #tpu.memory_space<vmem>>, vector<1x16xf32>,
      %get3A_2066 = arith.constant 224 : index
      %get3A_2067 = tpu.vector_load %arg24[%get3A_2066] {strides = array<i32>} : memref<1280xf32, #tpu.memory_space<vmem>>, vector<16xf32>,
      %get3A_2068 = vector.shape_cast %get3A_2067 : vector<16xf32> to vector<16xf32>
      %swap3A_2069 = arith.constant 14 : i32
      %swap3A_2070 = arith.index_cast %swap3A_2069 : i32 to index
      %swap3A_2071 = arith.constant 0 : index
      %swap3A_2072 = tpu.vector_load %arg12[%swap3A_2070, %swap3A_2071] {strides = array<i32>} : memref<80x128xf32, #tpu.memory_space<vmem>>, vector<1x16xf32>,
      %swap3A_2073 = vector.shape_cast %swap3A_2072 : vector<1x16xf32> to vector<16xf32>
      %swap3A_2074 = vector.shape_cast %get3A_2068 : vector<16xf32> to vector<1x16xf32>
      tpu.vector_store %arg12[%swap3A_2070, %swap3A_2071], %swap3A_2074 {strides = array<i32>} : memref<80x128xf32, #tpu.memory_space<vmem>>, vector<1x16xf32>,
      %get3A_2075 = arith.constant 240 : index
      %get3A_2076 = tpu.vector_load %arg24[%get3A_2075] {strides = array<i32>} : memref<1280xf32, #tpu.memory_space<vmem>>, vector<16xf32>,
      %get3A_2077 = vector.shape_cast %get3A_2076 : vector<16xf32> to vector<16xf32>
      %swap3A_2078 = arith.constant 15 : i32
      %swap3A_2079 = arith.index_cast %swap3A_2078 : i32 to index
      %swap3A_2080 = arith.constant 0 : index
      %swap3A_2081 = tpu.vector_load %arg12[%swap3A_2079, %swap3A_2080] {strides = array<i32>} : memref<80x128xf32, #tpu.memory_space<vmem>>, vector<1x16xf32>,
      %swap3A_2082 = vector.shape_cast %swap3A_2081 : vector<1x16xf32> to vector<16xf32>
      %swap3A_2083 = vector.shape_cast %get3A_2077 : vector<16xf32> to vector<1x16xf32>
      tpu.vector_store %arg12[%swap3A_2079, %swap3A_2080], %swap3A_2083 {strides = array<i32>} : memref<80x128xf32, #tpu.memory_space<vmem>>, vector<1x16xf32>,
      %get3A_2084 = arith.constant 256 : index
      %get3A_2085 = tpu.vector_load %arg24[%get3A_2084] {strides = array<i32>} : memref<1280xf32, #tpu.memory_space<vmem>>, vector<16xf32>,
      %get3A_2086 = vector.shape_cast %get3A_2085 : vector<16xf32> to vector<16xf32>
      %swap3A_2087 = arith.constant 16 : i32
      %swap3A_2088 = arith.index_cast %swap3A_2087 : i32 to index
      %swap3A_2089 = arith.constant 0 : index
      %swap3A_2090 = tpu.vector_load %arg12[%swap3A_2088, %swap3A_2089] {strides = array<i32>} : memref<80x128xf32, #tpu.memory_space<vmem>>, vector<1x16xf32>,
      %swap3A_2091 = vector.shape_cast %swap3A_2090 : vector<1x16xf32> to vector<16xf32>
      %swap3A_2092 = vector.shape_cast %get3A_2086 : vector<16xf32> to vector<1x16xf32>
      tpu.vector_store %arg12[%swap3A_2088, %swap3A_2089], %swap3A_2092 {strides = array<i32>} : memref<80x128xf32, #tpu.memory_space<vmem>>, vector<1x16xf32>,
      %get3A_2093 = arith.constant 272 : index
      %get3A_2094 = tpu.vector_load %arg24[%get3A_2093] {strides = array<i32>} : memref<1280xf32, #tpu.memory_space<vmem>>, vector<16xf32>,
      %get3A_2095 = vector.shape_cast %get3A_2094 : vector<16xf32> to vector<16xf32>
      %swap3A_2096 = arith.constant 17 : i32
      %swap3A_2097 = arith.index_cast %swap3A_2096 : i32 to index
      %swap3A_2098 = arith.constant 0 : index
      %swap3A_2099 = tpu.vector_load %arg12[%swap3A_2097, %swap3A_2098] {strides = array<i32>} : memref<80x128xf32, #tpu.memory_space<vmem>>, vector<1x16xf32>,
      %swap3A_2100 = vector.shape_cast %swap3A_2099 : vector<1x16xf32> to vector<16xf32>
      %swap3A_2101 = vector.shape_cast %get3A_2095 : vector<16xf32> to vector<1x16xf32>
      tpu.vector_store %arg12[%swap3A_2097, %swap3A_2098], %swap3A_2101 {strides = array<i32>} : memref<80x128xf32, #tpu.memory_space<vmem>>, vector<1x16xf32>,
      %get3A_2102 = arith.constant 288 : index
      %get3A_2103 = tpu.vector_load %arg24[%get3A_2102] {strides = array<i32>} : memref<1280xf32, #tpu.memory_space<vmem>>, vector<16xf32>,
      %get3A_2104 = vector.shape_cast %get3A_2103 : vector<16xf32> to vector<16xf32>
      %swap3A_2105 = arith.constant 18 : i32
      %swap3A_2106 = arith.index_cast %swap3A_2105 : i32 to index
      %swap3A_2107 = arith.constant 0 : index
      %swap3A_2108 = tpu.vector_load %arg12[%swap3A_2106, %swap3A_2107] {strides = array<i32>} : memref<80x128xf32, #tpu.memory_space<vmem>>, vector<1x16xf32>,
      %swap3A_2109 = vector.shape_cast %swap3A_2108 : vector<1x16xf32> to vector<16xf32>
      %swap3A_2110 = vector.shape_cast %get3A_2104 : vector<16xf32> to vector<1x16xf32>
      tpu.vector_store %arg12[%swap3A_2106, %swap3A_2107], %swap3A_2110 {strides = array<i32>} : memref<80x128xf32, #tpu.memory_space<vmem>>, vector<1x16xf32>,
      %get3A_2111 = arith.constant 304 : index
      %get3A_2112 = tpu.vector_load %arg24[%get3A_2111] {strides = array<i32>} : memref<1280xf32, #tpu.memory_space<vmem>>, vector<16xf32>,
      %get3A_2113 = vector.shape_cast %get3A_2112 : vector<16xf32> to vector<16xf32>
      %swap3A_2114 = arith.constant 19 : i32
      %swap3A_2115 = arith.index_cast %swap3A_2114 : i32 to index
      %swap3A_2116 = arith.constant 0 : index
      %swap3A_2117 = tpu.vector_load %arg12[%swap3A_2115, %swap3A_2116] {strides = array<i32>} : memref<80x128xf32, #tpu.memory_space<vmem>>, vector<1x16xf32>,
      %swap3A_2118 = vector.shape_cast %swap3A_2117 : vector<1x16xf32> to vector<16xf32>
      %swap3A_2119 = vector.shape_cast %get3A_2113 : vector<16xf32> to vector<1x16xf32>
      tpu.vector_store %arg12[%swap3A_2115, %swap3A_2116], %swap3A_2119 {strides = array<i32>} : memref<80x128xf32, #tpu.memory_space<vmem>>, vector<1x16xf32>,
      %get3A_2120 = arith.constant 320 : index
      %get3A_2121 = tpu.vector_load %arg24[%get3A_2120] {strides = array<i32>} : memref<1280xf32, #tpu.memory_space<vmem>>, vector<16xf32>,
      %get3A_2122 = vector.shape_cast %get3A_2121 : vector<16xf32> to vector<16xf32>
      %swap3A_2123 = arith.constant 20 : i32
      %swap3A_2124 = arith.index_cast %swap3A_2123 : i32 to index
      %swap3A_2125 = arith.constant 0 : index
      %swap3A_2126 = tpu.vector_load %arg12[%swap3A_2124, %swap3A_2125] {strides = array<i32>} : memref<80x128xf32, #tpu.memory_space<vmem>>, vector<1x16xf32>,
      %swap3A_2127 = vector.shape_cast %swap3A_2126 : vector<1x16xf32> to vector<16xf32>
      %swap3A_2128 = vector.shape_cast %get3A_2122 : vector<16xf32> to vector<1x16xf32>
      tpu.vector_store %arg12[%swap3A_2124, %swap3A_2125], %swap3A_2128 {strides = array<i32>} : memref<80x128xf32, #tpu.memory_space<vmem>>, vector<1x16xf32>,
      %get3A_2129 = arith.constant 336 : index
      %get3A_2130 = tpu.vector_load %arg24[%get3A_2129] {strides = array<i32>} : memref<1280xf32, #tpu.memory_space<vmem>>, vector<16xf32>,
      %get3A_2131 = vector.shape_cast %get3A_2130 : vector<16xf32> to vector<16xf32>
      %swap3A_2132 = arith.constant 21 : i32
      %swap3A_2133 = arith.index_cast %swap3A_2132 : i32 to index
      %swap3A_2134 = arith.constant 0 : index
      %swap3A_2135 = tpu.vector_load %arg12[%swap3A_2133, %swap3A_2134] {strides = array<i32>} : memref<80x128xf32, #tpu.memory_space<vmem>>, vector<1x16xf32>,
      %swap3A_2136 = vector.shape_cast %swap3A_2135 : vector<1x16xf32> to vector<16xf32>
      %swap3A_2137 = vector.shape_cast %get3A_2131 : vector<16xf32> to vector<1x16xf32>
      tpu.vector_store %arg12[%swap3A_2133, %swap3A_2134], %swap3A_2137 {strides = array<i32>} : memref<80x128xf32, #tpu.memory_space<vmem>>, vector<1x16xf32>,
      %get3A_2138 = arith.constant 352 : index
      %get3A_2139 = tpu.vector_load %arg24[%get3A_2138] {strides = array<i32>} : memref<1280xf32, #tpu.memory_space<vmem>>, vector<16xf32>,
      %get3A_2140 = vector.shape_cast %get3A_2139 : vector<16xf32> to vector<16xf32>
      %swap3A_2141 = arith.constant 22 : i32
      %swap3A_2142 = arith.index_cast %swap3A_2141 : i32 to index
      %swap3A_2143 = arith.constant 0 : index
      %swap3A_2144 = tpu.vector_load %arg12[%swap3A_2142, %swap3A_2143] {strides = array<i32>} : memref<80x128xf32, #tpu.memory_space<vmem>>, vector<1x16xf32>,
      %swap3A_2145 = vector.shape_cast %swap3A_2144 : vector<1x16xf32> to vector<16xf32>
      %swap3A_2146 = vector.shape_cast %get3A_2140 : vector<16xf32> to vector<1x16xf32>
      tpu.vector_store %arg12[%swap3A_2142, %swap3A_2143], %swap3A_2146 {strides = array<i32>} : memref<80x128xf32, #tpu.memory_space<vmem>>, vector<1x16xf32>,
      %get3A_2147 = arith.constant 368 : index
      %get3A_2148 = tpu.vector_load %arg24[%get3A_2147] {strides = array<i32>} : memref<1280xf32, #tpu.memory_space<vmem>>, vector<16xf32>,
      %get3A_2149 = vector.shape_cast %get3A_2148 : vector<16xf32> to vector<16xf32>
      %swap3A_2150 = arith.constant 23 : i32
      %swap3A_2151 = arith.index_cast %swap3A_2150 : i32 to index
      %swap3A_2152 = arith.constant 0 : index
      %swap3A_2153 = tpu.vector_load %arg12[%swap3A_2151, %swap3A_2152] {strides = array<i32>} : memref<80x128xf32, #tpu.memory_space<vmem>>, vector<1x16xf32>,
      %swap3A_2154 = vector.shape_cast %swap3A_2153 : vector<1x16xf32> to vector<16xf32>
      %swap3A_2155 = vector.shape_cast %get3A_2149 : vector<16xf32> to vector<1x16xf32>
      tpu.vector_store %arg12[%swap3A_2151, %swap3A_2152], %swap3A_2155 {strides = array<i32>} : memref<80x128xf32, #tpu.memory_space<vmem>>, vector<1x16xf32>,
      %get3A_2156 = arith.constant 384 : index
      %get3A_2157 = tpu.vector_load %arg24[%get3A_2156] {strides = array<i32>} : memref<1280xf32, #tpu.memory_space<vmem>>, vector<16xf32>,
      %get3A_2158 = vector.shape_cast %get3A_2157 : vector<16xf32> to vector<16xf32>
      %swap3A_2159 = arith.constant 24 : i32
      %swap3A_2160 = arith.index_cast %swap3A_2159 : i32 to index
      %swap3A_2161 = arith.constant 0 : index
      %swap3A_2162 = tpu.vector_load %arg12[%swap3A_2160, %swap3A_2161] {strides = array<i32>} : memref<80x128xf32, #tpu.memory_space<vmem>>, vector<1x16xf32>,
      %swap3A_2163 = vector.shape_cast %swap3A_2162 : vector<1x16xf32> to vector<16xf32>
      %swap3A_2164 = vector.shape_cast %get3A_2158 : vector<16xf32> to vector<1x16xf32>
      tpu.vector_store %arg12[%swap3A_2160, %swap3A_2161], %swap3A_2164 {strides = array<i32>} : memref<80x128xf32, #tpu.memory_space<vmem>>, vector<1x16xf32>,
      %get3A_2165 = arith.constant 400 : index
      %get3A_2166 = tpu.vector_load %arg24[%get3A_2165] {strides = array<i32>} : memref<1280xf32, #tpu.memory_space<vmem>>, vector<16xf32>,
      %get3A_2167 = vector.shape_cast %get3A_2166 : vector<16xf32> to vector<16xf32>
      %swap3A_2168 = arith.constant 25 : i32
      %swap3A_2169 = arith.index_cast %swap3A_2168 : i32 to index
      %swap3A_2170 = arith.constant 0 : index
      %swap3A_2171 = tpu.vector_load %arg12[%swap3A_2169, %swap3A_2170] {strides = array<i32>} : memref<80x128xf32, #tpu.memory_space<vmem>>, vector<1x16xf32>,
      %swap3A_2172 = vector.shape_cast %swap3A_2171 : vector<1x16xf32> to vector<16xf32>
      %swap3A_2173 = vector.shape_cast %get3A_2167 : vector<16xf32> to vector<1x16xf32>
      tpu.vector_store %arg12[%swap3A_2169, %swap3A_2170], %swap3A_2173 {strides = array<i32>} : memref<80x128xf32, #tpu.memory_space<vmem>>, vector<1x16xf32>,
      %get3A_2174 = arith.constant 416 : index
      %get3A_2175 = tpu.vector_load %arg24[%get3A_2174] {strides = array<i32>} : memref<1280xf32, #tpu.memory_space<vmem>>, vector<16xf32>,
      %get3A_2176 = vector.shape_cast %get3A_2175 : vector<16xf32> to vector<16xf32>
      %swap3A_2177 = arith.constant 26 : i32
      %swap3A_2178 = arith.index_cast %swap3A_2177 : i32 to index
      %swap3A_2179 = arith.constant 0 : index
      %swap3A_2180 = tpu.vector_load %arg12[%swap3A_2178, %swap3A_2179] {strides = array<i32>} : memref<80x128xf32, #tpu.memory_space<vmem>>, vector<1x16xf32>,
      %swap3A_2181 = vector.shape_cast %swap3A_2180 : vector<1x16xf32> to vector<16xf32>
      %swap3A_2182 = vector.shape_cast %get3A_2176 : vector<16xf32> to vector<1x16xf32>
      tpu.vector_store %arg12[%swap3A_2178, %swap3A_2179], %swap3A_2182 {strides = array<i32>} : memref<80x128xf32, #tpu.memory_space<vmem>>, vector<1x16xf32>,
      %get3A_2183 = arith.constant 432 : index
      %get3A_2184 = tpu.vector_load %arg24[%get3A_2183] {strides = array<i32>} : memref<1280xf32, #tpu.memory_space<vmem>>, vector<16xf32>,
      %get3A_2185 = vector.shape_cast %get3A_2184 : vector<16xf32> to vector<16xf32>
      %swap3A_2186 = arith.constant 27 : i32
      %swap3A_2187 = arith.index_cast %swap3A_2186 : i32 to index
      %swap3A_2188 = arith.constant 0 : index
      %swap3A_2189 = tpu.vector_load %arg12[%swap3A_2187, %swap3A_2188] {strides = array<i32>} : memref<80x128xf32, #tpu.memory_space<vmem>>, vector<1x16xf32>,
      %swap3A_2190 = vector.shape_cast %swap3A_2189 : vector<1x16xf32> to vector<16xf32>
      %swap3A_2191 = vector.shape_cast %get3A_2185 : vector<16xf32> to vector<1x16xf32>
      tpu.vector_store %arg12[%swap3A_2187, %swap3A_2188], %swap3A_2191 {strides = array<i32>} : memref<80x128xf32, #tpu.memory_space<vmem>>, vector<1x16xf32>,
      %get3A_2192 = arith.constant 448 : index
      %get3A_2193 = tpu.vector_load %arg24[%get3A_2192] {strides = array<i32>} : memref<1280xf32, #tpu.memory_space<vmem>>, vector<16xf32>,
      %get3A_2194 = vector.shape_cast %get3A_2193 : vector<16xf32> to vector<16xf32>
      %swap3A_2195 = arith.constant 28 : i32
      %swap3A_2196 = arith.index_cast %swap3A_2195 : i32 to index
      %swap3A_2197 = arith.constant 0 : index
      %swap3A_2198 = tpu.vector_load %arg12[%swap3A_2196, %swap3A_2197] {strides = array<i32>} : memref<80x128xf32, #tpu.memory_space<vmem>>, vector<1x16xf32>,
      %swap3A_2199 = vector.shape_cast %swap3A_2198 : vector<1x16xf32> to vector<16xf32>
      %swap3A_2200 = vector.shape_cast %get3A_2194 : vector<16xf32> to vector<1x16xf32>
      tpu.vector_store %arg12[%swap3A_2196, %swap3A_2197], %swap3A_2200 {strides = array<i32>} : memref<80x128xf32, #tpu.memory_space<vmem>>, vector<1x16xf32>,
      %get3A_2201 = arith.constant 464 : index
      %get3A_2202 = tpu.vector_load %arg24[%get3A_2201] {strides = array<i32>} : memref<1280xf32, #tpu.memory_space<vmem>>, vector<16xf32>,
      %get3A_2203 = vector.shape_cast %get3A_2202 : vector<16xf32> to vector<16xf32>
      %swap3A_2204 = arith.constant 29 : i32
      %swap3A_2205 = arith.index_cast %swap3A_2204 : i32 to index
      %swap3A_2206 = arith.constant 0 : index
      %swap3A_2207 = tpu.vector_load %arg12[%swap3A_2205, %swap3A_2206] {strides = array<i32>} : memref<80x128xf32, #tpu.memory_space<vmem>>, vector<1x16xf32>,
      %swap3A_2208 = vector.shape_cast %swap3A_2207 : vector<1x16xf32> to vector<16xf32>
      %swap3A_2209 = vector.shape_cast %get3A_2203 : vector<16xf32> to vector<1x16xf32>
      tpu.vector_store %arg12[%swap3A_2205, %swap3A_2206], %swap3A_2209 {strides = array<i32>} : memref<80x128xf32, #tpu.memory_space<vmem>>, vector<1x16xf32>,
      %get3A_2210 = arith.constant 480 : index
      %get3A_2211 = tpu.vector_load %arg24[%get3A_2210] {strides = array<i32>} : memref<1280xf32, #tpu.memory_space<vmem>>, vector<16xf32>,
      %get3A_2212 = vector.shape_cast %get3A_2211 : vector<16xf32> to vector<16xf32>
      %swap3A_2213 = arith.constant 30 : i32
      %swap3A_2214 = arith.index_cast %swap3A_2213 : i32 to index
      %swap3A_2215 = arith.constant 0 : index
      %swap3A_2216 = tpu.vector_load %arg12[%swap3A_2214, %swap3A_2215] {strides = array<i32>} : memref<80x128xf32, #tpu.memory_space<vmem>>, vector<1x16xf32>,
      %swap3A_2217 = vector.shape_cast %swap3A_2216 : vector<1x16xf32> to vector<16xf32>
      %swap3A_2218 = vector.shape_cast %get3A_2212 : vector<16xf32> to vector<1x16xf32>
      tpu.vector_store %arg12[%swap3A_2214, %swap3A_2215], %swap3A_2218 {strides = array<i32>} : memref<80x128xf32, #tpu.memory_space<vmem>>, vector<1x16xf32>,
      %get3A_2219 = arith.constant 496 : index
      %get3A_2220 = tpu.vector_load %arg24[%get3A_2219] {strides = array<i32>} : memref<1280xf32, #tpu.memory_space<vmem>>, vector<16xf32>,
      %get3A_2221 = vector.shape_cast %get3A_2220 : vector<16xf32> to vector<16xf32>
      %swap3A_2222 = arith.constant 31 : i32
      %swap3A_2223 = arith.index_cast %swap3A_2222 : i32 to index
      %swap3A_2224 = arith.constant 0 : index
      %swap3A_2225 = tpu.vector_load %arg12[%swap3A_2223, %swap3A_2224] {strides = array<i32>} : memref<80x128xf32, #tpu.memory_space<vmem>>, vector<1x16xf32>,
      %swap3A_2226 = vector.shape_cast %swap3A_2225 : vector<1x16xf32> to vector<16xf32>
      %swap3A_2227 = vector.shape_cast %get3A_2221 : vector<16xf32> to vector<1x16xf32>
      tpu.vector_store %arg12[%swap3A_2223, %swap3A_2224], %swap3A_2227 {strides = array<i32>} : memref<80x128xf32, #tpu.memory_space<vmem>>, vector<1x16xf32>,
      %get3A_2228 = arith.constant 512 : index
      %get3A_2229 = tpu.vector_load %arg24[%get3A_2228] {strides = array<i32>} : memref<1280xf32, #tpu.memory_space<vmem>>, vector<16xf32>,
      %get3A_2230 = vector.shape_cast %get3A_2229 : vector<16xf32> to vector<16xf32>
      %swap3A_2231 = arith.constant 32 : i32
      %swap3A_2232 = arith.index_cast %swap3A_2231 : i32 to index
      %swap3A_2233 = arith.constant 0 : index
      %swap3A_2234 = tpu.vector_load %arg12[%swap3A_2232, %swap3A_2233] {strides = array<i32>} : memref<80x128xf32, #tpu.memory_space<vmem>>, vector<1x16xf32>,
      %swap3A_2235 = vector.shape_cast %swap3A_2234 : vector<1x16xf32> to vector<16xf32>
      %swap3A_2236 = vector.shape_cast %get3A_2230 : vector<16xf32> to vector<1x16xf32>
      tpu.vector_store %arg12[%swap3A_2232, %swap3A_2233], %swap3A_2236 {strides = array<i32>} : memref<80x128xf32, #tpu.memory_space<vmem>>, vector<1x16xf32>,
      %get3A_2237 = arith.constant 528 : index
      %get3A_2238 = tpu.vector_load %arg24[%get3A_2237] {strides = array<i32>} : memref<1280xf32, #tpu.memory_space<vmem>>, vector<16xf32>,
      %get3A_2239 = vector.shape_cast %get3A_2238 : vector<16xf32> to vector<16xf32>
      %swap3A_2240 = arith.constant 33 : i32
      %swap3A_2241 = arith.index_cast %swap3A_2240 : i32 to index
      %swap3A_2242 = arith.constant 0 : index
      %swap3A_2243 = tpu.vector_load %arg12[%swap3A_2241, %swap3A_2242] {strides = array<i32>} : memref<80x128xf32, #tpu.memory_space<vmem>>, vector<1x16xf32>,
      %swap3A_2244 = vector.shape_cast %swap3A_2243 : vector<1x16xf32> to vector<16xf32>
      %swap3A_2245 = vector.shape_cast %get3A_2239 : vector<16xf32> to vector<1x16xf32>
      tpu.vector_store %arg12[%swap3A_2241, %swap3A_2242], %swap3A_2245 {strides = array<i32>} : memref<80x128xf32, #tpu.memory_space<vmem>>, vector<1x16xf32>,
      %get3A_2246 = arith.constant 544 : index
      %get3A_2247 = tpu.vector_load %arg24[%get3A_2246] {strides = array<i32>} : memref<1280xf32, #tpu.memory_space<vmem>>, vector<16xf32>,
      %get3A_2248 = vector.shape_cast %get3A_2247 : vector<16xf32> to vector<16xf32>
      %swap3A_2249 = arith.constant 34 : i32
      %swap3A_2250 = arith.index_cast %swap3A_2249 : i32 to index
      %swap3A_2251 = arith.constant 0 : index
      %swap3A_2252 = tpu.vector_load %arg12[%swap3A_2250, %swap3A_2251] {strides = array<i32>} : memref<80x128xf32, #tpu.memory_space<vmem>>, vector<1x16xf32>,
      %swap3A_2253 = vector.shape_cast %swap3A_2252 : vector<1x16xf32> to vector<16xf32>
      %swap3A_2254 = vector.shape_cast %get3A_2248 : vector<16xf32> to vector<1x16xf32>
      tpu.vector_store %arg12[%swap3A_2250, %swap3A_2251], %swap3A_2254 {strides = array<i32>} : memref<80x128xf32, #tpu.memory_space<vmem>>, vector<1x16xf32>,
      %get3A_2255 = arith.constant 560 : index
      %get3A_2256 = tpu.vector_load %arg24[%get3A_2255] {strides = array<i32>} : memref<1280xf32, #tpu.memory_space<vmem>>, vector<16xf32>,
      %get3A_2257 = vector.shape_cast %get3A_2256 : vector<16xf32> to vector<16xf32>
      %swap3A_2258 = arith.constant 35 : i32
      %swap3A_2259 = arith.index_cast %swap3A_2258 : i32 to index
      %swap3A_2260 = arith.constant 0 : index
      %swap3A_2261 = tpu.vector_load %arg12[%swap3A_2259, %swap3A_2260] {strides = array<i32>} : memref<80x128xf32, #tpu.memory_space<vmem>>, vector<1x16xf32>,
      %swap3A_2262 = vector.shape_cast %swap3A_2261 : vector<1x16xf32> to vector<16xf32>
      %swap3A_2263 = vector.shape_cast %get3A_2257 : vector<16xf32> to vector<1x16xf32>
      tpu.vector_store %arg12[%swap3A_2259, %swap3A_2260], %swap3A_2263 {strides = array<i32>} : memref<80x128xf32, #tpu.memory_space<vmem>>, vector<1x16xf32>,
      %get3A_2264 = arith.constant 576 : index
      %get3A_2265 = tpu.vector_load %arg24[%get3A_2264] {strides = array<i32>} : memref<1280xf32, #tpu.memory_space<vmem>>, vector<16xf32>,
      %get3A_2266 = vector.shape_cast %get3A_2265 : vector<16xf32> to vector<16xf32>
      %swap3A_2267 = arith.constant 36 : i32
      %swap3A_2268 = arith.index_cast %swap3A_2267 : i32 to index
      %swap3A_2269 = arith.constant 0 : index
      %swap3A_2270 = tpu.vector_load %arg12[%swap3A_2268, %swap3A_2269] {strides = array<i32>} : memref<80x128xf32, #tpu.memory_space<vmem>>, vector<1x16xf32>,
      %swap3A_2271 = vector.shape_cast %swap3A_2270 : vector<1x16xf32> to vector<16xf32>
      %swap3A_2272 = vector.shape_cast %get3A_2266 : vector<16xf32> to vector<1x16xf32>
      tpu.vector_store %arg12[%swap3A_2268, %swap3A_2269], %swap3A_2272 {strides = array<i32>} : memref<80x128xf32, #tpu.memory_space<vmem>>, vector<1x16xf32>,
      %get3A_2273 = arith.constant 592 : index
      %get3A_2274 = tpu.vector_load %arg24[%get3A_2273] {strides = array<i32>} : memref<1280xf32, #tpu.memory_space<vmem>>, vector<16xf32>,
      %get3A_2275 = vector.shape_cast %get3A_2274 : vector<16xf32> to vector<16xf32>
      %swap3A_2276 = arith.constant 37 : i32
      %swap3A_2277 = arith.index_cast %swap3A_2276 : i32 to index
      %swap3A_2278 = arith.constant 0 : index
      %swap3A_2279 = tpu.vector_load %arg12[%swap3A_2277, %swap3A_2278] {strides = array<i32>} : memref<80x128xf32, #tpu.memory_space<vmem>>, vector<1x16xf32>,
      %swap3A_2280 = vector.shape_cast %swap3A_2279 : vector<1x16xf32> to vector<16xf32>
      %swap3A_2281 = vector.shape_cast %get3A_2275 : vector<16xf32> to vector<1x16xf32>
      tpu.vector_store %arg12[%swap3A_2277, %swap3A_2278], %swap3A_2281 {strides = array<i32>} : memref<80x128xf32, #tpu.memory_space<vmem>>, vector<1x16xf32>,
      %get3A_2282 = arith.constant 608 : index
      %get3A_2283 = tpu.vector_load %arg24[%get3A_2282] {strides = array<i32>} : memref<1280xf32, #tpu.memory_space<vmem>>, vector<16xf32>,
      %get3A_2284 = vector.shape_cast %get3A_2283 : vector<16xf32> to vector<16xf32>
      %swap3A_2285 = arith.constant 38 : i32
      %swap3A_2286 = arith.index_cast %swap3A_2285 : i32 to index
      %swap3A_2287 = arith.constant 0 : index
      %swap3A_2288 = tpu.vector_load %arg12[%swap3A_2286, %swap3A_2287] {strides = array<i32>} : memref<80x128xf32, #tpu.memory_space<vmem>>, vector<1x16xf32>,
      %swap3A_2289 = vector.shape_cast %swap3A_2288 : vector<1x16xf32> to vector<16xf32>
      %swap3A_2290 = vector.shape_cast %get3A_2284 : vector<16xf32> to vector<1x16xf32>
      tpu.vector_store %arg12[%swap3A_2286, %swap3A_2287], %swap3A_2290 {strides = array<i32>} : memref<80x128xf32, #tpu.memory_space<vmem>>, vector<1x16xf32>,
      %get3A_2291 = arith.constant 624 : index
      %get3A_2292 = tpu.vector_load %arg24[%get3A_2291] {strides = array<i32>} : memref<1280xf32, #tpu.memory_space<vmem>>, vector<16xf32>,
      %get3A_2293 = vector.shape_cast %get3A_2292 : vector<16xf32> to vector<16xf32>
      %swap3A_2294 = arith.constant 39 : i32
      %swap3A_2295 = arith.index_cast %swap3A_2294 : i32 to index
      %swap3A_2296 = arith.constant 0 : index
      %swap3A_2297 = tpu.vector_load %arg12[%swap3A_2295, %swap3A_2296] {strides = array<i32>} : memref<80x128xf32, #tpu.memory_space<vmem>>, vector<1x16xf32>,
      %swap3A_2298 = vector.shape_cast %swap3A_2297 : vector<1x16xf32> to vector<16xf32>
      %swap3A_2299 = vector.shape_cast %get3A_2293 : vector<16xf32> to vector<1x16xf32>
      tpu.vector_store %arg12[%swap3A_2295, %swap3A_2296], %swap3A_2299 {strides = array<i32>} : memref<80x128xf32, #tpu.memory_space<vmem>>, vector<1x16xf32>,
      %get3A_2300 = arith.constant 640 : index
      %get3A_2301 = tpu.vector_load %arg24[%get3A_2300] {strides = array<i32>} : memref<1280xf32, #tpu.memory_space<vmem>>, vector<16xf32>,
      %get3A_2302 = vector.shape_cast %get3A_2301 : vector<16xf32> to vector<16xf32>
      %swap3A_2303 = arith.constant 40 : i32
      %swap3A_2304 = arith.index_cast %swap3A_2303 : i32 to index
      %swap3A_2305 = arith.constant 0 : index
      %swap3A_2306 = tpu.vector_load %arg12[%swap3A_2304, %swap3A_2305] {strides = array<i32>} : memref<80x128xf32, #tpu.memory_space<vmem>>, vector<1x16xf32>,
      %swap3A_2307 = vector.shape_cast %swap3A_2306 : vector<1x16xf32> to vector<16xf32>
      %swap3A_2308 = vector.shape_cast %get3A_2302 : vector<16xf32> to vector<1x16xf32>
      tpu.vector_store %arg12[%swap3A_2304, %swap3A_2305], %swap3A_2308 {strides = array<i32>} : memref<80x128xf32, #tpu.memory_space<vmem>>, vector<1x16xf32>,
      %get3A_2309 = arith.constant 656 : index
      %get3A_2310 = tpu.vector_load %arg24[%get3A_2309] {strides = array<i32>} : memref<1280xf32, #tpu.memory_space<vmem>>, vector<16xf32>,
      %get3A_2311 = vector.shape_cast %get3A_2310 : vector<16xf32> to vector<16xf32>
      %swap3A_2312 = arith.constant 41 : i32
      %swap3A_2313 = arith.index_cast %swap3A_2312 : i32 to index
      %swap3A_2314 = arith.constant 0 : index
      %swap3A_2315 = tpu.vector_load %arg12[%swap3A_2313, %swap3A_2314] {strides = array<i32>} : memref<80x128xf32, #tpu.memory_space<vmem>>, vector<1x16xf32>,
      %swap3A_2316 = vector.shape_cast %swap3A_2315 : vector<1x16xf32> to vector<16xf32>
      %swap3A_2317 = vector.shape_cast %get3A_2311 : vector<16xf32> to vector<1x16xf32>
      tpu.vector_store %arg12[%swap3A_2313, %swap3A_2314], %swap3A_2317 {strides = array<i32>} : memref<80x128xf32, #tpu.memory_space<vmem>>, vector<1x16xf32>,
      %get3A_2318 = arith.constant 672 : index
      %get3A_2319 = tpu.vector_load %arg24[%get3A_2318] {strides = array<i32>} : memref<1280xf32, #tpu.memory_space<vmem>>, vector<16xf32>,
      %get3A_2320 = vector.shape_cast %get3A_2319 : vector<16xf32> to vector<16xf32>
      %swap3A_2321 = arith.constant 42 : i32
      %swap3A_2322 = arith.index_cast %swap3A_2321 : i32 to index
      %swap3A_2323 = arith.constant 0 : index
      %swap3A_2324 = tpu.vector_load %arg12[%swap3A_2322, %swap3A_2323] {strides = array<i32>} : memref<80x128xf32, #tpu.memory_space<vmem>>, vector<1x16xf32>,
      %swap3A_2325 = vector.shape_cast %swap3A_2324 : vector<1x16xf32> to vector<16xf32>
      %swap3A_2326 = vector.shape_cast %get3A_2320 : vector<16xf32> to vector<1x16xf32>
      tpu.vector_store %arg12[%swap3A_2322, %swap3A_2323], %swap3A_2326 {strides = array<i32>} : memref<80x128xf32, #tpu.memory_space<vmem>>, vector<1x16xf32>,
      %get3A_2327 = arith.constant 688 : index
      %get3A_2328 = tpu.vector_load %arg24[%get3A_2327] {strides = array<i32>} : memref<1280xf32, #tpu.memory_space<vmem>>, vector<16xf32>,
      %get3A_2329 = vector.shape_cast %get3A_2328 : vector<16xf32> to vector<16xf32>
      %swap3A_2330 = arith.constant 43 : i32
      %swap3A_2331 = arith.index_cast %swap3A_2330 : i32 to index
      %swap3A_2332 = arith.constant 0 : index
      %swap3A_2333 = tpu.vector_load %arg12[%swap3A_2331, %swap3A_2332] {strides = array<i32>} : memref<80x128xf32, #tpu.memory_space<vmem>>, vector<1x16xf32>,
      %swap3A_2334 = vector.shape_cast %swap3A_2333 : vector<1x16xf32> to vector<16xf32>
      %swap3A_2335 = vector.shape_cast %get3A_2329 : vector<16xf32> to vector<1x16xf32>
      tpu.vector_store %arg12[%swap3A_2331, %swap3A_2332], %swap3A_2335 {strides = array<i32>} : memref<80x128xf32, #tpu.memory_space<vmem>>, vector<1x16xf32>,
      %get3A_2336 = arith.constant 704 : index
      %get3A_2337 = tpu.vector_load %arg24[%get3A_2336] {strides = array<i32>} : memref<1280xf32, #tpu.memory_space<vmem>>, vector<16xf32>,
      %get3A_2338 = vector.shape_cast %get3A_2337 : vector<16xf32> to vector<16xf32>
      %swap3A_2339 = arith.constant 44 : i32
      %swap3A_2340 = arith.index_cast %swap3A_2339 : i32 to index
      %swap3A_2341 = arith.constant 0 : index
      %swap3A_2342 = tpu.vector_load %arg12[%swap3A_2340, %swap3A_2341] {strides = array<i32>} : memref<80x128xf32, #tpu.memory_space<vmem>>, vector<1x16xf32>,
      %swap3A_2343 = vector.shape_cast %swap3A_2342 : vector<1x16xf32> to vector<16xf32>
      %swap3A_2344 = vector.shape_cast %get3A_2338 : vector<16xf32> to vector<1x16xf32>
      tpu.vector_store %arg12[%swap3A_2340, %swap3A_2341], %swap3A_2344 {strides = array<i32>} : memref<80x128xf32, #tpu.memory_space<vmem>>, vector<1x16xf32>,
      %get3A_2345 = arith.constant 720 : index
      %get3A_2346 = tpu.vector_load %arg24[%get3A_2345] {strides = array<i32>} : memref<1280xf32, #tpu.memory_space<vmem>>, vector<16xf32>,
      %get3A_2347 = vector.shape_cast %get3A_2346 : vector<16xf32> to vector<16xf32>
      %swap3A_2348 = arith.constant 45 : i32
      %swap3A_2349 = arith.index_cast %swap3A_2348 : i32 to index
      %swap3A_2350 = arith.constant 0 : index
      %swap3A_2351 = tpu.vector_load %arg12[%swap3A_2349, %swap3A_2350] {strides = array<i32>} : memref<80x128xf32, #tpu.memory_space<vmem>>, vector<1x16xf32>,
      %swap3A_2352 = vector.shape_cast %swap3A_2351 : vector<1x16xf32> to vector<16xf32>
      %swap3A_2353 = vector.shape_cast %get3A_2347 : vector<16xf32> to vector<1x16xf32>
      tpu.vector_store %arg12[%swap3A_2349, %swap3A_2350], %swap3A_2353 {strides = array<i32>} : memref<80x128xf32, #tpu.memory_space<vmem>>, vector<1x16xf32>,
      %get3A_2354 = arith.constant 736 : index
      %get3A_2355 = tpu.vector_load %arg24[%get3A_2354] {strides = array<i32>} : memref<1280xf32, #tpu.memory_space<vmem>>, vector<16xf32>,
      %get3A_2356 = vector.shape_cast %get3A_2355 : vector<16xf32> to vector<16xf32>
      %swap3A_2357 = arith.constant 46 : i32
      %swap3A_2358 = arith.index_cast %swap3A_2357 : i32 to index
      %swap3A_2359 = arith.constant 0 : index
      %swap3A_2360 = tpu.vector_load %arg12[%swap3A_2358, %swap3A_2359] {strides = array<i32>} : memref<80x128xf32, #tpu.memory_space<vmem>>, vector<1x16xf32>,
      %swap3A_2361 = vector.shape_cast %swap3A_2360 : vector<1x16xf32> to vector<16xf32>
      %swap3A_2362 = vector.shape_cast %get3A_2356 : vector<16xf32> to vector<1x16xf32>
      tpu.vector_store %arg12[%swap3A_2358, %swap3A_2359], %swap3A_2362 {strides = array<i32>} : memref<80x128xf32, #tpu.memory_space<vmem>>, vector<1x16xf32>,
      %get3A_2363 = arith.constant 752 : index
      %get3A_2364 = tpu.vector_load %arg24[%get3A_2363] {strides = array<i32>} : memref<1280xf32, #tpu.memory_space<vmem>>, vector<16xf32>,
      %get3A_2365 = vector.shape_cast %get3A_2364 : vector<16xf32> to vector<16xf32>
      %swap3A_2366 = arith.constant 47 : i32
      %swap3A_2367 = arith.index_cast %swap3A_2366 : i32 to index
      %swap3A_2368 = arith.constant 0 : index
      %swap3A_2369 = tpu.vector_load %arg12[%swap3A_2367, %swap3A_2368] {strides = array<i32>} : memref<80x128xf32, #tpu.memory_space<vmem>>, vector<1x16xf32>,
      %swap3A_2370 = vector.shape_cast %swap3A_2369 : vector<1x16xf32> to vector<16xf32>
      %swap3A_2371 = vector.shape_cast %get3A_2365 : vector<16xf32> to vector<1x16xf32>
      tpu.vector_store %arg12[%swap3A_2367, %swap3A_2368], %swap3A_2371 {strides = array<i32>} : memref<80x128xf32, #tpu.memory_space<vmem>>, vector<1x16xf32>,
      %get3A_2372 = arith.constant 768 : index
      %get3A_2373 = tpu.vector_load %arg24[%get3A_2372] {strides = array<i32>} : memref<1280xf32, #tpu.memory_space<vmem>>, vector<16xf32>,
      %get3A_2374 = vector.shape_cast %get3A_2373 : vector<16xf32> to vector<16xf32>
      %swap3A_2375 = arith.constant 48 : i32
      %swap3A_2376 = arith.index_cast %swap3A_2375 : i32 to index
      %swap3A_2377 = arith.constant 0 : index
      %swap3A_2378 = tpu.vector_load %arg12[%swap3A_2376, %swap3A_2377] {strides = array<i32>} : memref<80x128xf32, #tpu.memory_space<vmem>>, vector<1x16xf32>,
      %swap3A_2379 = vector.shape_cast %swap3A_2378 : vector<1x16xf32> to vector<16xf32>
      %swap3A_2380 = vector.shape_cast %get3A_2374 : vector<16xf32> to vector<1x16xf32>
      tpu.vector_store %arg12[%swap3A_2376, %swap3A_2377], %swap3A_2380 {strides = array<i32>} : memref<80x128xf32, #tpu.memory_space<vmem>>, vector<1x16xf32>,
      %get3A_2381 = arith.constant 784 : index
      %get3A_2382 = tpu.vector_load %arg24[%get3A_2381] {strides = array<i32>} : memref<1280xf32, #tpu.memory_space<vmem>>, vector<16xf32>,
      %get3A_2383 = vector.shape_cast %get3A_2382 : vector<16xf32> to vector<16xf32>
      %swap3A_2384 = arith.constant 49 : i32
      %swap3A_2385 = arith.index_cast %swap3A_2384 : i32 to index
      %swap3A_2386 = arith.constant 0 : index
      %swap3A_2387 = tpu.vector_load %arg12[%swap3A_2385, %swap3A_2386] {strides = array<i32>} : memref<80x128xf32, #tpu.memory_space<vmem>>, vector<1x16xf32>,
      %swap3A_2388 = vector.shape_cast %swap3A_2387 : vector<1x16xf32> to vector<16xf32>
      %swap3A_2389 = vector.shape_cast %get3A_2383 : vector<16xf32> to vector<1x16xf32>
      tpu.vector_store %arg12[%swap3A_2385, %swap3A_2386], %swap3A_2389 {strides = array<i32>} : memref<80x128xf32, #tpu.memory_space<vmem>>, vector<1x16xf32>,
      %get3A_2390 = arith.constant 800 : index
      %get3A_2391 = tpu.vector_load %arg24[%get3A_2390] {strides = array<i32>} : memref<1280xf32, #tpu.memory_space<vmem>>, vector<16xf32>,
      %get3A_2392 = vector.shape_cast %get3A_2391 : vector<16xf32> to vector<16xf32>
      %swap3A_2393 = arith.constant 50 : i32
      %swap3A_2394 = arith.index_cast %swap3A_2393 : i32 to index
      %swap3A_2395 = arith.constant 0 : index
      %swap3A_2396 = tpu.vector_load %arg12[%swap3A_2394, %swap3A_2395] {strides = array<i32>} : memref<80x128xf32, #tpu.memory_space<vmem>>, vector<1x16xf32>,
      %swap3A_2397 = vector.shape_cast %swap3A_2396 : vector<1x16xf32> to vector<16xf32>
      %swap3A_2398 = vector.shape_cast %get3A_2392 : vector<16xf32> to vector<1x16xf32>
      tpu.vector_store %arg12[%swap3A_2394, %swap3A_2395], %swap3A_2398 {strides = array<i32>} : memref<80x128xf32, #tpu.memory_space<vmem>>, vector<1x16xf32>,
      %get3A_2399 = arith.constant 816 : index
      %get3A_2400 = tpu.vector_load %arg24[%get3A_2399] {strides = array<i32>} : memref<1280xf32, #tpu.memory_space<vmem>>, vector<16xf32>,
      %get3A_2401 = vector.shape_cast %get3A_2400 : vector<16xf32> to vector<16xf32>
      %swap3A_2402 = arith.constant 51 : i32
      %swap3A_2403 = arith.index_cast %swap3A_2402 : i32 to index
      %swap3A_2404 = arith.constant 0 : index
      %swap3A_2405 = tpu.vector_load %arg12[%swap3A_2403, %swap3A_2404] {strides = array<i32>} : memref<80x128xf32, #tpu.memory_space<vmem>>, vector<1x16xf32>,
      %swap3A_2406 = vector.shape_cast %swap3A_2405 : vector<1x16xf32> to vector<16xf32>
      %swap3A_2407 = vector.shape_cast %get3A_2401 : vector<16xf32> to vector<1x16xf32>
      tpu.vector_store %arg12[%swap3A_2403, %swap3A_2404], %swap3A_2407 {strides = array<i32>} : memref<80x128xf32, #tpu.memory_space<vmem>>, vector<1x16xf32>,
      %get3A_2408 = arith.constant 832 : index
      %get3A_2409 = tpu.vector_load %arg24[%get3A_2408] {strides = array<i32>} : memref<1280xf32, #tpu.memory_space<vmem>>, vector<16xf32>,
      %get3A_2410 = vector.shape_cast %get3A_2409 : vector<16xf32> to vector<16xf32>
      %swap3A_2411 = arith.constant 52 : i32
      %swap3A_2412 = arith.index_cast %swap3A_2411 : i32 to index
      %swap3A_2413 = arith.constant 0 : index
      %swap3A_2414 = tpu.vector_load %arg12[%swap3A_2412, %swap3A_2413] {strides = array<i32>} : memref<80x128xf32, #tpu.memory_space<vmem>>, vector<1x16xf32>,
      %swap3A_2415 = vector.shape_cast %swap3A_2414 : vector<1x16xf32> to vector<16xf32>
      %swap3A_2416 = vector.shape_cast %get3A_2410 : vector<16xf32> to vector<1x16xf32>
      tpu.vector_store %arg12[%swap3A_2412, %swap3A_2413], %swap3A_2416 {strides = array<i32>} : memref<80x128xf32, #tpu.memory_space<vmem>>, vector<1x16xf32>,
      %get3A_2417 = arith.constant 848 : index
      %get3A_2418 = tpu.vector_load %arg24[%get3A_2417] {strides = array<i32>} : memref<1280xf32, #tpu.memory_space<vmem>>, vector<16xf32>,
      %get3A_2419 = vector.shape_cast %get3A_2418 : vector<16xf32> to vector<16xf32>
      %swap3A_2420 = arith.constant 53 : i32
      %swap3A_2421 = arith.index_cast %swap3A_2420 : i32 to index
      %swap3A_2422 = arith.constant 0 : index
      %swap3A_2423 = tpu.vector_load %arg12[%swap3A_2421, %swap3A_2422] {strides = array<i32>} : memref<80x128xf32, #tpu.memory_space<vmem>>, vector<1x16xf32>,
      %swap3A_2424 = vector.shape_cast %swap3A_2423 : vector<1x16xf32> to vector<16xf32>
      %swap3A_2425 = vector.shape_cast %get3A_2419 : vector<16xf32> to vector<1x16xf32>
      tpu.vector_store %arg12[%swap3A_2421, %swap3A_2422], %swap3A_2425 {strides = array<i32>} : memref<80x128xf32, #tpu.memory_space<vmem>>, vector<1x16xf32>,
      %get3A_2426 = arith.constant 864 : index
      %get3A_2427 = tpu.vector_load %arg24[%get3A_2426] {strides = array<i32>} : memref<1280xf32, #tpu.memory_space<vmem>>, vector<16xf32>,
      %get3A_2428 = vector.shape_cast %get3A_2427 : vector<16xf32> to vector<16xf32>
      %swap3A_2429 = arith.constant 54 : i32
      %swap3A_2430 = arith.index_cast %swap3A_2429 : i32 to index
      %swap3A_2431 = arith.constant 0 : index
      %swap3A_2432 = tpu.vector_load %arg12[%swap3A_2430, %swap3A_2431] {strides = array<i32>} : memref<80x128xf32, #tpu.memory_space<vmem>>, vector<1x16xf32>,
      %swap3A_2433 = vector.shape_cast %swap3A_2432 : vector<1x16xf32> to vector<16xf32>
      %swap3A_2434 = vector.shape_cast %get3A_2428 : vector<16xf32> to vector<1x16xf32>
      tpu.vector_store %arg12[%swap3A_2430, %swap3A_2431], %swap3A_2434 {strides = array<i32>} : memref<80x128xf32, #tpu.memory_space<vmem>>, vector<1x16xf32>,
      %get3A_2435 = arith.constant 880 : index
      %get3A_2436 = tpu.vector_load %arg24[%get3A_2435] {strides = array<i32>} : memref<1280xf32, #tpu.memory_space<vmem>>, vector<16xf32>,
      %get3A_2437 = vector.shape_cast %get3A_2436 : vector<16xf32> to vector<16xf32>
      %swap3A_2438 = arith.constant 55 : i32
      %swap3A_2439 = arith.index_cast %swap3A_2438 : i32 to index
      %swap3A_2440 = arith.constant 0 : index
      %swap3A_2441 = tpu.vector_load %arg12[%swap3A_2439, %swap3A_2440] {strides = array<i32>} : memref<80x128xf32, #tpu.memory_space<vmem>>, vector<1x16xf32>,
      %swap3A_2442 = vector.shape_cast %swap3A_2441 : vector<1x16xf32> to vector<16xf32>
      %swap3A_2443 = vector.shape_cast %get3A_2437 : vector<16xf32> to vector<1x16xf32>
      tpu.vector_store %arg12[%swap3A_2439, %swap3A_2440], %swap3A_2443 {strides = array<i32>} : memref<80x128xf32, #tpu.memory_space<vmem>>, vector<1x16xf32>,
      %get3A_2444 = arith.constant 896 : index
      %get3A_2445 = tpu.vector_load %arg24[%get3A_2444] {strides = array<i32>} : memref<1280xf32, #tpu.memory_space<vmem>>, vector<16xf32>,
      %get3A_2446 = vector.shape_cast %get3A_2445 : vector<16xf32> to vector<16xf32>
      %swap3A_2447 = arith.constant 56 : i32
      %swap3A_2448 = arith.index_cast %swap3A_2447 : i32 to index
      %swap3A_2449 = arith.constant 0 : index
      %swap3A_2450 = tpu.vector_load %arg12[%swap3A_2448, %swap3A_2449] {strides = array<i32>} : memref<80x128xf32, #tpu.memory_space<vmem>>, vector<1x16xf32>,
      %swap3A_2451 = vector.shape_cast %swap3A_2450 : vector<1x16xf32> to vector<16xf32>
      %swap3A_2452 = vector.shape_cast %get3A_2446 : vector<16xf32> to vector<1x16xf32>
      tpu.vector_store %arg12[%swap3A_2448, %swap3A_2449], %swap3A_2452 {strides = array<i32>} : memref<80x128xf32, #tpu.memory_space<vmem>>, vector<1x16xf32>,
      %get3A_2453 = arith.constant 912 : index
      %get3A_2454 = tpu.vector_load %arg24[%get3A_2453] {strides = array<i32>} : memref<1280xf32, #tpu.memory_space<vmem>>, vector<16xf32>,
      %get3A_2455 = vector.shape_cast %get3A_2454 : vector<16xf32> to vector<16xf32>
      %swap3A_2456 = arith.constant 57 : i32
      %swap3A_2457 = arith.index_cast %swap3A_2456 : i32 to index
      %swap3A_2458 = arith.constant 0 : index
      %swap3A_2459 = tpu.vector_load %arg12[%swap3A_2457, %swap3A_2458] {strides = array<i32>} : memref<80x128xf32, #tpu.memory_space<vmem>>, vector<1x16xf32>,
      %swap3A_2460 = vector.shape_cast %swap3A_2459 : vector<1x16xf32> to vector<16xf32>
      %swap3A_2461 = vector.shape_cast %get3A_2455 : vector<16xf32> to vector<1x16xf32>
      tpu.vector_store %arg12[%swap3A_2457, %swap3A_2458], %swap3A_2461 {strides = array<i32>} : memref<80x128xf32, #tpu.memory_space<vmem>>, vector<1x16xf32>,
      %get3A_2462 = arith.constant 928 : index
      %get3A_2463 = tpu.vector_load %arg24[%get3A_2462] {strides = array<i32>} : memref<1280xf32, #tpu.memory_space<vmem>>, vector<16xf32>,
      %get3A_2464 = vector.shape_cast %get3A_2463 : vector<16xf32> to vector<16xf32>
      %swap3A_2465 = arith.constant 58 : i32
      %swap3A_2466 = arith.index_cast %swap3A_2465 : i32 to index
      %swap3A_2467 = arith.constant 0 : index
      %swap3A_2468 = tpu.vector_load %arg12[%swap3A_2466, %swap3A_2467] {strides = array<i32>} : memref<80x128xf32, #tpu.memory_space<vmem>>, vector<1x16xf32>,
      %swap3A_2469 = vector.shape_cast %swap3A_2468 : vector<1x16xf32> to vector<16xf32>
      %swap3A_2470 = vector.shape_cast %get3A_2464 : vector<16xf32> to vector<1x16xf32>
      tpu.vector_store %arg12[%swap3A_2466, %swap3A_2467], %swap3A_2470 {strides = array<i32>} : memref<80x128xf32, #tpu.memory_space<vmem>>, vector<1x16xf32>,
      %get3A_2471 = arith.constant 944 : index
      %get3A_2472 = tpu.vector_load %arg24[%get3A_2471] {strides = array<i32>} : memref<1280xf32, #tpu.memory_space<vmem>>, vector<16xf32>,
      %get3A_2473 = vector.shape_cast %get3A_2472 : vector<16xf32> to vector<16xf32>
      %swap3A_2474 = arith.constant 59 : i32
      %swap3A_2475 = arith.index_cast %swap3A_2474 : i32 to index
      %swap3A_2476 = arith.constant 0 : index
      %swap3A_2477 = tpu.vector_load %arg12[%swap3A_2475, %swap3A_2476] {strides = array<i32>} : memref<80x128xf32, #tpu.memory_space<vmem>>, vector<1x16xf32>,
      %swap3A_2478 = vector.shape_cast %swap3A_2477 : vector<1x16xf32> to vector<16xf32>
      %swap3A_2479 = vector.shape_cast %get3A_2473 : vector<16xf32> to vector<1x16xf32>
      tpu.vector_store %arg12[%swap3A_2475, %swap3A_2476], %swap3A_2479 {strides = array<i32>} : memref<80x128xf32, #tpu.memory_space<vmem>>, vector<1x16xf32>,
      %get3A_2480 = arith.constant 960 : index
      %get3A_2481 = tpu.vector_load %arg24[%get3A_2480] {strides = array<i32>} : memref<1280xf32, #tpu.memory_space<vmem>>, vector<16xf32>,
      %get3A_2482 = vector.shape_cast %get3A_2481 : vector<16xf32> to vector<16xf32>
      %swap3A_2483 = arith.constant 60 : i32
      %swap3A_2484 = arith.index_cast %swap3A_2483 : i32 to index
      %swap3A_2485 = arith.constant 0 : index
      %swap3A_2486 = tpu.vector_load %arg12[%swap3A_2484, %swap3A_2485] {strides = array<i32>} : memref<80x128xf32, #tpu.memory_space<vmem>>, vector<1x16xf32>,
      %swap3A_2487 = vector.shape_cast %swap3A_2486 : vector<1x16xf32> to vector<16xf32>
      %swap3A_2488 = vector.shape_cast %get3A_2482 : vector<16xf32> to vector<1x16xf32>
      tpu.vector_store %arg12[%swap3A_2484, %swap3A_2485], %swap3A_2488 {strides = array<i32>} : memref<80x128xf32, #tpu.memory_space<vmem>>, vector<1x16xf32>,
      %get3A_2489 = arith.constant 976 : index
      %get3A_2490 = tpu.vector_load %arg24[%get3A_2489] {strides = array<i32>} : memref<1280xf32, #tpu.memory_space<vmem>>, vector<16xf32>,
      %get3A_2491 = vector.shape_cast %get3A_2490 : vector<16xf32> to vector<16xf32>
      %swap3A_2492 = arith.constant 61 : i32
      %swap3A_2493 = arith.index_cast %swap3A_2492 : i32 to index
      %swap3A_2494 = arith.constant 0 : index
      %swap3A_2495 = tpu.vector_load %arg12[%swap3A_2493, %swap3A_2494] {strides = array<i32>} : memref<80x128xf32, #tpu.memory_space<vmem>>, vector<1x16xf32>,
      %swap3A_2496 = vector.shape_cast %swap3A_2495 : vector<1x16xf32> to vector<16xf32>
      %swap3A_2497 = vector.shape_cast %get3A_2491 : vector<16xf32> to vector<1x16xf32>
      tpu.vector_store %arg12[%swap3A_2493, %swap3A_2494], %swap3A_2497 {strides = array<i32>} : memref<80x128xf32, #tpu.memory_space<vmem>>, vector<1x16xf32>,
      %get3A_2498 = arith.constant 992 : index
      %get3A_2499 = tpu.vector_load %arg24[%get3A_2498] {strides = array<i32>} : memref<1280xf32, #tpu.memory_space<vmem>>, vector<16xf32>,
      %get3A_2500 = vector.shape_cast %get3A_2499 : vector<16xf32> to vector<16xf32>
      %swap3A_2501 = arith.constant 62 : i32
      %swap3A_2502 = arith.index_cast %swap3A_2501 : i32 to index
      %swap3A_2503 = arith.constant 0 : index
      %swap3A_2504 = tpu.vector_load %arg12[%swap3A_2502, %swap3A_2503] {strides = array<i32>} : memref<80x128xf32, #tpu.memory_space<vmem>>, vector<1x16xf32>,
      %swap3A_2505 = vector.shape_cast %swap3A_2504 : vector<1x16xf32> to vector<16xf32>
      %swap3A_2506 = vector.shape_cast %get3A_2500 : vector<16xf32> to vector<1x16xf32>
      tpu.vector_store %arg12[%swap3A_2502, %swap3A_2503], %swap3A_2506 {strides = array<i32>} : memref<80x128xf32, #tpu.memory_space<vmem>>, vector<1x16xf32>,
      %get3A_2507 = arith.constant 1008 : index
      %get3A_2508 = tpu.vector_load %arg24[%get3A_2507] {strides = array<i32>} : memref<1280xf32, #tpu.memory_space<vmem>>, vector<16xf32>,
      %get3A_2509 = vector.shape_cast %get3A_2508 : vector<16xf32> to vector<16xf32>
      %swap3A_2510 = arith.constant 63 : i32
      %swap3A_2511 = arith.index_cast %swap3A_2510 : i32 to index
      %swap3A_2512 = arith.constant 0 : index
      %swap3A_2513 = tpu.vector_load %arg12[%swap3A_2511, %swap3A_2512] {strides = array<i32>} : memref<80x128xf32, #tpu.memory_space<vmem>>, vector<1x16xf32>,
      %swap3A_2514 = vector.shape_cast %swap3A_2513 : vector<1x16xf32> to vector<16xf32>
      %swap3A_2515 = vector.shape_cast %get3A_2509 : vector<16xf32> to vector<1x16xf32>
      tpu.vector_store %arg12[%swap3A_2511, %swap3A_2512], %swap3A_2515 {strides = array<i32>} : memref<80x128xf32, #tpu.memory_space<vmem>>, vector<1x16xf32>,
      %get3A_2516 = arith.constant 1024 : index
      %get3A_2517 = tpu.vector_load %arg24[%get3A_2516] {strides = array<i32>} : memref<1280xf32, #tpu.memory_space<vmem>>, vector<16xf32>,
      %get3A_2518 = vector.shape_cast %get3A_2517 : vector<16xf32> to vector<16xf32>
      %swap3A_2519 = arith.constant 64 : i32
      %swap3A_2520 = arith.index_cast %swap3A_2519 : i32 to index
      %swap3A_2521 = arith.constant 0 : index
      %swap3A_2522 = tpu.vector_load %arg12[%swap3A_2520, %swap3A_2521] {strides = array<i32>} : memref<80x128xf32, #tpu.memory_space<vmem>>, vector<1x16xf32>,
      %swap3A_2523 = vector.shape_cast %swap3A_2522 : vector<1x16xf32> to vector<16xf32>
      %swap3A_2524 = vector.shape_cast %get3A_2518 : vector<16xf32> to vector<1x16xf32>
      tpu.vector_store %arg12[%swap3A_2520, %swap3A_2521], %swap3A_2524 {strides = array<i32>} : memref<80x128xf32, #tpu.memory_space<vmem>>, vector<1x16xf32>,
      %get3A_2525 = arith.constant 1040 : index
      %get3A_2526 = tpu.vector_load %arg24[%get3A_2525] {strides = array<i32>} : memref<1280xf32, #tpu.memory_space<vmem>>, vector<16xf32>,
      %get3A_2527 = vector.shape_cast %get3A_2526 : vector<16xf32> to vector<16xf32>
      %swap3A_2528 = arith.constant 65 : i32
      %swap3A_2529 = arith.index_cast %swap3A_2528 : i32 to index
      %swap3A_2530 = arith.constant 0 : index
      %swap3A_2531 = tpu.vector_load %arg12[%swap3A_2529, %swap3A_2530] {strides = array<i32>} : memref<80x128xf32, #tpu.memory_space<vmem>>, vector<1x16xf32>,
      %swap3A_2532 = vector.shape_cast %swap3A_2531 : vector<1x16xf32> to vector<16xf32>
      %swap3A_2533 = vector.shape_cast %get3A_2527 : vector<16xf32> to vector<1x16xf32>
      tpu.vector_store %arg12[%swap3A_2529, %swap3A_2530], %swap3A_2533 {strides = array<i32>} : memref<80x128xf32, #tpu.memory_space<vmem>>, vector<1x16xf32>,
      %get3A_2534 = arith.constant 1056 : index
      %get3A_2535 = tpu.vector_load %arg24[%get3A_2534] {strides = array<i32>} : memref<1280xf32, #tpu.memory_space<vmem>>, vector<16xf32>,
      %get3A_2536 = vector.shape_cast %get3A_2535 : vector<16xf32> to vector<16xf32>
      %swap3A_2537 = arith.constant 66 : i32
      %swap3A_2538 = arith.index_cast %swap3A_2537 : i32 to index
      %swap3A_2539 = arith.constant 0 : index
      %swap3A_2540 = tpu.vector_load %arg12[%swap3A_2538, %swap3A_2539] {strides = array<i32>} : memref<80x128xf32, #tpu.memory_space<vmem>>, vector<1x16xf32>,
      %swap3A_2541 = vector.shape_cast %swap3A_2540 : vector<1x16xf32> to vector<16xf32>
      %swap3A_2542 = vector.shape_cast %get3A_2536 : vector<16xf32> to vector<1x16xf32>
      tpu.vector_store %arg12[%swap3A_2538, %swap3A_2539], %swap3A_2542 {strides = array<i32>} : memref<80x128xf32, #tpu.memory_space<vmem>>, vector<1x16xf32>,
      %get3A_2543 = arith.constant 1072 : index
      %get3A_2544 = tpu.vector_load %arg24[%get3A_2543] {strides = array<i32>} : memref<1280xf32, #tpu.memory_space<vmem>>, vector<16xf32>,
      %get3A_2545 = vector.shape_cast %get3A_2544 : vector<16xf32> to vector<16xf32>
      %swap3A_2546 = arith.constant 67 : i32
      %swap3A_2547 = arith.index_cast %swap3A_2546 : i32 to index
      %swap3A_2548 = arith.constant 0 : index
      %swap3A_2549 = tpu.vector_load %arg12[%swap3A_2547, %swap3A_2548] {strides = array<i32>} : memref<80x128xf32, #tpu.memory_space<vmem>>, vector<1x16xf32>,
      %swap3A_2550 = vector.shape_cast %swap3A_2549 : vector<1x16xf32> to vector<16xf32>
      %swap3A_2551 = vector.shape_cast %get3A_2545 : vector<16xf32> to vector<1x16xf32>
      tpu.vector_store %arg12[%swap3A_2547, %swap3A_2548], %swap3A_2551 {strides = array<i32>} : memref<80x128xf32, #tpu.memory_space<vmem>>, vector<1x16xf32>,
      %get3A_2552 = arith.constant 1088 : index
      %get3A_2553 = tpu.vector_load %arg24[%get3A_2552] {strides = array<i32>} : memref<1280xf32, #tpu.memory_space<vmem>>, vector<16xf32>,
      %get3A_2554 = vector.shape_cast %get3A_2553 : vector<16xf32> to vector<16xf32>
      %swap3A_2555 = arith.constant 68 : i32
      %swap3A_2556 = arith.index_cast %swap3A_2555 : i32 to index
      %swap3A_2557 = arith.constant 0 : index
      %swap3A_2558 = tpu.vector_load %arg12[%swap3A_2556, %swap3A_2557] {strides = array<i32>} : memref<80x128xf32, #tpu.memory_space<vmem>>, vector<1x16xf32>,
      %swap3A_2559 = vector.shape_cast %swap3A_2558 : vector<1x16xf32> to vector<16xf32>
      %swap3A_2560 = vector.shape_cast %get3A_2554 : vector<16xf32> to vector<1x16xf32>
      tpu.vector_store %arg12[%swap3A_2556, %swap3A_2557], %swap3A_2560 {strides = array<i32>} : memref<80x128xf32, #tpu.memory_space<vmem>>, vector<1x16xf32>,
      %get3A_2561 = arith.constant 1104 : index
      %get3A_2562 = tpu.vector_load %arg24[%get3A_2561] {strides = array<i32>} : memref<1280xf32, #tpu.memory_space<vmem>>, vector<16xf32>,
      %get3A_2563 = vector.shape_cast %get3A_2562 : vector<16xf32> to vector<16xf32>
      %swap3A_2564 = arith.constant 69 : i32
      %swap3A_2565 = arith.index_cast %swap3A_2564 : i32 to index
      %swap3A_2566 = arith.constant 0 : index
      %swap3A_2567 = tpu.vector_load %arg12[%swap3A_2565, %swap3A_2566] {strides = array<i32>} : memref<80x128xf32, #tpu.memory_space<vmem>>, vector<1x16xf32>,
      %swap3A_2568 = vector.shape_cast %swap3A_2567 : vector<1x16xf32> to vector<16xf32>
      %swap3A_2569 = vector.shape_cast %get3A_2563 : vector<16xf32> to vector<1x16xf32>
      tpu.vector_store %arg12[%swap3A_2565, %swap3A_2566], %swap3A_2569 {strides = array<i32>} : memref<80x128xf32, #tpu.memory_space<vmem>>, vector<1x16xf32>,
      %get3A_2570 = arith.constant 1120 : index
      %get3A_2571 = tpu.vector_load %arg24[%get3A_2570] {strides = array<i32>} : memref<1280xf32, #tpu.memory_space<vmem>>, vector<16xf32>,
      %get3A_2572 = vector.shape_cast %get3A_2571 : vector<16xf32> to vector<16xf32>
      %swap3A_2573 = arith.constant 70 : i32
      %swap3A_2574 = arith.index_cast %swap3A_2573 : i32 to index
      %swap3A_2575 = arith.constant 0 : index
      %swap3A_2576 = tpu.vector_load %arg12[%swap3A_2574, %swap3A_2575] {strides = array<i32>} : memref<80x128xf32, #tpu.memory_space<vmem>>, vector<1x16xf32>,
      %swap3A_2577 = vector.shape_cast %swap3A_2576 : vector<1x16xf32> to vector<16xf32>
      %swap3A_2578 = vector.shape_cast %get3A_2572 : vector<16xf32> to vector<1x16xf32>
      tpu.vector_store %arg12[%swap3A_2574, %swap3A_2575], %swap3A_2578 {strides = array<i32>} : memref<80x128xf32, #tpu.memory_space<vmem>>, vector<1x16xf32>,
      %get3A_2579 = arith.constant 1136 : index
      %get3A_2580 = tpu.vector_load %arg24[%get3A_2579] {strides = array<i32>} : memref<1280xf32, #tpu.memory_space<vmem>>, vector<16xf32>,
      %get3A_2581 = vector.shape_cast %get3A_2580 : vector<16xf32> to vector<16xf32>
      %swap3A_2582 = arith.constant 71 : i32
      %swap3A_2583 = arith.index_cast %swap3A_2582 : i32 to index
      %swap3A_2584 = arith.constant 0 : index
      %swap3A_2585 = tpu.vector_load %arg12[%swap3A_2583, %swap3A_2584] {strides = array<i32>} : memref<80x128xf32, #tpu.memory_space<vmem>>, vector<1x16xf32>,
      %swap3A_2586 = vector.shape_cast %swap3A_2585 : vector<1x16xf32> to vector<16xf32>
      %swap3A_2587 = vector.shape_cast %get3A_2581 : vector<16xf32> to vector<1x16xf32>
      tpu.vector_store %arg12[%swap3A_2583, %swap3A_2584], %swap3A_2587 {strides = array<i32>} : memref<80x128xf32, #tpu.memory_space<vmem>>, vector<1x16xf32>,
      %get3A_2588 = arith.constant 1152 : index
      %get3A_2589 = tpu.vector_load %arg24[%get3A_2588] {strides = array<i32>} : memref<1280xf32, #tpu.memory_space<vmem>>, vector<16xf32>,
      %get3A_2590 = vector.shape_cast %get3A_2589 : vector<16xf32> to vector<16xf32>
      %swap3A_2591 = arith.constant 72 : i32
      %swap3A_2592 = arith.index_cast %swap3A_2591 : i32 to index
      %swap3A_2593 = arith.constant 0 : index
      %swap3A_2594 = tpu.vector_load %arg12[%swap3A_2592, %swap3A_2593] {strides = array<i32>} : memref<80x128xf32, #tpu.memory_space<vmem>>, vector<1x16xf32>,
      %swap3A_2595 = vector.shape_cast %swap3A_2594 : vector<1x16xf32> to vector<16xf32>
      %swap3A_2596 = vector.shape_cast %get3A_2590 : vector<16xf32> to vector<1x16xf32>
      tpu.vector_store %arg12[%swap3A_2592, %swap3A_2593], %swap3A_2596 {strides = array<i32>} : memref<80x128xf32, #tpu.memory_space<vmem>>, vector<1x16xf32>,
      %get3A_2597 = arith.constant 1168 : index
      %get3A_2598 = tpu.vector_load %arg24[%get3A_2597] {strides = array<i32>} : memref<1280xf32, #tpu.memory_space<vmem>>, vector<16xf32>,
      %get3A_2599 = vector.shape_cast %get3A_2598 : vector<16xf32> to vector<16xf32>
      %swap3A_2600 = arith.constant 73 : i32
      %swap3A_2601 = arith.index_cast %swap3A_2600 : i32 to index
      %swap3A_2602 = arith.constant 0 : index
      %swap3A_2603 = tpu.vector_load %arg12[%swap3A_2601, %swap3A_2602] {strides = array<i32>} : memref<80x128xf32, #tpu.memory_space<vmem>>, vector<1x16xf32>,
      %swap3A_2604 = vector.shape_cast %swap3A_2603 : vector<1x16xf32> to vector<16xf32>
      %swap3A_2605 = vector.shape_cast %get3A_2599 : vector<16xf32> to vector<1x16xf32>
      tpu.vector_store %arg12[%swap3A_2601, %swap3A_2602], %swap3A_2605 {strides = array<i32>} : memref<80x128xf32, #tpu.memory_space<vmem>>, vector<1x16xf32>,
      %get3A_2606 = arith.constant 1184 : index
      %get3A_2607 = tpu.vector_load %arg24[%get3A_2606] {strides = array<i32>} : memref<1280xf32, #tpu.memory_space<vmem>>, vector<16xf32>,
      %get3A_2608 = vector.shape_cast %get3A_2607 : vector<16xf32> to vector<16xf32>
      %swap3A_2609 = arith.constant 74 : i32
      %swap3A_2610 = arith.index_cast %swap3A_2609 : i32 to index
      %swap3A_2611 = arith.constant 0 : index
      %swap3A_2612 = tpu.vector_load %arg12[%swap3A_2610, %swap3A_2611] {strides = array<i32>} : memref<80x128xf32, #tpu.memory_space<vmem>>, vector<1x16xf32>,
      %swap3A_2613 = vector.shape_cast %swap3A_2612 : vector<1x16xf32> to vector<16xf32>
      %swap3A_2614 = vector.shape_cast %get3A_2608 : vector<16xf32> to vector<1x16xf32>
      tpu.vector_store %arg12[%swap3A_2610, %swap3A_2611], %swap3A_2614 {strides = array<i32>} : memref<80x128xf32, #tpu.memory_space<vmem>>, vector<1x16xf32>,
      %get3A_2615 = arith.constant 1200 : index
      %get3A_2616 = tpu.vector_load %arg24[%get3A_2615] {strides = array<i32>} : memref<1280xf32, #tpu.memory_space<vmem>>, vector<16xf32>,
      %get3A_2617 = vector.shape_cast %get3A_2616 : vector<16xf32> to vector<16xf32>
      %swap3A_2618 = arith.constant 75 : i32
      %swap3A_2619 = arith.index_cast %swap3A_2618 : i32 to index
      %swap3A_2620 = arith.constant 0 : index
      %swap3A_2621 = tpu.vector_load %arg12[%swap3A_2619, %swap3A_2620] {strides = array<i32>} : memref<80x128xf32, #tpu.memory_space<vmem>>, vector<1x16xf32>,
      %swap3A_2622 = vector.shape_cast %swap3A_2621 : vector<1x16xf32> to vector<16xf32>
      %swap3A_2623 = vector.shape_cast %get3A_2617 : vector<16xf32> to vector<1x16xf32>
      tpu.vector_store %arg12[%swap3A_2619, %swap3A_2620], %swap3A_2623 {strides = array<i32>} : memref<80x128xf32, #tpu.memory_space<vmem>>, vector<1x16xf32>,
      %get3A_2624 = arith.constant 1216 : index
      %get3A_2625 = tpu.vector_load %arg24[%get3A_2624] {strides = array<i32>} : memref<1280xf32, #tpu.memory_space<vmem>>, vector<16xf32>,
      %get3A_2626 = vector.shape_cast %get3A_2625 : vector<16xf32> to vector<16xf32>
      %swap3A_2627 = arith.constant 76 : i32
      %swap3A_2628 = arith.index_cast %swap3A_2627 : i32 to index
      %swap3A_2629 = arith.constant 0 : index
      %swap3A_2630 = tpu.vector_load %arg12[%swap3A_2628, %swap3A_2629] {strides = array<i32>} : memref<80x128xf32, #tpu.memory_space<vmem>>, vector<1x16xf32>,
      %swap3A_2631 = vector.shape_cast %swap3A_2630 : vector<1x16xf32> to vector<16xf32>
      %swap3A_2632 = vector.shape_cast %get3A_2626 : vector<16xf32> to vector<1x16xf32>
      tpu.vector_store %arg12[%swap3A_2628, %swap3A_2629], %swap3A_2632 {strides = array<i32>} : memref<80x128xf32, #tpu.memory_space<vmem>>, vector<1x16xf32>,
      %get3A_2633 = arith.constant 1232 : index
      %get3A_2634 = tpu.vector_load %arg24[%get3A_2633] {strides = array<i32>} : memref<1280xf32, #tpu.memory_space<vmem>>, vector<16xf32>,
      %get3A_2635 = vector.shape_cast %get3A_2634 : vector<16xf32> to vector<16xf32>
      %swap3A_2636 = arith.constant 77 : i32
      %swap3A_2637 = arith.index_cast %swap3A_2636 : i32 to index
      %swap3A_2638 = arith.constant 0 : index
      %swap3A_2639 = tpu.vector_load %arg12[%swap3A_2637, %swap3A_2638] {strides = array<i32>} : memref<80x128xf32, #tpu.memory_space<vmem>>, vector<1x16xf32>,
      %swap3A_2640 = vector.shape_cast %swap3A_2639 : vector<1x16xf32> to vector<16xf32>
      %swap3A_2641 = vector.shape_cast %get3A_2635 : vector<16xf32> to vector<1x16xf32>
      tpu.vector_store %arg12[%swap3A_2637, %swap3A_2638], %swap3A_2641 {strides = array<i32>} : memref<80x128xf32, #tpu.memory_space<vmem>>, vector<1x16xf32>,
      %get3A_2642 = arith.constant 1248 : index
      %get3A_2643 = tpu.vector_load %arg24[%get3A_2642] {strides = array<i32>} : memref<1280xf32, #tpu.memory_space<vmem>>, vector<16xf32>,
      %get3A_2644 = vector.shape_cast %get3A_2643 : vector<16xf32> to vector<16xf32>
      %swap3A_2645 = arith.constant 78 : i32
      %swap3A_2646 = arith.index_cast %swap3A_2645 : i32 to index
      %swap3A_2647 = arith.constant 0 : index
      %swap3A_2648 = tpu.vector_load %arg12[%swap3A_2646, %swap3A_2647] {strides = array<i32>} : memref<80x128xf32, #tpu.memory_space<vmem>>, vector<1x16xf32>,
      %swap3A_2649 = vector.shape_cast %swap3A_2648 : vector<1x16xf32> to vector<16xf32>
      %swap3A_2650 = vector.shape_cast %get3A_2644 : vector<16xf32> to vector<1x16xf32>
      tpu.vector_store %arg12[%swap3A_2646, %swap3A_2647], %swap3A_2650 {strides = array<i32>} : memref<80x128xf32, #tpu.memory_space<vmem>>, vector<1x16xf32>,
      %get3A_2651 = arith.constant 1264 : index
      %get3A_2652 = tpu.vector_load %arg24[%get3A_2651] {strides = array<i32>} : memref<1280xf32, #tpu.memory_space<vmem>>, vector<16xf32>,
      %get3A_2653 = vector.shape_cast %get3A_2652 : vector<16xf32> to vector<16xf32>
      %swap3A_2654 = arith.constant 79 : i32
      %swap3A_2655 = arith.index_cast %swap3A_2654 : i32 to index
      %swap3A_2656 = arith.constant 0 : index
      %swap3A_2657 = tpu.vector_load %arg12[%swap3A_2655, %swap3A_2656] {strides = array<i32>} : memref<80x128xf32, #tpu.memory_space<vmem>>, vector<1x16xf32>,
      %swap3A_2658 = vector.shape_cast %swap3A_2657 : vector<1x16xf32> to vector<16xf32>
      %swap3A_2659 = vector.shape_cast %get3A_2653 : vector<16xf32> to vector<1x16xf32>
      tpu.vector_store %arg12[%swap3A_2655, %swap3A_2656], %swap3A_2659 {strides = array<i32>} : memref<80x128xf32, #tpu.memory_space<vmem>>, vector<1x16xf32>,
      "tpu.region"() ({
        %run_scoped3A = tpu.sem_alloc : memref<!tpu.dma_semaphore, #tpu.memory_space<semaphore_mem>>
        %dma_start3A_2660 = arith.constant 0 : i32
        %dma_start3A_2661 = arith.constant 0 : i32
        %dma_start3A_2662 = tpu.memref_slice %arg6[%dma_start3A_2660, %dma_start3A_2661] : memref<10240x128xf32, #tpu.memory_space<vmem_shared>> -> memref<10240x128xf32, #tpu.memory_space<vmem_shared>>
        tpu.enqueue_indirect_dma source(%arg12 : memref<80x128xf32, #tpu.memory_space<vmem>>) target(%dma_start3A_2662 : memref<10240x128xf32, #tpu.memory_space<vmem_shared>>) offsets(%arg10 : memref<80xi32, #tpu.memory_space<vmem>>) semaphore(%run_scoped3A : memref<!tpu.dma_semaphore, #tpu.memory_space<semaphore_mem>>) {add = true}
        %dma_wait3A_2663 = arith.constant 0 : i32
        %dma_wait3A_2664 = arith.constant 0 : i32
        %dma_wait3A_2665 = tpu.memref_slice %arg6[%dma_wait3A_2663, %dma_wait3A_2664] : memref<10240x128xf32, #tpu.memory_space<vmem_shared>> -> memref<10240x128xf32, #tpu.memory_space<vmem_shared>>
        tpu.wait_indirect_dma semaphore(%run_scoped3A : memref<!tpu.dma_semaphore, #tpu.memory_space<semaphore_mem>>) src(%arg12 : memref<80x128xf32, #tpu.memory_space<vmem>>) dst(%dma_wait3A_2665 : memref<10240x128xf32, #tpu.memory_space<vmem_shared>>)
        tpu.yield
      }) : () -> ()
    }
    %scan3A_406 = arith.constant 62 : i32
    %mul3A_407 = arith.constant 10000 : i32
    %mul3A_408 = arith.muli %add3A, %mul3A_407 : i32
    %add3A_409 = arith.constant 9920 : i32
    %add3A_410 = arith.addi %mul3A_408, %add3A_409 : i32
    "tpu.region"() ({
      %run_scoped3A = tpu.sem_alloc : memref<!tpu.dma_semaphore, #tpu.memory_space<semaphore_mem>>
      %dma_start3A_1198 = tpu.memref_slice %arg2[%add3A_410] : memref<320000xi32, #tpu.memory_space<hbm>> -> memref<80xi32, #tpu.memory_space<hbm>>
      %dma_start3A_1199 = tpu.memref_slice %arg2[%add3A_410] : memref<320000xi32, #tpu.memory_space<hbm>> -> memref<80xi32, #tpu.memory_space<hbm>>
      tpu.enqueue_dma source(%dma_start3A_1199 : memref<80xi32, #tpu.memory_space<hbm>>) target(%arg8 : memref<80xi32, #tpu.memory_space<vmem>>) target_semaphore(%run_scoped3A : memref<!tpu.dma_semaphore, #tpu.memory_space<semaphore_mem>>)
      %dma_wait3A_1200 = tpu.memref_slice %arg2[%add3A_410] : memref<320000xi32, #tpu.memory_space<hbm>> -> memref<80xi32, #tpu.memory_space<hbm>>
      %dma_wait3A_1201 = tpu.memref_slice %arg2[%add3A_410] : memref<320000xi32, #tpu.memory_space<hbm>> -> memref<80xi32, #tpu.memory_space<hbm>>
      tpu.wait_dma2 semaphore(%run_scoped3A : memref<!tpu.dma_semaphore, #tpu.memory_space<semaphore_mem>>) src(%dma_wait3A_1201 : memref<80xi32, #tpu.memory_space<hbm>>) dst(%arg8 : memref<80xi32, #tpu.memory_space<vmem>>)
      tpu.yield
    }) : () -> ()
    %mul3A_411 = arith.constant 16 : i32
    %mul3A_412 = arith.muli %add3A_410, %mul3A_411 : i32
    "tpu.region"() ({
      %run_scoped3A = tpu.sem_alloc : memref<!tpu.dma_semaphore, #tpu.memory_space<semaphore_mem>>
      %dma_start3A_1198 = tpu.memref_slice %arg3[%mul3A_412] : memref<5120000xf32, #tpu.memory_space<hbm>> -> memref<1280xf32, #tpu.memory_space<hbm>>
      %dma_start3A_1199 = tpu.memref_slice %arg3[%mul3A_412] : memref<5120000xf32, #tpu.memory_space<hbm>> -> memref<1280xf32, #tpu.memory_space<hbm>>
      tpu.enqueue_dma source(%dma_start3A_1199 : memref<1280xf32, #tpu.memory_space<hbm>>) target(%arg23 : memref<1280xf32, #tpu.memory_space<vmem>>) target_semaphore(%run_scoped3A : memref<!tpu.dma_semaphore, #tpu.memory_space<semaphore_mem>>)
      %dma_wait3A_1200 = tpu.memref_slice %arg3[%mul3A_412] : memref<5120000xf32, #tpu.memory_space<hbm>> -> memref<1280xf32, #tpu.memory_space<hbm>>
      %dma_wait3A_1201 = tpu.memref_slice %arg3[%mul3A_412] : memref<5120000xf32, #tpu.memory_space<hbm>> -> memref<1280xf32, #tpu.memory_space<hbm>>
      tpu.wait_dma2 semaphore(%run_scoped3A : memref<!tpu.dma_semaphore, #tpu.memory_space<semaphore_mem>>) src(%dma_wait3A_1201 : memref<1280xf32, #tpu.memory_space<hbm>>) dst(%arg23 : memref<1280xf32, #tpu.memory_space<vmem>>)
      tpu.yield
    }) : () -> ()
    %get3A = arith.constant 0 : index
    %get3A_413 = tpu.vector_load %arg23[%get3A] {strides = array<i32>} : memref<1280xf32, #tpu.memory_space<vmem>>, vector<16xf32>,
    %get3A_414 = vector.shape_cast %get3A_413 : vector<16xf32> to vector<16xf32>
    %swap3A_415 = arith.constant 0 : i32
    %swap3A_416 = arith.index_cast %swap3A_415 : i32 to index
    %swap3A_417 = arith.constant 0 : index
    %swap3A_418 = tpu.vector_load %arg11[%swap3A_416, %swap3A_417] {strides = array<i32>} : memref<80x128xf32, #tpu.memory_space<vmem>>, vector<1x16xf32>,
    %swap3A_419 = vector.shape_cast %swap3A_418 : vector<1x16xf32> to vector<16xf32>
    %swap3A_420 = vector.shape_cast %get3A_414 : vector<16xf32> to vector<1x16xf32>
    tpu.vector_store %arg11[%swap3A_416, %swap3A_417], %swap3A_420 {strides = array<i32>} : memref<80x128xf32, #tpu.memory_space<vmem>>, vector<1x16xf32>,
    %get3A_421 = arith.constant 16 : index
    %get3A_422 = tpu.vector_load %arg23[%get3A_421] {strides = array<i32>} : memref<1280xf32, #tpu.memory_space<vmem>>, vector<16xf32>,
    %get3A_423 = vector.shape_cast %get3A_422 : vector<16xf32> to vector<16xf32>
    %swap3A_424 = arith.constant 1 : i32
    %swap3A_425 = arith.index_cast %swap3A_424 : i32 to index
    %swap3A_426 = arith.constant 0 : index
    %swap3A_427 = tpu.vector_load %arg11[%swap3A_425, %swap3A_426] {strides = array<i32>} : memref<80x128xf32, #tpu.memory_space<vmem>>, vector<1x16xf32>,
    %swap3A_428 = vector.shape_cast %swap3A_427 : vector<1x16xf32> to vector<16xf32>
    %swap3A_429 = vector.shape_cast %get3A_423 : vector<16xf32> to vector<1x16xf32>
    tpu.vector_store %arg11[%swap3A_425, %swap3A_426], %swap3A_429 {strides = array<i32>} : memref<80x128xf32, #tpu.memory_space<vmem>>, vector<1x16xf32>,
    %get3A_430 = arith.constant 32 : index
    %get3A_431 = tpu.vector_load %arg23[%get3A_430] {strides = array<i32>} : memref<1280xf32, #tpu.memory_space<vmem>>, vector<16xf32>,
    %get3A_432 = vector.shape_cast %get3A_431 : vector<16xf32> to vector<16xf32>
    %swap3A_433 = arith.constant 2 : i32
    %swap3A_434 = arith.index_cast %swap3A_433 : i32 to index
    %swap3A_435 = arith.constant 0 : index
    %swap3A_436 = tpu.vector_load %arg11[%swap3A_434, %swap3A_435] {strides = array<i32>} : memref<80x128xf32, #tpu.memory_space<vmem>>, vector<1x16xf32>,
    %swap3A_437 = vector.shape_cast %swap3A_436 : vector<1x16xf32> to vector<16xf32>
    %swap3A_438 = vector.shape_cast %get3A_432 : vector<16xf32> to vector<1x16xf32>
    tpu.vector_store %arg11[%swap3A_434, %swap3A_435], %swap3A_438 {strides = array<i32>} : memref<80x128xf32, #tpu.memory_space<vmem>>, vector<1x16xf32>,
    %get3A_439 = arith.constant 48 : index
    %get3A_440 = tpu.vector_load %arg23[%get3A_439] {strides = array<i32>} : memref<1280xf32, #tpu.memory_space<vmem>>, vector<16xf32>,
    %get3A_441 = vector.shape_cast %get3A_440 : vector<16xf32> to vector<16xf32>
    %swap3A_442 = arith.constant 3 : i32
    %swap3A_443 = arith.index_cast %swap3A_442 : i32 to index
    %swap3A_444 = arith.constant 0 : index
    %swap3A_445 = tpu.vector_load %arg11[%swap3A_443, %swap3A_444] {strides = array<i32>} : memref<80x128xf32, #tpu.memory_space<vmem>>, vector<1x16xf32>,
    %swap3A_446 = vector.shape_cast %swap3A_445 : vector<1x16xf32> to vector<16xf32>
    %swap3A_447 = vector.shape_cast %get3A_441 : vector<16xf32> to vector<1x16xf32>
    tpu.vector_store %arg11[%swap3A_443, %swap3A_444], %swap3A_447 {strides = array<i32>} : memref<80x128xf32, #tpu.memory_space<vmem>>, vector<1x16xf32>,
    %get3A_448 = arith.constant 64 : index
    %get3A_449 = tpu.vector_load %arg23[%get3A_448] {strides = array<i32>} : memref<1280xf32, #tpu.memory_space<vmem>>, vector<16xf32>,
    %get3A_450 = vector.shape_cast %get3A_449 : vector<16xf32> to vector<16xf32>
    %swap3A_451 = arith.constant 4 : i32
    %swap3A_452 = arith.index_cast %swap3A_451 : i32 to index
    %swap3A_453 = arith.constant 0 : index
    %swap3A_454 = tpu.vector_load %arg11[%swap3A_452, %swap3A_453] {strides = array<i32>} : memref<80x128xf32, #tpu.memory_space<vmem>>, vector<1x16xf32>,
    %swap3A_455 = vector.shape_cast %swap3A_454 : vector<1x16xf32> to vector<16xf32>
    %swap3A_456 = vector.shape_cast %get3A_450 : vector<16xf32> to vector<1x16xf32>
    tpu.vector_store %arg11[%swap3A_452, %swap3A_453], %swap3A_456 {strides = array<i32>} : memref<80x128xf32, #tpu.memory_space<vmem>>, vector<1x16xf32>,
    %get3A_457 = arith.constant 80 : index
    %get3A_458 = tpu.vector_load %arg23[%get3A_457] {strides = array<i32>} : memref<1280xf32, #tpu.memory_space<vmem>>, vector<16xf32>,
    %get3A_459 = vector.shape_cast %get3A_458 : vector<16xf32> to vector<16xf32>
    %swap3A_460 = arith.constant 5 : i32
    %swap3A_461 = arith.index_cast %swap3A_460 : i32 to index
    %swap3A_462 = arith.constant 0 : index
    %swap3A_463 = tpu.vector_load %arg11[%swap3A_461, %swap3A_462] {strides = array<i32>} : memref<80x128xf32, #tpu.memory_space<vmem>>, vector<1x16xf32>,
    %swap3A_464 = vector.shape_cast %swap3A_463 : vector<1x16xf32> to vector<16xf32>
    %swap3A_465 = vector.shape_cast %get3A_459 : vector<16xf32> to vector<1x16xf32>
    tpu.vector_store %arg11[%swap3A_461, %swap3A_462], %swap3A_465 {strides = array<i32>} : memref<80x128xf32, #tpu.memory_space<vmem>>, vector<1x16xf32>,
    %get3A_466 = arith.constant 96 : index
    %get3A_467 = tpu.vector_load %arg23[%get3A_466] {strides = array<i32>} : memref<1280xf32, #tpu.memory_space<vmem>>, vector<16xf32>,
    %get3A_468 = vector.shape_cast %get3A_467 : vector<16xf32> to vector<16xf32>
    %swap3A_469 = arith.constant 6 : i32
    %swap3A_470 = arith.index_cast %swap3A_469 : i32 to index
    %swap3A_471 = arith.constant 0 : index
    %swap3A_472 = tpu.vector_load %arg11[%swap3A_470, %swap3A_471] {strides = array<i32>} : memref<80x128xf32, #tpu.memory_space<vmem>>, vector<1x16xf32>,
    %swap3A_473 = vector.shape_cast %swap3A_472 : vector<1x16xf32> to vector<16xf32>
    %swap3A_474 = vector.shape_cast %get3A_468 : vector<16xf32> to vector<1x16xf32>
    tpu.vector_store %arg11[%swap3A_470, %swap3A_471], %swap3A_474 {strides = array<i32>} : memref<80x128xf32, #tpu.memory_space<vmem>>, vector<1x16xf32>,
    %get3A_475 = arith.constant 112 : index
    %get3A_476 = tpu.vector_load %arg23[%get3A_475] {strides = array<i32>} : memref<1280xf32, #tpu.memory_space<vmem>>, vector<16xf32>,
    %get3A_477 = vector.shape_cast %get3A_476 : vector<16xf32> to vector<16xf32>
    %swap3A_478 = arith.constant 7 : i32
    %swap3A_479 = arith.index_cast %swap3A_478 : i32 to index
    %swap3A_480 = arith.constant 0 : index
    %swap3A_481 = tpu.vector_load %arg11[%swap3A_479, %swap3A_480] {strides = array<i32>} : memref<80x128xf32, #tpu.memory_space<vmem>>, vector<1x16xf32>,
    %swap3A_482 = vector.shape_cast %swap3A_481 : vector<1x16xf32> to vector<16xf32>
    %swap3A_483 = vector.shape_cast %get3A_477 : vector<16xf32> to vector<1x16xf32>
    tpu.vector_store %arg11[%swap3A_479, %swap3A_480], %swap3A_483 {strides = array<i32>} : memref<80x128xf32, #tpu.memory_space<vmem>>, vector<1x16xf32>,
    %get3A_484 = arith.constant 128 : index
    %get3A_485 = tpu.vector_load %arg23[%get3A_484] {strides = array<i32>} : memref<1280xf32, #tpu.memory_space<vmem>>, vector<16xf32>,
    %get3A_486 = vector.shape_cast %get3A_485 : vector<16xf32> to vector<16xf32>
    %swap3A_487 = arith.constant 8 : i32
    %swap3A_488 = arith.index_cast %swap3A_487 : i32 to index
    %swap3A_489 = arith.constant 0 : index
    %swap3A_490 = tpu.vector_load %arg11[%swap3A_488, %swap3A_489] {strides = array<i32>} : memref<80x128xf32, #tpu.memory_space<vmem>>, vector<1x16xf32>,
    %swap3A_491 = vector.shape_cast %swap3A_490 : vector<1x16xf32> to vector<16xf32>
    %swap3A_492 = vector.shape_cast %get3A_486 : vector<16xf32> to vector<1x16xf32>
    tpu.vector_store %arg11[%swap3A_488, %swap3A_489], %swap3A_492 {strides = array<i32>} : memref<80x128xf32, #tpu.memory_space<vmem>>, vector<1x16xf32>,
    %get3A_493 = arith.constant 144 : index
    %get3A_494 = tpu.vector_load %arg23[%get3A_493] {strides = array<i32>} : memref<1280xf32, #tpu.memory_space<vmem>>, vector<16xf32>,
    %get3A_495 = vector.shape_cast %get3A_494 : vector<16xf32> to vector<16xf32>
    %swap3A_496 = arith.constant 9 : i32
    %swap3A_497 = arith.index_cast %swap3A_496 : i32 to index
    %swap3A_498 = arith.constant 0 : index
    %swap3A_499 = tpu.vector_load %arg11[%swap3A_497, %swap3A_498] {strides = array<i32>} : memref<80x128xf32, #tpu.memory_space<vmem>>, vector<1x16xf32>,
    %swap3A_500 = vector.shape_cast %swap3A_499 : vector<1x16xf32> to vector<16xf32>
    %swap3A_501 = vector.shape_cast %get3A_495 : vector<16xf32> to vector<1x16xf32>
    tpu.vector_store %arg11[%swap3A_497, %swap3A_498], %swap3A_501 {strides = array<i32>} : memref<80x128xf32, #tpu.memory_space<vmem>>, vector<1x16xf32>,
    %get3A_502 = arith.constant 160 : index
    %get3A_503 = tpu.vector_load %arg23[%get3A_502] {strides = array<i32>} : memref<1280xf32, #tpu.memory_space<vmem>>, vector<16xf32>,
    %get3A_504 = vector.shape_cast %get3A_503 : vector<16xf32> to vector<16xf32>
    %swap3A_505 = arith.constant 10 : i32
    %swap3A_506 = arith.index_cast %swap3A_505 : i32 to index
    %swap3A_507 = arith.constant 0 : index
    %swap3A_508 = tpu.vector_load %arg11[%swap3A_506, %swap3A_507] {strides = array<i32>} : memref<80x128xf32, #tpu.memory_space<vmem>>, vector<1x16xf32>,
    %swap3A_509 = vector.shape_cast %swap3A_508 : vector<1x16xf32> to vector<16xf32>
    %swap3A_510 = vector.shape_cast %get3A_504 : vector<16xf32> to vector<1x16xf32>
    tpu.vector_store %arg11[%swap3A_506, %swap3A_507], %swap3A_510 {strides = array<i32>} : memref<80x128xf32, #tpu.memory_space<vmem>>, vector<1x16xf32>,
    %get3A_511 = arith.constant 176 : index
    %get3A_512 = tpu.vector_load %arg23[%get3A_511] {strides = array<i32>} : memref<1280xf32, #tpu.memory_space<vmem>>, vector<16xf32>,
    %get3A_513 = vector.shape_cast %get3A_512 : vector<16xf32> to vector<16xf32>
    %swap3A_514 = arith.constant 11 : i32
    %swap3A_515 = arith.index_cast %swap3A_514 : i32 to index
    %swap3A_516 = arith.constant 0 : index
    %swap3A_517 = tpu.vector_load %arg11[%swap3A_515, %swap3A_516] {strides = array<i32>} : memref<80x128xf32, #tpu.memory_space<vmem>>, vector<1x16xf32>,
    %swap3A_518 = vector.shape_cast %swap3A_517 : vector<1x16xf32> to vector<16xf32>
    %swap3A_519 = vector.shape_cast %get3A_513 : vector<16xf32> to vector<1x16xf32>
    tpu.vector_store %arg11[%swap3A_515, %swap3A_516], %swap3A_519 {strides = array<i32>} : memref<80x128xf32, #tpu.memory_space<vmem>>, vector<1x16xf32>,
    %get3A_520 = arith.constant 192 : index
    %get3A_521 = tpu.vector_load %arg23[%get3A_520] {strides = array<i32>} : memref<1280xf32, #tpu.memory_space<vmem>>, vector<16xf32>,
    %get3A_522 = vector.shape_cast %get3A_521 : vector<16xf32> to vector<16xf32>
    %swap3A_523 = arith.constant 12 : i32
    %swap3A_524 = arith.index_cast %swap3A_523 : i32 to index
    %swap3A_525 = arith.constant 0 : index
    %swap3A_526 = tpu.vector_load %arg11[%swap3A_524, %swap3A_525] {strides = array<i32>} : memref<80x128xf32, #tpu.memory_space<vmem>>, vector<1x16xf32>,
    %swap3A_527 = vector.shape_cast %swap3A_526 : vector<1x16xf32> to vector<16xf32>
    %swap3A_528 = vector.shape_cast %get3A_522 : vector<16xf32> to vector<1x16xf32>
    tpu.vector_store %arg11[%swap3A_524, %swap3A_525], %swap3A_528 {strides = array<i32>} : memref<80x128xf32, #tpu.memory_space<vmem>>, vector<1x16xf32>,
    %get3A_529 = arith.constant 208 : index
    %get3A_530 = tpu.vector_load %arg23[%get3A_529] {strides = array<i32>} : memref<1280xf32, #tpu.memory_space<vmem>>, vector<16xf32>,
    %get3A_531 = vector.shape_cast %get3A_530 : vector<16xf32> to vector<16xf32>
    %swap3A_532 = arith.constant 13 : i32
    %swap3A_533 = arith.index_cast %swap3A_532 : i32 to index
    %swap3A_534 = arith.constant 0 : index
    %swap3A_535 = tpu.vector_load %arg11[%swap3A_533, %swap3A_534] {strides = array<i32>} : memref<80x128xf32, #tpu.memory_space<vmem>>, vector<1x16xf32>,
    %swap3A_536 = vector.shape_cast %swap3A_535 : vector<1x16xf32> to vector<16xf32>
    %swap3A_537 = vector.shape_cast %get3A_531 : vector<16xf32> to vector<1x16xf32>
    tpu.vector_store %arg11[%swap3A_533, %swap3A_534], %swap3A_537 {strides = array<i32>} : memref<80x128xf32, #tpu.memory_space<vmem>>, vector<1x16xf32>,
    %get3A_538 = arith.constant 224 : index
    %get3A_539 = tpu.vector_load %arg23[%get3A_538] {strides = array<i32>} : memref<1280xf32, #tpu.memory_space<vmem>>, vector<16xf32>,
    %get3A_540 = vector.shape_cast %get3A_539 : vector<16xf32> to vector<16xf32>
    %swap3A_541 = arith.constant 14 : i32
    %swap3A_542 = arith.index_cast %swap3A_541 : i32 to index
    %swap3A_543 = arith.constant 0 : index
    %swap3A_544 = tpu.vector_load %arg11[%swap3A_542, %swap3A_543] {strides = array<i32>} : memref<80x128xf32, #tpu.memory_space<vmem>>, vector<1x16xf32>,
    %swap3A_545 = vector.shape_cast %swap3A_544 : vector<1x16xf32> to vector<16xf32>
    %swap3A_546 = vector.shape_cast %get3A_540 : vector<16xf32> to vector<1x16xf32>
    tpu.vector_store %arg11[%swap3A_542, %swap3A_543], %swap3A_546 {strides = array<i32>} : memref<80x128xf32, #tpu.memory_space<vmem>>, vector<1x16xf32>,
    %get3A_547 = arith.constant 240 : index
    %get3A_548 = tpu.vector_load %arg23[%get3A_547] {strides = array<i32>} : memref<1280xf32, #tpu.memory_space<vmem>>, vector<16xf32>,
    %get3A_549 = vector.shape_cast %get3A_548 : vector<16xf32> to vector<16xf32>
    %swap3A_550 = arith.constant 15 : i32
    %swap3A_551 = arith.index_cast %swap3A_550 : i32 to index
    %swap3A_552 = arith.constant 0 : index
    %swap3A_553 = tpu.vector_load %arg11[%swap3A_551, %swap3A_552] {strides = array<i32>} : memref<80x128xf32, #tpu.memory_space<vmem>>, vector<1x16xf32>,
    %swap3A_554 = vector.shape_cast %swap3A_553 : vector<1x16xf32> to vector<16xf32>
    %swap3A_555 = vector.shape_cast %get3A_549 : vector<16xf32> to vector<1x16xf32>
    tpu.vector_store %arg11[%swap3A_551, %swap3A_552], %swap3A_555 {strides = array<i32>} : memref<80x128xf32, #tpu.memory_space<vmem>>, vector<1x16xf32>,
    %get3A_556 = arith.constant 256 : index
    %get3A_557 = tpu.vector_load %arg23[%get3A_556] {strides = array<i32>} : memref<1280xf32, #tpu.memory_space<vmem>>, vector<16xf32>,
    %get3A_558 = vector.shape_cast %get3A_557 : vector<16xf32> to vector<16xf32>
    %swap3A_559 = arith.constant 16 : i32
    %swap3A_560 = arith.index_cast %swap3A_559 : i32 to index
    %swap3A_561 = arith.constant 0 : index
    %swap3A_562 = tpu.vector_load %arg11[%swap3A_560, %swap3A_561] {strides = array<i32>} : memref<80x128xf32, #tpu.memory_space<vmem>>, vector<1x16xf32>,
    %swap3A_563 = vector.shape_cast %swap3A_562 : vector<1x16xf32> to vector<16xf32>
    %swap3A_564 = vector.shape_cast %get3A_558 : vector<16xf32> to vector<1x16xf32>
    tpu.vector_store %arg11[%swap3A_560, %swap3A_561], %swap3A_564 {strides = array<i32>} : memref<80x128xf32, #tpu.memory_space<vmem>>, vector<1x16xf32>,
    %get3A_565 = arith.constant 272 : index
    %get3A_566 = tpu.vector_load %arg23[%get3A_565] {strides = array<i32>} : memref<1280xf32, #tpu.memory_space<vmem>>, vector<16xf32>,
    %get3A_567 = vector.shape_cast %get3A_566 : vector<16xf32> to vector<16xf32>
    %swap3A_568 = arith.constant 17 : i32
    %swap3A_569 = arith.index_cast %swap3A_568 : i32 to index
    %swap3A_570 = arith.constant 0 : index
    %swap3A_571 = tpu.vector_load %arg11[%swap3A_569, %swap3A_570] {strides = array<i32>} : memref<80x128xf32, #tpu.memory_space<vmem>>, vector<1x16xf32>,
    %swap3A_572 = vector.shape_cast %swap3A_571 : vector<1x16xf32> to vector<16xf32>
    %swap3A_573 = vector.shape_cast %get3A_567 : vector<16xf32> to vector<1x16xf32>
    tpu.vector_store %arg11[%swap3A_569, %swap3A_570], %swap3A_573 {strides = array<i32>} : memref<80x128xf32, #tpu.memory_space<vmem>>, vector<1x16xf32>,
    %get3A_574 = arith.constant 288 : index
    %get3A_575 = tpu.vector_load %arg23[%get3A_574] {strides = array<i32>} : memref<1280xf32, #tpu.memory_space<vmem>>, vector<16xf32>,
    %get3A_576 = vector.shape_cast %get3A_575 : vector<16xf32> to vector<16xf32>
    %swap3A_577 = arith.constant 18 : i32
    %swap3A_578 = arith.index_cast %swap3A_577 : i32 to index
    %swap3A_579 = arith.constant 0 : index
    %swap3A_580 = tpu.vector_load %arg11[%swap3A_578, %swap3A_579] {strides = array<i32>} : memref<80x128xf32, #tpu.memory_space<vmem>>, vector<1x16xf32>,
    %swap3A_581 = vector.shape_cast %swap3A_580 : vector<1x16xf32> to vector<16xf32>
    %swap3A_582 = vector.shape_cast %get3A_576 : vector<16xf32> to vector<1x16xf32>
    tpu.vector_store %arg11[%swap3A_578, %swap3A_579], %swap3A_582 {strides = array<i32>} : memref<80x128xf32, #tpu.memory_space<vmem>>, vector<1x16xf32>,
    %get3A_583 = arith.constant 304 : index
    %get3A_584 = tpu.vector_load %arg23[%get3A_583] {strides = array<i32>} : memref<1280xf32, #tpu.memory_space<vmem>>, vector<16xf32>,
    %get3A_585 = vector.shape_cast %get3A_584 : vector<16xf32> to vector<16xf32>
    %swap3A_586 = arith.constant 19 : i32
    %swap3A_587 = arith.index_cast %swap3A_586 : i32 to index
    %swap3A_588 = arith.constant 0 : index
    %swap3A_589 = tpu.vector_load %arg11[%swap3A_587, %swap3A_588] {strides = array<i32>} : memref<80x128xf32, #tpu.memory_space<vmem>>, vector<1x16xf32>,
    %swap3A_590 = vector.shape_cast %swap3A_589 : vector<1x16xf32> to vector<16xf32>
    %swap3A_591 = vector.shape_cast %get3A_585 : vector<16xf32> to vector<1x16xf32>
    tpu.vector_store %arg11[%swap3A_587, %swap3A_588], %swap3A_591 {strides = array<i32>} : memref<80x128xf32, #tpu.memory_space<vmem>>, vector<1x16xf32>,
    %get3A_592 = arith.constant 320 : index
    %get3A_593 = tpu.vector_load %arg23[%get3A_592] {strides = array<i32>} : memref<1280xf32, #tpu.memory_space<vmem>>, vector<16xf32>,
    %get3A_594 = vector.shape_cast %get3A_593 : vector<16xf32> to vector<16xf32>
    %swap3A_595 = arith.constant 20 : i32
    %swap3A_596 = arith.index_cast %swap3A_595 : i32 to index
    %swap3A_597 = arith.constant 0 : index
    %swap3A_598 = tpu.vector_load %arg11[%swap3A_596, %swap3A_597] {strides = array<i32>} : memref<80x128xf32, #tpu.memory_space<vmem>>, vector<1x16xf32>,
    %swap3A_599 = vector.shape_cast %swap3A_598 : vector<1x16xf32> to vector<16xf32>
    %swap3A_600 = vector.shape_cast %get3A_594 : vector<16xf32> to vector<1x16xf32>
    tpu.vector_store %arg11[%swap3A_596, %swap3A_597], %swap3A_600 {strides = array<i32>} : memref<80x128xf32, #tpu.memory_space<vmem>>, vector<1x16xf32>,
    %get3A_601 = arith.constant 336 : index
    %get3A_602 = tpu.vector_load %arg23[%get3A_601] {strides = array<i32>} : memref<1280xf32, #tpu.memory_space<vmem>>, vector<16xf32>,
    %get3A_603 = vector.shape_cast %get3A_602 : vector<16xf32> to vector<16xf32>
    %swap3A_604 = arith.constant 21 : i32
    %swap3A_605 = arith.index_cast %swap3A_604 : i32 to index
    %swap3A_606 = arith.constant 0 : index
    %swap3A_607 = tpu.vector_load %arg11[%swap3A_605, %swap3A_606] {strides = array<i32>} : memref<80x128xf32, #tpu.memory_space<vmem>>, vector<1x16xf32>,
    %swap3A_608 = vector.shape_cast %swap3A_607 : vector<1x16xf32> to vector<16xf32>
    %swap3A_609 = vector.shape_cast %get3A_603 : vector<16xf32> to vector<1x16xf32>
    tpu.vector_store %arg11[%swap3A_605, %swap3A_606], %swap3A_609 {strides = array<i32>} : memref<80x128xf32, #tpu.memory_space<vmem>>, vector<1x16xf32>,
    %get3A_610 = arith.constant 352 : index
    %get3A_611 = tpu.vector_load %arg23[%get3A_610] {strides = array<i32>} : memref<1280xf32, #tpu.memory_space<vmem>>, vector<16xf32>,
    %get3A_612 = vector.shape_cast %get3A_611 : vector<16xf32> to vector<16xf32>
    %swap3A_613 = arith.constant 22 : i32
    %swap3A_614 = arith.index_cast %swap3A_613 : i32 to index
    %swap3A_615 = arith.constant 0 : index
    %swap3A_616 = tpu.vector_load %arg11[%swap3A_614, %swap3A_615] {strides = array<i32>} : memref<80x128xf32, #tpu.memory_space<vmem>>, vector<1x16xf32>,
    %swap3A_617 = vector.shape_cast %swap3A_616 : vector<1x16xf32> to vector<16xf32>
    %swap3A_618 = vector.shape_cast %get3A_612 : vector<16xf32> to vector<1x16xf32>
    tpu.vector_store %arg11[%swap3A_614, %swap3A_615], %swap3A_618 {strides = array<i32>} : memref<80x128xf32, #tpu.memory_space<vmem>>, vector<1x16xf32>,
    %get3A_619 = arith.constant 368 : index
    %get3A_620 = tpu.vector_load %arg23[%get3A_619] {strides = array<i32>} : memref<1280xf32, #tpu.memory_space<vmem>>, vector<16xf32>,
    %get3A_621 = vector.shape_cast %get3A_620 : vector<16xf32> to vector<16xf32>
    %swap3A_622 = arith.constant 23 : i32
    %swap3A_623 = arith.index_cast %swap3A_622 : i32 to index
    %swap3A_624 = arith.constant 0 : index
    %swap3A_625 = tpu.vector_load %arg11[%swap3A_623, %swap3A_624] {strides = array<i32>} : memref<80x128xf32, #tpu.memory_space<vmem>>, vector<1x16xf32>,
    %swap3A_626 = vector.shape_cast %swap3A_625 : vector<1x16xf32> to vector<16xf32>
    %swap3A_627 = vector.shape_cast %get3A_621 : vector<16xf32> to vector<1x16xf32>
    tpu.vector_store %arg11[%swap3A_623, %swap3A_624], %swap3A_627 {strides = array<i32>} : memref<80x128xf32, #tpu.memory_space<vmem>>, vector<1x16xf32>,
    %get3A_628 = arith.constant 384 : index
    %get3A_629 = tpu.vector_load %arg23[%get3A_628] {strides = array<i32>} : memref<1280xf32, #tpu.memory_space<vmem>>, vector<16xf32>,
    %get3A_630 = vector.shape_cast %get3A_629 : vector<16xf32> to vector<16xf32>
    %swap3A_631 = arith.constant 24 : i32
    %swap3A_632 = arith.index_cast %swap3A_631 : i32 to index
    %swap3A_633 = arith.constant 0 : index
    %swap3A_634 = tpu.vector_load %arg11[%swap3A_632, %swap3A_633] {strides = array<i32>} : memref<80x128xf32, #tpu.memory_space<vmem>>, vector<1x16xf32>,
    %swap3A_635 = vector.shape_cast %swap3A_634 : vector<1x16xf32> to vector<16xf32>
    %swap3A_636 = vector.shape_cast %get3A_630 : vector<16xf32> to vector<1x16xf32>
    tpu.vector_store %arg11[%swap3A_632, %swap3A_633], %swap3A_636 {strides = array<i32>} : memref<80x128xf32, #tpu.memory_space<vmem>>, vector<1x16xf32>,
    %get3A_637 = arith.constant 400 : index
    %get3A_638 = tpu.vector_load %arg23[%get3A_637] {strides = array<i32>} : memref<1280xf32, #tpu.memory_space<vmem>>, vector<16xf32>,
    %get3A_639 = vector.shape_cast %get3A_638 : vector<16xf32> to vector<16xf32>
    %swap3A_640 = arith.constant 25 : i32
    %swap3A_641 = arith.index_cast %swap3A_640 : i32 to index
    %swap3A_642 = arith.constant 0 : index
    %swap3A_643 = tpu.vector_load %arg11[%swap3A_641, %swap3A_642] {strides = array<i32>} : memref<80x128xf32, #tpu.memory_space<vmem>>, vector<1x16xf32>,
    %swap3A_644 = vector.shape_cast %swap3A_643 : vector<1x16xf32> to vector<16xf32>
    %swap3A_645 = vector.shape_cast %get3A_639 : vector<16xf32> to vector<1x16xf32>
    tpu.vector_store %arg11[%swap3A_641, %swap3A_642], %swap3A_645 {strides = array<i32>} : memref<80x128xf32, #tpu.memory_space<vmem>>, vector<1x16xf32>,
    %get3A_646 = arith.constant 416 : index
    %get3A_647 = tpu.vector_load %arg23[%get3A_646] {strides = array<i32>} : memref<1280xf32, #tpu.memory_space<vmem>>, vector<16xf32>,
    %get3A_648 = vector.shape_cast %get3A_647 : vector<16xf32> to vector<16xf32>
    %swap3A_649 = arith.constant 26 : i32
    %swap3A_650 = arith.index_cast %swap3A_649 : i32 to index
    %swap3A_651 = arith.constant 0 : index
    %swap3A_652 = tpu.vector_load %arg11[%swap3A_650, %swap3A_651] {strides = array<i32>} : memref<80x128xf32, #tpu.memory_space<vmem>>, vector<1x16xf32>,
    %swap3A_653 = vector.shape_cast %swap3A_652 : vector<1x16xf32> to vector<16xf32>
    %swap3A_654 = vector.shape_cast %get3A_648 : vector<16xf32> to vector<1x16xf32>
    tpu.vector_store %arg11[%swap3A_650, %swap3A_651], %swap3A_654 {strides = array<i32>} : memref<80x128xf32, #tpu.memory_space<vmem>>, vector<1x16xf32>,
    %get3A_655 = arith.constant 432 : index
    %get3A_656 = tpu.vector_load %arg23[%get3A_655] {strides = array<i32>} : memref<1280xf32, #tpu.memory_space<vmem>>, vector<16xf32>,
    %get3A_657 = vector.shape_cast %get3A_656 : vector<16xf32> to vector<16xf32>
    %swap3A_658 = arith.constant 27 : i32
    %swap3A_659 = arith.index_cast %swap3A_658 : i32 to index
    %swap3A_660 = arith.constant 0 : index
    %swap3A_661 = tpu.vector_load %arg11[%swap3A_659, %swap3A_660] {strides = array<i32>} : memref<80x128xf32, #tpu.memory_space<vmem>>, vector<1x16xf32>,
    %swap3A_662 = vector.shape_cast %swap3A_661 : vector<1x16xf32> to vector<16xf32>
    %swap3A_663 = vector.shape_cast %get3A_657 : vector<16xf32> to vector<1x16xf32>
    tpu.vector_store %arg11[%swap3A_659, %swap3A_660], %swap3A_663 {strides = array<i32>} : memref<80x128xf32, #tpu.memory_space<vmem>>, vector<1x16xf32>,
    %get3A_664 = arith.constant 448 : index
    %get3A_665 = tpu.vector_load %arg23[%get3A_664] {strides = array<i32>} : memref<1280xf32, #tpu.memory_space<vmem>>, vector<16xf32>,
    %get3A_666 = vector.shape_cast %get3A_665 : vector<16xf32> to vector<16xf32>
    %swap3A_667 = arith.constant 28 : i32
    %swap3A_668 = arith.index_cast %swap3A_667 : i32 to index
    %swap3A_669 = arith.constant 0 : index
    %swap3A_670 = tpu.vector_load %arg11[%swap3A_668, %swap3A_669] {strides = array<i32>} : memref<80x128xf32, #tpu.memory_space<vmem>>, vector<1x16xf32>,
    %swap3A_671 = vector.shape_cast %swap3A_670 : vector<1x16xf32> to vector<16xf32>
    %swap3A_672 = vector.shape_cast %get3A_666 : vector<16xf32> to vector<1x16xf32>
    tpu.vector_store %arg11[%swap3A_668, %swap3A_669], %swap3A_672 {strides = array<i32>} : memref<80x128xf32, #tpu.memory_space<vmem>>, vector<1x16xf32>,
    %get3A_673 = arith.constant 464 : index
    %get3A_674 = tpu.vector_load %arg23[%get3A_673] {strides = array<i32>} : memref<1280xf32, #tpu.memory_space<vmem>>, vector<16xf32>,
    %get3A_675 = vector.shape_cast %get3A_674 : vector<16xf32> to vector<16xf32>
    %swap3A_676 = arith.constant 29 : i32
    %swap3A_677 = arith.index_cast %swap3A_676 : i32 to index
    %swap3A_678 = arith.constant 0 : index
    %swap3A_679 = tpu.vector_load %arg11[%swap3A_677, %swap3A_678] {strides = array<i32>} : memref<80x128xf32, #tpu.memory_space<vmem>>, vector<1x16xf32>,
    %swap3A_680 = vector.shape_cast %swap3A_679 : vector<1x16xf32> to vector<16xf32>
    %swap3A_681 = vector.shape_cast %get3A_675 : vector<16xf32> to vector<1x16xf32>
    tpu.vector_store %arg11[%swap3A_677, %swap3A_678], %swap3A_681 {strides = array<i32>} : memref<80x128xf32, #tpu.memory_space<vmem>>, vector<1x16xf32>,
    %get3A_682 = arith.constant 480 : index
    %get3A_683 = tpu.vector_load %arg23[%get3A_682] {strides = array<i32>} : memref<1280xf32, #tpu.memory_space<vmem>>, vector<16xf32>,
    %get3A_684 = vector.shape_cast %get3A_683 : vector<16xf32> to vector<16xf32>
    %swap3A_685 = arith.constant 30 : i32
    %swap3A_686 = arith.index_cast %swap3A_685 : i32 to index
    %swap3A_687 = arith.constant 0 : index
    %swap3A_688 = tpu.vector_load %arg11[%swap3A_686, %swap3A_687] {strides = array<i32>} : memref<80x128xf32, #tpu.memory_space<vmem>>, vector<1x16xf32>,
    %swap3A_689 = vector.shape_cast %swap3A_688 : vector<1x16xf32> to vector<16xf32>
    %swap3A_690 = vector.shape_cast %get3A_684 : vector<16xf32> to vector<1x16xf32>
    tpu.vector_store %arg11[%swap3A_686, %swap3A_687], %swap3A_690 {strides = array<i32>} : memref<80x128xf32, #tpu.memory_space<vmem>>, vector<1x16xf32>,
    %get3A_691 = arith.constant 496 : index
    %get3A_692 = tpu.vector_load %arg23[%get3A_691] {strides = array<i32>} : memref<1280xf32, #tpu.memory_space<vmem>>, vector<16xf32>,
    %get3A_693 = vector.shape_cast %get3A_692 : vector<16xf32> to vector<16xf32>
    %swap3A_694 = arith.constant 31 : i32
    %swap3A_695 = arith.index_cast %swap3A_694 : i32 to index
    %swap3A_696 = arith.constant 0 : index
    %swap3A_697 = tpu.vector_load %arg11[%swap3A_695, %swap3A_696] {strides = array<i32>} : memref<80x128xf32, #tpu.memory_space<vmem>>, vector<1x16xf32>,
    %swap3A_698 = vector.shape_cast %swap3A_697 : vector<1x16xf32> to vector<16xf32>
    %swap3A_699 = vector.shape_cast %get3A_693 : vector<16xf32> to vector<1x16xf32>
    tpu.vector_store %arg11[%swap3A_695, %swap3A_696], %swap3A_699 {strides = array<i32>} : memref<80x128xf32, #tpu.memory_space<vmem>>, vector<1x16xf32>,
    %get3A_700 = arith.constant 512 : index
    %get3A_701 = tpu.vector_load %arg23[%get3A_700] {strides = array<i32>} : memref<1280xf32, #tpu.memory_space<vmem>>, vector<16xf32>,
    %get3A_702 = vector.shape_cast %get3A_701 : vector<16xf32> to vector<16xf32>
    %swap3A_703 = arith.constant 32 : i32
    %swap3A_704 = arith.index_cast %swap3A_703 : i32 to index
    %swap3A_705 = arith.constant 0 : index
    %swap3A_706 = tpu.vector_load %arg11[%swap3A_704, %swap3A_705] {strides = array<i32>} : memref<80x128xf32, #tpu.memory_space<vmem>>, vector<1x16xf32>,
    %swap3A_707 = vector.shape_cast %swap3A_706 : vector<1x16xf32> to vector<16xf32>
    %swap3A_708 = vector.shape_cast %get3A_702 : vector<16xf32> to vector<1x16xf32>
    tpu.vector_store %arg11[%swap3A_704, %swap3A_705], %swap3A_708 {strides = array<i32>} : memref<80x128xf32, #tpu.memory_space<vmem>>, vector<1x16xf32>,
    %get3A_709 = arith.constant 528 : index
    %get3A_710 = tpu.vector_load %arg23[%get3A_709] {strides = array<i32>} : memref<1280xf32, #tpu.memory_space<vmem>>, vector<16xf32>,
    %get3A_711 = vector.shape_cast %get3A_710 : vector<16xf32> to vector<16xf32>
    %swap3A_712 = arith.constant 33 : i32
    %swap3A_713 = arith.index_cast %swap3A_712 : i32 to index
    %swap3A_714 = arith.constant 0 : index
    %swap3A_715 = tpu.vector_load %arg11[%swap3A_713, %swap3A_714] {strides = array<i32>} : memref<80x128xf32, #tpu.memory_space<vmem>>, vector<1x16xf32>,
    %swap3A_716 = vector.shape_cast %swap3A_715 : vector<1x16xf32> to vector<16xf32>
    %swap3A_717 = vector.shape_cast %get3A_711 : vector<16xf32> to vector<1x16xf32>
    tpu.vector_store %arg11[%swap3A_713, %swap3A_714], %swap3A_717 {strides = array<i32>} : memref<80x128xf32, #tpu.memory_space<vmem>>, vector<1x16xf32>,
    %get3A_718 = arith.constant 544 : index
    %get3A_719 = tpu.vector_load %arg23[%get3A_718] {strides = array<i32>} : memref<1280xf32, #tpu.memory_space<vmem>>, vector<16xf32>,
    %get3A_720 = vector.shape_cast %get3A_719 : vector<16xf32> to vector<16xf32>
    %swap3A_721 = arith.constant 34 : i32
    %swap3A_722 = arith.index_cast %swap3A_721 : i32 to index
    %swap3A_723 = arith.constant 0 : index
    %swap3A_724 = tpu.vector_load %arg11[%swap3A_722, %swap3A_723] {strides = array<i32>} : memref<80x128xf32, #tpu.memory_space<vmem>>, vector<1x16xf32>,
    %swap3A_725 = vector.shape_cast %swap3A_724 : vector<1x16xf32> to vector<16xf32>
    %swap3A_726 = vector.shape_cast %get3A_720 : vector<16xf32> to vector<1x16xf32>
    tpu.vector_store %arg11[%swap3A_722, %swap3A_723], %swap3A_726 {strides = array<i32>} : memref<80x128xf32, #tpu.memory_space<vmem>>, vector<1x16xf32>,
    %get3A_727 = arith.constant 560 : index
    %get3A_728 = tpu.vector_load %arg23[%get3A_727] {strides = array<i32>} : memref<1280xf32, #tpu.memory_space<vmem>>, vector<16xf32>,
    %get3A_729 = vector.shape_cast %get3A_728 : vector<16xf32> to vector<16xf32>
    %swap3A_730 = arith.constant 35 : i32
    %swap3A_731 = arith.index_cast %swap3A_730 : i32 to index
    %swap3A_732 = arith.constant 0 : index
    %swap3A_733 = tpu.vector_load %arg11[%swap3A_731, %swap3A_732] {strides = array<i32>} : memref<80x128xf32, #tpu.memory_space<vmem>>, vector<1x16xf32>,
    %swap3A_734 = vector.shape_cast %swap3A_733 : vector<1x16xf32> to vector<16xf32>
    %swap3A_735 = vector.shape_cast %get3A_729 : vector<16xf32> to vector<1x16xf32>
    tpu.vector_store %arg11[%swap3A_731, %swap3A_732], %swap3A_735 {strides = array<i32>} : memref<80x128xf32, #tpu.memory_space<vmem>>, vector<1x16xf32>,
    %get3A_736 = arith.constant 576 : index
    %get3A_737 = tpu.vector_load %arg23[%get3A_736] {strides = array<i32>} : memref<1280xf32, #tpu.memory_space<vmem>>, vector<16xf32>,
    %get3A_738 = vector.shape_cast %get3A_737 : vector<16xf32> to vector<16xf32>
    %swap3A_739 = arith.constant 36 : i32
    %swap3A_740 = arith.index_cast %swap3A_739 : i32 to index
    %swap3A_741 = arith.constant 0 : index
    %swap3A_742 = tpu.vector_load %arg11[%swap3A_740, %swap3A_741] {strides = array<i32>} : memref<80x128xf32, #tpu.memory_space<vmem>>, vector<1x16xf32>,
    %swap3A_743 = vector.shape_cast %swap3A_742 : vector<1x16xf32> to vector<16xf32>
    %swap3A_744 = vector.shape_cast %get3A_738 : vector<16xf32> to vector<1x16xf32>
    tpu.vector_store %arg11[%swap3A_740, %swap3A_741], %swap3A_744 {strides = array<i32>} : memref<80x128xf32, #tpu.memory_space<vmem>>, vector<1x16xf32>,
    %get3A_745 = arith.constant 592 : index
    %get3A_746 = tpu.vector_load %arg23[%get3A_745] {strides = array<i32>} : memref<1280xf32, #tpu.memory_space<vmem>>, vector<16xf32>,
    %get3A_747 = vector.shape_cast %get3A_746 : vector<16xf32> to vector<16xf32>
    %swap3A_748 = arith.constant 37 : i32
    %swap3A_749 = arith.index_cast %swap3A_748 : i32 to index
    %swap3A_750 = arith.constant 0 : index
    %swap3A_751 = tpu.vector_load %arg11[%swap3A_749, %swap3A_750] {strides = array<i32>} : memref<80x128xf32, #tpu.memory_space<vmem>>, vector<1x16xf32>,
    %swap3A_752 = vector.shape_cast %swap3A_751 : vector<1x16xf32> to vector<16xf32>
    %swap3A_753 = vector.shape_cast %get3A_747 : vector<16xf32> to vector<1x16xf32>
    tpu.vector_store %arg11[%swap3A_749, %swap3A_750], %swap3A_753 {strides = array<i32>} : memref<80x128xf32, #tpu.memory_space<vmem>>, vector<1x16xf32>,
    %get3A_754 = arith.constant 608 : index
    %get3A_755 = tpu.vector_load %arg23[%get3A_754] {strides = array<i32>} : memref<1280xf32, #tpu.memory_space<vmem>>, vector<16xf32>,
    %get3A_756 = vector.shape_cast %get3A_755 : vector<16xf32> to vector<16xf32>
    %swap3A_757 = arith.constant 38 : i32
    %swap3A_758 = arith.index_cast %swap3A_757 : i32 to index
    %swap3A_759 = arith.constant 0 : index
    %swap3A_760 = tpu.vector_load %arg11[%swap3A_758, %swap3A_759] {strides = array<i32>} : memref<80x128xf32, #tpu.memory_space<vmem>>, vector<1x16xf32>,
    %swap3A_761 = vector.shape_cast %swap3A_760 : vector<1x16xf32> to vector<16xf32>
    %swap3A_762 = vector.shape_cast %get3A_756 : vector<16xf32> to vector<1x16xf32>
    tpu.vector_store %arg11[%swap3A_758, %swap3A_759], %swap3A_762 {strides = array<i32>} : memref<80x128xf32, #tpu.memory_space<vmem>>, vector<1x16xf32>,
    %get3A_763 = arith.constant 624 : index
    %get3A_764 = tpu.vector_load %arg23[%get3A_763] {strides = array<i32>} : memref<1280xf32, #tpu.memory_space<vmem>>, vector<16xf32>,
    %get3A_765 = vector.shape_cast %get3A_764 : vector<16xf32> to vector<16xf32>
    %swap3A_766 = arith.constant 39 : i32
    %swap3A_767 = arith.index_cast %swap3A_766 : i32 to index
    %swap3A_768 = arith.constant 0 : index
    %swap3A_769 = tpu.vector_load %arg11[%swap3A_767, %swap3A_768] {strides = array<i32>} : memref<80x128xf32, #tpu.memory_space<vmem>>, vector<1x16xf32>,
    %swap3A_770 = vector.shape_cast %swap3A_769 : vector<1x16xf32> to vector<16xf32>
    %swap3A_771 = vector.shape_cast %get3A_765 : vector<16xf32> to vector<1x16xf32>
    tpu.vector_store %arg11[%swap3A_767, %swap3A_768], %swap3A_771 {strides = array<i32>} : memref<80x128xf32, #tpu.memory_space<vmem>>, vector<1x16xf32>,
    %get3A_772 = arith.constant 640 : index
    %get3A_773 = tpu.vector_load %arg23[%get3A_772] {strides = array<i32>} : memref<1280xf32, #tpu.memory_space<vmem>>, vector<16xf32>,
    %get3A_774 = vector.shape_cast %get3A_773 : vector<16xf32> to vector<16xf32>
    %swap3A_775 = arith.constant 40 : i32
    %swap3A_776 = arith.index_cast %swap3A_775 : i32 to index
    %swap3A_777 = arith.constant 0 : index
    %swap3A_778 = tpu.vector_load %arg11[%swap3A_776, %swap3A_777] {strides = array<i32>} : memref<80x128xf32, #tpu.memory_space<vmem>>, vector<1x16xf32>,
    %swap3A_779 = vector.shape_cast %swap3A_778 : vector<1x16xf32> to vector<16xf32>
    %swap3A_780 = vector.shape_cast %get3A_774 : vector<16xf32> to vector<1x16xf32>
    tpu.vector_store %arg11[%swap3A_776, %swap3A_777], %swap3A_780 {strides = array<i32>} : memref<80x128xf32, #tpu.memory_space<vmem>>, vector<1x16xf32>,
    %get3A_781 = arith.constant 656 : index
    %get3A_782 = tpu.vector_load %arg23[%get3A_781] {strides = array<i32>} : memref<1280xf32, #tpu.memory_space<vmem>>, vector<16xf32>,
    %get3A_783 = vector.shape_cast %get3A_782 : vector<16xf32> to vector<16xf32>
    %swap3A_784 = arith.constant 41 : i32
    %swap3A_785 = arith.index_cast %swap3A_784 : i32 to index
    %swap3A_786 = arith.constant 0 : index
    %swap3A_787 = tpu.vector_load %arg11[%swap3A_785, %swap3A_786] {strides = array<i32>} : memref<80x128xf32, #tpu.memory_space<vmem>>, vector<1x16xf32>,
    %swap3A_788 = vector.shape_cast %swap3A_787 : vector<1x16xf32> to vector<16xf32>
    %swap3A_789 = vector.shape_cast %get3A_783 : vector<16xf32> to vector<1x16xf32>
    tpu.vector_store %arg11[%swap3A_785, %swap3A_786], %swap3A_789 {strides = array<i32>} : memref<80x128xf32, #tpu.memory_space<vmem>>, vector<1x16xf32>,
    %get3A_790 = arith.constant 672 : index
    %get3A_791 = tpu.vector_load %arg23[%get3A_790] {strides = array<i32>} : memref<1280xf32, #tpu.memory_space<vmem>>, vector<16xf32>,
    %get3A_792 = vector.shape_cast %get3A_791 : vector<16xf32> to vector<16xf32>
    %swap3A_793 = arith.constant 42 : i32
    %swap3A_794 = arith.index_cast %swap3A_793 : i32 to index
    %swap3A_795 = arith.constant 0 : index
    %swap3A_796 = tpu.vector_load %arg11[%swap3A_794, %swap3A_795] {strides = array<i32>} : memref<80x128xf32, #tpu.memory_space<vmem>>, vector<1x16xf32>,
    %swap3A_797 = vector.shape_cast %swap3A_796 : vector<1x16xf32> to vector<16xf32>
    %swap3A_798 = vector.shape_cast %get3A_792 : vector<16xf32> to vector<1x16xf32>
    tpu.vector_store %arg11[%swap3A_794, %swap3A_795], %swap3A_798 {strides = array<i32>} : memref<80x128xf32, #tpu.memory_space<vmem>>, vector<1x16xf32>,
    %get3A_799 = arith.constant 688 : index
    %get3A_800 = tpu.vector_load %arg23[%get3A_799] {strides = array<i32>} : memref<1280xf32, #tpu.memory_space<vmem>>, vector<16xf32>,
    %get3A_801 = vector.shape_cast %get3A_800 : vector<16xf32> to vector<16xf32>
    %swap3A_802 = arith.constant 43 : i32
    %swap3A_803 = arith.index_cast %swap3A_802 : i32 to index
    %swap3A_804 = arith.constant 0 : index
    %swap3A_805 = tpu.vector_load %arg11[%swap3A_803, %swap3A_804] {strides = array<i32>} : memref<80x128xf32, #tpu.memory_space<vmem>>, vector<1x16xf32>,
    %swap3A_806 = vector.shape_cast %swap3A_805 : vector<1x16xf32> to vector<16xf32>
    %swap3A_807 = vector.shape_cast %get3A_801 : vector<16xf32> to vector<1x16xf32>
    tpu.vector_store %arg11[%swap3A_803, %swap3A_804], %swap3A_807 {strides = array<i32>} : memref<80x128xf32, #tpu.memory_space<vmem>>, vector<1x16xf32>,
    %get3A_808 = arith.constant 704 : index
    %get3A_809 = tpu.vector_load %arg23[%get3A_808] {strides = array<i32>} : memref<1280xf32, #tpu.memory_space<vmem>>, vector<16xf32>,
    %get3A_810 = vector.shape_cast %get3A_809 : vector<16xf32> to vector<16xf32>
    %swap3A_811 = arith.constant 44 : i32
    %swap3A_812 = arith.index_cast %swap3A_811 : i32 to index
    %swap3A_813 = arith.constant 0 : index
    %swap3A_814 = tpu.vector_load %arg11[%swap3A_812, %swap3A_813] {strides = array<i32>} : memref<80x128xf32, #tpu.memory_space<vmem>>, vector<1x16xf32>,
    %swap3A_815 = vector.shape_cast %swap3A_814 : vector<1x16xf32> to vector<16xf32>
    %swap3A_816 = vector.shape_cast %get3A_810 : vector<16xf32> to vector<1x16xf32>
    tpu.vector_store %arg11[%swap3A_812, %swap3A_813], %swap3A_816 {strides = array<i32>} : memref<80x128xf32, #tpu.memory_space<vmem>>, vector<1x16xf32>,
    %get3A_817 = arith.constant 720 : index
    %get3A_818 = tpu.vector_load %arg23[%get3A_817] {strides = array<i32>} : memref<1280xf32, #tpu.memory_space<vmem>>, vector<16xf32>,
    %get3A_819 = vector.shape_cast %get3A_818 : vector<16xf32> to vector<16xf32>
    %swap3A_820 = arith.constant 45 : i32
    %swap3A_821 = arith.index_cast %swap3A_820 : i32 to index
    %swap3A_822 = arith.constant 0 : index
    %swap3A_823 = tpu.vector_load %arg11[%swap3A_821, %swap3A_822] {strides = array<i32>} : memref<80x128xf32, #tpu.memory_space<vmem>>, vector<1x16xf32>,
    %swap3A_824 = vector.shape_cast %swap3A_823 : vector<1x16xf32> to vector<16xf32>
    %swap3A_825 = vector.shape_cast %get3A_819 : vector<16xf32> to vector<1x16xf32>
    tpu.vector_store %arg11[%swap3A_821, %swap3A_822], %swap3A_825 {strides = array<i32>} : memref<80x128xf32, #tpu.memory_space<vmem>>, vector<1x16xf32>,
    %get3A_826 = arith.constant 736 : index
    %get3A_827 = tpu.vector_load %arg23[%get3A_826] {strides = array<i32>} : memref<1280xf32, #tpu.memory_space<vmem>>, vector<16xf32>,
    %get3A_828 = vector.shape_cast %get3A_827 : vector<16xf32> to vector<16xf32>
    %swap3A_829 = arith.constant 46 : i32
    %swap3A_830 = arith.index_cast %swap3A_829 : i32 to index
    %swap3A_831 = arith.constant 0 : index
    %swap3A_832 = tpu.vector_load %arg11[%swap3A_830, %swap3A_831] {strides = array<i32>} : memref<80x128xf32, #tpu.memory_space<vmem>>, vector<1x16xf32>,
    %swap3A_833 = vector.shape_cast %swap3A_832 : vector<1x16xf32> to vector<16xf32>
    %swap3A_834 = vector.shape_cast %get3A_828 : vector<16xf32> to vector<1x16xf32>
    tpu.vector_store %arg11[%swap3A_830, %swap3A_831], %swap3A_834 {strides = array<i32>} : memref<80x128xf32, #tpu.memory_space<vmem>>, vector<1x16xf32>,
    %get3A_835 = arith.constant 752 : index
    %get3A_836 = tpu.vector_load %arg23[%get3A_835] {strides = array<i32>} : memref<1280xf32, #tpu.memory_space<vmem>>, vector<16xf32>,
    %get3A_837 = vector.shape_cast %get3A_836 : vector<16xf32> to vector<16xf32>
    %swap3A_838 = arith.constant 47 : i32
    %swap3A_839 = arith.index_cast %swap3A_838 : i32 to index
    %swap3A_840 = arith.constant 0 : index
    %swap3A_841 = tpu.vector_load %arg11[%swap3A_839, %swap3A_840] {strides = array<i32>} : memref<80x128xf32, #tpu.memory_space<vmem>>, vector<1x16xf32>,
    %swap3A_842 = vector.shape_cast %swap3A_841 : vector<1x16xf32> to vector<16xf32>
    %swap3A_843 = vector.shape_cast %get3A_837 : vector<16xf32> to vector<1x16xf32>
    tpu.vector_store %arg11[%swap3A_839, %swap3A_840], %swap3A_843 {strides = array<i32>} : memref<80x128xf32, #tpu.memory_space<vmem>>, vector<1x16xf32>,
    %get3A_844 = arith.constant 768 : index
    %get3A_845 = tpu.vector_load %arg23[%get3A_844] {strides = array<i32>} : memref<1280xf32, #tpu.memory_space<vmem>>, vector<16xf32>,
    %get3A_846 = vector.shape_cast %get3A_845 : vector<16xf32> to vector<16xf32>
    %swap3A_847 = arith.constant 48 : i32
    %swap3A_848 = arith.index_cast %swap3A_847 : i32 to index
    %swap3A_849 = arith.constant 0 : index
    %swap3A_850 = tpu.vector_load %arg11[%swap3A_848, %swap3A_849] {strides = array<i32>} : memref<80x128xf32, #tpu.memory_space<vmem>>, vector<1x16xf32>,
    %swap3A_851 = vector.shape_cast %swap3A_850 : vector<1x16xf32> to vector<16xf32>
    %swap3A_852 = vector.shape_cast %get3A_846 : vector<16xf32> to vector<1x16xf32>
    tpu.vector_store %arg11[%swap3A_848, %swap3A_849], %swap3A_852 {strides = array<i32>} : memref<80x128xf32, #tpu.memory_space<vmem>>, vector<1x16xf32>,
    %get3A_853 = arith.constant 784 : index
    %get3A_854 = tpu.vector_load %arg23[%get3A_853] {strides = array<i32>} : memref<1280xf32, #tpu.memory_space<vmem>>, vector<16xf32>,
    %get3A_855 = vector.shape_cast %get3A_854 : vector<16xf32> to vector<16xf32>
    %swap3A_856 = arith.constant 49 : i32
    %swap3A_857 = arith.index_cast %swap3A_856 : i32 to index
    %swap3A_858 = arith.constant 0 : index
    %swap3A_859 = tpu.vector_load %arg11[%swap3A_857, %swap3A_858] {strides = array<i32>} : memref<80x128xf32, #tpu.memory_space<vmem>>, vector<1x16xf32>,
    %swap3A_860 = vector.shape_cast %swap3A_859 : vector<1x16xf32> to vector<16xf32>
    %swap3A_861 = vector.shape_cast %get3A_855 : vector<16xf32> to vector<1x16xf32>
    tpu.vector_store %arg11[%swap3A_857, %swap3A_858], %swap3A_861 {strides = array<i32>} : memref<80x128xf32, #tpu.memory_space<vmem>>, vector<1x16xf32>,
    %get3A_862 = arith.constant 800 : index
    %get3A_863 = tpu.vector_load %arg23[%get3A_862] {strides = array<i32>} : memref<1280xf32, #tpu.memory_space<vmem>>, vector<16xf32>,
    %get3A_864 = vector.shape_cast %get3A_863 : vector<16xf32> to vector<16xf32>
    %swap3A_865 = arith.constant 50 : i32
    %swap3A_866 = arith.index_cast %swap3A_865 : i32 to index
    %swap3A_867 = arith.constant 0 : index
    %swap3A_868 = tpu.vector_load %arg11[%swap3A_866, %swap3A_867] {strides = array<i32>} : memref<80x128xf32, #tpu.memory_space<vmem>>, vector<1x16xf32>,
    %swap3A_869 = vector.shape_cast %swap3A_868 : vector<1x16xf32> to vector<16xf32>
    %swap3A_870 = vector.shape_cast %get3A_864 : vector<16xf32> to vector<1x16xf32>
    tpu.vector_store %arg11[%swap3A_866, %swap3A_867], %swap3A_870 {strides = array<i32>} : memref<80x128xf32, #tpu.memory_space<vmem>>, vector<1x16xf32>,
    %get3A_871 = arith.constant 816 : index
    %get3A_872 = tpu.vector_load %arg23[%get3A_871] {strides = array<i32>} : memref<1280xf32, #tpu.memory_space<vmem>>, vector<16xf32>,
    %get3A_873 = vector.shape_cast %get3A_872 : vector<16xf32> to vector<16xf32>
    %swap3A_874 = arith.constant 51 : i32
    %swap3A_875 = arith.index_cast %swap3A_874 : i32 to index
    %swap3A_876 = arith.constant 0 : index
    %swap3A_877 = tpu.vector_load %arg11[%swap3A_875, %swap3A_876] {strides = array<i32>} : memref<80x128xf32, #tpu.memory_space<vmem>>, vector<1x16xf32>,
    %swap3A_878 = vector.shape_cast %swap3A_877 : vector<1x16xf32> to vector<16xf32>
    %swap3A_879 = vector.shape_cast %get3A_873 : vector<16xf32> to vector<1x16xf32>
    tpu.vector_store %arg11[%swap3A_875, %swap3A_876], %swap3A_879 {strides = array<i32>} : memref<80x128xf32, #tpu.memory_space<vmem>>, vector<1x16xf32>,
    %get3A_880 = arith.constant 832 : index
    %get3A_881 = tpu.vector_load %arg23[%get3A_880] {strides = array<i32>} : memref<1280xf32, #tpu.memory_space<vmem>>, vector<16xf32>,
    %get3A_882 = vector.shape_cast %get3A_881 : vector<16xf32> to vector<16xf32>
    %swap3A_883 = arith.constant 52 : i32
    %swap3A_884 = arith.index_cast %swap3A_883 : i32 to index
    %swap3A_885 = arith.constant 0 : index
    %swap3A_886 = tpu.vector_load %arg11[%swap3A_884, %swap3A_885] {strides = array<i32>} : memref<80x128xf32, #tpu.memory_space<vmem>>, vector<1x16xf32>,
    %swap3A_887 = vector.shape_cast %swap3A_886 : vector<1x16xf32> to vector<16xf32>
    %swap3A_888 = vector.shape_cast %get3A_882 : vector<16xf32> to vector<1x16xf32>
    tpu.vector_store %arg11[%swap3A_884, %swap3A_885], %swap3A_888 {strides = array<i32>} : memref<80x128xf32, #tpu.memory_space<vmem>>, vector<1x16xf32>,
    %get3A_889 = arith.constant 848 : index
    %get3A_890 = tpu.vector_load %arg23[%get3A_889] {strides = array<i32>} : memref<1280xf32, #tpu.memory_space<vmem>>, vector<16xf32>,
    %get3A_891 = vector.shape_cast %get3A_890 : vector<16xf32> to vector<16xf32>
    %swap3A_892 = arith.constant 53 : i32
    %swap3A_893 = arith.index_cast %swap3A_892 : i32 to index
    %swap3A_894 = arith.constant 0 : index
    %swap3A_895 = tpu.vector_load %arg11[%swap3A_893, %swap3A_894] {strides = array<i32>} : memref<80x128xf32, #tpu.memory_space<vmem>>, vector<1x16xf32>,
    %swap3A_896 = vector.shape_cast %swap3A_895 : vector<1x16xf32> to vector<16xf32>
    %swap3A_897 = vector.shape_cast %get3A_891 : vector<16xf32> to vector<1x16xf32>
    tpu.vector_store %arg11[%swap3A_893, %swap3A_894], %swap3A_897 {strides = array<i32>} : memref<80x128xf32, #tpu.memory_space<vmem>>, vector<1x16xf32>,
    %get3A_898 = arith.constant 864 : index
    %get3A_899 = tpu.vector_load %arg23[%get3A_898] {strides = array<i32>} : memref<1280xf32, #tpu.memory_space<vmem>>, vector<16xf32>,
    %get3A_900 = vector.shape_cast %get3A_899 : vector<16xf32> to vector<16xf32>
    %swap3A_901 = arith.constant 54 : i32
    %swap3A_902 = arith.index_cast %swap3A_901 : i32 to index
    %swap3A_903 = arith.constant 0 : index
    %swap3A_904 = tpu.vector_load %arg11[%swap3A_902, %swap3A_903] {strides = array<i32>} : memref<80x128xf32, #tpu.memory_space<vmem>>, vector<1x16xf32>,
    %swap3A_905 = vector.shape_cast %swap3A_904 : vector<1x16xf32> to vector<16xf32>
    %swap3A_906 = vector.shape_cast %get3A_900 : vector<16xf32> to vector<1x16xf32>
    tpu.vector_store %arg11[%swap3A_902, %swap3A_903], %swap3A_906 {strides = array<i32>} : memref<80x128xf32, #tpu.memory_space<vmem>>, vector<1x16xf32>,
    %get3A_907 = arith.constant 880 : index
    %get3A_908 = tpu.vector_load %arg23[%get3A_907] {strides = array<i32>} : memref<1280xf32, #tpu.memory_space<vmem>>, vector<16xf32>,
    %get3A_909 = vector.shape_cast %get3A_908 : vector<16xf32> to vector<16xf32>
    %swap3A_910 = arith.constant 55 : i32
    %swap3A_911 = arith.index_cast %swap3A_910 : i32 to index
    %swap3A_912 = arith.constant 0 : index
    %swap3A_913 = tpu.vector_load %arg11[%swap3A_911, %swap3A_912] {strides = array<i32>} : memref<80x128xf32, #tpu.memory_space<vmem>>, vector<1x16xf32>,
    %swap3A_914 = vector.shape_cast %swap3A_913 : vector<1x16xf32> to vector<16xf32>
    %swap3A_915 = vector.shape_cast %get3A_909 : vector<16xf32> to vector<1x16xf32>
    tpu.vector_store %arg11[%swap3A_911, %swap3A_912], %swap3A_915 {strides = array<i32>} : memref<80x128xf32, #tpu.memory_space<vmem>>, vector<1x16xf32>,
    %get3A_916 = arith.constant 896 : index
    %get3A_917 = tpu.vector_load %arg23[%get3A_916] {strides = array<i32>} : memref<1280xf32, #tpu.memory_space<vmem>>, vector<16xf32>,
    %get3A_918 = vector.shape_cast %get3A_917 : vector<16xf32> to vector<16xf32>
    %swap3A_919 = arith.constant 56 : i32
    %swap3A_920 = arith.index_cast %swap3A_919 : i32 to index
    %swap3A_921 = arith.constant 0 : index
    %swap3A_922 = tpu.vector_load %arg11[%swap3A_920, %swap3A_921] {strides = array<i32>} : memref<80x128xf32, #tpu.memory_space<vmem>>, vector<1x16xf32>,
    %swap3A_923 = vector.shape_cast %swap3A_922 : vector<1x16xf32> to vector<16xf32>
    %swap3A_924 = vector.shape_cast %get3A_918 : vector<16xf32> to vector<1x16xf32>
    tpu.vector_store %arg11[%swap3A_920, %swap3A_921], %swap3A_924 {strides = array<i32>} : memref<80x128xf32, #tpu.memory_space<vmem>>, vector<1x16xf32>,
    %get3A_925 = arith.constant 912 : index
    %get3A_926 = tpu.vector_load %arg23[%get3A_925] {strides = array<i32>} : memref<1280xf32, #tpu.memory_space<vmem>>, vector<16xf32>,
    %get3A_927 = vector.shape_cast %get3A_926 : vector<16xf32> to vector<16xf32>
    %swap3A_928 = arith.constant 57 : i32
    %swap3A_929 = arith.index_cast %swap3A_928 : i32 to index
    %swap3A_930 = arith.constant 0 : index
    %swap3A_931 = tpu.vector_load %arg11[%swap3A_929, %swap3A_930] {strides = array<i32>} : memref<80x128xf32, #tpu.memory_space<vmem>>, vector<1x16xf32>,
    %swap3A_932 = vector.shape_cast %swap3A_931 : vector<1x16xf32> to vector<16xf32>
    %swap3A_933 = vector.shape_cast %get3A_927 : vector<16xf32> to vector<1x16xf32>
    tpu.vector_store %arg11[%swap3A_929, %swap3A_930], %swap3A_933 {strides = array<i32>} : memref<80x128xf32, #tpu.memory_space<vmem>>, vector<1x16xf32>,
    %get3A_934 = arith.constant 928 : index
    %get3A_935 = tpu.vector_load %arg23[%get3A_934] {strides = array<i32>} : memref<1280xf32, #tpu.memory_space<vmem>>, vector<16xf32>,
    %get3A_936 = vector.shape_cast %get3A_935 : vector<16xf32> to vector<16xf32>
    %swap3A_937 = arith.constant 58 : i32
    %swap3A_938 = arith.index_cast %swap3A_937 : i32 to index
    %swap3A_939 = arith.constant 0 : index
    %swap3A_940 = tpu.vector_load %arg11[%swap3A_938, %swap3A_939] {strides = array<i32>} : memref<80x128xf32, #tpu.memory_space<vmem>>, vector<1x16xf32>,
    %swap3A_941 = vector.shape_cast %swap3A_940 : vector<1x16xf32> to vector<16xf32>
    %swap3A_942 = vector.shape_cast %get3A_936 : vector<16xf32> to vector<1x16xf32>
    tpu.vector_store %arg11[%swap3A_938, %swap3A_939], %swap3A_942 {strides = array<i32>} : memref<80x128xf32, #tpu.memory_space<vmem>>, vector<1x16xf32>,
    %get3A_943 = arith.constant 944 : index
    %get3A_944 = tpu.vector_load %arg23[%get3A_943] {strides = array<i32>} : memref<1280xf32, #tpu.memory_space<vmem>>, vector<16xf32>,
    %get3A_945 = vector.shape_cast %get3A_944 : vector<16xf32> to vector<16xf32>
    %swap3A_946 = arith.constant 59 : i32
    %swap3A_947 = arith.index_cast %swap3A_946 : i32 to index
    %swap3A_948 = arith.constant 0 : index
    %swap3A_949 = tpu.vector_load %arg11[%swap3A_947, %swap3A_948] {strides = array<i32>} : memref<80x128xf32, #tpu.memory_space<vmem>>, vector<1x16xf32>,
    %swap3A_950 = vector.shape_cast %swap3A_949 : vector<1x16xf32> to vector<16xf32>
    %swap3A_951 = vector.shape_cast %get3A_945 : vector<16xf32> to vector<1x16xf32>
    tpu.vector_store %arg11[%swap3A_947, %swap3A_948], %swap3A_951 {strides = array<i32>} : memref<80x128xf32, #tpu.memory_space<vmem>>, vector<1x16xf32>,
    %get3A_952 = arith.constant 960 : index
    %get3A_953 = tpu.vector_load %arg23[%get3A_952] {strides = array<i32>} : memref<1280xf32, #tpu.memory_space<vmem>>, vector<16xf32>,
    %get3A_954 = vector.shape_cast %get3A_953 : vector<16xf32> to vector<16xf32>
    %swap3A_955 = arith.constant 60 : i32
    %swap3A_956 = arith.index_cast %swap3A_955 : i32 to index
    %swap3A_957 = arith.constant 0 : index
    %swap3A_958 = tpu.vector_load %arg11[%swap3A_956, %swap3A_957] {strides = array<i32>} : memref<80x128xf32, #tpu.memory_space<vmem>>, vector<1x16xf32>,
    %swap3A_959 = vector.shape_cast %swap3A_958 : vector<1x16xf32> to vector<16xf32>
    %swap3A_960 = vector.shape_cast %get3A_954 : vector<16xf32> to vector<1x16xf32>
    tpu.vector_store %arg11[%swap3A_956, %swap3A_957], %swap3A_960 {strides = array<i32>} : memref<80x128xf32, #tpu.memory_space<vmem>>, vector<1x16xf32>,
    %get3A_961 = arith.constant 976 : index
    %get3A_962 = tpu.vector_load %arg23[%get3A_961] {strides = array<i32>} : memref<1280xf32, #tpu.memory_space<vmem>>, vector<16xf32>,
    %get3A_963 = vector.shape_cast %get3A_962 : vector<16xf32> to vector<16xf32>
    %swap3A_964 = arith.constant 61 : i32
    %swap3A_965 = arith.index_cast %swap3A_964 : i32 to index
    %swap3A_966 = arith.constant 0 : index
    %swap3A_967 = tpu.vector_load %arg11[%swap3A_965, %swap3A_966] {strides = array<i32>} : memref<80x128xf32, #tpu.memory_space<vmem>>, vector<1x16xf32>,
    %swap3A_968 = vector.shape_cast %swap3A_967 : vector<1x16xf32> to vector<16xf32>
    %swap3A_969 = vector.shape_cast %get3A_963 : vector<16xf32> to vector<1x16xf32>
    tpu.vector_store %arg11[%swap3A_965, %swap3A_966], %swap3A_969 {strides = array<i32>} : memref<80x128xf32, #tpu.memory_space<vmem>>, vector<1x16xf32>,
    %get3A_970 = arith.constant 992 : index
    %get3A_971 = tpu.vector_load %arg23[%get3A_970] {strides = array<i32>} : memref<1280xf32, #tpu.memory_space<vmem>>, vector<16xf32>,
    %get3A_972 = vector.shape_cast %get3A_971 : vector<16xf32> to vector<16xf32>
    %swap3A_973 = arith.constant 62 : i32
    %swap3A_974 = arith.index_cast %swap3A_973 : i32 to index
    %swap3A_975 = arith.constant 0 : index
    %swap3A_976 = tpu.vector_load %arg11[%swap3A_974, %swap3A_975] {strides = array<i32>} : memref<80x128xf32, #tpu.memory_space<vmem>>, vector<1x16xf32>,
    %swap3A_977 = vector.shape_cast %swap3A_976 : vector<1x16xf32> to vector<16xf32>
    %swap3A_978 = vector.shape_cast %get3A_972 : vector<16xf32> to vector<1x16xf32>
    tpu.vector_store %arg11[%swap3A_974, %swap3A_975], %swap3A_978 {strides = array<i32>} : memref<80x128xf32, #tpu.memory_space<vmem>>, vector<1x16xf32>,
    %get3A_979 = arith.constant 1008 : index
    %get3A_980 = tpu.vector_load %arg23[%get3A_979] {strides = array<i32>} : memref<1280xf32, #tpu.memory_space<vmem>>, vector<16xf32>,
    %get3A_981 = vector.shape_cast %get3A_980 : vector<16xf32> to vector<16xf32>
    %swap3A_982 = arith.constant 63 : i32
    %swap3A_983 = arith.index_cast %swap3A_982 : i32 to index
    %swap3A_984 = arith.constant 0 : index
    %swap3A_985 = tpu.vector_load %arg11[%swap3A_983, %swap3A_984] {strides = array<i32>} : memref<80x128xf32, #tpu.memory_space<vmem>>, vector<1x16xf32>,
    %swap3A_986 = vector.shape_cast %swap3A_985 : vector<1x16xf32> to vector<16xf32>
    %swap3A_987 = vector.shape_cast %get3A_981 : vector<16xf32> to vector<1x16xf32>
    tpu.vector_store %arg11[%swap3A_983, %swap3A_984], %swap3A_987 {strides = array<i32>} : memref<80x128xf32, #tpu.memory_space<vmem>>, vector<1x16xf32>,
    %get3A_988 = arith.constant 1024 : index
    %get3A_989 = tpu.vector_load %arg23[%get3A_988] {strides = array<i32>} : memref<1280xf32, #tpu.memory_space<vmem>>, vector<16xf32>,
    %get3A_990 = vector.shape_cast %get3A_989 : vector<16xf32> to vector<16xf32>
    %swap3A_991 = arith.constant 64 : i32
    %swap3A_992 = arith.index_cast %swap3A_991 : i32 to index
    %swap3A_993 = arith.constant 0 : index
    %swap3A_994 = tpu.vector_load %arg11[%swap3A_992, %swap3A_993] {strides = array<i32>} : memref<80x128xf32, #tpu.memory_space<vmem>>, vector<1x16xf32>,
    %swap3A_995 = vector.shape_cast %swap3A_994 : vector<1x16xf32> to vector<16xf32>
    %swap3A_996 = vector.shape_cast %get3A_990 : vector<16xf32> to vector<1x16xf32>
    tpu.vector_store %arg11[%swap3A_992, %swap3A_993], %swap3A_996 {strides = array<i32>} : memref<80x128xf32, #tpu.memory_space<vmem>>, vector<1x16xf32>,
    %get3A_997 = arith.constant 1040 : index
    %get3A_998 = tpu.vector_load %arg23[%get3A_997] {strides = array<i32>} : memref<1280xf32, #tpu.memory_space<vmem>>, vector<16xf32>,
    %get3A_999 = vector.shape_cast %get3A_998 : vector<16xf32> to vector<16xf32>
    %swap3A_1000 = arith.constant 65 : i32
    %swap3A_1001 = arith.index_cast %swap3A_1000 : i32 to index
    %swap3A_1002 = arith.constant 0 : index
    %swap3A_1003 = tpu.vector_load %arg11[%swap3A_1001, %swap3A_1002] {strides = array<i32>} : memref<80x128xf32, #tpu.memory_space<vmem>>, vector<1x16xf32>,
    %swap3A_1004 = vector.shape_cast %swap3A_1003 : vector<1x16xf32> to vector<16xf32>
    %swap3A_1005 = vector.shape_cast %get3A_999 : vector<16xf32> to vector<1x16xf32>
    tpu.vector_store %arg11[%swap3A_1001, %swap3A_1002], %swap3A_1005 {strides = array<i32>} : memref<80x128xf32, #tpu.memory_space<vmem>>, vector<1x16xf32>,
    %get3A_1006 = arith.constant 1056 : index
    %get3A_1007 = tpu.vector_load %arg23[%get3A_1006] {strides = array<i32>} : memref<1280xf32, #tpu.memory_space<vmem>>, vector<16xf32>,
    %get3A_1008 = vector.shape_cast %get3A_1007 : vector<16xf32> to vector<16xf32>
    %swap3A_1009 = arith.constant 66 : i32
    %swap3A_1010 = arith.index_cast %swap3A_1009 : i32 to index
    %swap3A_1011 = arith.constant 0 : index
    %swap3A_1012 = tpu.vector_load %arg11[%swap3A_1010, %swap3A_1011] {strides = array<i32>} : memref<80x128xf32, #tpu.memory_space<vmem>>, vector<1x16xf32>,
    %swap3A_1013 = vector.shape_cast %swap3A_1012 : vector<1x16xf32> to vector<16xf32>
    %swap3A_1014 = vector.shape_cast %get3A_1008 : vector<16xf32> to vector<1x16xf32>
    tpu.vector_store %arg11[%swap3A_1010, %swap3A_1011], %swap3A_1014 {strides = array<i32>} : memref<80x128xf32, #tpu.memory_space<vmem>>, vector<1x16xf32>,
    %get3A_1015 = arith.constant 1072 : index
    %get3A_1016 = tpu.vector_load %arg23[%get3A_1015] {strides = array<i32>} : memref<1280xf32, #tpu.memory_space<vmem>>, vector<16xf32>,
    %get3A_1017 = vector.shape_cast %get3A_1016 : vector<16xf32> to vector<16xf32>
    %swap3A_1018 = arith.constant 67 : i32
    %swap3A_1019 = arith.index_cast %swap3A_1018 : i32 to index
    %swap3A_1020 = arith.constant 0 : index
    %swap3A_1021 = tpu.vector_load %arg11[%swap3A_1019, %swap3A_1020] {strides = array<i32>} : memref<80x128xf32, #tpu.memory_space<vmem>>, vector<1x16xf32>,
    %swap3A_1022 = vector.shape_cast %swap3A_1021 : vector<1x16xf32> to vector<16xf32>
    %swap3A_1023 = vector.shape_cast %get3A_1017 : vector<16xf32> to vector<1x16xf32>
    tpu.vector_store %arg11[%swap3A_1019, %swap3A_1020], %swap3A_1023 {strides = array<i32>} : memref<80x128xf32, #tpu.memory_space<vmem>>, vector<1x16xf32>,
    %get3A_1024 = arith.constant 1088 : index
    %get3A_1025 = tpu.vector_load %arg23[%get3A_1024] {strides = array<i32>} : memref<1280xf32, #tpu.memory_space<vmem>>, vector<16xf32>,
    %get3A_1026 = vector.shape_cast %get3A_1025 : vector<16xf32> to vector<16xf32>
    %swap3A_1027 = arith.constant 68 : i32
    %swap3A_1028 = arith.index_cast %swap3A_1027 : i32 to index
    %swap3A_1029 = arith.constant 0 : index
    %swap3A_1030 = tpu.vector_load %arg11[%swap3A_1028, %swap3A_1029] {strides = array<i32>} : memref<80x128xf32, #tpu.memory_space<vmem>>, vector<1x16xf32>,
    %swap3A_1031 = vector.shape_cast %swap3A_1030 : vector<1x16xf32> to vector<16xf32>
    %swap3A_1032 = vector.shape_cast %get3A_1026 : vector<16xf32> to vector<1x16xf32>
    tpu.vector_store %arg11[%swap3A_1028, %swap3A_1029], %swap3A_1032 {strides = array<i32>} : memref<80x128xf32, #tpu.memory_space<vmem>>, vector<1x16xf32>,
    %get3A_1033 = arith.constant 1104 : index
    %get3A_1034 = tpu.vector_load %arg23[%get3A_1033] {strides = array<i32>} : memref<1280xf32, #tpu.memory_space<vmem>>, vector<16xf32>,
    %get3A_1035 = vector.shape_cast %get3A_1034 : vector<16xf32> to vector<16xf32>
    %swap3A_1036 = arith.constant 69 : i32
    %swap3A_1037 = arith.index_cast %swap3A_1036 : i32 to index
    %swap3A_1038 = arith.constant 0 : index
    %swap3A_1039 = tpu.vector_load %arg11[%swap3A_1037, %swap3A_1038] {strides = array<i32>} : memref<80x128xf32, #tpu.memory_space<vmem>>, vector<1x16xf32>,
    %swap3A_1040 = vector.shape_cast %swap3A_1039 : vector<1x16xf32> to vector<16xf32>
    %swap3A_1041 = vector.shape_cast %get3A_1035 : vector<16xf32> to vector<1x16xf32>
    tpu.vector_store %arg11[%swap3A_1037, %swap3A_1038], %swap3A_1041 {strides = array<i32>} : memref<80x128xf32, #tpu.memory_space<vmem>>, vector<1x16xf32>,
    %get3A_1042 = arith.constant 1120 : index
    %get3A_1043 = tpu.vector_load %arg23[%get3A_1042] {strides = array<i32>} : memref<1280xf32, #tpu.memory_space<vmem>>, vector<16xf32>,
    %get3A_1044 = vector.shape_cast %get3A_1043 : vector<16xf32> to vector<16xf32>
    %swap3A_1045 = arith.constant 70 : i32
    %swap3A_1046 = arith.index_cast %swap3A_1045 : i32 to index
    %swap3A_1047 = arith.constant 0 : index
    %swap3A_1048 = tpu.vector_load %arg11[%swap3A_1046, %swap3A_1047] {strides = array<i32>} : memref<80x128xf32, #tpu.memory_space<vmem>>, vector<1x16xf32>,
    %swap3A_1049 = vector.shape_cast %swap3A_1048 : vector<1x16xf32> to vector<16xf32>
    %swap3A_1050 = vector.shape_cast %get3A_1044 : vector<16xf32> to vector<1x16xf32>
    tpu.vector_store %arg11[%swap3A_1046, %swap3A_1047], %swap3A_1050 {strides = array<i32>} : memref<80x128xf32, #tpu.memory_space<vmem>>, vector<1x16xf32>,
    %get3A_1051 = arith.constant 1136 : index
    %get3A_1052 = tpu.vector_load %arg23[%get3A_1051] {strides = array<i32>} : memref<1280xf32, #tpu.memory_space<vmem>>, vector<16xf32>,
    %get3A_1053 = vector.shape_cast %get3A_1052 : vector<16xf32> to vector<16xf32>
    %swap3A_1054 = arith.constant 71 : i32
    %swap3A_1055 = arith.index_cast %swap3A_1054 : i32 to index
    %swap3A_1056 = arith.constant 0 : index
    %swap3A_1057 = tpu.vector_load %arg11[%swap3A_1055, %swap3A_1056] {strides = array<i32>} : memref<80x128xf32, #tpu.memory_space<vmem>>, vector<1x16xf32>,
    %swap3A_1058 = vector.shape_cast %swap3A_1057 : vector<1x16xf32> to vector<16xf32>
    %swap3A_1059 = vector.shape_cast %get3A_1053 : vector<16xf32> to vector<1x16xf32>
    tpu.vector_store %arg11[%swap3A_1055, %swap3A_1056], %swap3A_1059 {strides = array<i32>} : memref<80x128xf32, #tpu.memory_space<vmem>>, vector<1x16xf32>,
    %get3A_1060 = arith.constant 1152 : index
    %get3A_1061 = tpu.vector_load %arg23[%get3A_1060] {strides = array<i32>} : memref<1280xf32, #tpu.memory_space<vmem>>, vector<16xf32>,
    %get3A_1062 = vector.shape_cast %get3A_1061 : vector<16xf32> to vector<16xf32>
    %swap3A_1063 = arith.constant 72 : i32
    %swap3A_1064 = arith.index_cast %swap3A_1063 : i32 to index
    %swap3A_1065 = arith.constant 0 : index
    %swap3A_1066 = tpu.vector_load %arg11[%swap3A_1064, %swap3A_1065] {strides = array<i32>} : memref<80x128xf32, #tpu.memory_space<vmem>>, vector<1x16xf32>,
    %swap3A_1067 = vector.shape_cast %swap3A_1066 : vector<1x16xf32> to vector<16xf32>
    %swap3A_1068 = vector.shape_cast %get3A_1062 : vector<16xf32> to vector<1x16xf32>
    tpu.vector_store %arg11[%swap3A_1064, %swap3A_1065], %swap3A_1068 {strides = array<i32>} : memref<80x128xf32, #tpu.memory_space<vmem>>, vector<1x16xf32>,
    %get3A_1069 = arith.constant 1168 : index
    %get3A_1070 = tpu.vector_load %arg23[%get3A_1069] {strides = array<i32>} : memref<1280xf32, #tpu.memory_space<vmem>>, vector<16xf32>,
    %get3A_1071 = vector.shape_cast %get3A_1070 : vector<16xf32> to vector<16xf32>
    %swap3A_1072 = arith.constant 73 : i32
    %swap3A_1073 = arith.index_cast %swap3A_1072 : i32 to index
    %swap3A_1074 = arith.constant 0 : index
    %swap3A_1075 = tpu.vector_load %arg11[%swap3A_1073, %swap3A_1074] {strides = array<i32>} : memref<80x128xf32, #tpu.memory_space<vmem>>, vector<1x16xf32>,
    %swap3A_1076 = vector.shape_cast %swap3A_1075 : vector<1x16xf32> to vector<16xf32>
    %swap3A_1077 = vector.shape_cast %get3A_1071 : vector<16xf32> to vector<1x16xf32>
    tpu.vector_store %arg11[%swap3A_1073, %swap3A_1074], %swap3A_1077 {strides = array<i32>} : memref<80x128xf32, #tpu.memory_space<vmem>>, vector<1x16xf32>,
    %get3A_1078 = arith.constant 1184 : index
    %get3A_1079 = tpu.vector_load %arg23[%get3A_1078] {strides = array<i32>} : memref<1280xf32, #tpu.memory_space<vmem>>, vector<16xf32>,
    %get3A_1080 = vector.shape_cast %get3A_1079 : vector<16xf32> to vector<16xf32>
    %swap3A_1081 = arith.constant 74 : i32
    %swap3A_1082 = arith.index_cast %swap3A_1081 : i32 to index
    %swap3A_1083 = arith.constant 0 : index
    %swap3A_1084 = tpu.vector_load %arg11[%swap3A_1082, %swap3A_1083] {strides = array<i32>} : memref<80x128xf32, #tpu.memory_space<vmem>>, vector<1x16xf32>,
    %swap3A_1085 = vector.shape_cast %swap3A_1084 : vector<1x16xf32> to vector<16xf32>
    %swap3A_1086 = vector.shape_cast %get3A_1080 : vector<16xf32> to vector<1x16xf32>
    tpu.vector_store %arg11[%swap3A_1082, %swap3A_1083], %swap3A_1086 {strides = array<i32>} : memref<80x128xf32, #tpu.memory_space<vmem>>, vector<1x16xf32>,
    %get3A_1087 = arith.constant 1200 : index
    %get3A_1088 = tpu.vector_load %arg23[%get3A_1087] {strides = array<i32>} : memref<1280xf32, #tpu.memory_space<vmem>>, vector<16xf32>,
    %get3A_1089 = vector.shape_cast %get3A_1088 : vector<16xf32> to vector<16xf32>
    %swap3A_1090 = arith.constant 75 : i32
    %swap3A_1091 = arith.index_cast %swap3A_1090 : i32 to index
    %swap3A_1092 = arith.constant 0 : index
    %swap3A_1093 = tpu.vector_load %arg11[%swap3A_1091, %swap3A_1092] {strides = array<i32>} : memref<80x128xf32, #tpu.memory_space<vmem>>, vector<1x16xf32>,
    %swap3A_1094 = vector.shape_cast %swap3A_1093 : vector<1x16xf32> to vector<16xf32>
    %swap3A_1095 = vector.shape_cast %get3A_1089 : vector<16xf32> to vector<1x16xf32>
    tpu.vector_store %arg11[%swap3A_1091, %swap3A_1092], %swap3A_1095 {strides = array<i32>} : memref<80x128xf32, #tpu.memory_space<vmem>>, vector<1x16xf32>,
    %get3A_1096 = arith.constant 1216 : index
    %get3A_1097 = tpu.vector_load %arg23[%get3A_1096] {strides = array<i32>} : memref<1280xf32, #tpu.memory_space<vmem>>, vector<16xf32>,
    %get3A_1098 = vector.shape_cast %get3A_1097 : vector<16xf32> to vector<16xf32>
    %swap3A_1099 = arith.constant 76 : i32
    %swap3A_1100 = arith.index_cast %swap3A_1099 : i32 to index
    %swap3A_1101 = arith.constant 0 : index
    %swap3A_1102 = tpu.vector_load %arg11[%swap3A_1100, %swap3A_1101] {strides = array<i32>} : memref<80x128xf32, #tpu.memory_space<vmem>>, vector<1x16xf32>,
    %swap3A_1103 = vector.shape_cast %swap3A_1102 : vector<1x16xf32> to vector<16xf32>
    %swap3A_1104 = vector.shape_cast %get3A_1098 : vector<16xf32> to vector<1x16xf32>
    tpu.vector_store %arg11[%swap3A_1100, %swap3A_1101], %swap3A_1104 {strides = array<i32>} : memref<80x128xf32, #tpu.memory_space<vmem>>, vector<1x16xf32>,
    %get3A_1105 = arith.constant 1232 : index
    %get3A_1106 = tpu.vector_load %arg23[%get3A_1105] {strides = array<i32>} : memref<1280xf32, #tpu.memory_space<vmem>>, vector<16xf32>,
    %get3A_1107 = vector.shape_cast %get3A_1106 : vector<16xf32> to vector<16xf32>
    %swap3A_1108 = arith.constant 77 : i32
    %swap3A_1109 = arith.index_cast %swap3A_1108 : i32 to index
    %swap3A_1110 = arith.constant 0 : index
    %swap3A_1111 = tpu.vector_load %arg11[%swap3A_1109, %swap3A_1110] {strides = array<i32>} : memref<80x128xf32, #tpu.memory_space<vmem>>, vector<1x16xf32>,
    %swap3A_1112 = vector.shape_cast %swap3A_1111 : vector<1x16xf32> to vector<16xf32>
    %swap3A_1113 = vector.shape_cast %get3A_1107 : vector<16xf32> to vector<1x16xf32>
    tpu.vector_store %arg11[%swap3A_1109, %swap3A_1110], %swap3A_1113 {strides = array<i32>} : memref<80x128xf32, #tpu.memory_space<vmem>>, vector<1x16xf32>,
    %get3A_1114 = arith.constant 1248 : index
    %get3A_1115 = tpu.vector_load %arg23[%get3A_1114] {strides = array<i32>} : memref<1280xf32, #tpu.memory_space<vmem>>, vector<16xf32>,
    %get3A_1116 = vector.shape_cast %get3A_1115 : vector<16xf32> to vector<16xf32>
    %swap3A_1117 = arith.constant 78 : i32
    %swap3A_1118 = arith.index_cast %swap3A_1117 : i32 to index
    %swap3A_1119 = arith.constant 0 : index
    %swap3A_1120 = tpu.vector_load %arg11[%swap3A_1118, %swap3A_1119] {strides = array<i32>} : memref<80x128xf32, #tpu.memory_space<vmem>>, vector<1x16xf32>,
    %swap3A_1121 = vector.shape_cast %swap3A_1120 : vector<1x16xf32> to vector<16xf32>
    %swap3A_1122 = vector.shape_cast %get3A_1116 : vector<16xf32> to vector<1x16xf32>
    tpu.vector_store %arg11[%swap3A_1118, %swap3A_1119], %swap3A_1122 {strides = array<i32>} : memref<80x128xf32, #tpu.memory_space<vmem>>, vector<1x16xf32>,
    %get3A_1123 = arith.constant 1264 : index
    %get3A_1124 = tpu.vector_load %arg23[%get3A_1123] {strides = array<i32>} : memref<1280xf32, #tpu.memory_space<vmem>>, vector<16xf32>,
    %get3A_1125 = vector.shape_cast %get3A_1124 : vector<16xf32> to vector<16xf32>
    %swap3A_1126 = arith.constant 79 : i32
    %swap3A_1127 = arith.index_cast %swap3A_1126 : i32 to index
    %swap3A_1128 = arith.constant 0 : index
    %swap3A_1129 = tpu.vector_load %arg11[%swap3A_1127, %swap3A_1128] {strides = array<i32>} : memref<80x128xf32, #tpu.memory_space<vmem>>, vector<1x16xf32>,
    %swap3A_1130 = vector.shape_cast %swap3A_1129 : vector<1x16xf32> to vector<16xf32>
    %swap3A_1131 = vector.shape_cast %get3A_1125 : vector<16xf32> to vector<1x16xf32>
    tpu.vector_store %arg11[%swap3A_1127, %swap3A_1128], %swap3A_1131 {strides = array<i32>} : memref<80x128xf32, #tpu.memory_space<vmem>>, vector<1x16xf32>,
    "tpu.region"() ({
      %run_scoped3A = tpu.sem_alloc : memref<!tpu.dma_semaphore, #tpu.memory_space<semaphore_mem>>
      %dma_start3A_1198 = arith.constant 0 : i32
      %dma_start3A_1199 = arith.constant 0 : i32
      %dma_start3A_1200 = tpu.memref_slice %arg6[%dma_start3A_1198, %dma_start3A_1199] : memref<10240x128xf32, #tpu.memory_space<vmem_shared>> -> memref<10240x128xf32, #tpu.memory_space<vmem_shared>>
      tpu.enqueue_indirect_dma source(%arg11 : memref<80x128xf32, #tpu.memory_space<vmem>>) target(%dma_start3A_1200 : memref<10240x128xf32, #tpu.memory_space<vmem_shared>>) offsets(%arg8 : memref<80xi32, #tpu.memory_space<vmem>>) semaphore(%run_scoped3A : memref<!tpu.dma_semaphore, #tpu.memory_space<semaphore_mem>>) {add = true}
      %dma_wait3A_1201 = arith.constant 0 : i32
      %dma_wait3A_1202 = arith.constant 0 : i32
      %dma_wait3A_1203 = tpu.memref_slice %arg6[%dma_wait3A_1201, %dma_wait3A_1202] : memref<10240x128xf32, #tpu.memory_space<vmem_shared>> -> memref<10240x128xf32, #tpu.memory_space<vmem_shared>>
      tpu.wait_indirect_dma semaphore(%run_scoped3A : memref<!tpu.dma_semaphore, #tpu.memory_space<semaphore_mem>>) src(%arg11 : memref<80x128xf32, #tpu.memory_space<vmem>>) dst(%dma_wait3A_1203 : memref<10240x128xf32, #tpu.memory_space<vmem_shared>>)
      tpu.yield
    }) : () -> ()
    %barrier3A_1132 = arith.constant 0 : index
    tpu.barrier barrier_id(%barrier3A_1132)
    %mul3A_1133 = arith.constant 10240 : i32
    %mul3A_1134 = arith.muli %arg0, %mul3A_1133 : i32
    %add3A_1135 = arith.addi %mul3A_1134, %mul3A_2 : i32
    %dma_start3A = arith.constant 0 : i32
    %dma_start3A_1136 = arith.constant 0 : i32
    %dma_start3A_1137 = tpu.memref_slice %arg6[%dma_start3A, %dma_start3A_1136] : memref<10240x128xf32, #tpu.memory_space<vmem_shared>> -> memref<10240x128xf32, #tpu.memory_space<vmem_shared>>
    tpu.enqueue_indirect_dma source(%dma_start3A_1137 : memref<10240x128xf32, #tpu.memory_space<vmem_shared>>) target(%arg11 : memref<80x128xf32, #tpu.memory_space<vmem>>) offsets(%arg15 : memref<80xi32, #tpu.memory_space<vmem>>) semaphore(%arg13 : memref<!tpu.dma_semaphore, #tpu.memory_space<semaphore_mem>>)
    %dma_wait3A = arith.constant 0 : i32
    %dma_wait3A_1138 = arith.constant 0 : i32
    %dma_wait3A_1139 = tpu.memref_slice %arg6[%dma_wait3A, %dma_wait3A_1138] : memref<10240x128xf32, #tpu.memory_space<vmem_shared>> -> memref<10240x128xf32, #tpu.memory_space<vmem_shared>>
    tpu.wait_indirect_dma semaphore(%arg13 : memref<!tpu.dma_semaphore, #tpu.memory_space<semaphore_mem>>) src(%dma_wait3A_1139 : memref<10240x128xf32, #tpu.memory_space<vmem_shared>>) dst(%arg11 : memref<80x128xf32, #tpu.memory_space<vmem>>)
    %add3A_1140 = arith.constant 0 : i32
    %add3A_1141 = arith.addi %add3A_1135, %add3A_1140 : i32
    "tpu.region"() ({
      %run_scoped3A = tpu.sem_alloc : memref<!tpu.dma_semaphore, #tpu.memory_space<semaphore_mem>>
      %dma_start3A_1198 = arith.constant 0 : i32
      %dma_start3A_1199 = tpu.memref_slice %arg5[%add3A_1141, %dma_start3A_1198] : memref<20480x128xf32, #tpu.memory_space<hbm>> -> memref<80x128xf32, #tpu.memory_space<hbm>>
      %dma_start3A_1200 = arith.constant 0 : i32
      %dma_start3A_1201 = tpu.memref_slice %arg5[%add3A_1141, %dma_start3A_1200] : memref<20480x128xf32, #tpu.memory_space<hbm>> -> memref<80x128xf32, #tpu.memory_space<hbm>>
      tpu.enqueue_dma source(%arg11 : memref<80x128xf32, #tpu.memory_space<vmem>>) target(%dma_start3A_1201 : memref<80x128xf32, #tpu.memory_space<hbm>>) target_semaphore(%run_scoped3A : memref<!tpu.dma_semaphore, #tpu.memory_space<semaphore_mem>>)
      %dma_wait3A_1202 = arith.constant 0 : i32
      %dma_wait3A_1203 = tpu.memref_slice %arg5[%add3A_1141, %dma_wait3A_1202] : memref<20480x128xf32, #tpu.memory_space<hbm>> -> memref<80x128xf32, #tpu.memory_space<hbm>>
      %dma_wait3A_1204 = arith.constant 0 : i32
      %dma_wait3A_1205 = tpu.memref_slice %arg5[%add3A_1141, %dma_wait3A_1204] : memref<20480x128xf32, #tpu.memory_space<hbm>> -> memref<80x128xf32, #tpu.memory_space<hbm>>
      tpu.wait_dma2 semaphore(%run_scoped3A : memref<!tpu.dma_semaphore, #tpu.memory_space<semaphore_mem>>) src(%arg11 : memref<80x128xf32, #tpu.memory_space<vmem>>) dst(%dma_wait3A_1205 : memref<80x128xf32, #tpu.memory_space<hbm>>)
      tpu.yield
    }) : () -> ()
    %dma_start3A_1142 = arith.constant 0 : i32
    %dma_start3A_1143 = arith.constant 0 : i32
    %dma_start3A_1144 = tpu.memref_slice %arg6[%dma_start3A_1142, %dma_start3A_1143] : memref<10240x128xf32, #tpu.memory_space<vmem_shared>> -> memref<10240x128xf32, #tpu.memory_space<vmem_shared>>
    tpu.enqueue_indirect_dma source(%dma_start3A_1144 : memref<10240x128xf32, #tpu.memory_space<vmem_shared>>) target(%arg11 : memref<80x128xf32, #tpu.memory_space<vmem>>) offsets(%arg16 : memref<80xi32, #tpu.memory_space<vmem>>) semaphore(%arg13 : memref<!tpu.dma_semaphore, #tpu.memory_space<semaphore_mem>>)
    %dma_wait3A_1145 = arith.constant 0 : i32
    %dma_wait3A_1146 = arith.constant 0 : i32
    %dma_wait3A_1147 = tpu.memref_slice %arg6[%dma_wait3A_1145, %dma_wait3A_1146] : memref<10240x128xf32, #tpu.memory_space<vmem_shared>> -> memref<10240x128xf32, #tpu.memory_space<vmem_shared>>
    tpu.wait_indirect_dma semaphore(%arg13 : memref<!tpu.dma_semaphore, #tpu.memory_space<semaphore_mem>>) src(%dma_wait3A_1147 : memref<10240x128xf32, #tpu.memory_space<vmem_shared>>) dst(%arg11 : memref<80x128xf32, #tpu.memory_space<vmem>>)
    %add3A_1148 = arith.constant 80 : i32
    %add3A_1149 = arith.addi %add3A_1135, %add3A_1148 : i32
    "tpu.region"() ({
      %run_scoped3A = tpu.sem_alloc : memref<!tpu.dma_semaphore, #tpu.memory_space<semaphore_mem>>
      %dma_start3A_1198 = arith.constant 0 : i32
      %dma_start3A_1199 = tpu.memref_slice %arg5[%add3A_1149, %dma_start3A_1198] : memref<20480x128xf32, #tpu.memory_space<hbm>> -> memref<80x128xf32, #tpu.memory_space<hbm>>
      %dma_start3A_1200 = arith.constant 0 : i32
      %dma_start3A_1201 = tpu.memref_slice %arg5[%add3A_1149, %dma_start3A_1200] : memref<20480x128xf32, #tpu.memory_space<hbm>> -> memref<80x128xf32, #tpu.memory_space<hbm>>
      tpu.enqueue_dma source(%arg11 : memref<80x128xf32, #tpu.memory_space<vmem>>) target(%dma_start3A_1201 : memref<80x128xf32, #tpu.memory_space<hbm>>) target_semaphore(%run_scoped3A : memref<!tpu.dma_semaphore, #tpu.memory_space<semaphore_mem>>)
      %dma_wait3A_1202 = arith.constant 0 : i32
      %dma_wait3A_1203 = tpu.memref_slice %arg5[%add3A_1149, %dma_wait3A_1202] : memref<20480x128xf32, #tpu.memory_space<hbm>> -> memref<80x128xf32, #tpu.memory_space<hbm>>
      %dma_wait3A_1204 = arith.constant 0 : i32
      %dma_wait3A_1205 = tpu.memref_slice %arg5[%add3A_1149, %dma_wait3A_1204] : memref<20480x128xf32, #tpu.memory_space<hbm>> -> memref<80x128xf32, #tpu.memory_space<hbm>>
      tpu.wait_dma2 semaphore(%run_scoped3A : memref<!tpu.dma_semaphore, #tpu.memory_space<semaphore_mem>>) src(%arg11 : memref<80x128xf32, #tpu.memory_space<vmem>>) dst(%dma_wait3A_1205 : memref<80x128xf32, #tpu.memory_space<hbm>>)
      tpu.yield
    }) : () -> ()
    %dma_start3A_1150 = arith.constant 0 : i32
    %dma_start3A_1151 = arith.constant 0 : i32
    %dma_start3A_1152 = tpu.memref_slice %arg6[%dma_start3A_1150, %dma_start3A_1151] : memref<10240x128xf32, #tpu.memory_space<vmem_shared>> -> memref<10240x128xf32, #tpu.memory_space<vmem_shared>>
    tpu.enqueue_indirect_dma source(%dma_start3A_1152 : memref<10240x128xf32, #tpu.memory_space<vmem_shared>>) target(%arg11 : memref<80x128xf32, #tpu.memory_space<vmem>>) offsets(%arg17 : memref<80xi32, #tpu.memory_space<vmem>>) semaphore(%arg13 : memref<!tpu.dma_semaphore, #tpu.memory_space<semaphore_mem>>)
    %dma_wait3A_1153 = arith.constant 0 : i32
    %dma_wait3A_1154 = arith.constant 0 : i32
    %dma_wait3A_1155 = tpu.memref_slice %arg6[%dma_wait3A_1153, %dma_wait3A_1154] : memref<10240x128xf32, #tpu.memory_space<vmem_shared>> -> memref<10240x128xf32, #tpu.memory_space<vmem_shared>>
    tpu.wait_indirect_dma semaphore(%arg13 : memref<!tpu.dma_semaphore, #tpu.memory_space<semaphore_mem>>) src(%dma_wait3A_1155 : memref<10240x128xf32, #tpu.memory_space<vmem_shared>>) dst(%arg11 : memref<80x128xf32, #tpu.memory_space<vmem>>)
    %add3A_1156 = arith.constant 160 : i32
    %add3A_1157 = arith.addi %add3A_1135, %add3A_1156 : i32
    "tpu.region"() ({
      %run_scoped3A = tpu.sem_alloc : memref<!tpu.dma_semaphore, #tpu.memory_space<semaphore_mem>>
      %dma_start3A_1198 = arith.constant 0 : i32
      %dma_start3A_1199 = tpu.memref_slice %arg5[%add3A_1157, %dma_start3A_1198] : memref<20480x128xf32, #tpu.memory_space<hbm>> -> memref<80x128xf32, #tpu.memory_space<hbm>>
      %dma_start3A_1200 = arith.constant 0 : i32
      %dma_start3A_1201 = tpu.memref_slice %arg5[%add3A_1157, %dma_start3A_1200] : memref<20480x128xf32, #tpu.memory_space<hbm>> -> memref<80x128xf32, #tpu.memory_space<hbm>>
      tpu.enqueue_dma source(%arg11 : memref<80x128xf32, #tpu.memory_space<vmem>>) target(%dma_start3A_1201 : memref<80x128xf32, #tpu.memory_space<hbm>>) target_semaphore(%run_scoped3A : memref<!tpu.dma_semaphore, #tpu.memory_space<semaphore_mem>>)
      %dma_wait3A_1202 = arith.constant 0 : i32
      %dma_wait3A_1203 = tpu.memref_slice %arg5[%add3A_1157, %dma_wait3A_1202] : memref<20480x128xf32, #tpu.memory_space<hbm>> -> memref<80x128xf32, #tpu.memory_space<hbm>>
      %dma_wait3A_1204 = arith.constant 0 : i32
      %dma_wait3A_1205 = tpu.memref_slice %arg5[%add3A_1157, %dma_wait3A_1204] : memref<20480x128xf32, #tpu.memory_space<hbm>> -> memref<80x128xf32, #tpu.memory_space<hbm>>
      tpu.wait_dma2 semaphore(%run_scoped3A : memref<!tpu.dma_semaphore, #tpu.memory_space<semaphore_mem>>) src(%arg11 : memref<80x128xf32, #tpu.memory_space<vmem>>) dst(%dma_wait3A_1205 : memref<80x128xf32, #tpu.memory_space<hbm>>)
      tpu.yield
    }) : () -> ()
    %dma_start3A_1158 = arith.constant 0 : i32
    %dma_start3A_1159 = arith.constant 0 : i32
    %dma_start3A_1160 = tpu.memref_slice %arg6[%dma_start3A_1158, %dma_start3A_1159] : memref<10240x128xf32, #tpu.memory_space<vmem_shared>> -> memref<10240x128xf32, #tpu.memory_space<vmem_shared>>
    tpu.enqueue_indirect_dma source(%dma_start3A_1160 : memref<10240x128xf32, #tpu.memory_space<vmem_shared>>) target(%arg11 : memref<80x128xf32, #tpu.memory_space<vmem>>) offsets(%arg18 : memref<80xi32, #tpu.memory_space<vmem>>) semaphore(%arg13 : memref<!tpu.dma_semaphore, #tpu.memory_space<semaphore_mem>>)
    %dma_wait3A_1161 = arith.constant 0 : i32
    %dma_wait3A_1162 = arith.constant 0 : i32
    %dma_wait3A_1163 = tpu.memref_slice %arg6[%dma_wait3A_1161, %dma_wait3A_1162] : memref<10240x128xf32, #tpu.memory_space<vmem_shared>> -> memref<10240x128xf32, #tpu.memory_space<vmem_shared>>
    tpu.wait_indirect_dma semaphore(%arg13 : memref<!tpu.dma_semaphore, #tpu.memory_space<semaphore_mem>>) src(%dma_wait3A_1163 : memref<10240x128xf32, #tpu.memory_space<vmem_shared>>) dst(%arg11 : memref<80x128xf32, #tpu.memory_space<vmem>>)
    %add3A_1164 = arith.constant 240 : i32
    %add3A_1165 = arith.addi %add3A_1135, %add3A_1164 : i32
    "tpu.region"() ({
      %run_scoped3A = tpu.sem_alloc : memref<!tpu.dma_semaphore, #tpu.memory_space<semaphore_mem>>
      %dma_start3A_1198 = arith.constant 0 : i32
      %dma_start3A_1199 = tpu.memref_slice %arg5[%add3A_1165, %dma_start3A_1198] : memref<20480x128xf32, #tpu.memory_space<hbm>> -> memref<80x128xf32, #tpu.memory_space<hbm>>
      %dma_start3A_1200 = arith.constant 0 : i32
      %dma_start3A_1201 = tpu.memref_slice %arg5[%add3A_1165, %dma_start3A_1200] : memref<20480x128xf32, #tpu.memory_space<hbm>> -> memref<80x128xf32, #tpu.memory_space<hbm>>
      tpu.enqueue_dma source(%arg11 : memref<80x128xf32, #tpu.memory_space<vmem>>) target(%dma_start3A_1201 : memref<80x128xf32, #tpu.memory_space<hbm>>) target_semaphore(%run_scoped3A : memref<!tpu.dma_semaphore, #tpu.memory_space<semaphore_mem>>)
      %dma_wait3A_1202 = arith.constant 0 : i32
      %dma_wait3A_1203 = tpu.memref_slice %arg5[%add3A_1165, %dma_wait3A_1202] : memref<20480x128xf32, #tpu.memory_space<hbm>> -> memref<80x128xf32, #tpu.memory_space<hbm>>
      %dma_wait3A_1204 = arith.constant 0 : i32
      %dma_wait3A_1205 = tpu.memref_slice %arg5[%add3A_1165, %dma_wait3A_1204] : memref<20480x128xf32, #tpu.memory_space<hbm>> -> memref<80x128xf32, #tpu.memory_space<hbm>>
      tpu.wait_dma2 semaphore(%run_scoped3A : memref<!tpu.dma_semaphore, #tpu.memory_space<semaphore_mem>>) src(%arg11 : memref<80x128xf32, #tpu.memory_space<vmem>>) dst(%dma_wait3A_1205 : memref<80x128xf32, #tpu.memory_space<hbm>>)
      tpu.yield
    }) : () -> ()
    %dma_start3A_1166 = arith.constant 0 : i32
    %dma_start3A_1167 = arith.constant 0 : i32
    %dma_start3A_1168 = tpu.memref_slice %arg6[%dma_start3A_1166, %dma_start3A_1167] : memref<10240x128xf32, #tpu.memory_space<vmem_shared>> -> memref<10240x128xf32, #tpu.memory_space<vmem_shared>>
    tpu.enqueue_indirect_dma source(%dma_start3A_1168 : memref<10240x128xf32, #tpu.memory_space<vmem_shared>>) target(%arg11 : memref<80x128xf32, #tpu.memory_space<vmem>>) offsets(%arg19 : memref<80xi32, #tpu.memory_space<vmem>>) semaphore(%arg13 : memref<!tpu.dma_semaphore, #tpu.memory_space<semaphore_mem>>)
    %dma_wait3A_1169 = arith.constant 0 : i32
    %dma_wait3A_1170 = arith.constant 0 : i32
    %dma_wait3A_1171 = tpu.memref_slice %arg6[%dma_wait3A_1169, %dma_wait3A_1170] : memref<10240x128xf32, #tpu.memory_space<vmem_shared>> -> memref<10240x128xf32, #tpu.memory_space<vmem_shared>>
    tpu.wait_indirect_dma semaphore(%arg13 : memref<!tpu.dma_semaphore, #tpu.memory_space<semaphore_mem>>) src(%dma_wait3A_1171 : memref<10240x128xf32, #tpu.memory_space<vmem_shared>>) dst(%arg11 : memref<80x128xf32, #tpu.memory_space<vmem>>)
    %add3A_1172 = arith.constant 320 : i32
    %add3A_1173 = arith.addi %add3A_1135, %add3A_1172 : i32
    "tpu.region"() ({
      %run_scoped3A = tpu.sem_alloc : memref<!tpu.dma_semaphore, #tpu.memory_space<semaphore_mem>>
      %dma_start3A_1198 = arith.constant 0 : i32
      %dma_start3A_1199 = tpu.memref_slice %arg5[%add3A_1173, %dma_start3A_1198] : memref<20480x128xf32, #tpu.memory_space<hbm>> -> memref<80x128xf32, #tpu.memory_space<hbm>>
      %dma_start3A_1200 = arith.constant 0 : i32
      %dma_start3A_1201 = tpu.memref_slice %arg5[%add3A_1173, %dma_start3A_1200] : memref<20480x128xf32, #tpu.memory_space<hbm>> -> memref<80x128xf32, #tpu.memory_space<hbm>>
      tpu.enqueue_dma source(%arg11 : memref<80x128xf32, #tpu.memory_space<vmem>>) target(%dma_start3A_1201 : memref<80x128xf32, #tpu.memory_space<hbm>>) target_semaphore(%run_scoped3A : memref<!tpu.dma_semaphore, #tpu.memory_space<semaphore_mem>>)
      %dma_wait3A_1202 = arith.constant 0 : i32
      %dma_wait3A_1203 = tpu.memref_slice %arg5[%add3A_1173, %dma_wait3A_1202] : memref<20480x128xf32, #tpu.memory_space<hbm>> -> memref<80x128xf32, #tpu.memory_space<hbm>>
      %dma_wait3A_1204 = arith.constant 0 : i32
      %dma_wait3A_1205 = tpu.memref_slice %arg5[%add3A_1173, %dma_wait3A_1204] : memref<20480x128xf32, #tpu.memory_space<hbm>> -> memref<80x128xf32, #tpu.memory_space<hbm>>
      tpu.wait_dma2 semaphore(%run_scoped3A : memref<!tpu.dma_semaphore, #tpu.memory_space<semaphore_mem>>) src(%arg11 : memref<80x128xf32, #tpu.memory_space<vmem>>) dst(%dma_wait3A_1205 : memref<80x128xf32, #tpu.memory_space<hbm>>)
      tpu.yield
    }) : () -> ()
    %dma_start3A_1174 = arith.constant 0 : i32
    %dma_start3A_1175 = arith.constant 0 : i32
    %dma_start3A_1176 = tpu.memref_slice %arg6[%dma_start3A_1174, %dma_start3A_1175] : memref<10240x128xf32, #tpu.memory_space<vmem_shared>> -> memref<10240x128xf32, #tpu.memory_space<vmem_shared>>
    tpu.enqueue_indirect_dma source(%dma_start3A_1176 : memref<10240x128xf32, #tpu.memory_space<vmem_shared>>) target(%arg11 : memref<80x128xf32, #tpu.memory_space<vmem>>) offsets(%arg20 : memref<80xi32, #tpu.memory_space<vmem>>) semaphore(%arg13 : memref<!tpu.dma_semaphore, #tpu.memory_space<semaphore_mem>>)
    %dma_wait3A_1177 = arith.constant 0 : i32
    %dma_wait3A_1178 = arith.constant 0 : i32
    %dma_wait3A_1179 = tpu.memref_slice %arg6[%dma_wait3A_1177, %dma_wait3A_1178] : memref<10240x128xf32, #tpu.memory_space<vmem_shared>> -> memref<10240x128xf32, #tpu.memory_space<vmem_shared>>
    tpu.wait_indirect_dma semaphore(%arg13 : memref<!tpu.dma_semaphore, #tpu.memory_space<semaphore_mem>>) src(%dma_wait3A_1179 : memref<10240x128xf32, #tpu.memory_space<vmem_shared>>) dst(%arg11 : memref<80x128xf32, #tpu.memory_space<vmem>>)
    %add3A_1180 = arith.constant 400 : i32
    %add3A_1181 = arith.addi %add3A_1135, %add3A_1180 : i32
    "tpu.region"() ({
      %run_scoped3A = tpu.sem_alloc : memref<!tpu.dma_semaphore, #tpu.memory_space<semaphore_mem>>
      %dma_start3A_1198 = arith.constant 0 : i32
      %dma_start3A_1199 = tpu.memref_slice %arg5[%add3A_1181, %dma_start3A_1198] : memref<20480x128xf32, #tpu.memory_space<hbm>> -> memref<80x128xf32, #tpu.memory_space<hbm>>
      %dma_start3A_1200 = arith.constant 0 : i32
      %dma_start3A_1201 = tpu.memref_slice %arg5[%add3A_1181, %dma_start3A_1200] : memref<20480x128xf32, #tpu.memory_space<hbm>> -> memref<80x128xf32, #tpu.memory_space<hbm>>
      tpu.enqueue_dma source(%arg11 : memref<80x128xf32, #tpu.memory_space<vmem>>) target(%dma_start3A_1201 : memref<80x128xf32, #tpu.memory_space<hbm>>) target_semaphore(%run_scoped3A : memref<!tpu.dma_semaphore, #tpu.memory_space<semaphore_mem>>)
      %dma_wait3A_1202 = arith.constant 0 : i32
      %dma_wait3A_1203 = tpu.memref_slice %arg5[%add3A_1181, %dma_wait3A_1202] : memref<20480x128xf32, #tpu.memory_space<hbm>> -> memref<80x128xf32, #tpu.memory_space<hbm>>
      %dma_wait3A_1204 = arith.constant 0 : i32
      %dma_wait3A_1205 = tpu.memref_slice %arg5[%add3A_1181, %dma_wait3A_1204] : memref<20480x128xf32, #tpu.memory_space<hbm>> -> memref<80x128xf32, #tpu.memory_space<hbm>>
      tpu.wait_dma2 semaphore(%run_scoped3A : memref<!tpu.dma_semaphore, #tpu.memory_space<semaphore_mem>>) src(%arg11 : memref<80x128xf32, #tpu.memory_space<vmem>>) dst(%dma_wait3A_1205 : memref<80x128xf32, #tpu.memory_space<hbm>>)
      tpu.yield
    }) : () -> ()
    %dma_start3A_1182 = arith.constant 0 : i32
    %dma_start3A_1183 = arith.constant 0 : i32
    %dma_start3A_1184 = tpu.memref_slice %arg6[%dma_start3A_1182, %dma_start3A_1183] : memref<10240x128xf32, #tpu.memory_space<vmem_shared>> -> memref<10240x128xf32, #tpu.memory_space<vmem_shared>>
    tpu.enqueue_indirect_dma source(%dma_start3A_1184 : memref<10240x128xf32, #tpu.memory_space<vmem_shared>>) target(%arg11 : memref<80x128xf32, #tpu.memory_space<vmem>>) offsets(%arg21 : memref<80xi32, #tpu.memory_space<vmem>>) semaphore(%arg13 : memref<!tpu.dma_semaphore, #tpu.memory_space<semaphore_mem>>)
    %dma_wait3A_1185 = arith.constant 0 : i32
    %dma_wait3A_1186 = arith.constant 0 : i32
    %dma_wait3A_1187 = tpu.memref_slice %arg6[%dma_wait3A_1185, %dma_wait3A_1186] : memref<10240x128xf32, #tpu.memory_space<vmem_shared>> -> memref<10240x128xf32, #tpu.memory_space<vmem_shared>>
    tpu.wait_indirect_dma semaphore(%arg13 : memref<!tpu.dma_semaphore, #tpu.memory_space<semaphore_mem>>) src(%dma_wait3A_1187 : memref<10240x128xf32, #tpu.memory_space<vmem_shared>>) dst(%arg11 : memref<80x128xf32, #tpu.memory_space<vmem>>)
    %add3A_1188 = arith.constant 480 : i32
    %add3A_1189 = arith.addi %add3A_1135, %add3A_1188 : i32
    "tpu.region"() ({
      %run_scoped3A = tpu.sem_alloc : memref<!tpu.dma_semaphore, #tpu.memory_space<semaphore_mem>>
      %dma_start3A_1198 = arith.constant 0 : i32
      %dma_start3A_1199 = tpu.memref_slice %arg5[%add3A_1189, %dma_start3A_1198] : memref<20480x128xf32, #tpu.memory_space<hbm>> -> memref<80x128xf32, #tpu.memory_space<hbm>>
      %dma_start3A_1200 = arith.constant 0 : i32
      %dma_start3A_1201 = tpu.memref_slice %arg5[%add3A_1189, %dma_start3A_1200] : memref<20480x128xf32, #tpu.memory_space<hbm>> -> memref<80x128xf32, #tpu.memory_space<hbm>>
      tpu.enqueue_dma source(%arg11 : memref<80x128xf32, #tpu.memory_space<vmem>>) target(%dma_start3A_1201 : memref<80x128xf32, #tpu.memory_space<hbm>>) target_semaphore(%run_scoped3A : memref<!tpu.dma_semaphore, #tpu.memory_space<semaphore_mem>>)
      %dma_wait3A_1202 = arith.constant 0 : i32
      %dma_wait3A_1203 = tpu.memref_slice %arg5[%add3A_1189, %dma_wait3A_1202] : memref<20480x128xf32, #tpu.memory_space<hbm>> -> memref<80x128xf32, #tpu.memory_space<hbm>>
      %dma_wait3A_1204 = arith.constant 0 : i32
      %dma_wait3A_1205 = tpu.memref_slice %arg5[%add3A_1189, %dma_wait3A_1204] : memref<20480x128xf32, #tpu.memory_space<hbm>> -> memref<80x128xf32, #tpu.memory_space<hbm>>
      tpu.wait_dma2 semaphore(%run_scoped3A : memref<!tpu.dma_semaphore, #tpu.memory_space<semaphore_mem>>) src(%arg11 : memref<80x128xf32, #tpu.memory_space<vmem>>) dst(%dma_wait3A_1205 : memref<80x128xf32, #tpu.memory_space<hbm>>)
      tpu.yield
    }) : () -> ()
    %dma_start3A_1190 = arith.constant 0 : i32
    %dma_start3A_1191 = arith.constant 0 : i32
    %dma_start3A_1192 = tpu.memref_slice %arg6[%dma_start3A_1190, %dma_start3A_1191] : memref<10240x128xf32, #tpu.memory_space<vmem_shared>> -> memref<10240x128xf32, #tpu.memory_space<vmem_shared>>
    tpu.enqueue_indirect_dma source(%dma_start3A_1192 : memref<10240x128xf32, #tpu.memory_space<vmem_shared>>) target(%arg11 : memref<80x128xf32, #tpu.memory_space<vmem>>) offsets(%arg22 : memref<80xi32, #tpu.memory_space<vmem>>) semaphore(%arg13 : memref<!tpu.dma_semaphore, #tpu.memory_space<semaphore_mem>>)
    %dma_wait3A_1193 = arith.constant 0 : i32
    %dma_wait3A_1194 = arith.constant 0 : i32
    %dma_wait3A_1195 = tpu.memref_slice %arg6[%dma_wait3A_1193, %dma_wait3A_1194] : memref<10240x128xf32, #tpu.memory_space<vmem_shared>> -> memref<10240x128xf32, #tpu.memory_space<vmem_shared>>
    tpu.wait_indirect_dma semaphore(%arg13 : memref<!tpu.dma_semaphore, #tpu.memory_space<semaphore_mem>>) src(%dma_wait3A_1195 : memref<10240x128xf32, #tpu.memory_space<vmem_shared>>) dst(%arg11 : memref<80x128xf32, #tpu.memory_space<vmem>>)
    %add3A_1196 = arith.constant 560 : i32
    %add3A_1197 = arith.addi %add3A_1135, %add3A_1196 : i32
    "tpu.region"() ({
      %run_scoped3A = tpu.sem_alloc : memref<!tpu.dma_semaphore, #tpu.memory_space<semaphore_mem>>
      %dma_start3A_1198 = arith.constant 0 : i32
      %dma_start3A_1199 = tpu.memref_slice %arg5[%add3A_1197, %dma_start3A_1198] : memref<20480x128xf32, #tpu.memory_space<hbm>> -> memref<80x128xf32, #tpu.memory_space<hbm>>
      %dma_start3A_1200 = arith.constant 0 : i32
      %dma_start3A_1201 = tpu.memref_slice %arg5[%add3A_1197, %dma_start3A_1200] : memref<20480x128xf32, #tpu.memory_space<hbm>> -> memref<80x128xf32, #tpu.memory_space<hbm>>
      tpu.enqueue_dma source(%arg11 : memref<80x128xf32, #tpu.memory_space<vmem>>) target(%dma_start3A_1201 : memref<80x128xf32, #tpu.memory_space<hbm>>) target_semaphore(%run_scoped3A : memref<!tpu.dma_semaphore, #tpu.memory_space<semaphore_mem>>)
      %dma_wait3A_1202 = arith.constant 0 : i32
      %dma_wait3A_1203 = tpu.memref_slice %arg5[%add3A_1197, %dma_wait3A_1202] : memref<20480x128xf32, #tpu.memory_space<hbm>> -> memref<80x128xf32, #tpu.memory_space<hbm>>
      %dma_wait3A_1204 = arith.constant 0 : i32
      %dma_wait3A_1205 = tpu.memref_slice %arg5[%add3A_1197, %dma_wait3A_1204] : memref<20480x128xf32, #tpu.memory_space<hbm>> -> memref<80x128xf32, #tpu.memory_space<hbm>>
      tpu.wait_dma2 semaphore(%run_scoped3A : memref<!tpu.dma_semaphore, #tpu.memory_space<semaphore_mem>>) src(%arg11 : memref<80x128xf32, #tpu.memory_space<vmem>>) dst(%dma_wait3A_1205 : memref<80x128xf32, #tpu.memory_space<hbm>>)
      tpu.yield
    }) : () -> ()
    return
  }
}

module attributes {stable_mosaic.version = 14 : i64} {
  func.func @body(%arg0: i32, %arg1: memref<2x1000x128xf32, #tpu.memory_space<vmem>>, %arg2: memref<2x1000x128xf32, #tpu.memory_space<vmem>>, %arg3: memref<1000x128xf32, #tpu.memory_space<vmem>>, %arg4: memref<1x1x1000xi32, #tpu.memory_space<vmem>>, %arg5: memref<128x128xf32, #tpu.memory_space<vmem>>, %arg6: memref<128x128xf32, #tpu.memory_space<vmem>>, %arg7: memref<128x128xf32, #tpu.memory_space<vmem>>, %arg8: memref<1x128xf32, #tpu.memory_space<vmem>>, %arg9: memref<128x300xf32, #tpu.memory_space<vmem>>, %arg10: memref<1x300xf32, #tpu.memory_space<vmem>>, %arg11: memref<300x100xf32, #tpu.memory_space<vmem>>, %arg12: memref<1x100xf32, #tpu.memory_space<vmem>>, %arg13: memref<128x100xf32, #tpu.memory_space<vmem>>, %arg14: memref<128x300xf32, #tpu.memory_space<vmem>>, %arg15: memref<128x8xf32, #tpu.memory_space<vmem>>) attributes {dimension_semantics = [#tpu.dimension_semantics<arbitrary>], iteration_bounds = array<i64: 10>, scalar_prefetch = 0 : i64, scratch_operands = 2 : i64, tpu.core_type = #tpu.core_type<tc>, window_params = [{transform_indices = @transform_0, window_bounds = array<i64: 2, 1000, 128>}, {transform_indices = @transform_1, window_bounds = array<i64: 2, 1000, 128>}, {transform_indices = @transform_2, window_bounds = array<i64: 1000, 128>}, {transform_indices = @transform_3, window_bounds = array<i64: 1, 1, 1000>}, {pipeline_mode = #tpu.pipeline_mode<synchronous>, transform_indices = @transform_4, window_bounds = array<i64: 128, 128>}, {pipeline_mode = #tpu.pipeline_mode<synchronous>, transform_indices = @transform_5, window_bounds = array<i64: 128, 128>}, {pipeline_mode = #tpu.pipeline_mode<synchronous>, transform_indices = @transform_6, window_bounds = array<i64: 128, 128>}, {pipeline_mode = #tpu.pipeline_mode<synchronous>, transform_indices = @transform_7, window_bounds = array<i64: 1, 128>}, {pipeline_mode = #tpu.pipeline_mode<synchronous>, transform_indices = @transform_8, window_bounds = array<i64: 128, 300>}, {pipeline_mode = #tpu.pipeline_mode<synchronous>, transform_indices = @transform_9, window_bounds = array<i64: 1, 300>}, {pipeline_mode = #tpu.pipeline_mode<synchronous>, transform_indices = @transform_10, window_bounds = array<i64: 300, 100>}, {pipeline_mode = #tpu.pipeline_mode<synchronous>, transform_indices = @transform_11, window_bounds = array<i64: 1, 100>}, {pipeline_mode = #tpu.pipeline_mode<synchronous>, transform_indices = @transform_12, window_bounds = array<i64: 128, 100>}]} {
    %eq3A = arith.constant 0 : i32
    %eq3A_0 = arith.cmpi eq, %arg0, %eq3A : i32
    %convert_element_type3A = arith.extui %eq3A_0 : i1 to i32
    %cond3A = arith.constant 0 : i32
    %cond3A_1 = arith.cmpi ne, %convert_element_type3A, %cond3A : i32
    scf.if %cond3A_1 {
      %broadcast_in_dim3A_94 = arith.constant 0.000000e+00 : f32
      %broadcast_in_dim3A_95 = vector.broadcast %broadcast_in_dim3A_94 : f32 to vector<128x300xf32>
      %swap3A_96 = arith.constant 0 : index
      %swap3A_97 = arith.constant 0 : index
      %swap3A_98 = vector.load %arg14[%swap3A_96, %swap3A_97] : memref<128x300xf32, #tpu.memory_space<vmem>>, vector<128x300xf32>
      tpu.vector_store %arg14[%swap3A_96, %swap3A_97], %broadcast_in_dim3A_95 {strides = array<i32>} : memref<128x300xf32, #tpu.memory_space<vmem>>, vector<128x300xf32>,
      %broadcast_in_dim3A_99 = arith.constant 0.000000e+00 : f32
      %broadcast_in_dim3A_100 = vector.broadcast %broadcast_in_dim3A_99 : f32 to vector<128x8xf32>
      %swap3A_101 = arith.constant 0 : index
      %swap3A_102 = arith.constant 0 : index
      %swap3A_103 = vector.load %arg15[%swap3A_101, %swap3A_102] : memref<128x8xf32, #tpu.memory_space<vmem>>, vector<128x8xf32>
      tpu.vector_store %arg15[%swap3A_101, %swap3A_102], %broadcast_in_dim3A_100 {strides = array<i32>} : memref<128x8xf32, #tpu.memory_space<vmem>>, vector<128x8xf32>,
    } else {
    }
    %get3A = arith.constant 0 : index
    %get3A_2 = arith.constant 0 : index
    %get3A_3 = arith.constant 0 : index
    %get3A_4 = vector.load %arg1[%get3A, %get3A_2, %get3A_3] : memref<2x1000x128xf32, #tpu.memory_space<vmem>>, vector<1x1000x128xf32>
    %get3A_5 = vector.shape_cast %get3A_4 : vector<1x1000x128xf32> to vector<1000x128xf32>
    %get3A_6 = arith.constant 1 : index
    %get3A_7 = arith.constant 0 : index
    %get3A_8 = arith.constant 0 : index
    %get3A_9 = vector.load %arg1[%get3A_6, %get3A_7, %get3A_8] : memref<2x1000x128xf32, #tpu.memory_space<vmem>>, vector<1x1000x128xf32>
    %get3A_10 = vector.shape_cast %get3A_9 : vector<1x1000x128xf32> to vector<1000x128xf32>
    %add3A = arith.addf %get3A_5, %get3A_10 : vector<1000x128xf32>
    %get3A_11 = arith.constant 0 : index
    %get3A_12 = arith.constant 0 : index
    %get3A_13 = arith.constant 0 : index
    %get3A_14 = vector.load %arg2[%get3A_11, %get3A_12, %get3A_13] : memref<2x1000x128xf32, #tpu.memory_space<vmem>>, vector<1x1000x128xf32>
    %get3A_15 = vector.shape_cast %get3A_14 : vector<1x1000x128xf32> to vector<1000x128xf32>
    %get3A_16 = arith.constant 1 : index
    %get3A_17 = arith.constant 0 : index
    %get3A_18 = arith.constant 0 : index
    %get3A_19 = vector.load %arg2[%get3A_16, %get3A_17, %get3A_18] : memref<2x1000x128xf32, #tpu.memory_space<vmem>>, vector<1x1000x128xf32>
    %get3A_20 = vector.shape_cast %get3A_19 : vector<1x1000x128xf32> to vector<1000x128xf32>
    %add3A_21 = arith.addf %get3A_15, %get3A_20 : vector<1000x128xf32>
    %get3A_22 = arith.constant 0 : index
    %get3A_23 = arith.constant 0 : index
    %get3A_24 = vector.load %arg5[%get3A_22, %get3A_23] : memref<128x128xf32, #tpu.memory_space<vmem>>, vector<128x128xf32>
    %dot_general3A = arith.constant dense<0.000000e+00> : vector<1000x128xf32>
    %dot_general3A_25 = tpu.matmul %add3A, %get3A_24, %dot_general3A {dimension_numbers = #tpu.dot_dimension_numbers<[1], [0], [0], [1], [0, 0, 1, 1], [], []>, transpose_lhs_hint = false} : vector<1000x128xf32>, vector<128x128xf32>, vector<1000x128xf32> -> vector<1000x128xf32>
    %get3A_26 = arith.constant 0 : index
    %get3A_27 = arith.constant 0 : index
    %get3A_28 = vector.load %arg6[%get3A_26, %get3A_27] : memref<128x128xf32, #tpu.memory_space<vmem>>, vector<128x128xf32>
    %dot_general3A_29 = arith.constant dense<0.000000e+00> : vector<1000x128xf32>
    %dot_general3A_30 = tpu.matmul %add3A_21, %get3A_28, %dot_general3A_29 {dimension_numbers = #tpu.dot_dimension_numbers<[1], [0], [0], [1], [0, 0, 1, 1], [], []>, transpose_lhs_hint = false} : vector<1000x128xf32>, vector<128x128xf32>, vector<1000x128xf32> -> vector<1000x128xf32>
    %add3A_31 = arith.addf %dot_general3A_25, %dot_general3A_30 : vector<1000x128xf32>
    %get3A_32 = arith.constant 0 : index
    %get3A_33 = arith.constant 0 : index
    %get3A_34 = vector.load %arg3[%get3A_32, %get3A_33] : memref<1000x128xf32, #tpu.memory_space<vmem>>, vector<1000x128xf32>
    %get3A_35 = arith.constant 0 : index
    %get3A_36 = arith.constant 0 : index
    %get3A_37 = vector.load %arg7[%get3A_35, %get3A_36] : memref<128x128xf32, #tpu.memory_space<vmem>>, vector<128x128xf32>
    %dot_general3A_38 = arith.constant dense<0.000000e+00> : vector<1000x128xf32>
    %dot_general3A_39 = tpu.matmul %get3A_34, %get3A_37, %dot_general3A_38 {dimension_numbers = #tpu.dot_dimension_numbers<[1], [0], [0], [1], [0, 0, 1, 1], [], []>, transpose_lhs_hint = false} : vector<1000x128xf32>, vector<128x128xf32>, vector<1000x128xf32> -> vector<1000x128xf32>
    %add3A_40 = arith.addf %add3A_31, %dot_general3A_39 : vector<1000x128xf32>
    %get3A_41 = arith.constant 0 : index
    %get3A_42 = arith.constant 0 : index
    %get3A_43 = vector.load %arg8[%get3A_41, %get3A_42] : memref<1x128xf32, #tpu.memory_space<vmem>>, vector<1x128xf32>
    %add3A_44 = vector.broadcast %get3A_43 : vector<1x128xf32> to vector<1000x128xf32>
    %add3A_45 = arith.addf %add3A_40, %add3A_44 : vector<1000x128xf32>
    %max3A = arith.constant 0.000000e+00 : f32
    %max3A_46 = vector.broadcast %max3A : f32 to vector<1000x128xf32>
    %max3A_47 = arith.maximumf %add3A_45, %max3A_46 : vector<1000x128xf32>
    %get3A_48 = arith.constant 0 : index
    %get3A_49 = arith.constant 0 : index
    %get3A_50 = vector.load %arg9[%get3A_48, %get3A_49] : memref<128x300xf32, #tpu.memory_space<vmem>>, vector<128x300xf32>
    %dot_general3A_51 = arith.constant dense<0.000000e+00> : vector<1000x300xf32>
    %dot_general3A_52 = tpu.matmul %max3A_47, %get3A_50, %dot_general3A_51 {dimension_numbers = #tpu.dot_dimension_numbers<[1], [0], [0], [1], [0, 0, 1, 1], [], []>, transpose_lhs_hint = false} : vector<1000x128xf32>, vector<128x300xf32>, vector<1000x300xf32> -> vector<1000x300xf32>
    %get3A_53 = arith.constant 0 : index
    %get3A_54 = arith.constant 0 : index
    %get3A_55 = vector.load %arg10[%get3A_53, %get3A_54] : memref<1x300xf32, #tpu.memory_space<vmem>>, vector<1x300xf32>
    %add3A_56 = vector.broadcast %get3A_55 : vector<1x300xf32> to vector<1000x300xf32>
    %add3A_57 = arith.addf %dot_general3A_52, %add3A_56 : vector<1000x300xf32>
    %max3A_58 = arith.constant 0.000000e+00 : f32
    %max3A_59 = vector.broadcast %max3A_58 : f32 to vector<1000x300xf32>
    %max3A_60 = arith.maximumf %add3A_57, %max3A_59 : vector<1000x300xf32>
    %get3A_61 = arith.constant 0 : index
    %get3A_62 = arith.constant 0 : index
    %get3A_63 = arith.constant 0 : index
    %get3A_64 = vector.load %arg4[%get3A_61, %get3A_62, %get3A_63] : memref<1x1x1000xi32, #tpu.memory_space<vmem>>, vector<1x1x1000xi32>
    %get3A_65 = vector.shape_cast %get3A_64 : vector<1x1x1000xi32> to vector<1000xi32>
    %broadcast_in_dim3A = vector.shape_cast %get3A_65 : vector<1000xi32> to vector<1000x1xi32>
    %iota3A = tpu.iota {dimensions = array<i32: 1>} : vector<1000x128xi32>
    %eq3A_66 = vector.broadcast %broadcast_in_dim3A : vector<1000x1xi32> to vector<1000x128xi32>
    %eq3A_67 = arith.cmpi eq, %eq3A_66, %iota3A : vector<1000x128xi32>
    %convert_element_type3A_68 = arith.extui %eq3A_67 : vector<1000x128xi1> to vector<1000x128xi32>
    %convert_element_type3A_69 = arith.sitofp %convert_element_type3A_68 : vector<1000x128xi32> to vector<1000x128xf32>
    %get3A_70 = arith.constant 0 : index
    %get3A_71 = arith.constant 0 : index
    %get3A_72 = vector.load %arg14[%get3A_70, %get3A_71] : memref<128x300xf32, #tpu.memory_space<vmem>>, vector<128x300xf32>
    %dot_general3A_73 = arith.constant dense<0.000000e+00> : vector<128x300xf32>
    %dot_general3A_74 = tpu.matmul %convert_element_type3A_69, %max3A_60, %dot_general3A_73 {dimension_numbers = #tpu.dot_dimension_numbers<[0], [0], [1], [1], [0, 1, 1, 1], [], []>, transpose_lhs_hint = false} : vector<1000x128xf32>, vector<1000x300xf32>, vector<128x300xf32> -> vector<128x300xf32>
    %add3A_75 = arith.addf %get3A_72, %dot_general3A_74 : vector<128x300xf32>
    %swap3A = arith.constant 0 : index
    %swap3A_76 = arith.constant 0 : index
    %swap3A_77 = vector.load %arg14[%swap3A, %swap3A_76] : memref<128x300xf32, #tpu.memory_space<vmem>>, vector<128x300xf32>
    tpu.vector_store %arg14[%swap3A, %swap3A_76], %add3A_75 {strides = array<i32>} : memref<128x300xf32, #tpu.memory_space<vmem>>, vector<128x300xf32>,
    %get3A_78 = arith.constant 0 : index
    %get3A_79 = arith.constant 0 : index
    %get3A_80 = vector.load %arg15[%get3A_78, %get3A_79] : memref<128x8xf32, #tpu.memory_space<vmem>>, vector<128x8xf32>
    %broadcast_in_dim3A_81 = arith.constant 1.000000e+00 : f32
    %broadcast_in_dim3A_82 = vector.broadcast %broadcast_in_dim3A_81 : f32 to vector<1000x8xf32>
    %dot_general3A_83 = arith.constant dense<0.000000e+00> : vector<128x8xf32>
    %dot_general3A_84 = tpu.matmul %convert_element_type3A_69, %broadcast_in_dim3A_82, %dot_general3A_83 {dimension_numbers = #tpu.dot_dimension_numbers<[0], [0], [1], [1], [0, 1, 1, 1], [], []>, transpose_lhs_hint = false} : vector<1000x128xf32>, vector<1000x8xf32>, vector<128x8xf32> -> vector<128x8xf32>
    %add3A_85 = arith.addf %get3A_80, %dot_general3A_84 : vector<128x8xf32>
    %swap3A_86 = arith.constant 0 : index
    %swap3A_87 = arith.constant 0 : index
    %swap3A_88 = vector.load %arg15[%swap3A_86, %swap3A_87] : memref<128x8xf32, #tpu.memory_space<vmem>>, vector<128x8xf32>
    tpu.vector_store %arg15[%swap3A_86, %swap3A_87], %add3A_85 {strides = array<i32>} : memref<128x8xf32, #tpu.memory_space<vmem>>, vector<128x8xf32>,
    %eq3A_89 = arith.constant 9 : i32
    %eq3A_90 = arith.cmpi eq, %arg0, %eq3A_89 : i32
    %convert_element_type3A_91 = arith.extui %eq3A_90 : i1 to i32
    %cond3A_92 = arith.constant 0 : i32
    %cond3A_93 = arith.cmpi ne, %convert_element_type3A_91, %cond3A_92 : i32
    scf.if %cond3A_93 {
      %get3A_94 = arith.constant 0 : index
      %get3A_95 = arith.constant 0 : index
      %get3A_96 = vector.load %arg15[%get3A_94, %get3A_95] : memref<128x8xf32, #tpu.memory_space<vmem>>, vector<128x1xf32>
      %max3A_97 = arith.constant 1.000000e+00 : f32
      %max3A_98 = vector.broadcast %max3A_97 : f32 to vector<128x1xf32>
      %max3A_99 = arith.maximumf %get3A_96, %max3A_98 : vector<128x1xf32>
      %get3A_100 = arith.constant 0 : index
      %get3A_101 = arith.constant 0 : index
      %get3A_102 = vector.load %arg14[%get3A_100, %get3A_101] : memref<128x300xf32, #tpu.memory_space<vmem>>, vector<128x300xf32>
      %div3A = vector.broadcast %max3A_99 : vector<128x1xf32> to vector<128x300xf32>
      %div3A_103 = arith.divf %get3A_102, %div3A : vector<128x300xf32>
      %get3A_104 = arith.constant 0 : index
      %get3A_105 = arith.constant 0 : index
      %get3A_106 = vector.load %arg11[%get3A_104, %get3A_105] : memref<300x100xf32, #tpu.memory_space<vmem>>, vector<300x100xf32>
      %dot_general3A_107 = arith.constant dense<0.000000e+00> : vector<128x100xf32>
      %dot_general3A_108 = tpu.matmul %div3A_103, %get3A_106, %dot_general3A_107 {dimension_numbers = #tpu.dot_dimension_numbers<[1], [0], [0], [1], [0, 0, 1, 1], [], []>, transpose_lhs_hint = false} : vector<128x300xf32>, vector<300x100xf32>, vector<128x100xf32> -> vector<128x100xf32>
      %get3A_109 = arith.constant 0 : index
      %get3A_110 = arith.constant 0 : index
      %get3A_111 = vector.load %arg12[%get3A_109, %get3A_110] : memref<1x100xf32, #tpu.memory_space<vmem>>, vector<1x100xf32>
      %add3A_112 = vector.broadcast %get3A_111 : vector<1x100xf32> to vector<128x100xf32>
      %add3A_113 = arith.addf %dot_general3A_108, %add3A_112 : vector<128x100xf32>
      %swap3A_114 = arith.constant 0 : index
      %swap3A_115 = arith.constant 0 : index
      %swap3A_116 = vector.load %arg13[%swap3A_114, %swap3A_115] : memref<128x100xf32, #tpu.memory_space<vmem>>, vector<128x100xf32>
      tpu.vector_store %arg13[%swap3A_114, %swap3A_115], %add3A_113 {strides = array<i32>} : memref<128x100xf32, #tpu.memory_space<vmem>>, vector<128x100xf32>,
    } else {
    }
    return
  }
  func.func @transform_0(%arg0: i32) -> (i32, i32, i32) {
    %c0_i32 = arith.constant 0 : i32
    %c0_i32_0 = arith.constant 0 : i32
    %c0_i32_1 = arith.constant 0 : i32
    return %c0_i32, %arg0, %c0_i32_0 : i32, i32, i32
  }
  func.func @transform_1(%arg0: i32) -> (i32, i32, i32) {
    %c0_i32 = arith.constant 0 : i32
    %c0_i32_0 = arith.constant 0 : i32
    %c0_i32_1 = arith.constant 0 : i32
    return %c0_i32, %arg0, %c0_i32_0 : i32, i32, i32
  }
  func.func @transform_2(%arg0: i32) -> (i32, i32) {
    %c0_i32 = arith.constant 0 : i32
    %c0_i32_0 = arith.constant 0 : i32
    return %arg0, %c0_i32 : i32, i32
  }
  func.func @transform_3(%arg0: i32) -> (i32, i32, i32) {
    %c0_i32 = arith.constant 0 : i32
    %c0_i32_0 = arith.constant 0 : i32
    %c0_i32_1 = arith.constant 0 : i32
    return %arg0, %c0_i32, %c0_i32_0 : i32, i32, i32
  }
  func.func @transform_4(%arg0: i32) -> (i32, i32) {
    %c0_i32 = arith.constant 0 : i32
    %c0_i32_0 = arith.constant 0 : i32
    %c0_i32_1 = arith.constant 0 : i32
    return %c0_i32, %c0_i32_0 : i32, i32
  }
  func.func @transform_5(%arg0: i32) -> (i32, i32) {
    %c0_i32 = arith.constant 0 : i32
    %c0_i32_0 = arith.constant 0 : i32
    %c0_i32_1 = arith.constant 0 : i32
    return %c0_i32, %c0_i32_0 : i32, i32
  }
  func.func @transform_6(%arg0: i32) -> (i32, i32) {
    %c0_i32 = arith.constant 0 : i32
    %c0_i32_0 = arith.constant 0 : i32
    %c0_i32_1 = arith.constant 0 : i32
    return %c0_i32, %c0_i32_0 : i32, i32
  }
  func.func @transform_7(%arg0: i32) -> (i32, i32) {
    %c0_i32 = arith.constant 0 : i32
    %c0_i32_0 = arith.constant 0 : i32
    %c0_i32_1 = arith.constant 0 : i32
    return %c0_i32, %c0_i32_0 : i32, i32
  }
  func.func @transform_8(%arg0: i32) -> (i32, i32) {
    %c0_i32 = arith.constant 0 : i32
    %c0_i32_0 = arith.constant 0 : i32
    %c0_i32_1 = arith.constant 0 : i32
    return %c0_i32, %c0_i32_0 : i32, i32
  }
  func.func @transform_9(%arg0: i32) -> (i32, i32) {
    %c0_i32 = arith.constant 0 : i32
    %c0_i32_0 = arith.constant 0 : i32
    %c0_i32_1 = arith.constant 0 : i32
    return %c0_i32, %c0_i32_0 : i32, i32
  }
  func.func @transform_10(%arg0: i32) -> (i32, i32) {
    %c0_i32 = arith.constant 0 : i32
    %c0_i32_0 = arith.constant 0 : i32
    %c0_i32_1 = arith.constant 0 : i32
    return %c0_i32, %c0_i32_0 : i32, i32
  }
  func.func @transform_11(%arg0: i32) -> (i32, i32) {
    %c0_i32 = arith.constant 0 : i32
    %c0_i32_0 = arith.constant 0 : i32
    %c0_i32_1 = arith.constant 0 : i32
    return %c0_i32, %c0_i32_0 : i32, i32
  }
  func.func @transform_12(%arg0: i32) -> (i32, i32) {
    %c0_i32 = arith.constant 0 : i32
    %c0_i32_0 = arith.constant 0 : i32
    %c0_i32_1 = arith.constant 0 : i32
    return %c0_i32, %c0_i32_0 : i32, i32
  }
}

</mosaic_0001>

<sc_bundles>
// kernel: kernel.5.cloned.1.call-start
scs
__scs_entry_jumppad:
0x0: {  	(pc) =	sbr.rel $0x88, $3  }
0x1: {  	(tag) =	ssettag $0x0;
	lr =	simm.s32 $0x1  }
0x2: {  	[smem:$0x3F95] =	sst lr;
	_ =	strace $0xD0000000  }
0x3: {  	_ = 	snop  }
0x4: {  	_ = 	snop  }
0x5: {  	_ = 	snop  }
0x6: {  	_ = 	snop  }
0x7: {  	_ = 	snop  }
__scs_overlays_trampoline_lowered:
0x8: {  	[smem:$0x3FA4] =	sst s0  }
0x9: {  	[smem:$0x3FA5] =	sst s1  }
0xa: {  	[smem:$0x3FA6] =	sst s2  }
0xb: {  	[smem:$0x3FA7] =	sst s3  }
0xc: {  	[smem:$0x3FA8] =	sst s4  }
0xd: {  	[smem:$0x3FA9] =	sst s5  }
0xe: {  	[smem:$0x3FAA] =	sst s6  }
0xf: {  	[smem:$0x3FAB] =	sst s7  }
0x10: {  	[smem:$0x3FAC] =	sst s8  }
0x11: {  	[smem:$0x3FAD] =	sst s9;
	s0 =	simm.s32 @!p0 $0x0  }
0x12: {  	s1 =	sld [smem:$0x3F93];
	s0 =	simm.s32 @p0 $0x1  }
0x13: {  	[smem:$0x3FAE] =	sst s0;
	s0 =	simm.s32 @!p1 $0x0  }
0x14: {  	s2 =	sld [smem:$0x3F92];
	s0 =	simm.s32 @p1 $0x1  }
0x15: {  	[smem:$0x3FAF] =	sst s0;
	s0 =	simm.s32 @!p2 $0x0  }
0x16: {  	s3 =	sld [smem:$0x3FDB];
	s0 =	simm.s32 @p2 $0x1  }
0x17: {  	s4 =	simm.s32 $0x1BF5;
	[smem:$0x3FB1] =	sst s0  }
0x18: {  	s0 =	sld [smem:$0x3F94];
	_ =	swait.ge [sflag:s4], $0x0  }
0x19: {  	s7 =	sld [smem:$0x3F95]  }
0x1a: {  	s8 =	sadd.s32 $0xFFFFE003, lr  }
0x1b: {  	s9 =	sadd.s32 $0xFFFFFEF7, lr;
	s5 =	simm.s32 $0xFFFFFFFF;
	p2 =	slt.u32 s8, $0xFFFFF086  }
0x1c: {  	p1 =	slt.u32 s9, $0xF7A;
	s5 =	simm.s32 @!p2 $0x0  }
0x1d: {  	s5 =	simm.s32 @p1 $0x1;
	p0 =	seq.s32 s7, s2  }
0x1e: {  	s7 =	smul.u32 @!p0 $0xF7A, s2;
	p2 =	seq.s32 @!p0 s5, $0x0  }
0x1f: {  	s9 =	smul.u32 $0xF7A, s1;
	s8 =	simm.s32 @!p0 $0x1BF5;
	p2 =	por !p2, p0  }
0x20: {  	[sflag:s8] =	ssyncset.s32 @!p0 $0xFFFFF086;
	s6 =	sadd.s32 @!p0 s3, s7;
	s7 =	simm.s32 @!p0 $0x108  }
0x21: {  	s3 =	sadd.s32 s3, s9;
	s6 =	sadd.s32 @!p0 $0x88, s6;
	s7 =	simm.s32 @p2 $0x1082  }
0x22: {  	[simem:s7], [sflag:s8] =	dma.local @!p0 [hbm:s6], $0xF7A  }
0x23: {  	s9 =	sor.u32 $0xD0000000, s2;
	s6 =	simm.s32 $0x108;
	_ =	swait.ge @!p0 [sflag:s8], $0x0  }
0x24: {  	s3 =	sadd.s32 $0x88, s3;
	s6 =	simm.s32 @!p1 $0x1082;
	[sflag:s4] =	ssyncset.s32 $0xFFFFF086  }
0x25: {  	[simem:s6], [sflag:s4] =	dma.local [hbm:s3], $0xF7A  }
0x26: {  	[smem:$0x3F95] =	sst s1;
	(tag) =	ssettag s2;
	_ =	strace s9  }
0x27: {  	s1 =	sld [smem:$0x3FA5]  }
0x28: {  	s2 =	sld [smem:$0x3FA6]  }
0x29: {  	s4 =	sld [smem:$0x3FA8]  }
0x2a: {  	p0 =	seq.s32 s5, $0x0;
	s5 =	sld [smem:$0x3FA9]  }
0x2b: {  	s6 =	sld [smem:$0x3FAA]  }
0x2c: {  	s7 =	sld [smem:$0x3FAB]  }
0x2d: {  	s3 =	simm.s32 $0x108;
	s8 =	sld [smem:$0x3FAC]  }
0x2e: {  	s3 =	simm.s32 @!p0 $0x1082;
	s9 =	sld [smem:$0x3FAD]  }
0x2f: {  	lr =	sadd.s32 s0, s3;
	s0 =	sld [smem:$0x3FA4]  }
0x30: {  	s3 =	sld [smem:$0x3FA7]  }
0x31: {  	[smem:$0x3FB0] =	sst s10  }
0x32: {  	s10 =	sld [smem:$0x3FAE];
	_ =	sdelay $0x3  }
0x33: {  	p0 =	seq.s32 s10, $0x1;
	s10 =	sld [smem:$0x3FB0];
	_ =	sdelay $0x3  }
0x34: {  	[smem:$0x3FB0] =	sst s10  }
0x35: {  	s10 =	sld [smem:$0x3FAF];
	_ =	sdelay $0x3  }
0x36: {  	p1 =	seq.s32 s10, $0x1;
	s10 =	sld [smem:$0x3FB0];
	_ =	sdelay $0x3  }
0x37: {  	[smem:$0x3FB0] =	sst s10  }
0x38: {  	s10 =	sld [smem:$0x3FB1]  }
0x39: {  	_ = 	snop;
	(pc) =	sbr.ind lr, $3  }
0x3a: {  	_ = 	snop  }
0x3b: {  	_ = 	snop  }
0x3c: {  	p2 =	seq.s32 s10, $0x1;
	s10 =	sld [smem:$0x3FB0]  }
0x3d: {  	_ =	shalt  }
0x3e: {  	_ =	shalt  }
0x3f: {  	_ =	shalt  }
0x40: {  	_ =	shalt  }
0x41: {  	_ =	shalt  }
0x42: {  	_ =	shalt  }
0x43: {  	_ =	shalt  }
0x44: {  	_ =	shalt  }
0x45: {  	_ =	shalt  }
0x46: {  	_ =	shalt  }
0x47: {  	_ =	shalt  }
0x48: {  	_ =	shalt  }
0x49: {  	_ =	shalt  }
0x4a: {  	_ =	shalt  }
0x4b: {  	_ =	shalt  }
0x4c: {  	_ =	shalt  }
0x4d: {  	_ =	shalt  }
0x4e: {  	_ =	shalt  }
0x4f: {  	_ =	shalt  }
0x50: {  	_ =	shalt  }
0x51: {  	_ =	shalt  }
0x52: {  	_ =	shalt  }
0x53: {  	_ =	shalt  }
0x54: {  	_ =	shalt  }
0x55: {  	_ =	shalt  }
0x56: {  	_ =	shalt  }
0x57: {  	_ =	shalt  }
0x58: {  	_ =	shalt  }
0x59: {  	_ =	shalt  }
0x5a: {  	_ =	shalt  }
0x5b: {  	_ =	shalt  }
0x5c: {  	_ =	shalt  }
0x5d: {  	_ =	shalt  }
0x5e: {  	_ =	shalt  }
0x5f: {  	_ =	shalt  }
0x60: {  	_ =	shalt  }
0x61: {  	_ =	shalt  }
0x62: {  	_ =	shalt  }
0x63: {  	_ =	shalt  }
0x64: {  	_ =	shalt  }
0x65: {  	_ =	shalt  }
0x66: {  	_ =	shalt  }
0x67: {  	_ =	shalt  }
0x68: {  	_ =	shalt  }
0x69: {  	_ =	shalt  }
0x6a: {  	_ =	shalt  }
0x6b: {  	_ =	shalt  }
0x6c: {  	_ =	shalt  }
0x6d: {  	_ =	shalt  }
0x6e: {  	_ =	shalt  }
0x6f: {  	_ =	shalt  }
0x70: {  	_ =	shalt  }
0x71: {  	_ =	shalt  }
0x72: {  	_ =	shalt  }
0x73: {  	_ =	shalt  }
0x74: {  	_ =	shalt  }
0x75: {  	_ =	shalt  }
0x76: {  	_ =	shalt  }
0x77: {  	_ =	shalt  }
0x78: {  	_ =	shalt  }
0x79: {  	_ =	shalt  }
0x7a: {  	_ =	shalt  }
0x7b: {  	_ =	shalt  }
0x7c: {  	_ =	shalt  }
0x7d: {  	_ =	shalt  }
0x7e: {  	_ =	shalt  }
0x7f: {  	_ =	shalt  }
0x80: {  	_ =	shalt  }
0x81: {  	_ =	shalt  }
0x82: {  	_ =	shalt  }
0x83: {  	_ =	shalt  }
0x84: {  	_ =	shalt  }
0x85: {  	_ =	shalt  }
0x86: {  	_ =	shalt  }
0x87: {  	_ =	shalt  }
.Lfunc_end0:
.L_simem_size_0:
called_computation_lowered:
.L_overlay_start_0:
0x88: {  	s2 =	sld [smem:$0x3FD9]  }
0x89: {  	s3 =	sld [smem:$0x3FFE];
	_ =	sdelay $0x1  }
0x8a: {  	s1 =	srdreg.scid  }
0x8b: {  	s0 =	sand.u32 $0x1, s1  }
0x8c: {  	s17 =	sshll.u32 s0, $0xA;
	s2 =	sadd.s32 s3, s2  }
0x8d: {  	s2 =	sadd.s32 s2, s17  }
0x8e: {  	[smem:$0x3FBC] =	sst s2  }
0x8f: {  	_ = 	snop  }
0x90: {  	s2 =	sld [smem:$0x3FC9]  }
0x91: {  	s18 =	sld [smem:$0x3FD0];
	(tm) =	ssettm $0x1  }
0x92: {  	s4 =	sld [smem:$0x3FFB];
	_ =	sdelay $0x3  }
0x93: {  	_ =	strace s4  }
0x94: {  	s4 =	sld [smem:$0x3FFC];
	_ =	sdelay $0x3  }
0x95: {  	_ =	strace s4  }
0x96: {  	s4 =	sld [smem:$0x3FFD];
	_ =	sdelay $0x3  }
0x97: {  	_ =	strace s4  }
0x98: {  	_ =	strace $0x8FFFFFFF  }
0x99: {  	s19 =	sld [smem:$0x3FDB];
	_ =	sdelay $0x1  }
0x9a: {  	s5 =	simm.s32 $_scs_section_size  }
0x9b: {  	s6 =	simm.s32 $_size__tile_overlayer_lowered;
	s7 =	simm.s32 $_tile_overlayer_lowered  }
0x9c: {  	s22 =	simm.s32 $0x1BFF;
	s21 =	sshll.u32 s7, $0x1;
	s4 =	sadd.s32 s5, s19  }
0x9d: {  	s8 =	simm.s32 $0x0;
	s20 =	sshll.u32 s6, $0x1;
	s6 =	sadd.s32 s21, s4  }
0x9e: {  	[timem:s8], [sflag:s22] =	dma.local [hbm:s6], s20  }
0x9f: {  	_ =	swait.ge [sflag:s22], s20  }
0xa0: {  	s5 =	ssub.s32 $0x0, s20;
	[sflag:s22] =	ssyncset.done $0x0  }
0xa1: {  	[sflag:s22] =	ssyncadd.s32 s5;
	_ =	sdelay $0x1  }
0xa2: {  	s23 =	simm.s32 $0x1B8B  }
0xa3: {  	_ =	swait.ge [sflag:s23], $0x1  }
0xa4: {  	[sflag:s23] =	ssyncset.done $0x0  }
0xa5: {  	s25 =	simm.s32 $0x1B8E;
	s24 =	sld [smem:$0x3FFE];
	[sflag:s23] =	ssyncadd.s32 $0xFFFFFFFF  }
0xa6: {  	s26 =	simm.s32 $execute0_lowered;
	[smem:$0x3FD2] =	sst s25  }
0xa7: {  	s6 =	sshll.u32 s26, $0x1;
	_ =	strace $0x80000046;
	[dreg:$0x1] =	wrdreg $0xFFFFFFFF  }
0xa8: {  	s28 =	simm.s32 $_size_execute0_lowered;
	s4 =	sadd.s32 s4, s6;
	[dreg:$0x0] =	wrdreg $0x0  }
0xa9: {  	s6 =	sshll.u32 s28, $0x1;
	[dreg:$0x2] =	wrdreg s4  }
0xaa: {  	[dreg:$0x3] =	wrdreg s6  }
0xab: {  	[dreg:$0x4] =	wrdreg $0xC0  }
0xac: {  	_ =	task [dreg:s8], $0x5FFFF  }
0xad: {  	[dreg:$0x1] =	wrdreg $0xFFFFFFFF  }
0xae: {  	[dreg:$0x0] =	wrdreg $0x60  }
0xaf: {  	[dreg:$0x2] =	wrdreg s24  }
0xb0: {  	[dreg:$0x3] =	wrdreg s2  }
0xb1: {  	[dreg:$0x4] =	wrdreg s18  }
0xb2: {  	[dreg:$0x5] =	wrdreg $0x0  }
0xb3: {  	[dreg:$0x6] =	wrdreg $0x9  }
0xb4: {  	_ =	task.clear_ibuf [dreg:s8], $0x7FFFF;
	_ =	strace $0x90000046  }
0xb5: {  	s29 =	simm.s32 $0x9;
	_ =	strace $0x80000048  }
0xb6: {  	_ =	swait.ge [sflag:s29], $0x1  }
0xb7: {  	[sflag:s29] =	ssyncadd.s32 $0xFFFFFFFF  }
0xb8: {  	_ =	strace $0x90000048  }
0xb9: {  	_ =	sfence  }
0xba: {  	s30 =	sld [smem:$0x0];
	_ =	sdelay $0x2  }
0xbb: {  	s31 =	sshll.u32 s1, $0xD;
	s1 =	sshrl.u32 s1, $0x2  }
0xbc: {  	s3 =	sand.u32 $0x4000, s31;
	s1 =	sadd.s32 s1, s30  }
0xbd: {  	s0 =	sor.u32 s3, s0;
	s1 =	sshll.u32 s1, $0x11  }
0xbe: {  	s0 =	sor.u32 s1, s0  }
0xbf: {  	s0 =	sadd.s32 $0x8F2B, s0  }
0xc0: {  	[sflag:s0] =	ssyncadd.remote.s32 $0x1  }
0xc1: {  	_ =	sfence.sel $0xFFFF  }
0xc2: {  	[dreg:$0x0] =	wrdreg $0xFFFFFFFF;
	(pc) =	sbr.abs _section_cstart, $3  }
0xc3: {  	[dreg:$0x1] =	wrdreg $0xFFFFFFFF  }
0xc4: {  	_ =	task.clear_ibuf [dreg:s8], $0x2FFFF;
	_ =	strace $0x9FFFFFFF  }
0xc5: {  	(tm) =	ssettm $0x7FFFFFFF  }
tec
execute0_lowered:
.L_overlay_start_1:
0x0: {  	(tag) =	ssettag $0x1  }
0x1: {  	s0 =	rddreg [dreg:$0x0]  }
0x2: {  	s1 =	rddreg [dreg:$0x1];
	s2 =	srdreg.scid  }
0x3: {  	s11 =	stileid.u32;
	s4 =	rddreg [dreg:$0x3];
	s5 =	simm.s32 $0x0  }
0x4: {  	s6 =	sand.u32 $0x1, s2;
	s3 =	smul.u32 $0x280, s11;
	[smem:$0x7FF] =	sst s5  }
0x5: {  	s7 =	sadd.s32 $0xCE00, s0;
	s10 =	sadd.s32 $0x3000, s0;
	s9 =	sshll.u32 s11, $0x1  }
0x6: {  	s2 =	smul.u32 $0x2800, s6;
	_ =	strace $0x80000047;
	s8 =	ssub.s32 $0x2, s6  }
0x7: {  	s26 =	sor.u32 s6, s9;
	s6 =	smul.u32 $0x2710, s6;
	s25 =	sshrl.u32 s8, $0x1  }
0x8: {  	s12 =	sor.u32 $0x10, s3;
	s13 =	sor.u32 $0x20, s3;
	s14 =	sor.u32 $0x30, s3  }
0x9: {  	s15 =	sor.u32 $0x40, s3;
	s16 =	sor.u32 $0x50, s3;
	s17 =	sor.u32 $0x60, s3  }
0xa: {  	s18 =	sor.u32 $0x70, s3;
	s19 =	sadd.s32 $0x80, s3;
	s20 =	sadd.s32 $0x90, s3  }
0xb: {  	s21 =	sadd.s32 $0xA0, s3;
	s22 =	sadd.s32 $0xD0, s3;
	s23 =	sadd.s32 $0xE0, s3  }
0xc: {  	s24 =	sadd.s32 $0xF0, s3;
	s28 =	sadd.s32 $0x120, s3;
	s29 =	sadd.s32 $0x130, s3  }
0xd: {  	v39 =	vlaneseq.u32;
	s30 =	sadd.s32 $0x140, s3;
	s31 =	sadd.s32 $0x150, s3;
	s2 =	sadd.s32 s3, s2  }
0xe: {  	v0 =	vor.u32 s12, v39;
	s12 =	sadd.s32 $0x1B0, s3;
	v1 =	vor.u32 s13, v39;
	v2 =	vor.u32 s14, v39;
	s13 =	sadd.s32 $0x1D0, s3;
	s14 =	sadd.s32 $0x1E0, s3  }
0xf: {  	v4 =	vor.u32 s16, v39;
	v5 =	vor.u32 s17, v39;
	v6 =	vor.u32 s18, v39;
	s16 =	sadd.s32 $0x200, s3;
	s17 =	sadd.s32 $0x210, s3;
	s18 =	sadd.s32 $0x220, s3  }
0x10: {  	v3 =	vor.u32 s15, v39;
	v7 =	vor.u32 s19, v39;
	s15 =	sadd.s32 $0x230, s3;
	s19 =	sadd.s32 $0x250, s3;
	[dreg:$0x14] =	wrdreg s12  }
0x11: {  	v8 =	vor.u32 s20, v39;
	s20 =	sadd.s32 $0x260, s3;
	s12 =	sadd.s32 $0x1C0, s3;
	[dreg:$0x12] =	wrdreg s18  }
0x12: {  	v18 =	vor.u32 s28, v39;
	s28 =	simm.s32 $0x19380;
	s2 =	sshll.u32 s2, $0x4;
	[dreg:$0x11] =	wrdreg s12  }
0x13: {  	v33 =	vor.u32 s17, v39;
	s0 =	sadd.s32 s2, s0;
	s2 =	ssub.s32 s8, s25;
	s17 =	rddreg [dreg:$0x12]  }
0x14: {  	v9 =	vor.u32 s21, v39;
	v19 =	vor.u32 s29, v39;
	s29 =	simm.s32 $0x19400;
	[dreg:$0x10] =	wrdreg s2;
	s21 =	sadd.s32 $0x16C00, s0  }
0x15: {  	v14 =	vor.u32 s23, v39;
	s18 =	sadd.s32 $0x240, s3;
	s23 =	sadd.s32 $0x17100, s0;
	[dreg:$0x7] =	wrdreg s21  }
0x16: {  	v15 =	vor.u32 s24, v39;
	s8 =	smul.u32 $0x2710, s26;
	s24 =	sadd.s32 $0x17600, s0;
	[dreg:$0x8] =	wrdreg s23  }
0x17: {  	v13 =	vor.u32 s22, v39;
	s25 =	sadd.s32 $0x100, s3;
	s22 =	sadd.s32 $0x18A00, s0;
	[dreg:$0x9] =	wrdreg s24  }
0x18: {  	s2 =	smul.u32 $0x4E20, s11;
	s8 =	sshrl.u32 s8, $0x3;
	[dreg:$0xd] =	wrdreg s22  }
0x19: {  	s21 =	sadd.s32 $0x18500, s0;
	s23 =	rddreg [dreg:$0x10];
	s8 =	sadd.s32 $0x4D8, s8  }
0x1a: {  	s6 =	sadd.s32 s6, s2;
	s2 =	sadd.s32 $0x160, s3;
	[dreg:$0xc] =	wrdreg s21  }
0x1b: {  	s26 =	sadd.s32 $0x110, s3;
	s9 =	sadd.s32 s7, s8;
	[dreg:$0x16] =	wrdreg s2  }
0x1c: {  	s12 =	sadd.s32 $0x1F0, s3;
	s11 =	sadd.s32 s10, s8;
	[dreg:$0x5] =	wrdreg s9  }
0x1d: {  	s2 =	sadd.s32 $0x170, s3;
	s9 =	sshrl.u32 s6, $0x3;
	[dreg:$0x6] =	wrdreg s11  }
0x1e: {  	s6 =	sadd.s32 $0x50, s6;
	[dreg:$0x17] =	wrdreg s2;
	s2 =	sadd.s32 $0x180, s3  }
0x1f: {  	s24 =	rddreg [dreg:$0x16];
	s8 =	sadd.s32 s9, s10;
	s6 =	sshrl.u32 s6, $0x3  }
0x20: {  	s9 =	sadd.s32 s9, s7;
	[dreg:$0x18] =	wrdreg s2;
	s2 =	sadd.s32 $0x190, s3  }
0x21: {  	v16 =	vor.u32 s25, v39;
	s25 =	rddreg [dreg:$0x17];
	s10 =	sadd.s32 s6, s10;
	s11 =	sadd.s32 s6, s7  }
0x22: {  	s6 =	sadd.s32 $0xB0, s3;
	s7 =	sadd.s32 $0xC0, s3;
	[dreg:$0x13] =	wrdreg s2  }
0x23: {  	v12 =	vor.u32 s3, v39;
	v17 =	vor.u32 s26, v39;
	s2 =	sadd.s32 $0x1A0, s3;
	s3 =	sadd.s32 $0x270, s3;
	s26 =	rddreg [dreg:$0x18]  }
0x24: {  	v20 =	vor.u32 s30, v39;
	v21 =	vor.u32 s31, v39;
	s30 =	simm.s32 $0x19480;
	s31 =	simm.s32 $0x19500;
	[dreg:$0x15] =	wrdreg s3  }
0x25: {  	v29 =	vor.u32 s13, v39;
	s13 =	simm.s32 $0x1;
	v10 =	vor.u32 s6, v39;
	s6 =	sadd.s32 $0x17B00, s0;
	s3 =	rddreg [dreg:$0x13]  }
0x26: {  	v30 =	vor.u32 s14, v39;
	s14 =	simm.s32 $0x2;
	v11 =	vor.u32 s7, v39;
	s7 =	sadd.s32 $0x18000, s0;
	[dreg:$0xa] =	wrdreg s6  }
0x27: {  	v35 =	vor.u32 s15, v39;
	s15 =	simm.s32 $0x0;
	s0 =	sadd.s32 $0x18F00, s0;
	[dreg:$0xb] =	wrdreg s7  }
0x28: {  	v31 =	vor.u32 s12, v39;
	s12 =	simm.s32 $0x16A00;
	s22 =	simm.s32 $0x3;
	[dreg:$0xe] =	wrdreg s0  }
0x29: {  	s21 =	simm.s32 $0x14200;
	v22 =	vor.u32 s24, v39;
	s24 =	simm.s32 $0x19200;
	s6 =	rddreg [dreg:$0x14]  }
0x2a: {  	v32 =	vor.u32 s16, v39;
	v23 =	vor.u32 s25, v39;
	s25 =	simm.s32 $0x19280;
	v24 =	vor.u32 s26, v39;
	s26 =	simm.s32 $0x19300;
	s7 =	rddreg [dreg:$0x11]  }
0x2b: {  	v37 =	vor.u32 s19, v39;
	v38 =	vor.u32 s20, v39;
	v26 =	vor.u32 s2, v39;
	s2 =	simm.s32 $0x19580;
	s0 =	smax.u32 s23, $0x1;
	s20 =	rddreg [dreg:$0x15]  }
0x2c: {  	v36 =	vor.u32 s18, v39;
	v34 =	vor.u32 s17, v39;
	s23 =	simm.s32 $0x50;
	v25 =	vor.u32 s3, v39;
	s3 =	simm.s32 $0x14000;
	[dreg:$0xf] =	wrdreg s0  }
0x2d: {  	v27 =	vor.u32 s6, v39;
	v28 =	vor.u32 s7, v39;
	s0 =	simm.s32 $0x14080;
	s6 =	simm.s32 $0x14180;
	s7 =	simm.s32 $0x14100;
	v39 =	vor.u32 s20, v39  }
.LBB2_1:
0x2e: {  	[tilespmem:$0x19200] =	vst v12  }
0x2f: {  	[tilespmem:$0x19210] =	vst v0  }
0x30: {  	[tilespmem:$0x19220] =	vst v1  }
0x31: {  	[tilespmem:$0x19230] =	vst v2  }
0x32: {  	[tilespmem:$0x19240] =	vst v3  }
0x33: {  	[tilespmem:$0x19280] =	vst v4  }
0x34: {  	[tilespmem:$0x19290] =	vst v5  }
0x35: {  	[tilespmem:$0x192A0] =	vst v6  }
0x36: {  	[tilespmem:$0x192B0] =	vst v7  }
0x37: {  	[tilespmem:$0x192C0] =	vst v8  }
0x38: {  	[tilespmem:$0x19300] =	vst v9  }
0x39: {  	[tilespmem:$0x19310] =	vst v10  }
0x3a: {  	[tilespmem:$0x19320] =	vst v11  }
0x3b: {  	[tilespmem:$0x19330] =	vst v13  }
0x3c: {  	[tilespmem:$0x19340] =	vst v14  }
0x3d: {  	[tilespmem:$0x19380] =	vst v15  }
0x3e: {  	[tilespmem:$0x19390] =	vst v16  }
0x3f: {  	[tilespmem:$0x193A0] =	vst v17  }
0x40: {  	[tilespmem:$0x193B0] =	vst v18  }
0x41: {  	[tilespmem:$0x193C0] =	vst v19  }
0x42: {  	[tilespmem:$0x19400] =	vst v20  }
0x43: {  	[tilespmem:$0x19410] =	vst v21  }
0x44: {  	[tilespmem:$0x19420] =	vst v22  }
0x45: {  	[tilespmem:$0x19430] =	vst v23  }
0x46: {  	[tilespmem:$0x19440] =	vst v24  }
0x47: {  	[tilespmem:$0x19480] =	vst v25  }
0x48: {  	[tilespmem:$0x19490] =	vst v26  }
0x49: {  	[tilespmem:$0x194A0] =	vst v27  }
0x4a: {  	[tilespmem:$0x194B0] =	vst v28  }
0x4b: {  	[tilespmem:$0x194C0] =	vst v29  }
0x4c: {  	[tilespmem:$0x19500] =	vst v30  }
0x4d: {  	[tilespmem:$0x19510] =	vst v31  }
0x4e: {  	[tilespmem:$0x19520] =	vst v32  }
0x4f: {  	[tilespmem:$0x19530] =	vst v33  }
0x50: {  	[tilespmem:$0x19540] =	vst v34  }
0x51: {  	[tilespmem:$0x19580] =	vst v35  }
0x52: {  	[tilespmem:$0x19590] =	vst v36  }
0x53: {  	[tilespmem:$0x195A0] =	vst v37  }
0x54: {  	[tilespmem:$0x195B0] =	vst v38  }
0x55: {  	[tilespmem:$0x195C0] =	vst v39;
	s16 =	rddreg [dreg:$0x2]  }
0x56: {  	[tilespmem:s21], [sflag:$0x3] =	stream.linear.gather [hbm4b:s16+s5], $0x2800, $0x38;
	[tilespmem:$0x19600] =	vst v63  }
0x57: {  	_ =	swait.ge [sflag:s22], $0x2800  }
0x58: {  	[sflag:s22] =	ssyncset.done $0x0  }
0x59: {  	[sflag:s22] =	ssyncadd.s32 $0xFFFFD800  }
0x5a: {  	[spmem:s4] =	stream.indirect.scatter [tilespmem:s21], [sflag:$0x3], $0x80, s24, s23, $0xb8;
	[tilespmem:$0x19600] =	vst v63  }
0x5b: {  	_ =	swait.ge [sflag:s22], $0x2800  }
0x5c: {  	[sflag:s22] =	ssyncset.done $0x0  }
0x5d: {  	[sflag:s22] =	ssyncadd.s32 $0xFFFFD800  }
0x5e: {  	[spmem:s4] =	stream.indirect.scatter [tilespmem:s21], [sflag:$0x3], $0x80, s25, s23, $0xb8;
	[tilespmem:$0x19600] =	vst v63  }
0x5f: {  	_ =	swait.ge [sflag:s22], $0x2800  }
0x60: {  	[sflag:s22] =	ssyncset.done $0x0  }
0x61: {  	[sflag:s22] =	ssyncadd.s32 $0xFFFFD800  }
0x62: {  	[spmem:s4] =	stream.indirect.scatter [tilespmem:s21], [sflag:$0x3], $0x80, s26, s23, $0xb8;
	[tilespmem:$0x19600] =	vst v63  }
0x63: {  	_ =	swait.ge [sflag:s22], $0x2800  }
0x64: {  	[sflag:s22] =	ssyncset.done $0x0  }
0x65: {  	[sflag:s22] =	ssyncadd.s32 $0xFFFFD800  }
0x66: {  	[spmem:s4] =	stream.indirect.scatter [tilespmem:s21], [sflag:$0x3], $0x80, s28, s23, $0xb8;
	[tilespmem:$0x19600] =	vst v63  }
0x67: {  	_ =	swait.ge [sflag:s22], $0x2800  }
0x68: {  	[sflag:s22] =	ssyncset.done $0x0  }
0x69: {  	[sflag:s22] =	ssyncadd.s32 $0xFFFFD800  }
0x6a: {  	[spmem:s4] =	stream.indirect.scatter [tilespmem:s21], [sflag:$0x3], $0x80, s29, s23, $0xb8;
	[tilespmem:$0x19600] =	vst v63  }
0x6b: {  	_ =	swait.ge [sflag:s22], $0x2800  }
0x6c: {  	[sflag:s22] =	ssyncset.done $0x0  }
0x6d: {  	[sflag:s22] =	ssyncadd.s32 $0xFFFFD800  }
0x6e: {  	[spmem:s4] =	stream.indirect.scatter [tilespmem:s21], [sflag:$0x3], $0x80, s30, s23, $0xb8;
	[tilespmem:$0x19600] =	vst v63  }
0x6f: {  	_ =	swait.ge [sflag:s22], $0x2800  }
0x70: {  	[sflag:s22] =	ssyncset.done $0x0  }
0x71: {  	[sflag:s22] =	ssyncadd.s32 $0xFFFFD800  }
0x72: {  	[spmem:s4] =	stream.indirect.scatter [tilespmem:s21], [sflag:$0x3], $0x80, s31, s23, $0xb8;
	[tilespmem:$0x19600] =	vst v63  }
0x73: {  	_ =	swait.ge [sflag:s22], $0x2800  }
0x74: {  	[sflag:s22] =	ssyncset.done $0x0  }
0x75: {  	[sflag:s22] =	ssyncadd.s32 $0xFFFFD800  }
0x76: {  	[spmem:s4] =	stream.indirect.scatter [tilespmem:s21], [sflag:$0x3], $0x80, s2, s23, $0xb8;
	[tilespmem:$0x19600] =	vst v63  }
0x77: {  	_ =	swait.ge [sflag:s22], $0x2800  }
0x78: {  	[sflag:s22] =	ssyncset.done $0x0  }
0x79: {  	[sflag:s22] =	ssyncadd.s32 $0xFFFFD800  }
0x7a: {  	s17 =	sadd.s32 $0x0, s9;
	[bflag:$0x0] =	sbarrier.arrive $0xFFFF  }
0x7b: {  	[tilespmem:s0], [sflag:$0x3] =	stream.linear.gather [hbm4b:s17+s5], $0x50, $0x38;
	[tilespmem:$0x19600] =	vst v63  }
0x7c: {  	_ =	swait.ge [sflag:s22], $0x50  }
0x7d: {  	[sflag:s22] =	ssyncset.done $0x0  }
0x7e: {  	s18 =	sadd.s32 $0x0, s8;
	[sflag:s22] =	ssyncadd.s32 $0xFFFFFFB0  }
0x7f: {  	[tilespmem:s3], [sflag:$0x3] =	stream.linear.gather [hbm4b:s18+s5], $0x50, $0x38;
	[tilespmem:$0x19600] =	vst v63  }
0x80: {  	_ =	swait.ge [sflag:s22], $0x50  }
0x81: {  	[sflag:s22] =	ssyncset.done $0x0  }
0x82: {  	[sflag:s22] =	ssyncadd.s32 $0xFFFFFFB0  }
0x83: {  	[tilespmem:s21], [sflag:$0x1] =	stream.indirect.gather [hbm4b:s1+s23], $0x80, s3, s23, $0xb8;
	[tilespmem:$0x19600] =	vst v63  }
0x84: {  	s19 =	sadd.s32 $0x0, s11  }
0x85: {  	[tilespmem:s6], [sflag:$0x3] =	stream.linear.gather [hbm4b:s19+s5], $0x50, $0x38;
	[tilespmem:$0x19600] =	vst v63  }
0x86: {  	_ =	swait.ge [sflag:s22], $0x50  }
0x87: {  	[sflag:s22] =	ssyncset.done $0x0  }
0x88: {  	s20 =	sadd.s32 $0x0, s10;
	[sflag:s22] =	ssyncadd.s32 $0xFFFFFFB0  }
0x89: {  	[tilespmem:s7], [sflag:$0x3] =	stream.linear.gather [hbm4b:s20+s5], $0x50, $0x38;
	[tilespmem:$0x19600] =	vst v63  }
0x8a: {  	_ =	swait.ge [sflag:s22], $0x50  }
0x8b: {  	[sflag:s22] =	ssyncset.done $0x0  }
0x8c: {  	[sflag:s22] =	ssyncadd.s32 $0xFFFFFFB0  }
0x8d: {  	[tilespmem:s12], [sflag:$0x2] =	stream.indirect.gather [hbm4b:s1+s23], $0x80, s7, s23, $0xb8;
	[tilespmem:$0x19600] =	vst v63  }
0x8e: {  	_ =	swait.ge [sflag:s13], $0x2800  }
0x8f: {  	[sflag:s13] =	ssyncset.done $0x0  }
0x90: {  	[sflag:s13] =	ssyncadd.s32 $0xFFFFD800  }
0x91: {  	[spmem:s4] =	stream.indirect.scatter.add.f32 [tilespmem:s21], [sflag:$0x3], $0x80, s0, s23, $0xb8;
	[tilespmem:$0x19600] =	vst v63  }
0x92: {  	_ =	swait.ge [sflag:s22], $0x2800  }
0x93: {  	[sflag:s22] =	ssyncset.done $0x0  }
0x94: {  	[sflag:s22] =	ssyncadd.s32 $0xFFFFD800  }
0x95: {  	_ =	swait.ge [sflag:s14], $0x2800  }
0x96: {  	[sflag:s14] =	ssyncset.done $0x0  }
0x97: {  	[sflag:s14] =	ssyncadd.s32 $0xFFFFD800  }
0x98: {  	[spmem:s4] =	stream.indirect.scatter.add.f32 [tilespmem:s12], [sflag:$0x3], $0x80, s6, s23, $0xb8;
	[tilespmem:$0x19600] =	vst v63  }
0x99: {  	_ =	swait.ge [sflag:s22], $0x2800  }
0x9a: {  	s16 =	simm.s32 $0x14;
	s17 =	simm.s32 $0x28;
	[sflag:s22] =	ssyncset.done $0x0  }
.LBB2_2:
0x9b: {  	s19 =	sadd.s32 s16, s9  }
0x9c: {  	[sflag:s22] =	ssyncadd.s32 $0xFFFFD800;
	s20 =	smov.u32 s17;
	s18 =	sadd.s32 $0x14, s17  }
0x9d: {  	[tilespmem:s0], [sflag:$0x3] =	stream.linear.gather [hbm4b:s19+s5], $0x50, $0x38;
	[tilespmem:$0x19600] =	vst v63  }
0x9e: {  	p0 =	sne.s32 s17, $0x4C4;
	_ =	swait.ge [sflag:s22], $0x50  }
0x9f: {  	[sflag:s22] =	ssyncset.done $0x0  }
0xa0: {  	s17 =	sadd.s32 s16, s8;
	[sflag:s22] =	ssyncadd.s32 $0xFFFFFFB0  }
0xa1: {  	[tilespmem:s3], [sflag:$0x3] =	stream.linear.gather [hbm4b:s17+s5], $0x50, $0x38;
	[tilespmem:$0x19600] =	vst v63  }
0xa2: {  	_ =	swait.ge [sflag:s22], $0x50  }
0xa3: {  	[sflag:s22] =	ssyncset.done $0x0  }
0xa4: {  	[sflag:s22] =	ssyncadd.s32 $0xFFFFFFB0  }
0xa5: {  	[tilespmem:s21], [sflag:$0x1] =	stream.indirect.gather [hbm4b:s1+s23], $0x80, s3, s23, $0xb8;
	[tilespmem:$0x19600] =	vst v63  }
0xa6: {  	s17 =	sadd.s32 s16, s11  }
0xa7: {  	[tilespmem:s6], [sflag:$0x3] =	stream.linear.gather [hbm4b:s17+s5], $0x50, $0x38;
	[tilespmem:$0x19600] =	vst v63  }
0xa8: {  	_ =	swait.ge [sflag:s22], $0x50  }
0xa9: {  	[sflag:s22] =	ssyncset.done $0x0  }
0xaa: {  	s17 =	sadd.s32 s16, s10;
	s16 =	smov.u32 s20;
	[sflag:s22] =	ssyncadd.s32 $0xFFFFFFB0  }
0xab: {  	[tilespmem:s7], [sflag:$0x3] =	stream.linear.gather [hbm4b:s17+s5], $0x50, $0x38;
	[tilespmem:$0x19600] =	vst v63  }
0xac: {  	_ =	swait.ge [sflag:s22], $0x50  }
0xad: {  	[sflag:s22] =	ssyncset.done $0x0  }
0xae: {  	[sflag:s22] =	ssyncadd.s32 $0xFFFFFFB0  }
0xaf: {  	[tilespmem:s12], [sflag:$0x2] =	stream.indirect.gather [hbm4b:s1+s23], $0x80, s7, s23, $0xb8;
	[tilespmem:$0x19600] =	vst v63  }
0xb0: {  	_ =	swait.ge [sflag:s13], $0x2800  }
0xb1: {  	[sflag:s13] =	ssyncset.done $0x0  }
0xb2: {  	[sflag:s13] =	ssyncadd.s32 $0xFFFFD800  }
0xb3: {  	[spmem:s4] =	stream.indirect.scatter.add.f32 [tilespmem:s21], [sflag:$0x3], $0x80, s0, s23, $0xb8;
	[tilespmem:$0x19600] =	vst v63  }
0xb4: {  	_ =	swait.ge [sflag:s22], $0x2800  }
0xb5: {  	[sflag:s22] =	ssyncset.done $0x0  }
0xb6: {  	[sflag:s22] =	ssyncadd.s32 $0xFFFFD800  }
0xb7: {  	_ =	swait.ge [sflag:s14], $0x2800  }
.Ltmp0:
0xb8: {  	[sflag:s14] =	ssyncset.done $0x0;
	(pc) =	sbr.rel @p0 .LBB2_2-.Ltmp0, $4  }
0xb9: {  	[sflag:s14] =	ssyncadd.s32 $0xFFFFD800  }
0xba: {  	[spmem:s4] =	stream.indirect.scatter.add.f32 [tilespmem:s12], [sflag:$0x3], $0x80, s6, s23, $0xb8;
	[tilespmem:$0x19600] =	vst v63  }
0xbb: {  	_ =	swait.ge [sflag:s22], $0x2800  }
0xbc: {  	s17 =	smov.u32 s18;
	[sflag:s22] =	ssyncset.done $0x0  }
0xbd: {  	s17 =	sadd.s32 s16, s9;
	[sflag:s22] =	ssyncadd.s32 $0xFFFFD800  }
0xbe: {  	[tilespmem:s0], [sflag:$0x3] =	stream.linear.gather [hbm4b:s17+s5], $0x50, $0x38;
	[tilespmem:$0x19600] =	vst v63  }
0xbf: {  	_ =	swait.ge [sflag:s22], $0x50  }
0xc0: {  	[sflag:s22] =	ssyncset.done $0x0  }
0xc1: {  	s19 =	sadd.s32 s16, s8;
	[sflag:s22] =	ssyncadd.s32 $0xFFFFFFB0  }
0xc2: {  	[tilespmem:s3], [sflag:$0x3] =	stream.linear.gather [hbm4b:s19+s5], $0x50, $0x38;
	[tilespmem:$0x19600] =	vst v63  }
0xc3: {  	_ =	swait.ge [sflag:s22], $0x50  }
0xc4: {  	[sflag:s22] =	ssyncset.done $0x0  }
0xc5: {  	[sflag:s22] =	ssyncadd.s32 $0xFFFFFFB0  }
0xc6: {  	[tilespmem:s21], [sflag:$0x1] =	stream.indirect.gather [hbm4b:s1+s23], $0x80, s3, s23, $0xb8;
	[tilespmem:$0x19600] =	vst v63  }
0xc7: {  	s20 =	sadd.s32 s16, s11  }
0xc8: {  	[tilespmem:s6], [sflag:$0x3] =	stream.linear.gather [hbm4b:s20+s5], $0x50, $0x38;
	[tilespmem:$0x19600] =	vst v63  }
0xc9: {  	_ =	swait.ge [sflag:s22], $0x50  }
0xca: {  	[sflag:s22] =	ssyncset.done $0x0  }
0xcb: {  	s17 =	sadd.s32 s16, s10;
	[sflag:s22] =	ssyncadd.s32 $0xFFFFFFB0  }
0xcc: {  	[tilespmem:s7], [sflag:$0x3] =	stream.linear.gather [hbm4b:s17+s5], $0x50, $0x38;
	[tilespmem:$0x19600] =	vst v63  }
0xcd: {  	_ =	swait.ge [sflag:s22], $0x50  }
0xce: {  	[sflag:s22] =	ssyncset.done $0x0  }
0xcf: {  	[sflag:s22] =	ssyncadd.s32 $0xFFFFFFB0  }
0xd0: {  	[tilespmem:s12], [sflag:$0x2] =	stream.indirect.gather [hbm4b:s1+s23], $0x80, s7, s23, $0xb8;
	[tilespmem:$0x19600] =	vst v63  }
0xd1: {  	_ =	swait.ge [sflag:s13], $0x2800  }
0xd2: {  	[sflag:s13] =	ssyncset.done $0x0  }
0xd3: {  	[sflag:s13] =	ssyncadd.s32 $0xFFFFD800  }
0xd4: {  	[spmem:s4] =	stream.indirect.scatter.add.f32 [tilespmem:s21], [sflag:$0x3], $0x80, s0, s23, $0xb8;
	[tilespmem:$0x19600] =	vst v63  }
0xd5: {  	_ =	swait.ge [sflag:s22], $0x2800  }
0xd6: {  	[sflag:s22] =	ssyncset.done $0x0  }
0xd7: {  	[sflag:s22] =	ssyncadd.s32 $0xFFFFD800  }
0xd8: {  	_ =	swait.ge [sflag:s14], $0x2800  }
0xd9: {  	[sflag:s14] =	ssyncset.done $0x0  }
0xda: {  	[sflag:s14] =	ssyncadd.s32 $0xFFFFD800  }
0xdb: {  	[spmem:s4] =	stream.indirect.scatter.add.f32 [tilespmem:s12], [sflag:$0x3], $0x80, s6, s23, $0xb8;
	[tilespmem:$0x19600] =	vst v63  }
0xdc: {  	_ =	swait.ge [sflag:s22], $0x2800  }
0xdd: {  	[sflag:s22] =	ssyncset.done $0x0  }
0xde: {  	s18 =	rddreg [dreg:$0x5];
	[sflag:s22] =	ssyncadd.s32 $0xFFFFD800  }
0xdf: {  	[tilespmem:s0], [sflag:$0x3] =	stream.linear.gather [hbm4b:s18+s5], $0x50, $0x38;
	[tilespmem:$0x19600] =	vst v63  }
0xe0: {  	_ =	swait.ge [sflag:s22], $0x50  }
0xe1: {  	[sflag:s22] =	ssyncset.done $0x0  }
0xe2: {  	s19 =	rddreg [dreg:$0x6];
	[sflag:s22] =	ssyncadd.s32 $0xFFFFFFB0  }
0xe3: {  	[tilespmem:s3], [sflag:$0x3] =	stream.linear.gather [hbm4b:s19+s5], $0x50, $0x38;
	[tilespmem:$0x19600] =	vst v63  }
0xe4: {  	_ =	swait.ge [sflag:s22], $0x50  }
0xe5: {  	[sflag:s22] =	ssyncset.done $0x0  }
0xe6: {  	[sflag:s22] =	ssyncadd.s32 $0xFFFFFFB0  }
0xe7: {  	[tilespmem:s21], [sflag:$0x1] =	stream.indirect.gather [hbm4b:s1+s23], $0x80, s3, s23, $0xb8;
	[tilespmem:$0x19600] =	vst v63  }
0xe8: {  	_ =	swait.ge [sflag:s13], $0x2800  }
0xe9: {  	[sflag:s13] =	ssyncset.done $0x0  }
0xea: {  	[sflag:s13] =	ssyncadd.s32 $0xFFFFD800  }
0xeb: {  	[spmem:s4] =	stream.indirect.scatter.add.f32 [tilespmem:s21], [sflag:$0x3], $0x80, s0, s23, $0xb8;
	[tilespmem:$0x19600] =	vst v63  }
0xec: {  	_ =	swait.ge [sflag:s22], $0x2800  }
0xed: {  	[sflag:s22] =	ssyncset.done $0x0  }
0xee: {  	[sflag:s22] =	ssyncadd.s32 $0xFFFFD800  }
0xef: {  	[bflag:$0x0] =	sbarrier.arrive $0xFFFF  }
0xf0: {  	[tilespmem:s21], [sflag:$0x1] =	stream.indirect.gather [spmem:s4], $0x80, s24, s23, $0xb8;
	[tilespmem:$0x19600] =	vst v63  }
0xf1: {  	_ =	swait.ge [sflag:s13], $0x2800  }
0xf2: {  	[sflag:s13] =	ssyncset.done $0x0  }
0xf3: {  	s20 =	rddreg [dreg:$0x7];
	[sflag:s13] =	ssyncadd.s32 $0xFFFFD800  }
0xf4: {  	[hbm4b:s20+s5] =	stream.linear.scatter [tilespmem:s21], [sflag:$0x3], $0x2800, $0x38;
	[tilespmem:$0x19600] =	vst v63  }
0xf5: {  	_ =	swait.ge [sflag:s22], $0x2800  }
0xf6: {  	[sflag:s22] =	ssyncset.done $0x0  }
0xf7: {  	[sflag:s22] =	ssyncadd.s32 $0xFFFFD800  }
0xf8: {  	[tilespmem:s21], [sflag:$0x1] =	stream.indirect.gather [spmem:s4], $0x80, s25, s23, $0xb8;
	[tilespmem:$0x19600] =	vst v63  }
0xf9: {  	_ =	swait.ge [sflag:s13], $0x2800  }
0xfa: {  	[sflag:s13] =	ssyncset.done $0x0  }
0xfb: {  	s17 =	rddreg [dreg:$0x8];
	[sflag:s13] =	ssyncadd.s32 $0xFFFFD800  }
0xfc: {  	[hbm4b:s17+s5] =	stream.linear.scatter [tilespmem:s21], [sflag:$0x3], $0x2800, $0x38;
	[tilespmem:$0x19600] =	vst v63  }
0xfd: {  	_ =	swait.ge [sflag:s22], $0x2800  }
0xfe: {  	[sflag:s22] =	ssyncset.done $0x0  }
0xff: {  	[sflag:s22] =	ssyncadd.s32 $0xFFFFD800  }
0x100: {  	[tilespmem:s21], [sflag:$0x1] =	stream.indirect.gather [spmem:s4], $0x80, s26, s23, $0xb8;
	[tilespmem:$0x19600] =	vst v63  }
0x101: {  	_ =	swait.ge [sflag:s13], $0x2800  }
0x102: {  	[sflag:s13] =	ssyncset.done $0x0  }
0x103: {  	s18 =	rddreg [dreg:$0x9];
	[sflag:s13] =	ssyncadd.s32 $0xFFFFD800  }
0x104: {  	[hbm4b:s18+s5] =	stream.linear.scatter [tilespmem:s21], [sflag:$0x3], $0x2800, $0x38;
	[tilespmem:$0x19600] =	vst v63  }
0x105: {  	_ =	swait.ge [sflag:s22], $0x2800  }
0x106: {  	[sflag:s22] =	ssyncset.done $0x0  }
0x107: {  	[sflag:s22] =	ssyncadd.s32 $0xFFFFD800  }
0x108: {  	[tilespmem:s21], [sflag:$0x1] =	stream.indirect.gather [spmem:s4], $0x80, s28, s23, $0xb8;
	[tilespmem:$0x19600] =	vst v63  }
0x109: {  	_ =	swait.ge [sflag:s13], $0x2800  }
0x10a: {  	[sflag:s13] =	ssyncset.done $0x0  }
0x10b: {  	s19 =	rddreg [dreg:$0xa];
	[sflag:s13] =	ssyncadd.s32 $0xFFFFD800  }
0x10c: {  	[hbm4b:s19+s5] =	stream.linear.scatter [tilespmem:s21], [sflag:$0x3], $0x2800, $0x38;
	[tilespmem:$0x19600] =	vst v63  }
0x10d: {  	_ =	swait.ge [sflag:s22], $0x2800  }
0x10e: {  	[sflag:s22] =	ssyncset.done $0x0  }
0x10f: {  	[sflag:s22] =	ssyncadd.s32 $0xFFFFD800  }
0x110: {  	[tilespmem:s21], [sflag:$0x1] =	stream.indirect.gather [spmem:s4], $0x80, s29, s23, $0xb8;
	[tilespmem:$0x19600] =	vst v63  }
0x111: {  	_ =	swait.ge [sflag:s13], $0x2800  }
0x112: {  	[sflag:s13] =	ssyncset.done $0x0  }
0x113: {  	s20 =	rddreg [dreg:$0xb];
	[sflag:s13] =	ssyncadd.s32 $0xFFFFD800  }
0x114: {  	[hbm4b:s20+s5] =	stream.linear.scatter [tilespmem:s21], [sflag:$0x3], $0x2800, $0x38;
	[tilespmem:$0x19600] =	vst v63  }
0x115: {  	_ =	swait.ge [sflag:s22], $0x2800  }
0x116: {  	[sflag:s22] =	ssyncset.done $0x0  }
0x117: {  	[sflag:s22] =	ssyncadd.s32 $0xFFFFD800  }
0x118: {  	[tilespmem:s21], [sflag:$0x1] =	stream.indirect.gather [spmem:s4], $0x80, s30, s23, $0xb8;
	[tilespmem:$0x19600] =	vst v63  }
0x119: {  	_ =	swait.ge [sflag:s13], $0x2800  }
0x11a: {  	[sflag:s13] =	ssyncset.done $0x0  }
0x11b: {  	s17 =	rddreg [dreg:$0xc];
	[sflag:s13] =	ssyncadd.s32 $0xFFFFD800  }
0x11c: {  	[hbm4b:s17+s5] =	stream.linear.scatter [tilespmem:s21], [sflag:$0x3], $0x2800, $0x38;
	[tilespmem:$0x19600] =	vst v63  }
0x11d: {  	_ =	swait.ge [sflag:s22], $0x2800  }
0x11e: {  	[sflag:s22] =	ssyncset.done $0x0  }
0x11f: {  	[sflag:s22] =	ssyncadd.s32 $0xFFFFD800  }
0x120: {  	[tilespmem:s21], [sflag:$0x1] =	stream.indirect.gather [spmem:s4], $0x80, s31, s23, $0xb8;
	[tilespmem:$0x19600] =	vst v63  }
0x121: {  	_ =	swait.ge [sflag:s13], $0x2800  }
0x122: {  	[sflag:s13] =	ssyncset.done $0x0  }
0x123: {  	s18 =	rddreg [dreg:$0xd];
	[sflag:s13] =	ssyncadd.s32 $0xFFFFD800  }
0x124: {  	[hbm4b:s18+s5] =	stream.linear.scatter [tilespmem:s21], [sflag:$0x3], $0x2800, $0x38;
	[tilespmem:$0x19600] =	vst v63  }
0x125: {  	_ =	swait.ge [sflag:s22], $0x2800  }
0x126: {  	[sflag:s22] =	ssyncset.done $0x0  }
0x127: {  	[sflag:s22] =	ssyncadd.s32 $0xFFFFD800  }
0x128: {  	[tilespmem:s21], [sflag:$0x1] =	stream.indirect.gather [spmem:s4], $0x80, s2, s23, $0xb8;
	[tilespmem:$0x19600] =	vst v63  }
0x129: {  	_ =	swait.ge [sflag:s13], $0x2800  }
0x12a: {  	[sflag:s13] =	ssyncset.done $0x0  }
0x12b: {  	s19 =	rddreg [dreg:$0xe];
	[sflag:s13] =	ssyncadd.s32 $0xFFFFD800  }
0x12c: {  	[hbm4b:s19+s5] =	stream.linear.scatter [tilespmem:s21], [sflag:$0x3], $0x2800, $0x38;
	[tilespmem:$0x19600] =	vst v63  }
0x12d: {  	_ =	swait.ge [sflag:s22], $0x2800  }
0x12e: {  	s15 =	sadd.s32 $0x1, s15;
	s20 =	rddreg [dreg:$0xf]  }
0x12f: {  	p0 =	sne.s32 s15, s20  }
.Ltmp1:
0x130: {  	_ = 	snop;
	(pc) =	sbr.rel @p0 .LBB2_1-.Ltmp1, $3  }
0x131: {  	_ =	sdelay $0x1  }
0x132: {  	[sflag:s22] =	ssyncset.done $0x0  }
0x133: {  	[sflag:s22] =	ssyncadd.s32 $0xFFFFD800  }
0x134: {  	_ =	sfence.sel $0x180000  }
0x135: {  	[bflag:$0x0] =	sbarrier.arrive $0xFFFF  }
0x136: {  	_ =	strace $0x90000047  }
0x137: {  	s0 =	stileid.u32;
	[bflag:$0x2] =	sbarrier.arrive $0xFFFF  }
0x138: {  	p0 =	sne.s32 s0, $0x0;
	s0 =	rddreg [dreg:$0x4]  }
0x139: {  	s0 =	sadd.s32 @!p0 $0x100000, s0  }
0x13a: {  	[sflag:s0] =	ssyncadd.tile.s32 @!p0 $0x1;
	_ =	shalt  }
.Lfunc_end2:
_tile_overlayer_lowered:
.L_overlay_start_2:
0x13b: {  	(tag) =	ssettag $0x2  }
0x13c: {  	s0 =	rddreg [dreg:$0x0];
	s2 =	stileid.u32  }
0x13d: {  	s1 =	rddreg [dreg:$0x1];
	p0 =	sne.s32 s2, $0x0  }
0x13e: {  	s3 =	rddreg [dreg:$0x2];
	[bflag:$0x3] =	sbarrier.arrive $0xFFFF;
	s2 =	simm.s32 @!p0 $0x1C03  }
0x13f: {  	[timem:s3], [sflag:s2] =	dma.local @!p0 [hbm:s0], s1  }
0x140: {  	s0 =	simm.s32 @!p0 $0x3  }
0x141: {  	_ =	swait.ge @!p0 [sflag:s0], s1  }
0x142: {  	s1 =	ssub.s32 @!p0 $0x0, s1;
	[sflag:s0] =	ssyncset.done @!p0 $0x0  }
0x143: {  	[sflag:s0] =	ssyncadd.s32 @!p0 s1  }
0x144: {  	[bflag:$0x3] =	sbarrier.arrive $0xFFFF  }
0x145: {  	_ =	shalt  }

// kernel: kernel.8.cloned.1.call-start
scs
__scs_entry_jumppad:
0x0: {  	(pc) =	sbr.rel $0x88, $3  }
0x1: {  	(tag) =	ssettag $0x0;
	lr =	simm.s32 $0x1  }
0x2: {  	[smem:$0x3F95] =	sst lr;
	_ =	strace $0xD0000000  }
0x3: {  	_ = 	snop  }
0x4: {  	_ = 	snop  }
0x5: {  	_ = 	snop  }
0x6: {  	_ = 	snop  }
0x7: {  	_ = 	snop  }
__scs_overlays_trampoline_lowered:
0x8: {  	[smem:$0x3FA4] =	sst s0  }
0x9: {  	[smem:$0x3FA5] =	sst s1  }
0xa: {  	[smem:$0x3FA6] =	sst s2  }
0xb: {  	[smem:$0x3FA7] =	sst s3  }
0xc: {  	[smem:$0x3FA8] =	sst s4  }
0xd: {  	[smem:$0x3FA9] =	sst s5  }
0xe: {  	[smem:$0x3FAA] =	sst s6  }
0xf: {  	[smem:$0x3FAB] =	sst s7  }
0x10: {  	[smem:$0x3FAC] =	sst s8  }
0x11: {  	[smem:$0x3FAD] =	sst s9;
	s0 =	simm.s32 @!p0 $0x0  }
0x12: {  	s1 =	sld [smem:$0x3F93];
	s0 =	simm.s32 @p0 $0x1  }
0x13: {  	[smem:$0x3FAE] =	sst s0;
	s0 =	simm.s32 @!p1 $0x0  }
0x14: {  	s2 =	sld [smem:$0x3F92];
	s0 =	simm.s32 @p1 $0x1  }
0x15: {  	[smem:$0x3FAF] =	sst s0;
	s0 =	simm.s32 @!p2 $0x0  }
0x16: {  	s3 =	sld [smem:$0x3FDB];
	s0 =	simm.s32 @p2 $0x1  }
0x17: {  	s4 =	simm.s32 $0x1BF5;
	[smem:$0x3FB1] =	sst s0  }
0x18: {  	s0 =	sld [smem:$0x3F94];
	_ =	swait.ge [sflag:s4], $0x0  }
0x19: {  	s7 =	sld [smem:$0x3F95]  }
0x1a: {  	s8 =	sadd.s32 $0xFFFFE003, lr  }
0x1b: {  	s9 =	sadd.s32 $0xFFFFFEF7, lr;
	s5 =	simm.s32 $0xFFFFFFFF;
	p2 =	slt.u32 s8, $0xFFFFF086  }
0x1c: {  	p1 =	slt.u32 s9, $0xF7A;
	s5 =	simm.s32 @!p2 $0x0  }
0x1d: {  	s5 =	simm.s32 @p1 $0x1;
	p0 =	seq.s32 s7, s2  }
0x1e: {  	s7 =	smul.u32 @!p0 $0xF7A, s2;
	p2 =	seq.s32 @!p0 s5, $0x0  }
0x1f: {  	s9 =	smul.u32 $0xF7A, s1;
	s8 =	simm.s32 @!p0 $0x1BF5;
	p2 =	por !p2, p0  }
0x20: {  	[sflag:s8] =	ssyncset.s32 @!p0 $0xFFFFF086;
	s6 =	sadd.s32 @!p0 s3, s7;
	s7 =	simm.s32 @!p0 $0x108  }
0x21: {  	s3 =	sadd.s32 s3, s9;
	s6 =	sadd.s32 @!p0 $0x88, s6;
	s7 =	simm.s32 @p2 $0x1082  }
0x22: {  	[simem:s7], [sflag:s8] =	dma.local @!p0 [hbm:s6], $0xF7A  }
0x23: {  	s9 =	sor.u32 $0xD0000000, s2;
	s6 =	simm.s32 $0x108;
	_ =	swait.ge @!p0 [sflag:s8], $0x0  }
0x24: {  	s3 =	sadd.s32 $0x88, s3;
	s6 =	simm.s32 @!p1 $0x1082;
	[sflag:s4] =	ssyncset.s32 $0xFFFFF086  }
0x25: {  	[simem:s6], [sflag:s4] =	dma.local [hbm:s3], $0xF7A  }
0x26: {  	[smem:$0x3F95] =	sst s1;
	(tag) =	ssettag s2;
	_ =	strace s9  }
0x27: {  	s1 =	sld [smem:$0x3FA5]  }
0x28: {  	s2 =	sld [smem:$0x3FA6]  }
0x29: {  	s4 =	sld [smem:$0x3FA8]  }
0x2a: {  	p0 =	seq.s32 s5, $0x0;
	s5 =	sld [smem:$0x3FA9]  }
0x2b: {  	s6 =	sld [smem:$0x3FAA]  }
0x2c: {  	s7 =	sld [smem:$0x3FAB]  }
0x2d: {  	s3 =	simm.s32 $0x108;
	s8 =	sld [smem:$0x3FAC]  }
0x2e: {  	s3 =	simm.s32 @!p0 $0x1082;
	s9 =	sld [smem:$0x3FAD]  }
0x2f: {  	lr =	sadd.s32 s0, s3;
	s0 =	sld [smem:$0x3FA4]  }
0x30: {  	s3 =	sld [smem:$0x3FA7]  }
0x31: {  	[smem:$0x3FB0] =	sst s10  }
0x32: {  	s10 =	sld [smem:$0x3FAE];
	_ =	sdelay $0x3  }
0x33: {  	p0 =	seq.s32 s10, $0x1;
	s10 =	sld [smem:$0x3FB0];
	_ =	sdelay $0x3  }
0x34: {  	[smem:$0x3FB0] =	sst s10  }
0x35: {  	s10 =	sld [smem:$0x3FAF];
	_ =	sdelay $0x3  }
0x36: {  	p1 =	seq.s32 s10, $0x1;
	s10 =	sld [smem:$0x3FB0];
	_ =	sdelay $0x3  }
0x37: {  	[smem:$0x3FB0] =	sst s10  }
0x38: {  	s10 =	sld [smem:$0x3FB1]  }
0x39: {  	_ = 	snop;
	(pc) =	sbr.ind lr, $3  }
0x3a: {  	_ = 	snop  }
0x3b: {  	_ = 	snop  }
0x3c: {  	p2 =	seq.s32 s10, $0x1;
	s10 =	sld [smem:$0x3FB0]  }
0x3d: {  	_ =	shalt  }
0x3e: {  	_ =	shalt  }
0x3f: {  	_ =	shalt  }
0x40: {  	_ =	shalt  }
0x41: {  	_ =	shalt  }
0x42: {  	_ =	shalt  }
0x43: {  	_ =	shalt  }
0x44: {  	_ =	shalt  }
0x45: {  	_ =	shalt  }
0x46: {  	_ =	shalt  }
0x47: {  	_ =	shalt  }
0x48: {  	_ =	shalt  }
0x49: {  	_ =	shalt  }
0x4a: {  	_ =	shalt  }
0x4b: {  	_ =	shalt  }
0x4c: {  	_ =	shalt  }
0x4d: {  	_ =	shalt  }
0x4e: {  	_ =	shalt  }
0x4f: {  	_ =	shalt  }
0x50: {  	_ =	shalt  }
0x51: {  	_ =	shalt  }
0x52: {  	_ =	shalt  }
0x53: {  	_ =	shalt  }
0x54: {  	_ =	shalt  }
0x55: {  	_ =	shalt  }
0x56: {  	_ =	shalt  }
0x57: {  	_ =	shalt  }
0x58: {  	_ =	shalt  }
0x59: {  	_ =	shalt  }
0x5a: {  	_ =	shalt  }
0x5b: {  	_ =	shalt  }
0x5c: {  	_ =	shalt  }
0x5d: {  	_ =	shalt  }
0x5e: {  	_ =	shalt  }
0x5f: {  	_ =	shalt  }
0x60: {  	_ =	shalt  }
0x61: {  	_ =	shalt  }
0x62: {  	_ =	shalt  }
0x63: {  	_ =	shalt  }
0x64: {  	_ =	shalt  }
0x65: {  	_ =	shalt  }
0x66: {  	_ =	shalt  }
0x67: {  	_ =	shalt  }
0x68: {  	_ =	shalt  }
0x69: {  	_ =	shalt  }
0x6a: {  	_ =	shalt  }
0x6b: {  	_ =	shalt  }
0x6c: {  	_ =	shalt  }
0x6d: {  	_ =	shalt  }
0x6e: {  	_ =	shalt  }
0x6f: {  	_ =	shalt  }
0x70: {  	_ =	shalt  }
0x71: {  	_ =	shalt  }
0x72: {  	_ =	shalt  }
0x73: {  	_ =	shalt  }
0x74: {  	_ =	shalt  }
0x75: {  	_ =	shalt  }
0x76: {  	_ =	shalt  }
0x77: {  	_ =	shalt  }
0x78: {  	_ =	shalt  }
0x79: {  	_ =	shalt  }
0x7a: {  	_ =	shalt  }
0x7b: {  	_ =	shalt  }
0x7c: {  	_ =	shalt  }
0x7d: {  	_ =	shalt  }
0x7e: {  	_ =	shalt  }
0x7f: {  	_ =	shalt  }
0x80: {  	_ =	shalt  }
0x81: {  	_ =	shalt  }
0x82: {  	_ =	shalt  }
0x83: {  	_ =	shalt  }
0x84: {  	_ =	shalt  }
0x85: {  	_ =	shalt  }
0x86: {  	_ =	shalt  }
0x87: {  	_ =	shalt  }
.Lfunc_end0:
.L_simem_size_0:
called_computation.1_lowered:
.L_overlay_start_0:
0x88: {  	s2 =	sld [smem:$0x3FD9]  }
0x89: {  	s3 =	sld [smem:$0x3FFE];
	_ =	sdelay $0x1  }
0x8a: {  	s1 =	srdreg.scid  }
0x8b: {  	s0 =	sand.u32 $0x1, s1  }
0x8c: {  	s17 =	sshll.u32 s0, $0xA;
	s2 =	sadd.s32 s3, s2  }
0x8d: {  	s2 =	sadd.s32 s2, s17  }
0x8e: {  	[smem:$0x3FBC] =	sst s2  }
0x8f: {  	_ = 	snop  }
0x90: {  	s18 =	sld [smem:$0x3FD0];
	(tm) =	ssettm $0x1  }
0x91: {  	s19 =	sld [smem:$0x3FFB];
	_ =	sdelay $0x3  }
0x92: {  	_ =	strace s19  }
0x93: {  	s2 =	sld [smem:$0x3FFC];
	_ =	sdelay $0x3  }
0x94: {  	_ =	strace s2  }
0x95: {  	s2 =	sld [smem:$0x3FFD];
	_ =	sdelay $0x3  }
0x96: {  	_ =	strace s2  }
0x97: {  	_ =	strace $0x8FFFFFFF  }
0x98: {  	s20 =	sld [smem:$0x3FDB];
	_ =	sdelay $0x1  }
0x99: {  	s4 =	simm.s32 $_scs_section_size  }
0x9a: {  	s5 =	simm.s32 $_size__tile_overlayer_lowered;
	s6 =	simm.s32 $_tile_overlayer_lowered  }
0x9b: {  	s7 =	simm.s32 $0x1BFF;
	s21 =	sshll.u32 s6, $0x1;
	s4 =	sadd.s32 s4, s20  }
0x9c: {  	s22 =	simm.s32 $0x0;
	s5 =	sshll.u32 s5, $0x1;
	s6 =	sadd.s32 s21, s4  }
0x9d: {  	[timem:s22], [sflag:s7] =	dma.local [hbm:s6], s5  }
0x9e: {  	_ =	swait.ge [sflag:s7], s5  }
0x9f: {  	s5 =	ssub.s32 $0x0, s5;
	[sflag:s7] =	ssyncset.done $0x0  }
0xa0: {  	[sflag:s7] =	ssyncadd.s32 s5;
	_ =	sdelay $0x1  }
0xa1: {  	s23 =	simm.s32 $0x1B8B  }
0xa2: {  	_ =	swait.ge [sflag:s23], $0x1  }
0xa3: {  	[sflag:s23] =	ssyncset.done $0x0  }
0xa4: {  	[sflag:s23] =	ssyncadd.s32 $0xFFFFFFFF  }
0xa5: {  	s5 =	sld [smem:$0x0]  }
0xa6: {  	s6 =	sand.u32 $0xFFFFFFFE, s1  }
0xa7: {  	p0 =	sne.s32 s1, s6  }
0xa8: {  	s6 =	sshll.u32 @p0 s6, $0xE  }
0xa9: {  	s6 =	sadd.s32 @p0 $0x11B8D, s6;
	s7 =	sshll.u32 @p0 s5, $0x11  }
0xaa: {  	s6 =	sor.u32 @p0 s7, s6  }
0xab: {  	[sflag:s6] =	ssyncadd.remote.s32 @p0 $0x1;
	_ =	sdelay $0x1  }
0xac: {  	s6 =	simm.s32 @p0 $0x1B8D  }
0xad: {  	_ =	swait.eq @p0 [sflag:s6], $0x1  }
0xae: {  	[sflag:s6] =	ssyncadd.s32 @p0 $0xFFFFFFFF  }
0xaf: {  	s7 =	sshll.u32 @!p0 s1, $0xE  }
0xb0: {  	s7 =	sor.u32 @!p0 $0x4000, s7;
	s6 =	simm.s32 @!p0 $0x1B8D  }
0xb1: {  	s5 =	sshll.u32 @!p0 s5, $0x11;
	s7 =	sadd.s32 @!p0 $0x11B8D, s7;
	_ =	swait.eq @!p0 [sflag:s6], $0x1  }
0xb2: {  	s5 =	sor.u32 @!p0 s5, s7;
	[sflag:s6] =	ssyncadd.s32 @!p0 $0xFFFFFFFF  }
0xb3: {  	s25 =	simm.s32 $0x1B8E;
	s24 =	sld [smem:$0x3FFE];
	[sflag:s5] =	ssyncadd.remote.s32 @!p0 $0x1  }
0xb4: {  	s26 =	simm.s32 $execute0_lowered;
	[smem:$0x3FD2] =	sst s25  }
0xb5: {  	s6 =	sshll.u32 s26, $0x1;
	_ =	strace $0x80000049;
	[dreg:$0x1] =	wrdreg $0xFFFFFFFF  }
0xb6: {  	s28 =	simm.s32 $_size_execute0_lowered;
	s4 =	sadd.s32 s4, s6;
	[dreg:$0x0] =	wrdreg $0x0  }
0xb7: {  	s6 =	sshll.u32 s28, $0x1;
	[dreg:$0x2] =	wrdreg s4  }
0xb8: {  	[dreg:$0x3] =	wrdreg s6  }
0xb9: {  	[dreg:$0x4] =	wrdreg $0xC0  }
0xba: {  	_ =	task [dreg:s22], $0x5FFFF  }
0xbb: {  	[dreg:$0x1] =	wrdreg $0xFFFFFFFF  }
0xbc: {  	[dreg:$0x0] =	wrdreg $0x60  }
0xbd: {  	[dreg:$0x2] =	wrdreg s24  }
0xbe: {  	[dreg:$0x3] =	wrdreg s18  }
0xbf: {  	[dreg:$0x4] =	wrdreg $0x0  }
0xc0: {  	[dreg:$0x5] =	wrdreg $0xA  }
0xc1: {  	_ =	task.clear_ibuf [dreg:s22], $0x6FFFF;
	_ =	strace $0x90000049  }
0xc2: {  	s29 =	simm.s32 $0xA;
	_ =	strace $0x8000004B  }
0xc3: {  	_ =	swait.ge [sflag:s29], $0x1  }
0xc4: {  	[sflag:s29] =	ssyncadd.s32 $0xFFFFFFFF  }
0xc5: {  	_ =	strace $0x9000004B  }
0xc6: {  	_ =	sfence  }
0xc7: {  	s30 =	sld [smem:$0x0];
	_ =	sdelay $0x2  }
0xc8: {  	s31 =	sshll.u32 s1, $0xD;
	s1 =	sshrl.u32 s1, $0x2  }
0xc9: {  	s4 =	sand.u32 $0x4000, s31;
	s1 =	sadd.s32 s1, s30  }
0xca: {  	s0 =	sor.u32 s4, s0;
	s1 =	sshll.u32 s1, $0x11  }
0xcb: {  	s0 =	sor.u32 s1, s0  }
0xcc: {  	s0 =	sadd.s32 $0x8F2B, s0  }
0xcd: {  	[sflag:s0] =	ssyncadd.remote.s32 $0x1  }
0xce: {  	_ =	sfence.sel $0xFFFF  }
0xcf: {  	[dreg:$0x0] =	wrdreg $0xFFFFFFFF;
	(pc) =	sbr.abs _section_cstart, $3  }
0xd0: {  	[dreg:$0x1] =	wrdreg $0xFFFFFFFF  }
0xd1: {  	_ =	task.clear_ibuf [dreg:s22], $0x2FFFF;
	_ =	strace $0x9FFFFFFF  }
0xd2: {  	(tm) =	ssettm $0x7FFFFFFF  }
0xd3: {  	_ =	shalt  }
tec
execute0_lowered:
.L_overlay_start_1:
0x0: {  	(tag) =	ssettag $0x1  }
0x1: {  	s0 =	rddreg [dreg:$0x0]  }
0x2: {  	s3 =	rddreg [dreg:$0x2];
	s19 =	stileid.u32  }
0x3: {  	s1 =	srdreg.scid;
	s2 =	smul.u32 $0x280, s19  }
0x4: {  	s4 =	simm.s32 $0x0;
	s5 =	sand.u32 $0x1, s1;
	s25 =	smul.u32 $0x4E20, s19  }
0x5: {  	[smem:$0x7FF] =	sst s4;
	s10 =	sshll.u32 s19, $0x1;
	s19 =	smul.u32 $0x9C40, s19  }
0x6: {  	s6 =	sadd.s32 $0xCE00, s0;
	s7 =	sadd.s32 $0x548C00, s0;
	s1 =	smul.u32 $0x2800, s5  }
0x7: {  	_ =	strace $0x8000004A;
	s8 =	ssub.s32 $0x2, s5;
	s26 =	smul.u32 $0x2710, s5  }
0x8: {  	s24 =	sor.u32 s5, s10;
	s5 =	smul.u32 $0x4E20, s5;
	s9 =	sshrl.u32 s8, $0x1  }
0x9: {  	s11 =	sor.u32 $0x10, s2;
	s12 =	sor.u32 $0x20, s2;
	s13 =	sor.u32 $0x30, s2  }
0xa: {  	s14 =	sor.u32 $0x40, s2;
	s15 =	sor.u32 $0x50, s2;
	s16 =	sor.u32 $0x60, s2  }
0xb: {  	s17 =	sor.u32 $0x70, s2;
	s18 =	sadd.s32 $0x80, s2;
	s20 =	sadd.s32 $0x90, s2  }
0xc: {  	s22 =	sadd.s32 $0xA0, s2;
	s28 =	sadd.s32 $0x150, s2;
	s29 =	sadd.s32 $0x160, s2  }
0xd: {  	s30 =	sadd.s32 $0x170, s2;
	s31 =	sadd.s32 $0x180, s2;
	s1 =	sadd.s32 s2, s1  }
0xe: {  	v39 =	vlaneseq.u32;
	s23 =	ssub.s32 s8, s9;
	s8 =	smul.u32 $0x2710, s24;
	s9 =	sadd.s32 s26, s25  }
0xf: {  	v0 =	vor.u32 s11, v39;
	s11 =	sadd.s32 $0x1A0, s2;
	v1 =	vor.u32 s12, v39;
	v2 =	vor.u32 s13, v39;
	s12 =	sadd.s32 $0x1D0, s2;
	s13 =	sadd.s32 $0x1E0, s2  }
0x10: {  	v3 =	vor.u32 s14, v39;
	v6 =	vor.u32 s17, v39;
	s14 =	sadd.s32 $0x200, s2;
	s17 =	sadd.s32 $0x210, s2;
	[dreg:$0xd] =	wrdreg s23  }
0x11: {  	v4 =	vor.u32 s15, v39;
	s15 =	sadd.s32 $0x220, s2;
	v8 =	vor.u32 s20, v39;
	s20 =	sadd.s32 $0x230, s2;
	[dreg:$0x12] =	wrdreg s17  }
0x12: {  	v9 =	vor.u32 s22, v39;
	s22 =	sadd.s32 $0x240, s2;
	v21 =	vor.u32 s28, v39;
	s28 =	simm.s32 $0x19300;
	[dreg:$0x13] =	wrdreg s20  }
0x13: {  	v22 =	vor.u32 s29, v39;
	s29 =	simm.s32 $0x19380;
	[dreg:$0x14] =	wrdreg s22;
	s17 =	sadd.s32 $0x250, s2  }
0x14: {  	v23 =	vor.u32 s30, v39;
	v24 =	vor.u32 s31, v39;
	s30 =	simm.s32 $0x19400;
	s31 =	simm.s32 $0x19480;
	[dreg:$0xf] =	wrdreg s17  }
0x15: {  	s1 =	sshll.u32 s1, $0x4;
	s26 =	sshrl.u32 s9, $0x3;
	v26 =	vor.u32 s11, v39;
	s11 =	rddreg [dreg:$0x12]  }
0x16: {  	v29 =	vor.u32 s12, v39;
	s0 =	sadd.s32 s1, s0;
	s8 =	sadd.s32 $0x26C0, s8;
	s12 =	rddreg [dreg:$0x13]  }
0x17: {  	v30 =	vor.u32 s13, v39;
	s1 =	sadd.s32 s19, s7;
	s19 =	sadd.s32 $0x50, s9;
	s13 =	rddreg [dreg:$0x14]  }
0x18: {  	s21 =	sshll.u32 s8, $0x1;
	s5 =	sadd.s32 s5, s1;
	s10 =	sshll.u32 s19, $0x1  }
0x19: {  	s25 =	sshrl.u32 s8, $0x3;
	s8 =	sadd.s32 $0xE0, s2;
	s1 =	sadd.s32 $0x190, s2  }
0x1a: {  	v7 =	vor.u32 s18, v39;
	s18 =	sadd.s32 $0x66C00, s0;
	s20 =	sadd.s32 $0x67600, s0;
	s22 =	sadd.s32 $0x67B00, s0  }
0x1b: {  	v5 =	vor.u32 s16, v39;
	v32 =	vor.u32 s14, v39;
	s16 =	sadd.s32 $0x68500, s0;
	s17 =	sadd.s32 $0x68A00, s0;
	s14 =	rddreg [dreg:$0xf]  }
0x1c: {  	v33 =	vor.u32 s11, v39;
	s11 =	simm.s32 $0x0;
	[dreg:$0x4] =	wrdreg s5;
	s23 =	sadd.s32 s7, s21  }
0x1d: {  	s24 =	sadd.s32 s10, s7;
	s5 =	sadd.s32 $0xB0, s2;
	[dreg:$0x10] =	wrdreg s1  }
0x1e: {  	s9 =	sadd.s32 s6, s25;
	s10 =	sshrl.u32 s19, $0x3;
	[dreg:$0x8] =	wrdreg s18  }
0x1f: {  	s7 =	sadd.s32 $0xD0, s2;
	s19 =	sadd.s32 $0xF0, s2;
	[dreg:$0xa] =	wrdreg s20  }
0x20: {  	s21 =	sadd.s32 $0x100, s2;
	s25 =	sadd.s32 $0x130, s2;
	[dreg:$0xb] =	wrdreg s22  }
0x21: {  	s1 =	sadd.s32 $0x1B0, s2;
	s18 =	sadd.s32 $0x68F00, s0;
	[dreg:$0x5] =	wrdreg s23  }
0x22: {  	s20 =	simm.s32 $0x14100;
	s22 =	simm.s32 $0x50;
	[dreg:$0x6] =	wrdreg s24  }
0x23: {  	[dreg:$0x7] =	wrdreg s9;
	s9 =	sadd.s32 s26, s6;
	s10 =	sadd.s32 s10, s6  }
0x24: {  	s6 =	sadd.s32 $0xC0, s2;
	[dreg:$0x11] =	wrdreg s1;
	s1 =	sadd.s32 $0x1C0, s2  }
0x25: {  	s23 =	sadd.s32 $0x110, s2;
	v15 =	vor.u32 s19, v39;
	s19 =	sadd.s32 $0x67100, s0;
	[dreg:$0xe] =	wrdreg s1  }
0x26: {  	s24 =	sadd.s32 $0x120, s2;
	s26 =	sadd.s32 $0x140, s2;
	[dreg:$0x9] =	wrdreg s19  }
0x27: {  	v10 =	vor.u32 s5, v39;
	s5 =	sadd.s32 $0x260, s2;
	v16 =	vor.u32 s21, v39;
	s21 =	simm.s32 $0x3;
	v11 =	vor.u32 s6, v39;
	s6 =	rddreg [dreg:$0x10]  }
0x28: {  	v12 =	vor.u32 s2, v39;
	v13 =	vor.u32 s7, v39;
	s1 =	sadd.s32 $0x1F0, s2;
	s2 =	sadd.s32 $0x270, s2;
	s7 =	rddreg [dreg:$0x11]  }
0x29: {  	v19 =	vor.u32 s25, v39;
	s25 =	simm.s32 $0x19200;
	v18 =	vor.u32 s24, v39;
	s24 =	sadd.s32 $0x68000, s0;
	[dreg:$0x15] =	wrdreg s2  }
0x2a: {  	v17 =	vor.u32 s23, v39;
	v20 =	vor.u32 s26, v39;
	s23 =	simm.s32 $0x19100;
	s26 =	simm.s32 $0x19280;
	[dreg:$0xc] =	wrdreg s24  }
0x2b: {  	v34 =	vor.u32 s15, v39;
	s0 =	simm.s32 $0x16900;
	v38 =	vor.u32 s5, v39;
	s5 =	simm.s32 $0x1;
	s2 =	rddreg [dreg:$0xd]  }
0x2c: {  	v35 =	vor.u32 s12, v39;
	v14 =	vor.u32 s8, v39;
	s24 =	simm.s32 $0x19180;
	s8 =	rddreg [dreg:$0xe];
	v31 =	vor.u32 s1, v39;
	s1 =	simm.s32 $0x14000  }
0x2d: {  	v36 =	vor.u32 s13, v39;
	v25 =	vor.u32 s6, v39;
	v27 =	vor.u32 s7, v39;
	s6 =	simm.s32 $0x14080;
	s7 =	simm.s32 $0x2;
	s15 =	rddreg [dreg:$0x15]  }
0x2e: {  	v37 =	vor.u32 s14, v39;
	s19 =	smax.u32 s2, $0x1;
	v28 =	vor.u32 s8, v39;
	s2 =	simm.s32 $0x19500;
	s8 =	simm.s32 $0x19A00;
	v39 =	vor.u32 s15, v39  }
.LBB2_1:
0x2f: {  	[tilespmem:$0x19100] =	vst v12  }
0x30: {  	[tilespmem:$0x19110] =	vst v0  }
0x31: {  	[tilespmem:$0x19120] =	vst v1  }
0x32: {  	[tilespmem:$0x19130] =	vst v2  }
0x33: {  	[tilespmem:$0x19140] =	vst v3  }
0x34: {  	[tilespmem:$0x19180] =	vst v4  }
0x35: {  	[tilespmem:$0x19190] =	vst v5  }
0x36: {  	[tilespmem:$0x191A0] =	vst v6  }
0x37: {  	[tilespmem:$0x191B0] =	vst v7  }
0x38: {  	[tilespmem:$0x191C0] =	vst v8  }
0x39: {  	[tilespmem:$0x19200] =	vst v9  }
0x3a: {  	[tilespmem:$0x19210] =	vst v10  }
0x3b: {  	[tilespmem:$0x19220] =	vst v11  }
0x3c: {  	[tilespmem:$0x19230] =	vst v13  }
0x3d: {  	[tilespmem:$0x19240] =	vst v14  }
0x3e: {  	[tilespmem:$0x19280] =	vst v15  }
0x3f: {  	[tilespmem:$0x19290] =	vst v16  }
0x40: {  	[tilespmem:$0x192A0] =	vst v17  }
0x41: {  	[tilespmem:$0x192B0] =	vst v18  }
0x42: {  	[tilespmem:$0x192C0] =	vst v19  }
0x43: {  	[tilespmem:$0x19300] =	vst v20  }
0x44: {  	[tilespmem:$0x19310] =	vst v21  }
0x45: {  	[tilespmem:$0x19320] =	vst v22  }
0x46: {  	[tilespmem:$0x19330] =	vst v23  }
0x47: {  	[tilespmem:$0x19340] =	vst v24  }
0x48: {  	[tilespmem:$0x19380] =	vst v25  }
0x49: {  	[tilespmem:$0x19390] =	vst v26  }
0x4a: {  	[tilespmem:$0x193A0] =	vst v27  }
0x4b: {  	[tilespmem:$0x193B0] =	vst v28  }
0x4c: {  	[tilespmem:$0x193C0] =	vst v29  }
0x4d: {  	[tilespmem:$0x19400] =	vst v30  }
0x4e: {  	[tilespmem:$0x19410] =	vst v31  }
0x4f: {  	[tilespmem:$0x19420] =	vst v32  }
0x50: {  	[tilespmem:$0x19430] =	vst v33  }
0x51: {  	[tilespmem:$0x19440] =	vst v34  }
0x52: {  	[tilespmem:$0x19480] =	vst v35  }
0x53: {  	[tilespmem:$0x19490] =	vst v36  }
0x54: {  	[tilespmem:$0x194A0] =	vst v37  }
0x55: {  	[tilespmem:$0x194B0] =	vst v38  }
0x56: {  	[tilespmem:$0x194C0] =	vst v39;
	s12 =	rddreg [dreg:$0x1]  }
0x57: {  	[tilespmem:s20], [sflag:$0x3] =	stream.linear.gather [hbm4b:s12+s4], $0x2800, $0x38;
	[tilespmem:$0x19F00] =	vst v63  }
0x58: {  	_ =	swait.ge [sflag:s21], $0x2800  }
0x59: {  	[sflag:s21] =	ssyncset.done $0x0  }
0x5a: {  	[sflag:s21] =	ssyncadd.s32 $0xFFFFD800  }
0x5b: {  	[spmem:s3] =	stream.indirect.scatter [tilespmem:s20], [sflag:$0x3], $0x80, s23, s22, $0xb8;
	[tilespmem:$0x19F00] =	vst v63  }
0x5c: {  	_ =	swait.ge [sflag:s21], $0x2800  }
0x5d: {  	[sflag:s21] =	ssyncset.done $0x0  }
0x5e: {  	[sflag:s21] =	ssyncadd.s32 $0xFFFFD800  }
0x5f: {  	[spmem:s3] =	stream.indirect.scatter [tilespmem:s20], [sflag:$0x3], $0x80, s24, s22, $0xb8;
	[tilespmem:$0x19F00] =	vst v63  }
0x60: {  	_ =	swait.ge [sflag:s21], $0x2800  }
0x61: {  	[sflag:s21] =	ssyncset.done $0x0  }
0x62: {  	[sflag:s21] =	ssyncadd.s32 $0xFFFFD800  }
0x63: {  	[spmem:s3] =	stream.indirect.scatter [tilespmem:s20], [sflag:$0x3], $0x80, s25, s22, $0xb8;
	[tilespmem:$0x19F00] =	vst v63  }
0x64: {  	_ =	swait.ge [sflag:s21], $0x2800  }
0x65: {  	[sflag:s21] =	ssyncset.done $0x0  }
0x66: {  	[sflag:s21] =	ssyncadd.s32 $0xFFFFD800  }
0x67: {  	[spmem:s3] =	stream.indirect.scatter [tilespmem:s20], [sflag:$0x3], $0x80, s26, s22, $0xb8;
	[tilespmem:$0x19F00] =	vst v63  }
0x68: {  	_ =	swait.ge [sflag:s21], $0x2800  }
0x69: {  	[sflag:s21] =	ssyncset.done $0x0  }
0x6a: {  	[sflag:s21] =	ssyncadd.s32 $0xFFFFD800  }
0x6b: {  	[spmem:s3] =	stream.indirect.scatter [tilespmem:s20], [sflag:$0x3], $0x80, s28, s22, $0xb8;
	[tilespmem:$0x19F00] =	vst v63  }
0x6c: {  	_ =	swait.ge [sflag:s21], $0x2800  }
0x6d: {  	[sflag:s21] =	ssyncset.done $0x0  }
0x6e: {  	[sflag:s21] =	ssyncadd.s32 $0xFFFFD800  }
0x6f: {  	[spmem:s3] =	stream.indirect.scatter [tilespmem:s20], [sflag:$0x3], $0x80, s29, s22, $0xb8;
	[tilespmem:$0x19F00] =	vst v63  }
0x70: {  	_ =	swait.ge [sflag:s21], $0x2800  }
0x71: {  	[sflag:s21] =	ssyncset.done $0x0  }
0x72: {  	[sflag:s21] =	ssyncadd.s32 $0xFFFFD800  }
0x73: {  	[spmem:s3] =	stream.indirect.scatter [tilespmem:s20], [sflag:$0x3], $0x80, s30, s22, $0xb8;
	[tilespmem:$0x19F00] =	vst v63  }
0x74: {  	_ =	swait.ge [sflag:s21], $0x2800  }
0x75: {  	[sflag:s21] =	ssyncset.done $0x0  }
0x76: {  	[sflag:s21] =	ssyncadd.s32 $0xFFFFD800  }
0x77: {  	[spmem:s3] =	stream.indirect.scatter [tilespmem:s20], [sflag:$0x3], $0x80, s31, s22, $0xb8;
	[tilespmem:$0x19F00] =	vst v63  }
0x78: {  	_ =	swait.ge [sflag:s21], $0x2800  }
0x79: {  	[sflag:s21] =	ssyncset.done $0x0  }
0x7a: {  	[sflag:s21] =	ssyncadd.s32 $0xFFFFD800  }
0x7b: {  	[tilespmem:s0], [sflag:$0x3] =	stream.linear.gather [hbm4b:s12+s4], $0x2800, $0x38;
	[tilespmem:$0x19F00] =	vst v63  }
0x7c: {  	_ =	swait.ge [sflag:s21], $0x2800  }
0x7d: {  	[sflag:s21] =	ssyncset.done $0x0  }
0x7e: {  	[sflag:s21] =	ssyncadd.s32 $0xFFFFD800  }
0x7f: {  	[bflag:$0x0] =	sbarrier.arrive $0xFFFF  }
0x80: {  	s12 =	rddreg [dreg:$0x6]  }
0x81: {  	s14 =	simm.s32 $0x0;
	s13 =	rddreg [dreg:$0x4]  }
.LBB2_2:
0x82: {  	s15 =	sadd.s32 s14, s9  }
0x83: {  	[tilespmem:s1], [sflag:$0x3] =	stream.linear.gather [hbm4b:s15+s4], $0x50, $0x38;
	[tilespmem:$0x19F00] =	vst v63  }
0x84: {  	_ =	swait.ge [sflag:s21], $0x50  }
0x85: {  	[sflag:s21] =	ssyncset.done $0x0  }
0x86: {  	[sflag:s21] =	ssyncadd.s32 $0xFFFFFFB0  }
0x87: {  	[tilespmem:s2], [sflag:$0x1] =	stream.linear.gather [hbm4b:s13+s4], $0x500, $0x38;
	[tilespmem:$0x19F00] =	vst v63  }
0x88: {  	s15 =	sadd.s32 s14, s10  }
0x89: {  	[tilespmem:s6], [sflag:$0x3] =	stream.linear.gather [hbm4b:s15+s4], $0x50, $0x38;
	[tilespmem:$0x19F00] =	vst v63  }
0x8a: {  	_ =	swait.ge [sflag:s21], $0x50  }
0x8b: {  	[sflag:s21] =	ssyncset.done $0x0  }
0x8c: {  	[sflag:s21] =	ssyncadd.s32 $0xFFFFFFB0  }
0x8d: {  	[tilespmem:s8], [sflag:$0x2] =	stream.linear.gather [hbm4b:s12+s4], $0x500, $0x38;
	[tilespmem:$0x19F00] =	vst v63  }
0x8e: {  	_ =	swait.ge [sflag:s5], $0x500  }
0x8f: {  	[sflag:s5] =	ssyncset.done $0x0  }
0x90: {  	[sflag:s5] =	ssyncadd.s32 $0xFFFFFB00  }
0x91: {  	v40 =	vld [tilespmem:$0x19500]  }
0x92: {  	v41 =	vld [tilespmem:$0x19510]  }
0x93: {  	v42 =	vld [tilespmem:$0x19520]  }
0x94: {  	v43 =	vld [tilespmem:$0x19530]  }
0x95: {  	v44 =	vld [tilespmem:$0x19540]  }
0x96: {  	v53 =	vld [tilespmem:$0x19550];
	[tilespmem:$0x14100] =	vst v40  }
0x97: {  	v54 =	vld [tilespmem:$0x19560];
	[tilespmem:$0x14180] =	vst v41  }
0x98: {  	v55 =	vld [tilespmem:$0x19570];
	[tilespmem:$0x14200] =	vst v42  }
0x99: {  	v56 =	vld [tilespmem:$0x19580];
	[tilespmem:$0x14280] =	vst v43  }
0x9a: {  	v57 =	vld [tilespmem:$0x19590];
	[tilespmem:$0x14300] =	vst v44  }
0x9b: {  	v58 =	vld [tilespmem:$0x195A0];
	[tilespmem:$0x14380] =	vst v53  }
0x9c: {  	v59 =	vld [tilespmem:$0x195B0];
	[tilespmem:$0x14400] =	vst v54  }
0x9d: {  	v60 =	vld [tilespmem:$0x195C0];
	[tilespmem:$0x14480] =	vst v55  }
0x9e: {  	v61 =	vld [tilespmem:$0x195D0];
	[tilespmem:$0x14500] =	vst v56  }
0x9f: {  	v62 =	vld [tilespmem:$0x195E0];
	[tilespmem:$0x14580] =	vst v57  }
0xa0: {  	v63 =	vld [tilespmem:$0x195F0];
	[tilespmem:$0x14600] =	vst v58  }
0xa1: {  	v48 =	vld [tilespmem:$0x19600];
	[tilespmem:$0x14680] =	vst v59  }
0xa2: {  	v49 =	vld [tilespmem:$0x19610];
	[tilespmem:$0x14700] =	vst v60  }
0xa3: {  	v50 =	vld [tilespmem:$0x19620];
	[tilespmem:$0x14780] =	vst v61  }
0xa4: {  	v51 =	vld [tilespmem:$0x19630];
	[tilespmem:$0x14800] =	vst v62  }
0xa5: {  	v52 =	vld [tilespmem:$0x19640];
	[tilespmem:$0x14880] =	vst v63  }
0xa6: {  	[tilespmem:$0x14900] =	vst v48;
	v53 =	vld [tilespmem:$0x19650]  }
0xa7: {  	[tilespmem:$0x14980] =	vst v49;
	v54 =	vld [tilespmem:$0x19660]  }
0xa8: {  	[tilespmem:$0x14A00] =	vst v50;
	v55 =	vld [tilespmem:$0x19670]  }
0xa9: {  	[tilespmem:$0x14A80] =	vst v51;
	v56 =	vld [tilespmem:$0x19680]  }
0xaa: {  	[tilespmem:$0x14B00] =	vst v52;
	v57 =	vld [tilespmem:$0x19690]  }
0xab: {  	v58 =	vld [tilespmem:$0x196A0];
	[tilespmem:$0x14B80] =	vst v53  }
0xac: {  	v59 =	vld [tilespmem:$0x196B0];
	[tilespmem:$0x14C00] =	vst v54  }
0xad: {  	v60 =	vld [tilespmem:$0x196C0];
	[tilespmem:$0x14C80] =	vst v55  }
0xae: {  	v61 =	vld [tilespmem:$0x196D0];
	[tilespmem:$0x14D00] =	vst v56  }
0xaf: {  	v62 =	vld [tilespmem:$0x196E0];
	[tilespmem:$0x14D80] =	vst v57  }
0xb0: {  	v63 =	vld [tilespmem:$0x196F0];
	[tilespmem:$0x14E00] =	vst v58  }
0xb1: {  	v48 =	vld [tilespmem:$0x19700];
	[tilespmem:$0x14E80] =	vst v59  }
0xb2: {  	v49 =	vld [tilespmem:$0x19710];
	[tilespmem:$0x14F00] =	vst v60  }
0xb3: {  	v50 =	vld [tilespmem:$0x19720];
	[tilespmem:$0x14F80] =	vst v61  }
0xb4: {  	v51 =	vld [tilespmem:$0x19730];
	[tilespmem:$0x15000] =	vst v62  }
0xb5: {  	v52 =	vld [tilespmem:$0x19740];
	[tilespmem:$0x15080] =	vst v63  }
0xb6: {  	[tilespmem:$0x15100] =	vst v48;
	v53 =	vld [tilespmem:$0x19750]  }
0xb7: {  	[tilespmem:$0x15180] =	vst v49;
	v54 =	vld [tilespmem:$0x19760]  }
0xb8: {  	[tilespmem:$0x15200] =	vst v50;
	v55 =	vld [tilespmem:$0x19770]  }
0xb9: {  	[tilespmem:$0x15280] =	vst v51;
	v56 =	vld [tilespmem:$0x19780]  }
0xba: {  	[tilespmem:$0x15300] =	vst v52;
	v57 =	vld [tilespmem:$0x19790]  }
0xbb: {  	v58 =	vld [tilespmem:$0x197A0];
	[tilespmem:$0x15380] =	vst v53  }
0xbc: {  	v59 =	vld [tilespmem:$0x197B0];
	[tilespmem:$0x15400] =	vst v54  }
0xbd: {  	v60 =	vld [tilespmem:$0x197C0];
	[tilespmem:$0x15480] =	vst v55  }
0xbe: {  	v61 =	vld [tilespmem:$0x197D0];
	[tilespmem:$0x15500] =	vst v56  }
0xbf: {  	v62 =	vld [tilespmem:$0x197E0];
	[tilespmem:$0x15580] =	vst v57  }
0xc0: {  	v63 =	vld [tilespmem:$0x197F0];
	[tilespmem:$0x15600] =	vst v58  }
0xc1: {  	v48 =	vld [tilespmem:$0x19800];
	[tilespmem:$0x15680] =	vst v59  }
0xc2: {  	v49 =	vld [tilespmem:$0x19810];
	[tilespmem:$0x15700] =	vst v60  }
0xc3: {  	v50 =	vld [tilespmem:$0x19820];
	[tilespmem:$0x15780] =	vst v61  }
0xc4: {  	v51 =	vld [tilespmem:$0x19830];
	[tilespmem:$0x15800] =	vst v62  }
0xc5: {  	v52 =	vld [tilespmem:$0x19840];
	[tilespmem:$0x15880] =	vst v63  }
0xc6: {  	[tilespmem:$0x15900] =	vst v48;
	v53 =	vld [tilespmem:$0x19850]  }
0xc7: {  	[tilespmem:$0x15980] =	vst v49;
	v54 =	vld [tilespmem:$0x19860]  }
0xc8: {  	[tilespmem:$0x15A00] =	vst v50;
	v55 =	vld [tilespmem:$0x19870]  }
0xc9: {  	[tilespmem:$0x15A80] =	vst v51;
	v56 =	vld [tilespmem:$0x19880]  }
0xca: {  	[tilespmem:$0x15B00] =	vst v52;
	v57 =	vld [tilespmem:$0x19890]  }
0xcb: {  	v58 =	vld [tilespmem:$0x198A0];
	[tilespmem:$0x15B80] =	vst v53  }
0xcc: {  	v59 =	vld [tilespmem:$0x198B0];
	[tilespmem:$0x15C00] =	vst v54  }
0xcd: {  	v60 =	vld [tilespmem:$0x198C0];
	[tilespmem:$0x15C80] =	vst v55  }
0xce: {  	v61 =	vld [tilespmem:$0x198D0];
	[tilespmem:$0x15D00] =	vst v56  }
0xcf: {  	v62 =	vld [tilespmem:$0x198E0];
	[tilespmem:$0x15D80] =	vst v57  }
0xd0: {  	v63 =	vld [tilespmem:$0x198F0];
	[tilespmem:$0x15E00] =	vst v58  }
0xd1: {  	v48 =	vld [tilespmem:$0x19900];
	[tilespmem:$0x15E80] =	vst v59  }
0xd2: {  	v49 =	vld [tilespmem:$0x19910];
	[tilespmem:$0x15F00] =	vst v60  }
0xd3: {  	v50 =	vld [tilespmem:$0x19920];
	[tilespmem:$0x15F80] =	vst v61  }
0xd4: {  	v51 =	vld [tilespmem:$0x19930];
	[tilespmem:$0x16000] =	vst v62  }
0xd5: {  	v52 =	vld [tilespmem:$0x19940];
	[tilespmem:$0x16080] =	vst v63  }
0xd6: {  	[tilespmem:$0x16100] =	vst v48;
	v53 =	vld [tilespmem:$0x19950]  }
0xd7: {  	[tilespmem:$0x16180] =	vst v49;
	v54 =	vld [tilespmem:$0x19960]  }
0xd8: {  	[tilespmem:$0x16200] =	vst v50;
	v55 =	vld [tilespmem:$0x19970]  }
0xd9: {  	[tilespmem:$0x16280] =	vst v51;
	v56 =	vld [tilespmem:$0x19980]  }
0xda: {  	[tilespmem:$0x16300] =	vst v52;
	v57 =	vld [tilespmem:$0x19990]  }
0xdb: {  	v58 =	vld [tilespmem:$0x199A0];
	[tilespmem:$0x16380] =	vst v53  }
0xdc: {  	v59 =	vld [tilespmem:$0x199B0];
	[tilespmem:$0x16400] =	vst v54  }
0xdd: {  	v60 =	vld [tilespmem:$0x199C0];
	[tilespmem:$0x16480] =	vst v55  }
0xde: {  	v61 =	vld [tilespmem:$0x199D0];
	[tilespmem:$0x16500] =	vst v56  }
0xdf: {  	v62 =	vld [tilespmem:$0x199E0];
	[tilespmem:$0x16580] =	vst v57  }
0xe0: {  	v63 =	vld [tilespmem:$0x199F0];
	[tilespmem:$0x16600] =	vst v58  }
0xe1: {  	[tilespmem:$0x16680] =	vst v59  }
0xe2: {  	[tilespmem:$0x16700] =	vst v60  }
0xe3: {  	[tilespmem:$0x16780] =	vst v61  }
0xe4: {  	[tilespmem:$0x16800] =	vst v62  }
0xe5: {  	[tilespmem:$0x16880] =	vst v63  }
0xe6: {  	[spmem:s3] =	stream.indirect.scatter.add.f32 [tilespmem:s20], [sflag:$0x3], $0x80, s1, s22, $0xb8;
	[tilespmem:$0x19F00] =	vst v63  }
0xe7: {  	_ =	swait.ge [sflag:s21], $0x2800  }
0xe8: {  	[sflag:s21] =	ssyncset.done $0x0  }
0xe9: {  	[sflag:s21] =	ssyncadd.s32 $0xFFFFD800  }
0xea: {  	_ =	swait.ge [sflag:s7], $0x500  }
0xeb: {  	[sflag:s7] =	ssyncset.done $0x0  }
0xec: {  	[sflag:s7] =	ssyncadd.s32 $0xFFFFFB00  }
0xed: {  	v48 =	vld [tilespmem:$0x19A00]  }
0xee: {  	v49 =	vld [tilespmem:$0x19A10]  }
0xef: {  	v50 =	vld [tilespmem:$0x19A20]  }
0xf0: {  	v51 =	vld [tilespmem:$0x19A30]  }
0xf1: {  	v52 =	vld [tilespmem:$0x19A40]  }
0xf2: {  	v53 =	vld [tilespmem:$0x19A50];
	[tilespmem:$0x16900] =	vst v48  }
0xf3: {  	v54 =	vld [tilespmem:$0x19A60];
	[tilespmem:$0x16980] =	vst v49  }
0xf4: {  	v55 =	vld [tilespmem:$0x19A70];
	[tilespmem:$0x16A00] =	vst v50  }
0xf5: {  	v56 =	vld [tilespmem:$0x19A80];
	[tilespmem:$0x16A80] =	vst v51  }
0xf6: {  	v57 =	vld [tilespmem:$0x19A90];
	[tilespmem:$0x16B00] =	vst v52  }
0xf7: {  	v58 =	vld [tilespmem:$0x19AA0];
	[tilespmem:$0x16B80] =	vst v53  }
0xf8: {  	v59 =	vld [tilespmem:$0x19AB0];
	[tilespmem:$0x16C00] =	vst v54  }
0xf9: {  	v60 =	vld [tilespmem:$0x19AC0];
	[tilespmem:$0x16C80] =	vst v55  }
0xfa: {  	v61 =	vld [tilespmem:$0x19AD0];
	[tilespmem:$0x16D00] =	vst v56  }
0xfb: {  	v62 =	vld [tilespmem:$0x19AE0];
	[tilespmem:$0x16D80] =	vst v57  }
0xfc: {  	v63 =	vld [tilespmem:$0x19AF0];
	[tilespmem:$0x16E00] =	vst v58  }
0xfd: {  	[tilespmem:$0x16E80] =	vst v59;
	v48 =	vld [tilespmem:$0x19B00]  }
0xfe: {  	[tilespmem:$0x16F00] =	vst v60;
	v49 =	vld [tilespmem:$0x19B10]  }
0xff: {  	[tilespmem:$0x16F80] =	vst v61;
	v50 =	vld [tilespmem:$0x19B20]  }
0x100: {  	[tilespmem:$0x17000] =	vst v62;
	v51 =	vld [tilespmem:$0x19B30]  }
0x101: {  	[tilespmem:$0x17080] =	vst v63;
	v52 =	vld [tilespmem:$0x19B40]  }
0x102: {  	v53 =	vld [tilespmem:$0x19B50];
	[tilespmem:$0x17100] =	vst v48  }
0x103: {  	v54 =	vld [tilespmem:$0x19B60];
	[tilespmem:$0x17180] =	vst v49  }
0x104: {  	v55 =	vld [tilespmem:$0x19B70];
	[tilespmem:$0x17200] =	vst v50  }
0x105: {  	v56 =	vld [tilespmem:$0x19B80];
	[tilespmem:$0x17280] =	vst v51  }
0x106: {  	v57 =	vld [tilespmem:$0x19B90];
	[tilespmem:$0x17300] =	vst v52  }
0x107: {  	v58 =	vld [tilespmem:$0x19BA0];
	[tilespmem:$0x17380] =	vst v53  }
0x108: {  	v59 =	vld [tilespmem:$0x19BB0];
	[tilespmem:$0x17400] =	vst v54  }
0x109: {  	v60 =	vld [tilespmem:$0x19BC0];
	[tilespmem:$0x17480] =	vst v55  }
0x10a: {  	v61 =	vld [tilespmem:$0x19BD0];
	[tilespmem:$0x17500] =	vst v56  }
0x10b: {  	v62 =	vld [tilespmem:$0x19BE0];
	[tilespmem:$0x17580] =	vst v57  }
0x10c: {  	v63 =	vld [tilespmem:$0x19BF0];
	[tilespmem:$0x17600] =	vst v58  }
0x10d: {  	[tilespmem:$0x17680] =	vst v59;
	v48 =	vld [tilespmem:$0x19C00]  }
0x10e: {  	[tilespmem:$0x17700] =	vst v60;
	v49 =	vld [tilespmem:$0x19C10]  }
0x10f: {  	[tilespmem:$0x17780] =	vst v61;
	v50 =	vld [tilespmem:$0x19C20]  }
0x110: {  	[tilespmem:$0x17800] =	vst v62;
	v51 =	vld [tilespmem:$0x19C30]  }
0x111: {  	[tilespmem:$0x17880] =	vst v63;
	v52 =	vld [tilespmem:$0x19C40]  }
0x112: {  	v53 =	vld [tilespmem:$0x19C50];
	[tilespmem:$0x17900] =	vst v48  }
0x113: {  	v54 =	vld [tilespmem:$0x19C60];
	[tilespmem:$0x17980] =	vst v49  }
0x114: {  	v55 =	vld [tilespmem:$0x19C70];
	[tilespmem:$0x17A00] =	vst v50  }
0x115: {  	v56 =	vld [tilespmem:$0x19C80];
	[tilespmem:$0x17A80] =	vst v51  }
0x116: {  	v57 =	vld [tilespmem:$0x19C90];
	[tilespmem:$0x17B00] =	vst v52  }
0x117: {  	v58 =	vld [tilespmem:$0x19CA0];
	[tilespmem:$0x17B80] =	vst v53  }
0x118: {  	v59 =	vld [tilespmem:$0x19CB0];
	[tilespmem:$0x17C00] =	vst v54  }
0x119: {  	v60 =	vld [tilespmem:$0x19CC0];
	[tilespmem:$0x17C80] =	vst v55  }
0x11a: {  	v61 =	vld [tilespmem:$0x19CD0];
	[tilespmem:$0x17D00] =	vst v56  }
0x11b: {  	v62 =	vld [tilespmem:$0x19CE0];
	[tilespmem:$0x17D80] =	vst v57  }
0x11c: {  	v63 =	vld [tilespmem:$0x19CF0];
	[tilespmem:$0x17E00] =	vst v58  }
0x11d: {  	[tilespmem:$0x17E80] =	vst v59;
	v48 =	vld [tilespmem:$0x19D00]  }
0x11e: {  	[tilespmem:$0x17F00] =	vst v60;
	v49 =	vld [tilespmem:$0x19D10]  }
0x11f: {  	[tilespmem:$0x17F80] =	vst v61;
	v50 =	vld [tilespmem:$0x19D20]  }
0x120: {  	[tilespmem:$0x18000] =	vst v62;
	v51 =	vld [tilespmem:$0x19D30]  }
0x121: {  	[tilespmem:$0x18080] =	vst v63;
	v52 =	vld [tilespmem:$0x19D40]  }
0x122: {  	v53 =	vld [tilespmem:$0x19D50];
	[tilespmem:$0x18100] =	vst v48  }
0x123: {  	v54 =	vld [tilespmem:$0x19D60];
	[tilespmem:$0x18180] =	vst v49  }
0x124: {  	v55 =	vld [tilespmem:$0x19D70];
	[tilespmem:$0x18200] =	vst v50  }
0x125: {  	v56 =	vld [tilespmem:$0x19D80];
	[tilespmem:$0x18280] =	vst v51  }
0x126: {  	v57 =	vld [tilespmem:$0x19D90];
	[tilespmem:$0x18300] =	vst v52  }
0x127: {  	v58 =	vld [tilespmem:$0x19DA0];
	[tilespmem:$0x18380] =	vst v53  }
0x128: {  	v59 =	vld [tilespmem:$0x19DB0];
	[tilespmem:$0x18400] =	vst v54  }
0x129: {  	v60 =	vld [tilespmem:$0x19DC0];
	[tilespmem:$0x18480] =	vst v55  }
0x12a: {  	v61 =	vld [tilespmem:$0x19DD0];
	[tilespmem:$0x18500] =	vst v56  }
0x12b: {  	v62 =	vld [tilespmem:$0x19DE0];
	[tilespmem:$0x18580] =	vst v57  }
0x12c: {  	v63 =	vld [tilespmem:$0x19DF0];
	[tilespmem:$0x18600] =	vst v58  }
0x12d: {  	[tilespmem:$0x18680] =	vst v59;
	v48 =	vld [tilespmem:$0x19E00]  }
0x12e: {  	[tilespmem:$0x18700] =	vst v60;
	v49 =	vld [tilespmem:$0x19E10]  }
0x12f: {  	[tilespmem:$0x18780] =	vst v61;
	v50 =	vld [tilespmem:$0x19E20]  }
0x130: {  	[tilespmem:$0x18800] =	vst v62;
	v51 =	vld [tilespmem:$0x19E30]  }
0x131: {  	[tilespmem:$0x18880] =	vst v63;
	v52 =	vld [tilespmem:$0x19E40]  }
0x132: {  	v53 =	vld [tilespmem:$0x19E50];
	[tilespmem:$0x18900] =	vst v48  }
0x133: {  	v54 =	vld [tilespmem:$0x19E60];
	[tilespmem:$0x18980] =	vst v49  }
0x134: {  	v55 =	vld [tilespmem:$0x19E70];
	[tilespmem:$0x18A00] =	vst v50  }
0x135: {  	v56 =	vld [tilespmem:$0x19E80];
	[tilespmem:$0x18A80] =	vst v51  }
0x136: {  	v57 =	vld [tilespmem:$0x19E90];
	[tilespmem:$0x18B00] =	vst v52  }
0x137: {  	v58 =	vld [tilespmem:$0x19EA0];
	[tilespmem:$0x18B80] =	vst v53  }
0x138: {  	v59 =	vld [tilespmem:$0x19EB0];
	[tilespmem:$0x18C00] =	vst v54  }
0x139: {  	v60 =	vld [tilespmem:$0x19EC0];
	[tilespmem:$0x18C80] =	vst v55  }
0x13a: {  	v61 =	vld [tilespmem:$0x19ED0];
	[tilespmem:$0x18D00] =	vst v56  }
0x13b: {  	v62 =	vld [tilespmem:$0x19EE0];
	[tilespmem:$0x18D80] =	vst v57  }
0x13c: {  	v63 =	vld [tilespmem:$0x19EF0];
	[tilespmem:$0x18E00] =	vst v58  }
0x13d: {  	[tilespmem:$0x18E80] =	vst v59  }
0x13e: {  	[tilespmem:$0x18F00] =	vst v60  }
0x13f: {  	[tilespmem:$0x18F80] =	vst v61  }
0x140: {  	p0 =	sne.s32 s14, $0x4C4;
	[tilespmem:$0x19000] =	vst v62  }
.Ltmp0:
0x141: {  	[tilespmem:$0x19080] =	vst v63;
	(pc) =	sbr.rel @p0 .LBB2_2-.Ltmp0, $4  }
0x142: {  	[spmem:s3] =	stream.indirect.scatter.add.f32 [tilespmem:s0], [sflag:$0x3], $0x80, s6, s22, $0xb8;
	[tilespmem:$0x19F00] =	vst v63  }
0x143: {  	_ =	swait.ge [sflag:s21], $0x2800  }
0x144: {  	s14 =	sadd.s32 $0x14, s14;
	[sflag:s21] =	ssyncset.done $0x0  }
0x145: {  	s13 =	sadd.s32 $0x140, s13;
	s12 =	sadd.s32 $0x140, s12;
	[sflag:s21] =	ssyncadd.s32 $0xFFFFD800  }
0x146: {  	s12 =	rddreg [dreg:$0x7]  }
0x147: {  	[tilespmem:s1], [sflag:$0x3] =	stream.linear.gather [hbm4b:s12+s4], $0x50, $0x38;
	[tilespmem:$0x19F00] =	vst v63  }
0x148: {  	_ =	swait.ge [sflag:s21], $0x50  }
0x149: {  	[sflag:s21] =	ssyncset.done $0x0  }
0x14a: {  	s13 =	rddreg [dreg:$0x5];
	[sflag:s21] =	ssyncadd.s32 $0xFFFFFFB0  }
0x14b: {  	[tilespmem:s2], [sflag:$0x3] =	stream.linear.gather [hbm4b:s13+s4], $0x500, $0x38;
	[tilespmem:$0x19F00] =	vst v63  }
0x14c: {  	_ =	swait.ge [sflag:s21], $0x500  }
0x14d: {  	[sflag:s21] =	ssyncset.done $0x0  }
0x14e: {  	[sflag:s21] =	ssyncadd.s32 $0xFFFFFB00  }
0x14f: {  	v40 =	vld [tilespmem:$0x19500]  }
0x150: {  	v41 =	vld [tilespmem:$0x19510]  }
0x151: {  	v42 =	vld [tilespmem:$0x19520]  }
0x152: {  	v43 =	vld [tilespmem:$0x19530]  }
0x153: {  	v44 =	vld [tilespmem:$0x19540]  }
0x154: {  	v53 =	vld [tilespmem:$0x19550];
	[tilespmem:$0x14100] =	vst v40  }
0x155: {  	v54 =	vld [tilespmem:$0x19560];
	[tilespmem:$0x14180] =	vst v41  }
0x156: {  	v55 =	vld [tilespmem:$0x19570];
	[tilespmem:$0x14200] =	vst v42  }
0x157: {  	v56 =	vld [tilespmem:$0x19580];
	[tilespmem:$0x14280] =	vst v43  }
0x158: {  	v57 =	vld [tilespmem:$0x19590];
	[tilespmem:$0x14300] =	vst v44  }
0x159: {  	v58 =	vld [tilespmem:$0x195A0];
	[tilespmem:$0x14380] =	vst v53  }
0x15a: {  	v59 =	vld [tilespmem:$0x195B0];
	[tilespmem:$0x14400] =	vst v54  }
0x15b: {  	v60 =	vld [tilespmem:$0x195C0];
	[tilespmem:$0x14480] =	vst v55  }
0x15c: {  	v61 =	vld [tilespmem:$0x195D0];
	[tilespmem:$0x14500] =	vst v56  }
0x15d: {  	v62 =	vld [tilespmem:$0x195E0];
	[tilespmem:$0x14580] =	vst v57  }
0x15e: {  	v63 =	vld [tilespmem:$0x195F0];
	[tilespmem:$0x14600] =	vst v58  }
0x15f: {  	v48 =	vld [tilespmem:$0x19600];
	[tilespmem:$0x14680] =	vst v59  }
0x160: {  	v49 =	vld [tilespmem:$0x19610];
	[tilespmem:$0x14700] =	vst v60  }
0x161: {  	v50 =	vld [tilespmem:$0x19620];
	[tilespmem:$0x14780] =	vst v61  }
0x162: {  	v51 =	vld [tilespmem:$0x19630];
	[tilespmem:$0x14800] =	vst v62  }
0x163: {  	v52 =	vld [tilespmem:$0x19640];
	[tilespmem:$0x14880] =	vst v63  }
0x164: {  	[tilespmem:$0x14900] =	vst v48;
	v53 =	vld [tilespmem:$0x19650]  }
0x165: {  	[tilespmem:$0x14980] =	vst v49;
	v54 =	vld [tilespmem:$0x19660]  }
0x166: {  	[tilespmem:$0x14A00] =	vst v50;
	v55 =	vld [tilespmem:$0x19670]  }
0x167: {  	[tilespmem:$0x14A80] =	vst v51;
	v56 =	vld [tilespmem:$0x19680]  }
0x168: {  	[tilespmem:$0x14B00] =	vst v52;
	v57 =	vld [tilespmem:$0x19690]  }
0x169: {  	v58 =	vld [tilespmem:$0x196A0];
	[tilespmem:$0x14B80] =	vst v53  }
0x16a: {  	v59 =	vld [tilespmem:$0x196B0];
	[tilespmem:$0x14C00] =	vst v54  }
0x16b: {  	v60 =	vld [tilespmem:$0x196C0];
	[tilespmem:$0x14C80] =	vst v55  }
0x16c: {  	v61 =	vld [tilespmem:$0x196D0];
	[tilespmem:$0x14D00] =	vst v56  }
0x16d: {  	v62 =	vld [tilespmem:$0x196E0];
	[tilespmem:$0x14D80] =	vst v57  }
0x16e: {  	v63 =	vld [tilespmem:$0x196F0];
	[tilespmem:$0x14E00] =	vst v58  }
0x16f: {  	v48 =	vld [tilespmem:$0x19700];
	[tilespmem:$0x14E80] =	vst v59  }
0x170: {  	v49 =	vld [tilespmem:$0x19710];
	[tilespmem:$0x14F00] =	vst v60  }
0x171: {  	v50 =	vld [tilespmem:$0x19720];
	[tilespmem:$0x14F80] =	vst v61  }
0x172: {  	v51 =	vld [tilespmem:$0x19730];
	[tilespmem:$0x15000] =	vst v62  }
0x173: {  	v52 =	vld [tilespmem:$0x19740];
	[tilespmem:$0x15080] =	vst v63  }
0x174: {  	[tilespmem:$0x15100] =	vst v48;
	v53 =	vld [tilespmem:$0x19750]  }
0x175: {  	[tilespmem:$0x15180] =	vst v49;
	v54 =	vld [tilespmem:$0x19760]  }
0x176: {  	[tilespmem:$0x15200] =	vst v50;
	v55 =	vld [tilespmem:$0x19770]  }
0x177: {  	[tilespmem:$0x15280] =	vst v51;
	v56 =	vld [tilespmem:$0x19780]  }
0x178: {  	[tilespmem:$0x15300] =	vst v52;
	v57 =	vld [tilespmem:$0x19790]  }
0x179: {  	v58 =	vld [tilespmem:$0x197A0];
	[tilespmem:$0x15380] =	vst v53  }
0x17a: {  	v59 =	vld [tilespmem:$0x197B0];
	[tilespmem:$0x15400] =	vst v54  }
0x17b: {  	v60 =	vld [tilespmem:$0x197C0];
	[tilespmem:$0x15480] =	vst v55  }
0x17c: {  	v61 =	vld [tilespmem:$0x197D0];
	[tilespmem:$0x15500] =	vst v56  }
0x17d: {  	v62 =	vld [tilespmem:$0x197E0];
	[tilespmem:$0x15580] =	vst v57  }
0x17e: {  	v63 =	vld [tilespmem:$0x197F0];
	[tilespmem:$0x15600] =	vst v58  }
0x17f: {  	v48 =	vld [tilespmem:$0x19800];
	[tilespmem:$0x15680] =	vst v59  }
0x180: {  	v49 =	vld [tilespmem:$0x19810];
	[tilespmem:$0x15700] =	vst v60  }
0x181: {  	v50 =	vld [tilespmem:$0x19820];
	[tilespmem:$0x15780] =	vst v61  }
0x182: {  	v51 =	vld [tilespmem:$0x19830];
	[tilespmem:$0x15800] =	vst v62  }
0x183: {  	v52 =	vld [tilespmem:$0x19840];
	[tilespmem:$0x15880] =	vst v63  }
0x184: {  	[tilespmem:$0x15900] =	vst v48;
	v53 =	vld [tilespmem:$0x19850]  }
0x185: {  	[tilespmem:$0x15980] =	vst v49;
	v54 =	vld [tilespmem:$0x19860]  }
0x186: {  	[tilespmem:$0x15A00] =	vst v50;
	v55 =	vld [tilespmem:$0x19870]  }
0x187: {  	[tilespmem:$0x15A80] =	vst v51;
	v56 =	vld [tilespmem:$0x19880]  }
0x188: {  	[tilespmem:$0x15B00] =	vst v52;
	v57 =	vld [tilespmem:$0x19890]  }
0x189: {  	v58 =	vld [tilespmem:$0x198A0];
	[tilespmem:$0x15B80] =	vst v53  }
0x18a: {  	v59 =	vld [tilespmem:$0x198B0];
	[tilespmem:$0x15C00] =	vst v54  }
0x18b: {  	v60 =	vld [tilespmem:$0x198C0];
	[tilespmem:$0x15C80] =	vst v55  }
0x18c: {  	v61 =	vld [tilespmem:$0x198D0];
	[tilespmem:$0x15D00] =	vst v56  }
0x18d: {  	v62 =	vld [tilespmem:$0x198E0];
	[tilespmem:$0x15D80] =	vst v57  }
0x18e: {  	v63 =	vld [tilespmem:$0x198F0];
	[tilespmem:$0x15E00] =	vst v58  }
0x18f: {  	v48 =	vld [tilespmem:$0x19900];
	[tilespmem:$0x15E80] =	vst v59  }
0x190: {  	v49 =	vld [tilespmem:$0x19910];
	[tilespmem:$0x15F00] =	vst v60  }
0x191: {  	v50 =	vld [tilespmem:$0x19920];
	[tilespmem:$0x15F80] =	vst v61  }
0x192: {  	v51 =	vld [tilespmem:$0x19930];
	[tilespmem:$0x16000] =	vst v62  }
0x193: {  	v52 =	vld [tilespmem:$0x19940];
	[tilespmem:$0x16080] =	vst v63  }
0x194: {  	[tilespmem:$0x16100] =	vst v48;
	v53 =	vld [tilespmem:$0x19950]  }
0x195: {  	[tilespmem:$0x16180] =	vst v49;
	v54 =	vld [tilespmem:$0x19960]  }
0x196: {  	[tilespmem:$0x16200] =	vst v50;
	v55 =	vld [tilespmem:$0x19970]  }
0x197: {  	[tilespmem:$0x16280] =	vst v51;
	v56 =	vld [tilespmem:$0x19980]  }
0x198: {  	[tilespmem:$0x16300] =	vst v52;
	v57 =	vld [tilespmem:$0x19990]  }
0x199: {  	v58 =	vld [tilespmem:$0x199A0];
	[tilespmem:$0x16380] =	vst v53  }
0x19a: {  	v59 =	vld [tilespmem:$0x199B0];
	[tilespmem:$0x16400] =	vst v54  }
0x19b: {  	v60 =	vld [tilespmem:$0x199C0];
	[tilespmem:$0x16480] =	vst v55  }
0x19c: {  	v61 =	vld [tilespmem:$0x199D0];
	[tilespmem:$0x16500] =	vst v56  }
0x19d: {  	v62 =	vld [tilespmem:$0x199E0];
	[tilespmem:$0x16580] =	vst v57  }
0x19e: {  	v63 =	vld [tilespmem:$0x199F0];
	[tilespmem:$0x16600] =	vst v58  }
0x19f: {  	[tilespmem:$0x16680] =	vst v59  }
0x1a0: {  	[tilespmem:$0x16700] =	vst v60  }
0x1a1: {  	[tilespmem:$0x16780] =	vst v61  }
0x1a2: {  	[tilespmem:$0x16800] =	vst v62  }
0x1a3: {  	[tilespmem:$0x16880] =	vst v63  }
0x1a4: {  	[spmem:s3] =	stream.indirect.scatter.add.f32 [tilespmem:s20], [sflag:$0x3], $0x80, s1, s22, $0xb8;
	[tilespmem:$0x19F00] =	vst v63  }
0x1a5: {  	_ =	swait.ge [sflag:s21], $0x2800  }
0x1a6: {  	[sflag:s21] =	ssyncset.done $0x0  }
0x1a7: {  	[sflag:s21] =	ssyncadd.s32 $0xFFFFD800  }
0x1a8: {  	[bflag:$0x0] =	sbarrier.arrive $0xFFFF  }
0x1a9: {  	[tilespmem:s20], [sflag:$0x1] =	stream.indirect.gather [spmem:s3], $0x80, s23, s22, $0xb8;
	[tilespmem:$0x19F00] =	vst v63  }
0x1aa: {  	_ =	swait.ge [sflag:s5], $0x2800  }
0x1ab: {  	[sflag:s5] =	ssyncset.done $0x0  }
0x1ac: {  	s14 =	rddreg [dreg:$0x8];
	[sflag:s5] =	ssyncadd.s32 $0xFFFFD800  }
0x1ad: {  	[hbm4b:s14+s4] =	stream.linear.scatter [tilespmem:s20], [sflag:$0x3], $0x2800, $0x38;
	[tilespmem:$0x19F00] =	vst v63  }
0x1ae: {  	_ =	swait.ge [sflag:s21], $0x2800  }
0x1af: {  	[sflag:s21] =	ssyncset.done $0x0  }
0x1b0: {  	[sflag:s21] =	ssyncadd.s32 $0xFFFFD800  }
0x1b1: {  	[tilespmem:s20], [sflag:$0x1] =	stream.indirect.gather [spmem:s3], $0x80, s24, s22, $0xb8;
	[tilespmem:$0x19F00] =	vst v63  }
0x1b2: {  	_ =	swait.ge [sflag:s5], $0x2800  }
0x1b3: {  	[sflag:s5] =	ssyncset.done $0x0  }
0x1b4: {  	s15 =	rddreg [dreg:$0x9];
	[sflag:s5] =	ssyncadd.s32 $0xFFFFD800  }
0x1b5: {  	[hbm4b:s15+s4] =	stream.linear.scatter [tilespmem:s20], [sflag:$0x3], $0x2800, $0x38;
	[tilespmem:$0x19F00] =	vst v63  }
0x1b6: {  	_ =	swait.ge [sflag:s21], $0x2800  }
0x1b7: {  	[sflag:s21] =	ssyncset.done $0x0  }
0x1b8: {  	[sflag:s21] =	ssyncadd.s32 $0xFFFFD800  }
0x1b9: {  	[tilespmem:s20], [sflag:$0x1] =	stream.indirect.gather [spmem:s3], $0x80, s25, s22, $0xb8;
	[tilespmem:$0x19F00] =	vst v63  }
0x1ba: {  	_ =	swait.ge [sflag:s5], $0x2800  }
0x1bb: {  	[sflag:s5] =	ssyncset.done $0x0  }
0x1bc: {  	s13 =	rddreg [dreg:$0xa];
	[sflag:s5] =	ssyncadd.s32 $0xFFFFD800  }
0x1bd: {  	[hbm4b:s13+s4] =	stream.linear.scatter [tilespmem:s20], [sflag:$0x3], $0x2800, $0x38;
	[tilespmem:$0x19F00] =	vst v63  }
0x1be: {  	_ =	swait.ge [sflag:s21], $0x2800  }
0x1bf: {  	[sflag:s21] =	ssyncset.done $0x0  }
0x1c0: {  	[sflag:s21] =	ssyncadd.s32 $0xFFFFD800  }
0x1c1: {  	[tilespmem:s20], [sflag:$0x1] =	stream.indirect.gather [spmem:s3], $0x80, s26, s22, $0xb8;
	[tilespmem:$0x19F00] =	vst v63  }
0x1c2: {  	_ =	swait.ge [sflag:s5], $0x2800  }
0x1c3: {  	[sflag:s5] =	ssyncset.done $0x0  }
0x1c4: {  	s14 =	rddreg [dreg:$0xb];
	[sflag:s5] =	ssyncadd.s32 $0xFFFFD800  }
0x1c5: {  	[hbm4b:s14+s4] =	stream.linear.scatter [tilespmem:s20], [sflag:$0x3], $0x2800, $0x38;
	[tilespmem:$0x19F00] =	vst v63  }
0x1c6: {  	_ =	swait.ge [sflag:s21], $0x2800  }
0x1c7: {  	[sflag:s21] =	ssyncset.done $0x0  }
0x1c8: {  	[sflag:s21] =	ssyncadd.s32 $0xFFFFD800  }
0x1c9: {  	[tilespmem:s20], [sflag:$0x1] =	stream.indirect.gather [spmem:s3], $0x80, s28, s22, $0xb8;
	[tilespmem:$0x19F00] =	vst v63  }
0x1ca: {  	_ =	swait.ge [sflag:s5], $0x2800  }
0x1cb: {  	[sflag:s5] =	ssyncset.done $0x0  }
0x1cc: {  	s15 =	rddreg [dreg:$0xc];
	[sflag:s5] =	ssyncadd.s32 $0xFFFFD800  }
0x1cd: {  	[hbm4b:s15+s4] =	stream.linear.scatter [tilespmem:s20], [sflag:$0x3], $0x2800, $0x38;
	[tilespmem:$0x19F00] =	vst v63  }
0x1ce: {  	_ =	swait.ge [sflag:s21], $0x2800  }
0x1cf: {  	[sflag:s21] =	ssyncset.done $0x0  }
0x1d0: {  	[sflag:s21] =	ssyncadd.s32 $0xFFFFD800  }
0x1d1: {  	[tilespmem:s20], [sflag:$0x1] =	stream.indirect.gather [spmem:s3], $0x80, s29, s22, $0xb8;
	[tilespmem:$0x19F00] =	vst v63  }
0x1d2: {  	_ =	swait.ge [sflag:s5], $0x2800  }
0x1d3: {  	[sflag:s5] =	ssyncset.done $0x0  }
0x1d4: {  	[sflag:s5] =	ssyncadd.s32 $0xFFFFD800  }
0x1d5: {  	[hbm4b:s16+s4] =	stream.linear.scatter [tilespmem:s20], [sflag:$0x3], $0x2800, $0x38;
	[tilespmem:$0x19F00] =	vst v63  }
0x1d6: {  	_ =	swait.ge [sflag:s21], $0x2800  }
0x1d7: {  	[sflag:s21] =	ssyncset.done $0x0  }
0x1d8: {  	[sflag:s21] =	ssyncadd.s32 $0xFFFFD800  }
0x1d9: {  	[tilespmem:s20], [sflag:$0x1] =	stream.indirect.gather [spmem:s3], $0x80, s30, s22, $0xb8;
	[tilespmem:$0x19F00] =	vst v63  }
0x1da: {  	_ =	swait.ge [sflag:s5], $0x2800  }
0x1db: {  	[sflag:s5] =	ssyncset.done $0x0  }
0x1dc: {  	[sflag:s5] =	ssyncadd.s32 $0xFFFFD800  }
0x1dd: {  	[hbm4b:s17+s4] =	stream.linear.scatter [tilespmem:s20], [sflag:$0x3], $0x2800, $0x38;
	[tilespmem:$0x19F00] =	vst v63  }
0x1de: {  	_ =	swait.ge [sflag:s21], $0x2800  }
0x1df: {  	[sflag:s21] =	ssyncset.done $0x0  }
0x1e0: {  	[sflag:s21] =	ssyncadd.s32 $0xFFFFD800  }
0x1e1: {  	[tilespmem:s20], [sflag:$0x1] =	stream.indirect.gather [spmem:s3], $0x80, s31, s22, $0xb8;
	[tilespmem:$0x19F00] =	vst v63  }
0x1e2: {  	s11 =	sadd.s32 $0x1, s11;
	_ =	swait.ge [sflag:s5], $0x2800  }
0x1e3: {  	p0 =	sne.s32 s11, s19;
	[sflag:s5] =	ssyncset.done $0x0  }
.Ltmp1:
0x1e4: {  	[sflag:s5] =	ssyncadd.s32 $0xFFFFD800;
	(pc) =	sbr.rel @p0 .LBB2_1-.Ltmp1, $4  }
0x1e5: {  	[hbm4b:s18+s4] =	stream.linear.scatter [tilespmem:s20], [sflag:$0x3], $0x2800, $0x38;
	[tilespmem:$0x19F00] =	vst v63  }
0x1e6: {  	_ =	swait.ge [sflag:s21], $0x2800  }
0x1e7: {  	[sflag:s21] =	ssyncset.done $0x0  }
0x1e8: {  	[sflag:s21] =	ssyncadd.s32 $0xFFFFD800  }
0x1e9: {  	_ =	sfence.sel $0x180000  }
0x1ea: {  	[bflag:$0x0] =	sbarrier.arrive $0xFFFF  }
0x1eb: {  	_ =	strace $0x9000004A  }
0x1ec: {  	s0 =	stileid.u32;
	[bflag:$0x2] =	sbarrier.arrive $0xFFFF  }
0x1ed: {  	p0 =	sne.s32 s0, $0x0;
	s0 =	rddreg [dreg:$0x3]  }
0x1ee: {  	s0 =	sadd.s32 @!p0 $0x100000, s0  }
0x1ef: {  	[sflag:s0] =	ssyncadd.tile.s32 @!p0 $0x1;
	_ =	shalt  }
.Lfunc_end2:
_tile_overlayer_lowered:
.L_overlay_start_2:
0x1f0: {  	(tag) =	ssettag $0x2  }
0x1f1: {  	s0 =	rddreg [dreg:$0x0];
	s2 =	stileid.u32  }
0x1f2: {  	s1 =	rddreg [dreg:$0x1];
	p0 =	sne.s32 s2, $0x0  }
0x1f3: {  	s3 =	rddreg [dreg:$0x2];
	[bflag:$0x3] =	sbarrier.arrive $0xFFFF;
	s2 =	simm.s32 @!p0 $0x1C03  }
0x1f4: {  	[timem:s3], [sflag:s2] =	dma.local @!p0 [hbm:s0], s1  }
0x1f5: {  	s0 =	simm.s32 @!p0 $0x3  }
0x1f6: {  	_ =	swait.ge @!p0 [sflag:s0], s1  }
0x1f7: {  	s1 =	ssub.s32 @!p0 $0x0, s1;
	[sflag:s0] =	ssyncset.done @!p0 $0x0  }
0x1f8: {  	[sflag:s0] =	ssyncadd.s32 @!p0 s1  }
0x1f9: {  	[bflag:$0x3] =	sbarrier.arrive $0xFFFF  }
0x1fa: {  	_ =	shalt  }

</sc_bundles>
